<compile_context>
chip_gen: v7x
topology: tpu7x:2x2x1
jax: 0.10.2.dev20260603
libtpu: 0.0.44.dev20260713+nightly
codegen_flags: <defaults>
</compile_context>

<pallas_src>
import functools

import jax
import jax.numpy as jnp
from jax import lax
from jax.experimental import pallas as pl
from jax.experimental.pallas import tpu as pltpu
from jax.experimental.pallas import tpu_sc as plsc

N = 10000
E = 320000
IN = 128
HID = 8
HEADS = 8
F = 64
ROWW = 80

NC = 2
NS = 16
NW = NC * NS
CH = 128
CHUNKS = 80
E_PAD = NW * CHUNKS * CH
RPT = 8 * (-(-(N + 1) // (NS * 8)))
NROWS = RPT * NS
BN = 400
GN = N // BN

_mesh = plsc.VectorSubcoreMesh(
    core_axis_name="c", subcore_axis_name="s", num_cores=NC, num_subcores=NS)
_sc_params = pltpu.CompilerParams(use_tc_tiling_on_sc=False)


@functools.partial(
    pl.kernel,
    out_type=jax.ShapeDtypeStruct((NC, NROWS, ROWW), jnp.float32),
    mesh=_mesh,
    compiler_params=_sc_params,
    scratch_types=[
        pltpu.VMEM((CHUNKS, CH), jnp.int32),
        pltpu.VMEM((CHUNKS, CH), jnp.int32),
        pltpu.VMEM((CH, 16), jnp.float32),
        pltpu.VMEM((CH, 16), jnp.float32),
        pltpu.VMEM((CH, 16), jnp.float32),
        pltpu.VMEM((CH, 16), jnp.float32),
        pltpu.VMEM((CH, F), jnp.float32),
        pltpu.VMEM((CH, F), jnp.float32),
        pltpu.VMEM((CH, ROWW), jnp.float32),
        pltpu.VMEM((CH, ROWW), jnp.float32),
        pltpu.VMEM_SHARED((NROWS, ROWW), jnp.float32),
        pltpu.SemaphoreType.DMA,
        pltpu.SemaphoreType.DMA,
        pltpu.SemaphoreType.DMA,
        pltpu.SemaphoreType.DMA,
    ],
)
def _sc1(src_hbm, dst_hbm, as16_hbm, ad16_hbm, h_hbm, zeros_hbm, out_hbm,
         src_all, dst_all, saa, sab, ada, adb, ha, hb, rowa, rowb, tbl,
         sga, sgb, ssa, ssb):
    cid = lax.axis_index("c")
    sid = lax.axis_index("s")
    wid = cid * NS + sid
    r0 = pl.multiple_of(sid * RPT, 8)
    pltpu.sync_copy(zeros_hbm.at[pl.ds(r0, RPT)], tbl.at[pl.ds(r0, RPT)])
    pltpu.sync_copy(src_hbm.at[wid], src_all)
    pltpu.sync_copy(dst_hbm.at[wid], dst_all)
    plsc.subcore_barrier()

    def fire_g(i, sa, ad, h, sem):
        pltpu.async_copy(as16_hbm.at[src_all.at[i]], sa, sem)
        pltpu.async_copy(ad16_hbm.at[dst_all.at[i]], ad, sem)
        pltpu.async_copy(h_hbm.at[src_all.at[i]], h, sem)

    def wait_g(i, sa, ad, h, sem):
        pltpu.make_async_copy(as16_hbm.at[src_all.at[i]], sa, sem).wait()
        pltpu.make_async_copy(ad16_hbm.at[dst_all.at[i]], ad, sem).wait()
        pltpu.make_async_copy(h_hbm.at[src_all.at[i]], h, sem).wait()

    lane = lax.iota(jnp.int32, 16)
    perm_idx = [jnp.where(lane < 8, 2 * k, 2 * k + 1) for k in range(4)]
    _dnums = lax.GatherDimensionNumbers(
        offset_dims=(), collapsed_slice_dims=(0,), start_index_map=(0,))

    def dyn_gather(v, idxv):
        return lax.gather(
            v, idxv[:, None], _dnums, slice_sizes=(1,),
            mode=lax.GatherScatterMode.PROMISE_IN_BOUNDS)

    def compute(sa, ad, h, row):
        def edge4(r4, carry):
            for rr in range(4):
                r = 4 * r4 + rr
                a = sa[r, pl.ds(0, 16)] + ad[r, pl.ds(0, 16)]
                s = jnp.exp(jnp.maximum(a, 0.2 * a))
                row[r, pl.ds(F, 16)] = s
                for k in range(4):
                    m = dyn_gather(s, perm_idx[k])
                    row[r, pl.ds(16 * k, 16)] = m * h[r, pl.ds(16 * k, 16)]
            return carry

        lax.fori_loop(0, CH // 4, edge4, 0)

    def fire_s(i, row, sem):
        pltpu.async_copy(row, tbl.at[dst_all.at[i]], sem, add=True)

    def wait_s(i, row, sem):
        pltpu.make_async_copy(row, tbl.at[dst_all.at[i]], sem).wait()

    fire_g(0, saa, ada, ha, sga)

    def phase(i, sax, adx, hx, rowx, semgx, semsx,
              say, ady, hy, rowy, semgy, semsy, first):
        wait_g(i, sax, adx, hx, semgx)
        more = jnp.asarray(i + 1 < CHUNKS)

        @pl.when(more)
        def _():
            fire_g(i + 1, say, ady, hy, semgy)

        compute(sax, adx, hx, rowx)
        if not first:
            wait_s(i - 1, rowy, semsy)
        fire_s(i, rowx, semsx)

    def body(j, carry):
        i0 = 2 * j
        phase(i0, saa, ada, ha, rowa, sga, ssa,
              sab, adb, hb, rowb, sgb, ssb, False)
        phase(i0 + 1, sab, adb, hb, rowb, sgb, ssb,
              saa, ada, ha, rowa, sga, ssa, False)
        return carry

    phase(0, saa, ada, ha, rowa, sga, ssa,
          sab, adb, hb, rowb, sgb, ssb, True)
    phase(1, sab, adb, hb, rowb, sgb, ssb,
          saa, ada, ha, rowa, sga, ssa, False)
    lax.fori_loop(1, CHUNKS // 2, body, 0)
    wait_s(CHUNKS - 1, rowb, ssb)
    plsc.subcore_barrier()
    pltpu.sync_copy(tbl.at[pl.ds(r0, RPT)], out_hbm.at[cid, pl.ds(r0, RPT)])


@functools.partial(
    pl.kernel,
    out_type=jax.ShapeDtypeStruct((NC, NROWS, F), jnp.float32),
    mesh=_mesh,
    compiler_params=_sc_params,
    scratch_types=[
        pltpu.VMEM((CHUNKS, CH), jnp.int32),
        pltpu.VMEM((CHUNKS, CH), jnp.int32),
        pltpu.VMEM((CH, F), jnp.float32),
        pltpu.VMEM((CH, F), jnp.float32),
        pltpu.VMEM((CH, F), jnp.float32),
        pltpu.VMEM((CH, F), jnp.float32),
        pltpu.VMEM_SHARED((NROWS, F), jnp.float32),
        pltpu.SemaphoreType.DMA,
        pltpu.SemaphoreType.DMA,
        pltpu.SemaphoreType.DMA,
        pltpu.SemaphoreType.DMA,
        pltpu.SemaphoreType.DMA,
        pltpu.SemaphoreType.DMA,
        pltpu.SemaphoreType.DMA,
        pltpu.SemaphoreType.DMA,
    ],
)
def _sc2(src_hbm, dst_hbm, x32_hbm, zeros_hbm, out_hbm,
         src_all, dst_all, g0, g1, g2, g3, tbl,
         sg0, sg1, sg2, sg3, ss0, ss1, ss2, ss3):
    cid = lax.axis_index("c")
    sid = lax.axis_index("s")
    wid = cid * NS + sid
    r0 = pl.multiple_of(sid * RPT, 8)
    pltpu.sync_copy(zeros_hbm.at[pl.ds(r0, RPT)], tbl.at[pl.ds(r0, RPT)])
    pltpu.sync_copy(src_hbm.at[wid], src_all)
    pltpu.sync_copy(dst_hbm.at[wid], dst_all)
    plsc.subcore_barrier()

    gbufs = (g0, g1, g2, g3)
    gsems = (sg0, sg1, sg2, sg3)
    ssems = (ss0, ss1, ss2, ss3)

    def fire_g(i, b, sem):
        pltpu.async_copy(x32_hbm.at[src_all.at[i]], b, sem)

    def wait_g(i, b, sem):
        pltpu.make_async_copy(x32_hbm.at[src_all.at[i]], b, sem).wait()

    def fire_s(i, b, sem):
        pltpu.async_copy(b, tbl.at[dst_all.at[i]], sem, add=True)

    def wait_s(i, b, sem):
        pltpu.make_async_copy(b, tbl.at[dst_all.at[i]], sem).wait()

    for b in range(4):
        fire_g(b, gbufs[b], gsems[b])

    def body(j, carry):
        i0 = 4 * j
        for b in range(4):
            i = i0 + b
            wait_g(i, gbufs[b], gsems[b])
            fire_s(i, gbufs[b], ssems[b])
        for b in range(4):
            i = i0 + b

            @pl.when(jnp.asarray(i + 4 < CHUNKS))
            def _():
                wait_s(i, gbufs[b], ssems[b])
                fire_g(i + 4, gbufs[b], gsems[b])

        return carry

    lax.fori_loop(0, CHUNKS // 4, body, 0)
    for b in range(4):
        wait_s(CHUNKS - 4 + b, gbufs[b], ssems[b])
    plsc.subcore_barrier()
    pltpu.sync_copy(tbl.at[pl.ds(r0, RPT)], out_hbm.at[cid, pl.ds(r0, RPT)])


def _tca_body(x_ref, wg_ref, as_ref, ad_ref, k_ref,
              h_ref, as16_ref, ad16_ref, ssl16_ref, usl_ref):
    xb = x_ref[...]
    h = jnp.dot(xb, wg_ref[...], preferred_element_type=jnp.float32)
    a_s = jnp.dot(h, as_ref[...], preferred_element_type=jnp.float32)
    a_d = jnp.dot(h, ad_ref[...], preferred_element_type=jnp.float32)
    e = a_s + a_d
    s8 = jnp.exp(jnp.maximum(e, 0.2 * e))
    z8 = jnp.zeros((BN, HEADS), jnp.float32)
    h_ref[...] = h
    as16_ref[...] = jnp.concatenate([a_s, z8], axis=-1)
    ad16_ref[...] = jnp.concatenate([a_d, z8], axis=-1)
    ssl16_ref[...] = jnp.concatenate([s8, z8], axis=-1)
    sx64 = jnp.dot(s8, k_ref[...], preferred_element_type=jnp.float32)
    usl_ref[...] = h * sx64


def _tcb_body(p_ref, ssl16_ref, usl_ref, k_ref, bg_ref, x32_ref, inv_ref):
    den8 = (p_ref[0, :, F:F + HEADS] + p_ref[1, :, F:F + HEADS]
            + ssl16_ref[:, 0:HEADS])
    den = jnp.dot(den8, k_ref[...], preferred_element_type=jnp.float32)
    u = p_ref[0, :, 0:F] + p_ref[1, :, 0:F] + usl_ref[...]
    x32_ref[...] = jnp.maximum(u / den + bg_ref[...], 0.0)
    deg = p_ref[0, :, 72:73] + p_ref[1, :, 72:73]
    inv_ref[...] = jnp.broadcast_to(1.0 / jnp.maximum(deg, 1.0), (BN, F))


def _tcc_body(aggp_ref, inv_ref, x32_ref, wlt_ref, wrt_ref, bs_ref, out_ref):
    mean = (aggp_ref[0] + aggp_ref[1]) * inv_ref[...]
    out_ref[...] = (
        jnp.dot(mean, wlt_ref[...], preferred_element_type=jnp.float32)
        + jnp.dot(x32_ref[...], wrt_ref[...], preferred_element_type=jnp.float32)
        + bs_ref[...])


def kernel(x, edge_index, W1, b1, Wg, att_src, att_dst, bg, Wl, Wr, bs):
    idx = jnp.arange(F)
    a_s_m = jnp.zeros((F, HEADS), jnp.float32).at[
        idx, idx // HID].set(att_src.reshape(-1))
    a_d_m = jnp.zeros((F, HEADS), jnp.float32).at[
        idx, idx // HID].set(att_dst.reshape(-1))
    k_exp = jnp.repeat(jnp.eye(HEADS, dtype=jnp.float32), HID, axis=1)

    pad_j = jnp.arange(E_PAD - E, dtype=edge_index.dtype)
    src = jnp.concatenate([edge_index[0], pad_j % N])
    dst = jnp.concatenate([edge_index[1], N + 1 + pad_j % (NROWS - N - 1)])
    src3 = src.astype(jnp.int32).reshape(NW, CHUNKS, CH)
    dst3 = dst.astype(jnp.int32).reshape(NW, CHUNKS, CH)
    z80 = jnp.zeros((NROWS, ROWW), jnp.float32)
    z64 = jnp.zeros((NROWS, F), jnp.float32)

    h, as16, ad16, ssl16, u_sl = pl.pallas_call(
        _tca_body,
        grid=(GN,),
        in_specs=[
            pl.BlockSpec((BN, IN), lambda i: (i, 0)),
            pl.BlockSpec((IN, F), lambda i: (0, 0)),
            pl.BlockSpec((F, HEADS), lambda i: (0, 0)),
            pl.BlockSpec((F, HEADS), lambda i: (0, 0)),
            pl.BlockSpec((HEADS, F), lambda i: (0, 0)),
        ],
        out_specs=[
            pl.BlockSpec((BN, F), lambda i: (i, 0)),
            pl.BlockSpec((BN, 16), lambda i: (i, 0)),
            pl.BlockSpec((BN, 16), lambda i: (i, 0)),
            pl.BlockSpec((BN, 16), lambda i: (i, 0)),
            pl.BlockSpec((BN, F), lambda i: (i, 0)),
        ],
        out_shape=[
            jax.ShapeDtypeStruct((N, F), jnp.float32),
            jax.ShapeDtypeStruct((N, 16), jnp.float32),
            jax.ShapeDtypeStruct((N, 16), jnp.float32),
            jax.ShapeDtypeStruct((N, 16), jnp.float32),
            jax.ShapeDtypeStruct((N, F), jnp.float32),
        ],
    )(x, Wg, a_s_m, a_d_m, k_exp)

    ad16_p = jnp.concatenate(
        [ad16, jnp.zeros((NROWS - N, 16), jnp.float32)])

    part1 = _sc1(src3, dst3, as16, ad16_p, h, z80)

    x32, invd = pl.pallas_call(
        _tcb_body,
        grid=(GN,),
        in_specs=[
            pl.BlockSpec((NC, BN, ROWW), lambda i: (0, i, 0)),
            pl.BlockSpec((BN, 16), lambda i: (i, 0)),
            pl.BlockSpec((BN, F), lambda i: (i, 0)),
            pl.BlockSpec((HEADS, F), lambda i: (0, 0)),
            pl.BlockSpec((1, F), lambda i: (0, 0)),
        ],
        out_specs=[pl.BlockSpec((BN, F), lambda i: (i, 0))] * 2,
        out_shape=[jax.ShapeDtypeStruct((N, F), jnp.float32)] * 2,
    )(part1, ssl16, u_sl, k_exp, bg.reshape(1, F))

    part2 = _sc2(src3, dst3, x32, z64)

    out = pl.pallas_call(
        _tcc_body,
        grid=(GN,),
        in_specs=[
            pl.BlockSpec((NC, BN, F), lambda i: (0, i, 0)),
            pl.BlockSpec((BN, F), lambda i: (i, 0)),
            pl.BlockSpec((BN, F), lambda i: (i, 0)),
            pl.BlockSpec((F, F), lambda i: (0, 0)),
            pl.BlockSpec((F, F), lambda i: (0, 0)),
            pl.BlockSpec((1, F), lambda i: (0, 0)),
        ],
        out_specs=pl.BlockSpec((BN, F), lambda i: (i, 0)),
        out_shape=jax.ShapeDtypeStruct((N, F), jnp.float32),
    )(part2, invd, x32, Wl.T, Wr.T, bs.reshape(1, F))

    return (x32, out)

# --- scband reference (transcript-rebuilt; emitter-appended) ---
"""Pipeline reference for scband-gat-89601607729382 (READ-ONLY COPY).

The authoritative reference and input builder live on the scoring server;
editing this copy changes nothing except your own understanding.
"""

import jax, jax.numpy as jnp
import numpy as np

N = 10000
E = 320000
IN = 128
HID = 8
HEADS = 8
OUT = 64


def setup_inputs(seed: int = 0) -> dict:
    key = jax.random.key(seed)
    ks = jax.random.split(key, 12)
    x = jax.random.normal(ks[0], (N, IN), dtype=jnp.float32)
    edge_index = jax.random.randint(ks[1], (2, E), 0, N)
    # linear1: Linear(in_channels=128, out_channels=64)
    W1 = jax.random.normal(ks[2], (OUT, IN), dtype=jnp.float32) * 0.05
    b1 = jnp.zeros((OUT,), dtype=jnp.float32)
    # GATConv(128, 8, heads=8): lin (no bias), att_src, att_dst, bias
    Wg = jax.random.normal(ks[3], (IN, HEADS * HID), dtype=jnp.float32) * 0.05
    att_src = jax.random.normal(ks[4], (HEADS, HID), dtype=jnp.float32) * 0.1
    att_dst = jax.random.normal(ks[5], (HEADS, HID), dtype=jnp.float32) * 0.1
    bg = jnp.zeros((HEADS * HID,), dtype=jnp.float32)
    # SAGEConv(64, 64): lin_l (neighbor agg), lin_r (root), bias
    Wl = jax.random.normal(ks[6], (OUT, HEADS * HID), dtype=jnp.float32) * 0.05
    Wr = jax.random.normal(ks[7], (OUT, HEADS * HID), dtype=jnp.float32) * 0.05
    bs = jnp.zeros((OUT,), dtype=jnp.float32)
    return {"x": x, "edge_index": edge_index, "W1": W1, "b1": b1, "Wg": Wg,
            "att_src": att_src, "att_dst": att_dst, "bg": bg,
            "Wl": Wl, "Wr": Wr, "bs": bs}


def reference(x, edge_index, W1, b1, Wg, att_src, att_dst, bg, Wl, Wr, bs):
    # linear1 (output unused downstream, kept for faithfulness)
    initial_x = x @ W1.T + b1
    # dropout is identity in eval mode
    # ---- GATConv(128 -> 8, heads=8), add_self_loops=True ----
    loop = jnp.arange(N)
    src = jnp.concatenate([edge_index[0], loop])
    dst = jnp.concatenate([edge_index[1], loop])
    h = (x @ Wg).reshape(N, HEADS, HID)
    a_src = (h * att_src[None, :, :]).sum(-1)  # [N, H]
    a_dst = (h * att_dst[None, :, :]).sum(-1)  # [N, H]
    e = a_src[src] + a_dst[dst]                # [E+N, H]
    e = jax.nn.leaky_relu(e, negative_slope=0.2)
    m = jax.ops.segment_max(e, dst, num_segments=N)
    m = jnp.where(jnp.isfinite(m), m, 0.0)
    ex = jnp.exp(e - m[dst])
    denom = jax.ops.segment_sum(ex, dst, num_segments=N)
    alpha = ex / (denom[dst] + 1e-16)
    msg = h[src] * alpha[:, :, None]
    gat_out = jax.ops.segment_sum(msg, dst, num_segments=N).reshape(N, HEADS * HID) + bg
    x32 = jax.nn.relu(gat_out)
    # ---- SAGEConv(64 -> 64), mean aggregation ----
    src0 = edge_index[0]
    dst0 = edge_index[1]
    agg = jax.ops.segment_sum(x32[src0], dst0, num_segments=N)
    deg = jax.ops.segment_sum(jnp.ones((E,), dtype=jnp.float32), dst0, num_segments=N)
    mean = agg / jnp.maximum(deg, 1.0)[:, None]
    out = mean @ Wl.T + x32 @ Wr.T + bs
    return (x32, out)

if __name__ == "__main__":
    import jax
    _d = setup_inputs()
    print(jax.jit(kernel)(*tuple(_d.values())))

</pallas_src>

<mosaic_0001>
#map = affine_map<(d0, d1) -> (0, 0, 0)>
#map1 = affine_map<(d0, d1) -> (0, 0)>
module attributes {stable_mosaic.version = 14 : i64} {
  func.func @_sc2(%arg0: i32, %arg1: i32, %arg2: memref<32x80x128xi32, #tpu.memory_space<hbm>>, %arg3: memref<32x80x128xi32, #tpu.memory_space<hbm>>, %arg4: memref<10000x64xf32, #tpu.memory_space<hbm>>, %arg5: memref<10112x64xf32, #tpu.memory_space<hbm>>, %arg6: memref<2x10112x64xf32, #tpu.memory_space<hbm>>, %arg7: memref<80x128xi32, #tpu.memory_space<vmem>>, %arg8: memref<80x128xi32, #tpu.memory_space<vmem>>, %arg9: memref<128x64xf32, #tpu.memory_space<vmem>>, %arg10: memref<128x64xf32, #tpu.memory_space<vmem>>, %arg11: memref<128x64xf32, #tpu.memory_space<vmem>>, %arg12: memref<128x64xf32, #tpu.memory_space<vmem>>, %arg13: memref<10112x64xf32, #tpu.memory_space<vmem_shared>>, %arg14: memref<!tpu.dma_semaphore, #tpu.memory_space<semaphore_mem>>, %arg15: memref<!tpu.dma_semaphore, #tpu.memory_space<semaphore_mem>>, %arg16: memref<!tpu.dma_semaphore, #tpu.memory_space<semaphore_mem>>, %arg17: memref<!tpu.dma_semaphore, #tpu.memory_space<semaphore_mem>>, %arg18: memref<!tpu.dma_semaphore, #tpu.memory_space<semaphore_mem>>, %arg19: memref<!tpu.dma_semaphore, #tpu.memory_space<semaphore_mem>>, %arg20: memref<!tpu.dma_semaphore, #tpu.memory_space<semaphore_mem>>, %arg21: memref<!tpu.dma_semaphore, #tpu.memory_space<semaphore_mem>>) attributes {dimension_semantics = [#tpu.dimension_semantics<core_parallel>, #tpu.dimension_semantics<subcore_parallel>], iteration_bounds = array<i64: 2, 16>, scalar_prefetch = 0 : i64, scratch_operands = 15 : i64, tpu.core_type = #tpu.core_type<sc_vector_subcore>, window_params = [{transform_indices = #map}, {transform_indices = #map}, {transform_indices = #map1}, {transform_indices = #map1}, {transform_indices = #map}]} {
    %mul3A = arith.constant 16 : i32
    %mul3A_0 = arith.muli %arg0, %mul3A : i32
    %add3A = arith.addi %mul3A_0, %arg1 : i32
    %mul3A_1 = arith.constant 632 : i32
    %mul3A_2 = arith.muli %arg1, %mul3A_1 : i32
    %multiple_of3A = tpu.assume_multiple %mul3A_2, 8 : i32
    "tpu.region"() ({
      %run_scoped3A = tpu.sem_alloc : memref<!tpu.dma_semaphore, #tpu.memory_space<semaphore_mem>>
      %dma_start3A_63 = arith.constant 0 : i32
      %dma_start3A_64 = tpu.memref_slice %arg13[%multiple_of3A, %dma_start3A_63] : memref<10112x64xf32, #tpu.memory_space<vmem_shared>> -> memref<632x64xf32, #tpu.memory_space<vmem_shared>>
      %dma_start3A_65 = arith.constant 0 : i32
      %dma_start3A_66 = tpu.memref_slice %arg5[%multiple_of3A, %dma_start3A_65] : memref<10112x64xf32, #tpu.memory_space<hbm>> -> memref<632x64xf32, #tpu.memory_space<hbm>>
      tpu.enqueue_dma source(%dma_start3A_66 : memref<632x64xf32, #tpu.memory_space<hbm>>) target(%dma_start3A_64 : memref<632x64xf32, #tpu.memory_space<vmem_shared>>) target_semaphore(%run_scoped3A : memref<!tpu.dma_semaphore, #tpu.memory_space<semaphore_mem>>)
      %dma_wait3A_67 = arith.constant 0 : i32
      %dma_wait3A_68 = tpu.memref_slice %arg13[%multiple_of3A, %dma_wait3A_67] : memref<10112x64xf32, #tpu.memory_space<vmem_shared>> -> memref<632x64xf32, #tpu.memory_space<vmem_shared>>
      %dma_wait3A_69 = arith.constant 0 : i32
      %dma_wait3A_70 = tpu.memref_slice %arg5[%multiple_of3A, %dma_wait3A_69] : memref<10112x64xf32, #tpu.memory_space<hbm>> -> memref<632x64xf32, #tpu.memory_space<hbm>>
      tpu.wait_dma2 semaphore(%run_scoped3A : memref<!tpu.dma_semaphore, #tpu.memory_space<semaphore_mem>>) src(%dma_wait3A_70 : memref<632x64xf32, #tpu.memory_space<hbm>>) dst(%dma_wait3A_68 : memref<632x64xf32, #tpu.memory_space<vmem_shared>>)
      tpu.yield
    }) : () -> ()
    "tpu.region"() ({
      %run_scoped3A = tpu.sem_alloc : memref<!tpu.dma_semaphore, #tpu.memory_space<semaphore_mem>>
      %dma_start3A_63 = arith.constant 0 : i32
      %dma_start3A_64 = arith.constant 0 : i32
      %dma_start3A_65 = tpu.memref_slice %arg2[%add3A, %dma_start3A_63, %dma_start3A_64] : memref<32x80x128xi32, #tpu.memory_space<hbm>> -> memref<1x80x128xi32, #tpu.memory_space<hbm>>
      %dma_start3A_66 = tpu.memref_squeeze %dma_start3A_65 : memref<1x80x128xi32, #tpu.memory_space<hbm>> -> memref<80x128xi32, #tpu.memory_space<hbm>>
      %dma_start3A_67 = arith.constant 0 : i32
      %dma_start3A_68 = arith.constant 0 : i32
      %dma_start3A_69 = tpu.memref_slice %arg2[%add3A, %dma_start3A_67, %dma_start3A_68] : memref<32x80x128xi32, #tpu.memory_space<hbm>> -> memref<1x80x128xi32, #tpu.memory_space<hbm>>
      %dma_start3A_70 = tpu.memref_squeeze %dma_start3A_69 : memref<1x80x128xi32, #tpu.memory_space<hbm>> -> memref<80x128xi32, #tpu.memory_space<hbm>>
      tpu.enqueue_dma source(%dma_start3A_70 : memref<80x128xi32, #tpu.memory_space<hbm>>) target(%arg7 : memref<80x128xi32, #tpu.memory_space<vmem>>) target_semaphore(%run_scoped3A : memref<!tpu.dma_semaphore, #tpu.memory_space<semaphore_mem>>)
      %dma_wait3A_71 = arith.constant 0 : i32
      %dma_wait3A_72 = arith.constant 0 : i32
      %dma_wait3A_73 = tpu.memref_slice %arg2[%add3A, %dma_wait3A_71, %dma_wait3A_72] : memref<32x80x128xi32, #tpu.memory_space<hbm>> -> memref<1x80x128xi32, #tpu.memory_space<hbm>>
      %dma_wait3A_74 = tpu.memref_squeeze %dma_wait3A_73 : memref<1x80x128xi32, #tpu.memory_space<hbm>> -> memref<80x128xi32, #tpu.memory_space<hbm>>
      %dma_wait3A_75 = arith.constant 0 : i32
      %dma_wait3A_76 = arith.constant 0 : i32
      %dma_wait3A_77 = tpu.memref_slice %arg2[%add3A, %dma_wait3A_75, %dma_wait3A_76] : memref<32x80x128xi32, #tpu.memory_space<hbm>> -> memref<1x80x128xi32, #tpu.memory_space<hbm>>
      %dma_wait3A_78 = tpu.memref_squeeze %dma_wait3A_77 : memref<1x80x128xi32, #tpu.memory_space<hbm>> -> memref<80x128xi32, #tpu.memory_space<hbm>>
      tpu.wait_dma2 semaphore(%run_scoped3A : memref<!tpu.dma_semaphore, #tpu.memory_space<semaphore_mem>>) src(%dma_wait3A_78 : memref<80x128xi32, #tpu.memory_space<hbm>>) dst(%arg7 : memref<80x128xi32, #tpu.memory_space<vmem>>)
      tpu.yield
    }) : () -> ()
    "tpu.region"() ({
      %run_scoped3A = tpu.sem_alloc : memref<!tpu.dma_semaphore, #tpu.memory_space<semaphore_mem>>
      %dma_start3A_63 = arith.constant 0 : i32
      %dma_start3A_64 = arith.constant 0 : i32
      %dma_start3A_65 = tpu.memref_slice %arg3[%add3A, %dma_start3A_63, %dma_start3A_64] : memref<32x80x128xi32, #tpu.memory_space<hbm>> -> memref<1x80x128xi32, #tpu.memory_space<hbm>>
      %dma_start3A_66 = tpu.memref_squeeze %dma_start3A_65 : memref<1x80x128xi32, #tpu.memory_space<hbm>> -> memref<80x128xi32, #tpu.memory_space<hbm>>
      %dma_start3A_67 = arith.constant 0 : i32
      %dma_start3A_68 = arith.constant 0 : i32
      %dma_start3A_69 = tpu.memref_slice %arg3[%add3A, %dma_start3A_67, %dma_start3A_68] : memref<32x80x128xi32, #tpu.memory_space<hbm>> -> memref<1x80x128xi32, #tpu.memory_space<hbm>>
      %dma_start3A_70 = tpu.memref_squeeze %dma_start3A_69 : memref<1x80x128xi32, #tpu.memory_space<hbm>> -> memref<80x128xi32, #tpu.memory_space<hbm>>
      tpu.enqueue_dma source(%dma_start3A_70 : memref<80x128xi32, #tpu.memory_space<hbm>>) target(%arg8 : memref<80x128xi32, #tpu.memory_space<vmem>>) target_semaphore(%run_scoped3A : memref<!tpu.dma_semaphore, #tpu.memory_space<semaphore_mem>>)
      %dma_wait3A_71 = arith.constant 0 : i32
      %dma_wait3A_72 = arith.constant 0 : i32
      %dma_wait3A_73 = tpu.memref_slice %arg3[%add3A, %dma_wait3A_71, %dma_wait3A_72] : memref<32x80x128xi32, #tpu.memory_space<hbm>> -> memref<1x80x128xi32, #tpu.memory_space<hbm>>
      %dma_wait3A_74 = tpu.memref_squeeze %dma_wait3A_73 : memref<1x80x128xi32, #tpu.memory_space<hbm>> -> memref<80x128xi32, #tpu.memory_space<hbm>>
      %dma_wait3A_75 = arith.constant 0 : i32
      %dma_wait3A_76 = arith.constant 0 : i32
      %dma_wait3A_77 = tpu.memref_slice %arg3[%add3A, %dma_wait3A_75, %dma_wait3A_76] : memref<32x80x128xi32, #tpu.memory_space<hbm>> -> memref<1x80x128xi32, #tpu.memory_space<hbm>>
      %dma_wait3A_78 = tpu.memref_squeeze %dma_wait3A_77 : memref<1x80x128xi32, #tpu.memory_space<hbm>> -> memref<80x128xi32, #tpu.memory_space<hbm>>
      tpu.wait_dma2 semaphore(%run_scoped3A : memref<!tpu.dma_semaphore, #tpu.memory_space<semaphore_mem>>) src(%dma_wait3A_78 : memref<80x128xi32, #tpu.memory_space<hbm>>) dst(%arg8 : memref<80x128xi32, #tpu.memory_space<vmem>>)
      tpu.yield
    }) : () -> ()
    %barrier3A = arith.constant 0 : index
    tpu.barrier barrier_id(%barrier3A)
    %dma_start3A = arith.constant 0 : i32
    %dma_start3A_3 = arith.constant 0 : i32
    %dma_start3A_4 = tpu.memref_slice %arg7[%dma_start3A, %dma_start3A_3] : memref<80x128xi32, #tpu.memory_space<vmem>> -> memref<1x128xi32, #tpu.memory_space<vmem>>
    %dma_start3A_5 = tpu.memref_squeeze %dma_start3A_4 : memref<1x128xi32, #tpu.memory_space<vmem>> -> memref<128xi32, #tpu.memory_space<vmem>>
    %dma_start3A_6 = arith.constant 0 : i32
    %dma_start3A_7 = arith.constant 0 : i32
    %dma_start3A_8 = tpu.memref_slice %arg4[%dma_start3A_6, %dma_start3A_7] : memref<10000x64xf32, #tpu.memory_space<hbm>> -> memref<10000x64xf32, #tpu.memory_space<hbm>>
    tpu.enqueue_indirect_dma source(%dma_start3A_8 : memref<10000x64xf32, #tpu.memory_space<hbm>>) target(%arg9 : memref<128x64xf32, #tpu.memory_space<vmem>>) offsets(%dma_start3A_5 : memref<128xi32, #tpu.memory_space<vmem>>) semaphore(%arg14 : memref<!tpu.dma_semaphore, #tpu.memory_space<semaphore_mem>>)
    %dma_start3A_9 = arith.constant 1 : i32
    %dma_start3A_10 = arith.constant 0 : i32
    %dma_start3A_11 = tpu.memref_slice %arg7[%dma_start3A_9, %dma_start3A_10] : memref<80x128xi32, #tpu.memory_space<vmem>> -> memref<1x128xi32, #tpu.memory_space<vmem>>
    %dma_start3A_12 = tpu.memref_squeeze %dma_start3A_11 : memref<1x128xi32, #tpu.memory_space<vmem>> -> memref<128xi32, #tpu.memory_space<vmem>>
    %dma_start3A_13 = arith.constant 0 : i32
    %dma_start3A_14 = arith.constant 0 : i32
    %dma_start3A_15 = tpu.memref_slice %arg4[%dma_start3A_13, %dma_start3A_14] : memref<10000x64xf32, #tpu.memory_space<hbm>> -> memref<10000x64xf32, #tpu.memory_space<hbm>>
    tpu.enqueue_indirect_dma source(%dma_start3A_15 : memref<10000x64xf32, #tpu.memory_space<hbm>>) target(%arg10 : memref<128x64xf32, #tpu.memory_space<vmem>>) offsets(%dma_start3A_12 : memref<128xi32, #tpu.memory_space<vmem>>) semaphore(%arg15 : memref<!tpu.dma_semaphore, #tpu.memory_space<semaphore_mem>>)
    %dma_start3A_16 = arith.constant 2 : i32
    %dma_start3A_17 = arith.constant 0 : i32
    %dma_start3A_18 = tpu.memref_slice %arg7[%dma_start3A_16, %dma_start3A_17] : memref<80x128xi32, #tpu.memory_space<vmem>> -> memref<1x128xi32, #tpu.memory_space<vmem>>
    %dma_start3A_19 = tpu.memref_squeeze %dma_start3A_18 : memref<1x128xi32, #tpu.memory_space<vmem>> -> memref<128xi32, #tpu.memory_space<vmem>>
    %dma_start3A_20 = arith.constant 0 : i32
    %dma_start3A_21 = arith.constant 0 : i32
    %dma_start3A_22 = tpu.memref_slice %arg4[%dma_start3A_20, %dma_start3A_21] : memref<10000x64xf32, #tpu.memory_space<hbm>> -> memref<10000x64xf32, #tpu.memory_space<hbm>>
    tpu.enqueue_indirect_dma source(%dma_start3A_22 : memref<10000x64xf32, #tpu.memory_space<hbm>>) target(%arg11 : memref<128x64xf32, #tpu.memory_space<vmem>>) offsets(%dma_start3A_19 : memref<128xi32, #tpu.memory_space<vmem>>) semaphore(%arg16 : memref<!tpu.dma_semaphore, #tpu.memory_space<semaphore_mem>>)
    %dma_start3A_23 = arith.constant 3 : i32
    %dma_start3A_24 = arith.constant 0 : i32
    %dma_start3A_25 = tpu.memref_slice %arg7[%dma_start3A_23, %dma_start3A_24] : memref<80x128xi32, #tpu.memory_space<vmem>> -> memref<1x128xi32, #tpu.memory_space<vmem>>
    %dma_start3A_26 = tpu.memref_squeeze %dma_start3A_25 : memref<1x128xi32, #tpu.memory_space<vmem>> -> memref<128xi32, #tpu.memory_space<vmem>>
    %dma_start3A_27 = arith.constant 0 : i32
    %dma_start3A_28 = arith.constant 0 : i32
    %dma_start3A_29 = tpu.memref_slice %arg4[%dma_start3A_27, %dma_start3A_28] : memref<10000x64xf32, #tpu.memory_space<hbm>> -> memref<10000x64xf32, #tpu.memory_space<hbm>>
    tpu.enqueue_indirect_dma source(%dma_start3A_29 : memref<10000x64xf32, #tpu.memory_space<hbm>>) target(%arg12 : memref<128x64xf32, #tpu.memory_space<vmem>>) offsets(%dma_start3A_26 : memref<128xi32, #tpu.memory_space<vmem>>) semaphore(%arg17 : memref<!tpu.dma_semaphore, #tpu.memory_space<semaphore_mem>>)
    %scan3A = arith.constant 0 : i32
    %scan3A_30 = arith.constant 0 : i32
    %scan3A_31 = arith.constant 20 : i32
    %scan3A_32 = arith.addi %scan3A_30, %scan3A_31 : i32
    %scan3A_33 = arith.constant 1 : i32
    scf.for %scan3A_63 = %scan3A_30 to %scan3A_32 step %scan3A_33  : i32 {
      %mul3A_64 = arith.constant 4 : i32
      %mul3A_65 = arith.muli %mul3A_64, %scan3A_63 : i32
      %add3A_66 = arith.constant 0 : i32
      %add3A_67 = arith.addi %mul3A_65, %add3A_66 : i32
      %dma_wait3A_68 = arith.constant 0 : i32
      %dma_wait3A_69 = tpu.memref_slice %arg7[%add3A_67, %dma_wait3A_68] : memref<80x128xi32, #tpu.memory_space<vmem>> -> memref<1x128xi32, #tpu.memory_space<vmem>>
      %dma_wait3A_70 = tpu.memref_squeeze %dma_wait3A_69 : memref<1x128xi32, #tpu.memory_space<vmem>> -> memref<128xi32, #tpu.memory_space<vmem>>
      %dma_wait3A_71 = arith.constant 0 : i32
      %dma_wait3A_72 = arith.constant 0 : i32
      %dma_wait3A_73 = tpu.memref_slice %arg4[%dma_wait3A_71, %dma_wait3A_72] : memref<10000x64xf32, #tpu.memory_space<hbm>> -> memref<10000x64xf32, #tpu.memory_space<hbm>>
      tpu.wait_indirect_dma semaphore(%arg14 : memref<!tpu.dma_semaphore, #tpu.memory_space<semaphore_mem>>) src(%dma_wait3A_73 : memref<10000x64xf32, #tpu.memory_space<hbm>>) dst(%arg9 : memref<128x64xf32, #tpu.memory_space<vmem>>)
      %dma_start3A_74 = arith.constant 0 : i32
      %dma_start3A_75 = tpu.memref_slice %arg8[%add3A_67, %dma_start3A_74] : memref<80x128xi32, #tpu.memory_space<vmem>> -> memref<1x128xi32, #tpu.memory_space<vmem>>
      %dma_start3A_76 = tpu.memref_squeeze %dma_start3A_75 : memref<1x128xi32, #tpu.memory_space<vmem>> -> memref<128xi32, #tpu.memory_space<vmem>>
      %dma_start3A_77 = arith.constant 0 : i32
      %dma_start3A_78 = arith.constant 0 : i32
      %dma_start3A_79 = tpu.memref_slice %arg13[%dma_start3A_77, %dma_start3A_78] : memref<10112x64xf32, #tpu.memory_space<vmem_shared>> -> memref<10112x64xf32, #tpu.memory_space<vmem_shared>>
      tpu.enqueue_indirect_dma source(%arg9 : memref<128x64xf32, #tpu.memory_space<vmem>>) target(%dma_start3A_79 : memref<10112x64xf32, #tpu.memory_space<vmem_shared>>) offsets(%dma_start3A_76 : memref<128xi32, #tpu.memory_space<vmem>>) semaphore(%arg18 : memref<!tpu.dma_semaphore, #tpu.memory_space<semaphore_mem>>) {add = true}
      %add3A_80 = arith.constant 1 : i32
      %add3A_81 = arith.addi %mul3A_65, %add3A_80 : i32
      %dma_wait3A_82 = arith.constant 0 : i32
      %dma_wait3A_83 = tpu.memref_slice %arg7[%add3A_81, %dma_wait3A_82] : memref<80x128xi32, #tpu.memory_space<vmem>> -> memref<1x128xi32, #tpu.memory_space<vmem>>
      %dma_wait3A_84 = tpu.memref_squeeze %dma_wait3A_83 : memref<1x128xi32, #tpu.memory_space<vmem>> -> memref<128xi32, #tpu.memory_space<vmem>>
      %dma_wait3A_85 = arith.constant 0 : i32
      %dma_wait3A_86 = arith.constant 0 : i32
      %dma_wait3A_87 = tpu.memref_slice %arg4[%dma_wait3A_85, %dma_wait3A_86] : memref<10000x64xf32, #tpu.memory_space<hbm>> -> memref<10000x64xf32, #tpu.memory_space<hbm>>
      tpu.wait_indirect_dma semaphore(%arg15 : memref<!tpu.dma_semaphore, #tpu.memory_space<semaphore_mem>>) src(%dma_wait3A_87 : memref<10000x64xf32, #tpu.memory_space<hbm>>) dst(%arg10 : memref<128x64xf32, #tpu.memory_space<vmem>>)
      %dma_start3A_88 = arith.constant 0 : i32
      %dma_start3A_89 = tpu.memref_slice %arg8[%add3A_81, %dma_start3A_88] : memref<80x128xi32, #tpu.memory_space<vmem>> -> memref<1x128xi32, #tpu.memory_space<vmem>>
      %dma_start3A_90 = tpu.memref_squeeze %dma_start3A_89 : memref<1x128xi32, #tpu.memory_space<vmem>> -> memref<128xi32, #tpu.memory_space<vmem>>
      %dma_start3A_91 = arith.constant 0 : i32
      %dma_start3A_92 = arith.constant 0 : i32
      %dma_start3A_93 = tpu.memref_slice %arg13[%dma_start3A_91, %dma_start3A_92] : memref<10112x64xf32, #tpu.memory_space<vmem_shared>> -> memref<10112x64xf32, #tpu.memory_space<vmem_shared>>
      tpu.enqueue_indirect_dma source(%arg10 : memref<128x64xf32, #tpu.memory_space<vmem>>) target(%dma_start3A_93 : memref<10112x64xf32, #tpu.memory_space<vmem_shared>>) offsets(%dma_start3A_90 : memref<128xi32, #tpu.memory_space<vmem>>) semaphore(%arg19 : memref<!tpu.dma_semaphore, #tpu.memory_space<semaphore_mem>>) {add = true}
      %add3A_94 = arith.constant 2 : i32
      %add3A_95 = arith.addi %mul3A_65, %add3A_94 : i32
      %dma_wait3A_96 = arith.constant 0 : i32
      %dma_wait3A_97 = tpu.memref_slice %arg7[%add3A_95, %dma_wait3A_96] : memref<80x128xi32, #tpu.memory_space<vmem>> -> memref<1x128xi32, #tpu.memory_space<vmem>>
      %dma_wait3A_98 = tpu.memref_squeeze %dma_wait3A_97 : memref<1x128xi32, #tpu.memory_space<vmem>> -> memref<128xi32, #tpu.memory_space<vmem>>
      %dma_wait3A_99 = arith.constant 0 : i32
      %dma_wait3A_100 = arith.constant 0 : i32
      %dma_wait3A_101 = tpu.memref_slice %arg4[%dma_wait3A_99, %dma_wait3A_100] : memref<10000x64xf32, #tpu.memory_space<hbm>> -> memref<10000x64xf32, #tpu.memory_space<hbm>>
      tpu.wait_indirect_dma semaphore(%arg16 : memref<!tpu.dma_semaphore, #tpu.memory_space<semaphore_mem>>) src(%dma_wait3A_101 : memref<10000x64xf32, #tpu.memory_space<hbm>>) dst(%arg11 : memref<128x64xf32, #tpu.memory_space<vmem>>)
      %dma_start3A_102 = arith.constant 0 : i32
      %dma_start3A_103 = tpu.memref_slice %arg8[%add3A_95, %dma_start3A_102] : memref<80x128xi32, #tpu.memory_space<vmem>> -> memref<1x128xi32, #tpu.memory_space<vmem>>
      %dma_start3A_104 = tpu.memref_squeeze %dma_start3A_103 : memref<1x128xi32, #tpu.memory_space<vmem>> -> memref<128xi32, #tpu.memory_space<vmem>>
      %dma_start3A_105 = arith.constant 0 : i32
      %dma_start3A_106 = arith.constant 0 : i32
      %dma_start3A_107 = tpu.memref_slice %arg13[%dma_start3A_105, %dma_start3A_106] : memref<10112x64xf32, #tpu.memory_space<vmem_shared>> -> memref<10112x64xf32, #tpu.memory_space<vmem_shared>>
      tpu.enqueue_indirect_dma source(%arg11 : memref<128x64xf32, #tpu.memory_space<vmem>>) target(%dma_start3A_107 : memref<10112x64xf32, #tpu.memory_space<vmem_shared>>) offsets(%dma_start3A_104 : memref<128xi32, #tpu.memory_space<vmem>>) semaphore(%arg20 : memref<!tpu.dma_semaphore, #tpu.memory_space<semaphore_mem>>) {add = true}
      %add3A_108 = arith.constant 3 : i32
      %add3A_109 = arith.addi %mul3A_65, %add3A_108 : i32
      %dma_wait3A_110 = arith.constant 0 : i32
      %dma_wait3A_111 = tpu.memref_slice %arg7[%add3A_109, %dma_wait3A_110] : memref<80x128xi32, #tpu.memory_space<vmem>> -> memref<1x128xi32, #tpu.memory_space<vmem>>
      %dma_wait3A_112 = tpu.memref_squeeze %dma_wait3A_111 : memref<1x128xi32, #tpu.memory_space<vmem>> -> memref<128xi32, #tpu.memory_space<vmem>>
      %dma_wait3A_113 = arith.constant 0 : i32
      %dma_wait3A_114 = arith.constant 0 : i32
      %dma_wait3A_115 = tpu.memref_slice %arg4[%dma_wait3A_113, %dma_wait3A_114] : memref<10000x64xf32, #tpu.memory_space<hbm>> -> memref<10000x64xf32, #tpu.memory_space<hbm>>
      tpu.wait_indirect_dma semaphore(%arg17 : memref<!tpu.dma_semaphore, #tpu.memory_space<semaphore_mem>>) src(%dma_wait3A_115 : memref<10000x64xf32, #tpu.memory_space<hbm>>) dst(%arg12 : memref<128x64xf32, #tpu.memory_space<vmem>>)
      %dma_start3A_116 = arith.constant 0 : i32
      %dma_start3A_117 = tpu.memref_slice %arg8[%add3A_109, %dma_start3A_116] : memref<80x128xi32, #tpu.memory_space<vmem>> -> memref<1x128xi32, #tpu.memory_space<vmem>>
      %dma_start3A_118 = tpu.memref_squeeze %dma_start3A_117 : memref<1x128xi32, #tpu.memory_space<vmem>> -> memref<128xi32, #tpu.memory_space<vmem>>
      %dma_start3A_119 = arith.constant 0 : i32
      %dma_start3A_120 = arith.constant 0 : i32
      %dma_start3A_121 = tpu.memref_slice %arg13[%dma_start3A_119, %dma_start3A_120] : memref<10112x64xf32, #tpu.memory_space<vmem_shared>> -> memref<10112x64xf32, #tpu.memory_space<vmem_shared>>
      tpu.enqueue_indirect_dma source(%arg12 : memref<128x64xf32, #tpu.memory_space<vmem>>) target(%dma_start3A_121 : memref<10112x64xf32, #tpu.memory_space<vmem_shared>>) offsets(%dma_start3A_118 : memref<128xi32, #tpu.memory_space<vmem>>) semaphore(%arg21 : memref<!tpu.dma_semaphore, #tpu.memory_space<semaphore_mem>>) {add = true}
      %add3A_122 = arith.constant 0 : i32
      %add3A_123 = arith.addi %mul3A_65, %add3A_122 : i32
      %add3A_124 = arith.constant 4 : i32
      %add3A_125 = arith.addi %add3A_123, %add3A_124 : i32
      %lt3A = arith.constant 80 : i32
      %lt3A_126 = arith.cmpi slt, %add3A_125, %lt3A : i32
      %convert_element_type3A = arith.extui %lt3A_126 : i1 to i32
      %cond3A = arith.constant 0 : i32
      %cond3A_127 = arith.cmpi ne, %convert_element_type3A, %cond3A : i32
      scf.if %cond3A_127 {
        %dma_wait3A_155 = arith.constant 0 : i32
        %dma_wait3A_156 = tpu.memref_slice %arg8[%add3A_123, %dma_wait3A_155] : memref<80x128xi32, #tpu.memory_space<vmem>> -> memref<1x128xi32, #tpu.memory_space<vmem>>
        %dma_wait3A_157 = tpu.memref_squeeze %dma_wait3A_156 : memref<1x128xi32, #tpu.memory_space<vmem>> -> memref<128xi32, #tpu.memory_space<vmem>>
        %dma_wait3A_158 = arith.constant 0 : i32
        %dma_wait3A_159 = arith.constant 0 : i32
        %dma_wait3A_160 = tpu.memref_slice %arg13[%dma_wait3A_158, %dma_wait3A_159] : memref<10112x64xf32, #tpu.memory_space<vmem_shared>> -> memref<10112x64xf32, #tpu.memory_space<vmem_shared>>
        tpu.wait_indirect_dma semaphore(%arg18 : memref<!tpu.dma_semaphore, #tpu.memory_space<semaphore_mem>>) src(%arg9 : memref<128x64xf32, #tpu.memory_space<vmem>>) dst(%dma_wait3A_160 : memref<10112x64xf32, #tpu.memory_space<vmem_shared>>)
        %add3A_161 = arith.constant 4 : i32
        %add3A_162 = arith.addi %add3A_123, %add3A_161 : i32
        %dma_start3A_163 = arith.constant 0 : i32
        %dma_start3A_164 = tpu.memref_slice %arg7[%add3A_162, %dma_start3A_163] : memref<80x128xi32, #tpu.memory_space<vmem>> -> memref<1x128xi32, #tpu.memory_space<vmem>>
        %dma_start3A_165 = tpu.memref_squeeze %dma_start3A_164 : memref<1x128xi32, #tpu.memory_space<vmem>> -> memref<128xi32, #tpu.memory_space<vmem>>
        %dma_start3A_166 = arith.constant 0 : i32
        %dma_start3A_167 = arith.constant 0 : i32
        %dma_start3A_168 = tpu.memref_slice %arg4[%dma_start3A_166, %dma_start3A_167] : memref<10000x64xf32, #tpu.memory_space<hbm>> -> memref<10000x64xf32, #tpu.memory_space<hbm>>
        tpu.enqueue_indirect_dma source(%dma_start3A_168 : memref<10000x64xf32, #tpu.memory_space<hbm>>) target(%arg9 : memref<128x64xf32, #tpu.memory_space<vmem>>) offsets(%dma_start3A_165 : memref<128xi32, #tpu.memory_space<vmem>>) semaphore(%arg14 : memref<!tpu.dma_semaphore, #tpu.memory_space<semaphore_mem>>)
      } else {
      }
      %add3A_128 = arith.constant 1 : i32
      %add3A_129 = arith.addi %mul3A_65, %add3A_128 : i32
      %add3A_130 = arith.constant 4 : i32
      %add3A_131 = arith.addi %add3A_129, %add3A_130 : i32
      %lt3A_132 = arith.constant 80 : i32
      %lt3A_133 = arith.cmpi slt, %add3A_131, %lt3A_132 : i32
      %convert_element_type3A_134 = arith.extui %lt3A_133 : i1 to i32
      %cond3A_135 = arith.constant 0 : i32
      %cond3A_136 = arith.cmpi ne, %convert_element_type3A_134, %cond3A_135 : i32
      scf.if %cond3A_136 {
        %dma_wait3A_155 = arith.constant 0 : i32
        %dma_wait3A_156 = tpu.memref_slice %arg8[%add3A_129, %dma_wait3A_155] : memref<80x128xi32, #tpu.memory_space<vmem>> -> memref<1x128xi32, #tpu.memory_space<vmem>>
        %dma_wait3A_157 = tpu.memref_squeeze %dma_wait3A_156 : memref<1x128xi32, #tpu.memory_space<vmem>> -> memref<128xi32, #tpu.memory_space<vmem>>
        %dma_wait3A_158 = arith.constant 0 : i32
        %dma_wait3A_159 = arith.constant 0 : i32
        %dma_wait3A_160 = tpu.memref_slice %arg13[%dma_wait3A_158, %dma_wait3A_159] : memref<10112x64xf32, #tpu.memory_space<vmem_shared>> -> memref<10112x64xf32, #tpu.memory_space<vmem_shared>>
        tpu.wait_indirect_dma semaphore(%arg19 : memref<!tpu.dma_semaphore, #tpu.memory_space<semaphore_mem>>) src(%arg10 : memref<128x64xf32, #tpu.memory_space<vmem>>) dst(%dma_wait3A_160 : memref<10112x64xf32, #tpu.memory_space<vmem_shared>>)
        %add3A_161 = arith.constant 4 : i32
        %add3A_162 = arith.addi %add3A_129, %add3A_161 : i32
        %dma_start3A_163 = arith.constant 0 : i32
        %dma_start3A_164 = tpu.memref_slice %arg7[%add3A_162, %dma_start3A_163] : memref<80x128xi32, #tpu.memory_space<vmem>> -> memref<1x128xi32, #tpu.memory_space<vmem>>
        %dma_start3A_165 = tpu.memref_squeeze %dma_start3A_164 : memref<1x128xi32, #tpu.memory_space<vmem>> -> memref<128xi32, #tpu.memory_space<vmem>>
        %dma_start3A_166 = arith.constant 0 : i32
        %dma_start3A_167 = arith.constant 0 : i32
        %dma_start3A_168 = tpu.memref_slice %arg4[%dma_start3A_166, %dma_start3A_167] : memref<10000x64xf32, #tpu.memory_space<hbm>> -> memref<10000x64xf32, #tpu.memory_space<hbm>>
        tpu.enqueue_indirect_dma source(%dma_start3A_168 : memref<10000x64xf32, #tpu.memory_space<hbm>>) target(%arg10 : memref<128x64xf32, #tpu.memory_space<vmem>>) offsets(%dma_start3A_165 : memref<128xi32, #tpu.memory_space<vmem>>) semaphore(%arg15 : memref<!tpu.dma_semaphore, #tpu.memory_space<semaphore_mem>>)
      } else {
      }
      %add3A_137 = arith.constant 2 : i32
      %add3A_138 = arith.addi %mul3A_65, %add3A_137 : i32
      %add3A_139 = arith.constant 4 : i32
      %add3A_140 = arith.addi %add3A_138, %add3A_139 : i32
      %lt3A_141 = arith.constant 80 : i32
      %lt3A_142 = arith.cmpi slt, %add3A_140, %lt3A_141 : i32
      %convert_element_type3A_143 = arith.extui %lt3A_142 : i1 to i32
      %cond3A_144 = arith.constant 0 : i32
      %cond3A_145 = arith.cmpi ne, %convert_element_type3A_143, %cond3A_144 : i32
      scf.if %cond3A_145 {
        %dma_wait3A_155 = arith.constant 0 : i32
        %dma_wait3A_156 = tpu.memref_slice %arg8[%add3A_138, %dma_wait3A_155] : memref<80x128xi32, #tpu.memory_space<vmem>> -> memref<1x128xi32, #tpu.memory_space<vmem>>
        %dma_wait3A_157 = tpu.memref_squeeze %dma_wait3A_156 : memref<1x128xi32, #tpu.memory_space<vmem>> -> memref<128xi32, #tpu.memory_space<vmem>>
        %dma_wait3A_158 = arith.constant 0 : i32
        %dma_wait3A_159 = arith.constant 0 : i32
        %dma_wait3A_160 = tpu.memref_slice %arg13[%dma_wait3A_158, %dma_wait3A_159] : memref<10112x64xf32, #tpu.memory_space<vmem_shared>> -> memref<10112x64xf32, #tpu.memory_space<vmem_shared>>
        tpu.wait_indirect_dma semaphore(%arg20 : memref<!tpu.dma_semaphore, #tpu.memory_space<semaphore_mem>>) src(%arg11 : memref<128x64xf32, #tpu.memory_space<vmem>>) dst(%dma_wait3A_160 : memref<10112x64xf32, #tpu.memory_space<vmem_shared>>)
        %add3A_161 = arith.constant 4 : i32
        %add3A_162 = arith.addi %add3A_138, %add3A_161 : i32
        %dma_start3A_163 = arith.constant 0 : i32
        %dma_start3A_164 = tpu.memref_slice %arg7[%add3A_162, %dma_start3A_163] : memref<80x128xi32, #tpu.memory_space<vmem>> -> memref<1x128xi32, #tpu.memory_space<vmem>>
        %dma_start3A_165 = tpu.memref_squeeze %dma_start3A_164 : memref<1x128xi32, #tpu.memory_space<vmem>> -> memref<128xi32, #tpu.memory_space<vmem>>
        %dma_start3A_166 = arith.constant 0 : i32
        %dma_start3A_167 = arith.constant 0 : i32
        %dma_start3A_168 = tpu.memref_slice %arg4[%dma_start3A_166, %dma_start3A_167] : memref<10000x64xf32, #tpu.memory_space<hbm>> -> memref<10000x64xf32, #tpu.memory_space<hbm>>
        tpu.enqueue_indirect_dma source(%dma_start3A_168 : memref<10000x64xf32, #tpu.memory_space<hbm>>) target(%arg11 : memref<128x64xf32, #tpu.memory_space<vmem>>) offsets(%dma_start3A_165 : memref<128xi32, #tpu.memory_space<vmem>>) semaphore(%arg16 : memref<!tpu.dma_semaphore, #tpu.memory_space<semaphore_mem>>)
      } else {
      }
      %add3A_146 = arith.constant 3 : i32
      %add3A_147 = arith.addi %mul3A_65, %add3A_146 : i32
      %add3A_148 = arith.constant 4 : i32
      %add3A_149 = arith.addi %add3A_147, %add3A_148 : i32
      %lt3A_150 = arith.constant 80 : i32
      %lt3A_151 = arith.cmpi slt, %add3A_149, %lt3A_150 : i32
      %convert_element_type3A_152 = arith.extui %lt3A_151 : i1 to i32
      %cond3A_153 = arith.constant 0 : i32
      %cond3A_154 = arith.cmpi ne, %convert_element_type3A_152, %cond3A_153 : i32
      scf.if %cond3A_154 {
        %dma_wait3A_155 = arith.constant 0 : i32
        %dma_wait3A_156 = tpu.memref_slice %arg8[%add3A_147, %dma_wait3A_155] : memref<80x128xi32, #tpu.memory_space<vmem>> -> memref<1x128xi32, #tpu.memory_space<vmem>>
        %dma_wait3A_157 = tpu.memref_squeeze %dma_wait3A_156 : memref<1x128xi32, #tpu.memory_space<vmem>> -> memref<128xi32, #tpu.memory_space<vmem>>
        %dma_wait3A_158 = arith.constant 0 : i32
        %dma_wait3A_159 = arith.constant 0 : i32
        %dma_wait3A_160 = tpu.memref_slice %arg13[%dma_wait3A_158, %dma_wait3A_159] : memref<10112x64xf32, #tpu.memory_space<vmem_shared>> -> memref<10112x64xf32, #tpu.memory_space<vmem_shared>>
        tpu.wait_indirect_dma semaphore(%arg21 : memref<!tpu.dma_semaphore, #tpu.memory_space<semaphore_mem>>) src(%arg12 : memref<128x64xf32, #tpu.memory_space<vmem>>) dst(%dma_wait3A_160 : memref<10112x64xf32, #tpu.memory_space<vmem_shared>>)
        %add3A_161 = arith.constant 4 : i32
        %add3A_162 = arith.addi %add3A_147, %add3A_161 : i32
        %dma_start3A_163 = arith.constant 0 : i32
        %dma_start3A_164 = tpu.memref_slice %arg7[%add3A_162, %dma_start3A_163] : memref<80x128xi32, #tpu.memory_space<vmem>> -> memref<1x128xi32, #tpu.memory_space<vmem>>
        %dma_start3A_165 = tpu.memref_squeeze %dma_start3A_164 : memref<1x128xi32, #tpu.memory_space<vmem>> -> memref<128xi32, #tpu.memory_space<vmem>>
        %dma_start3A_166 = arith.constant 0 : i32
        %dma_start3A_167 = arith.constant 0 : i32
        %dma_start3A_168 = tpu.memref_slice %arg4[%dma_start3A_166, %dma_start3A_167] : memref<10000x64xf32, #tpu.memory_space<hbm>> -> memref<10000x64xf32, #tpu.memory_space<hbm>>
        tpu.enqueue_indirect_dma source(%dma_start3A_168 : memref<10000x64xf32, #tpu.memory_space<hbm>>) target(%arg12 : memref<128x64xf32, #tpu.memory_space<vmem>>) offsets(%dma_start3A_165 : memref<128xi32, #tpu.memory_space<vmem>>) semaphore(%arg17 : memref<!tpu.dma_semaphore, #tpu.memory_space<semaphore_mem>>)
      } else {
      }
    }
    %scan3A_34 = arith.constant 20 : i32
    %dma_wait3A = arith.constant 76 : i32
    %dma_wait3A_35 = arith.constant 0 : i32
    %dma_wait3A_36 = tpu.memref_slice %arg8[%dma_wait3A, %dma_wait3A_35] : memref<80x128xi32, #tpu.memory_space<vmem>> -> memref<1x128xi32, #tpu.memory_space<vmem>>
    %dma_wait3A_37 = tpu.memref_squeeze %dma_wait3A_36 : memref<1x128xi32, #tpu.memory_space<vmem>> -> memref<128xi32, #tpu.memory_space<vmem>>
    %dma_wait3A_38 = arith.constant 0 : i32
    %dma_wait3A_39 = arith.constant 0 : i32
    %dma_wait3A_40 = tpu.memref_slice %arg13[%dma_wait3A_38, %dma_wait3A_39] : memref<10112x64xf32, #tpu.memory_space<vmem_shared>> -> memref<10112x64xf32, #tpu.memory_space<vmem_shared>>
    tpu.wait_indirect_dma semaphore(%arg18 : memref<!tpu.dma_semaphore, #tpu.memory_space<semaphore_mem>>) src(%arg9 : memref<128x64xf32, #tpu.memory_space<vmem>>) dst(%dma_wait3A_40 : memref<10112x64xf32, #tpu.memory_space<vmem_shared>>)
    %dma_wait3A_41 = arith.constant 77 : i32
    %dma_wait3A_42 = arith.constant 0 : i32
    %dma_wait3A_43 = tpu.memref_slice %arg8[%dma_wait3A_41, %dma_wait3A_42] : memref<80x128xi32, #tpu.memory_space<vmem>> -> memref<1x128xi32, #tpu.memory_space<vmem>>
    %dma_wait3A_44 = tpu.memref_squeeze %dma_wait3A_43 : memref<1x128xi32, #tpu.memory_space<vmem>> -> memref<128xi32, #tpu.memory_space<vmem>>
    %dma_wait3A_45 = arith.constant 0 : i32
    %dma_wait3A_46 = arith.constant 0 : i32
    %dma_wait3A_47 = tpu.memref_slice %arg13[%dma_wait3A_45, %dma_wait3A_46] : memref<10112x64xf32, #tpu.memory_space<vmem_shared>> -> memref<10112x64xf32, #tpu.memory_space<vmem_shared>>
    tpu.wait_indirect_dma semaphore(%arg19 : memref<!tpu.dma_semaphore, #tpu.memory_space<semaphore_mem>>) src(%arg10 : memref<128x64xf32, #tpu.memory_space<vmem>>) dst(%dma_wait3A_47 : memref<10112x64xf32, #tpu.memory_space<vmem_shared>>)
    %dma_wait3A_48 = arith.constant 78 : i32
    %dma_wait3A_49 = arith.constant 0 : i32
    %dma_wait3A_50 = tpu.memref_slice %arg8[%dma_wait3A_48, %dma_wait3A_49] : memref<80x128xi32, #tpu.memory_space<vmem>> -> memref<1x128xi32, #tpu.memory_space<vmem>>
    %dma_wait3A_51 = tpu.memref_squeeze %dma_wait3A_50 : memref<1x128xi32, #tpu.memory_space<vmem>> -> memref<128xi32, #tpu.memory_space<vmem>>
    %dma_wait3A_52 = arith.constant 0 : i32
    %dma_wait3A_53 = arith.constant 0 : i32
    %dma_wait3A_54 = tpu.memref_slice %arg13[%dma_wait3A_52, %dma_wait3A_53] : memref<10112x64xf32, #tpu.memory_space<vmem_shared>> -> memref<10112x64xf32, #tpu.memory_space<vmem_shared>>
    tpu.wait_indirect_dma semaphore(%arg20 : memref<!tpu.dma_semaphore, #tpu.memory_space<semaphore_mem>>) src(%arg11 : memref<128x64xf32, #tpu.memory_space<vmem>>) dst(%dma_wait3A_54 : memref<10112x64xf32, #tpu.memory_space<vmem_shared>>)
    %dma_wait3A_55 = arith.constant 79 : i32
    %dma_wait3A_56 = arith.constant 0 : i32
    %dma_wait3A_57 = tpu.memref_slice %arg8[%dma_wait3A_55, %dma_wait3A_56] : memref<80x128xi32, #tpu.memory_space<vmem>> -> memref<1x128xi32, #tpu.memory_space<vmem>>
    %dma_wait3A_58 = tpu.memref_squeeze %dma_wait3A_57 : memref<1x128xi32, #tpu.memory_space<vmem>> -> memref<128xi32, #tpu.memory_space<vmem>>
    %dma_wait3A_59 = arith.constant 0 : i32
    %dma_wait3A_60 = arith.constant 0 : i32
    %dma_wait3A_61 = tpu.memref_slice %arg13[%dma_wait3A_59, %dma_wait3A_60] : memref<10112x64xf32, #tpu.memory_space<vmem_shared>> -> memref<10112x64xf32, #tpu.memory_space<vmem_shared>>
    tpu.wait_indirect_dma semaphore(%arg21 : memref<!tpu.dma_semaphore, #tpu.memory_space<semaphore_mem>>) src(%arg12 : memref<128x64xf32, #tpu.memory_space<vmem>>) dst(%dma_wait3A_61 : memref<10112x64xf32, #tpu.memory_space<vmem_shared>>)
    %barrier3A_62 = arith.constant 0 : index
    tpu.barrier barrier_id(%barrier3A_62)
    "tpu.region"() ({
      %run_scoped3A = tpu.sem_alloc : memref<!tpu.dma_semaphore, #tpu.memory_space<semaphore_mem>>
      %dma_start3A_63 = arith.constant 0 : i32
      %dma_start3A_64 = tpu.memref_slice %arg6[%arg0, %multiple_of3A, %dma_start3A_63] : memref<2x10112x64xf32, #tpu.memory_space<hbm>> -> memref<1x632x64xf32, #tpu.memory_space<hbm>>
      %dma_start3A_65 = tpu.memref_squeeze %dma_start3A_64 : memref<1x632x64xf32, #tpu.memory_space<hbm>> -> memref<632x64xf32, #tpu.memory_space<hbm>>
      %dma_start3A_66 = arith.constant 0 : i32
      %dma_start3A_67 = tpu.memref_slice %arg13[%multiple_of3A, %dma_start3A_66] : memref<10112x64xf32, #tpu.memory_space<vmem_shared>> -> memref<632x64xf32, #tpu.memory_space<vmem_shared>>
      tpu.enqueue_dma source(%dma_start3A_67 : memref<632x64xf32, #tpu.memory_space<vmem_shared>>) target(%dma_start3A_65 : memref<632x64xf32, #tpu.memory_space<hbm>>) target_semaphore(%run_scoped3A : memref<!tpu.dma_semaphore, #tpu.memory_space<semaphore_mem>>)
      %dma_wait3A_68 = arith.constant 0 : i32
      %dma_wait3A_69 = tpu.memref_slice %arg6[%arg0, %multiple_of3A, %dma_wait3A_68] : memref<2x10112x64xf32, #tpu.memory_space<hbm>> -> memref<1x632x64xf32, #tpu.memory_space<hbm>>
      %dma_wait3A_70 = tpu.memref_squeeze %dma_wait3A_69 : memref<1x632x64xf32, #tpu.memory_space<hbm>> -> memref<632x64xf32, #tpu.memory_space<hbm>>
      %dma_wait3A_71 = arith.constant 0 : i32
      %dma_wait3A_72 = tpu.memref_slice %arg13[%multiple_of3A, %dma_wait3A_71] : memref<10112x64xf32, #tpu.memory_space<vmem_shared>> -> memref<632x64xf32, #tpu.memory_space<vmem_shared>>
      tpu.wait_dma2 semaphore(%run_scoped3A : memref<!tpu.dma_semaphore, #tpu.memory_space<semaphore_mem>>) src(%dma_wait3A_72 : memref<632x64xf32, #tpu.memory_space<vmem_shared>>) dst(%dma_wait3A_70 : memref<632x64xf32, #tpu.memory_space<hbm>>)
      tpu.yield
    }) : () -> ()
    return
  }
}

#map = affine_map<(d0, d1) -> (0, 0, 0)>
#map1 = affine_map<(d0, d1) -> (0, 0)>
module attributes {stable_mosaic.version = 14 : i64} {
  func.func @_sc1(%arg0: i32, %arg1: i32, %arg2: memref<32x80x128xi32, #tpu.memory_space<hbm>>, %arg3: memref<32x80x128xi32, #tpu.memory_space<hbm>>, %arg4: memref<10000x16xf32, #tpu.memory_space<hbm>>, %arg5: memref<10112x16xf32, #tpu.memory_space<hbm>>, %arg6: memref<10000x64xf32, #tpu.memory_space<hbm>>, %arg7: memref<10112x80xf32, #tpu.memory_space<hbm>>, %arg8: memref<2x10112x80xf32, #tpu.memory_space<hbm>>, %arg9: memref<80x128xi32, #tpu.memory_space<vmem>>, %arg10: memref<80x128xi32, #tpu.memory_space<vmem>>, %arg11: memref<128x16xf32, #tpu.memory_space<vmem>>, %arg12: memref<128x16xf32, #tpu.memory_space<vmem>>, %arg13: memref<128x16xf32, #tpu.memory_space<vmem>>, %arg14: memref<128x16xf32, #tpu.memory_space<vmem>>, %arg15: memref<128x64xf32, #tpu.memory_space<vmem>>, %arg16: memref<128x64xf32, #tpu.memory_space<vmem>>, %arg17: memref<128x80xf32, #tpu.memory_space<vmem>>, %arg18: memref<128x80xf32, #tpu.memory_space<vmem>>, %arg19: memref<10112x80xf32, #tpu.memory_space<vmem_shared>>, %arg20: memref<!tpu.dma_semaphore, #tpu.memory_space<semaphore_mem>>, %arg21: memref<!tpu.dma_semaphore, #tpu.memory_space<semaphore_mem>>, %arg22: memref<!tpu.dma_semaphore, #tpu.memory_space<semaphore_mem>>, %arg23: memref<!tpu.dma_semaphore, #tpu.memory_space<semaphore_mem>>) attributes {dimension_semantics = [#tpu.dimension_semantics<core_parallel>, #tpu.dimension_semantics<subcore_parallel>], iteration_bounds = array<i64: 2, 16>, scalar_prefetch = 0 : i64, scratch_operands = 15 : i64, tpu.core_type = #tpu.core_type<sc_vector_subcore>, window_params = [{transform_indices = #map}, {transform_indices = #map}, {transform_indices = #map1}, {transform_indices = #map1}, {transform_indices = #map1}, {transform_indices = #map1}, {transform_indices = #map}]} {
    %mul3A = arith.constant 16 : i32
    %mul3A_0 = arith.muli %arg0, %mul3A : i32
    %add3A = arith.addi %mul3A_0, %arg1 : i32
    %mul3A_1 = arith.constant 632 : i32
    %mul3A_2 = arith.muli %arg1, %mul3A_1 : i32
    %multiple_of3A = tpu.assume_multiple %mul3A_2, 8 : i32
    "tpu.region"() ({
      %run_scoped3A = tpu.sem_alloc : memref<!tpu.dma_semaphore, #tpu.memory_space<semaphore_mem>>
      %dma_start3A_181 = arith.constant 0 : i32
      %dma_start3A_182 = tpu.memref_slice %arg19[%multiple_of3A, %dma_start3A_181] : memref<10112x80xf32, #tpu.memory_space<vmem_shared>> -> memref<632x80xf32, #tpu.memory_space<vmem_shared>>
      %dma_start3A_183 = arith.constant 0 : i32
      %dma_start3A_184 = tpu.memref_slice %arg7[%multiple_of3A, %dma_start3A_183] : memref<10112x80xf32, #tpu.memory_space<hbm>> -> memref<632x80xf32, #tpu.memory_space<hbm>>
      tpu.enqueue_dma source(%dma_start3A_184 : memref<632x80xf32, #tpu.memory_space<hbm>>) target(%dma_start3A_182 : memref<632x80xf32, #tpu.memory_space<vmem_shared>>) target_semaphore(%run_scoped3A : memref<!tpu.dma_semaphore, #tpu.memory_space<semaphore_mem>>)
      %dma_wait3A_185 = arith.constant 0 : i32
      %dma_wait3A_186 = tpu.memref_slice %arg19[%multiple_of3A, %dma_wait3A_185] : memref<10112x80xf32, #tpu.memory_space<vmem_shared>> -> memref<632x80xf32, #tpu.memory_space<vmem_shared>>
      %dma_wait3A_187 = arith.constant 0 : i32
      %dma_wait3A_188 = tpu.memref_slice %arg7[%multiple_of3A, %dma_wait3A_187] : memref<10112x80xf32, #tpu.memory_space<hbm>> -> memref<632x80xf32, #tpu.memory_space<hbm>>
      tpu.wait_dma2 semaphore(%run_scoped3A : memref<!tpu.dma_semaphore, #tpu.memory_space<semaphore_mem>>) src(%dma_wait3A_188 : memref<632x80xf32, #tpu.memory_space<hbm>>) dst(%dma_wait3A_186 : memref<632x80xf32, #tpu.memory_space<vmem_shared>>)
      tpu.yield
    }) : () -> ()
    "tpu.region"() ({
      %run_scoped3A = tpu.sem_alloc : memref<!tpu.dma_semaphore, #tpu.memory_space<semaphore_mem>>
      %dma_start3A_181 = arith.constant 0 : i32
      %dma_start3A_182 = arith.constant 0 : i32
      %dma_start3A_183 = tpu.memref_slice %arg2[%add3A, %dma_start3A_181, %dma_start3A_182] : memref<32x80x128xi32, #tpu.memory_space<hbm>> -> memref<1x80x128xi32, #tpu.memory_space<hbm>>
      %dma_start3A_184 = tpu.memref_squeeze %dma_start3A_183 : memref<1x80x128xi32, #tpu.memory_space<hbm>> -> memref<80x128xi32, #tpu.memory_space<hbm>>
      %dma_start3A_185 = arith.constant 0 : i32
      %dma_start3A_186 = arith.constant 0 : i32
      %dma_start3A_187 = tpu.memref_slice %arg2[%add3A, %dma_start3A_185, %dma_start3A_186] : memref<32x80x128xi32, #tpu.memory_space<hbm>> -> memref<1x80x128xi32, #tpu.memory_space<hbm>>
      %dma_start3A_188 = tpu.memref_squeeze %dma_start3A_187 : memref<1x80x128xi32, #tpu.memory_space<hbm>> -> memref<80x128xi32, #tpu.memory_space<hbm>>
      tpu.enqueue_dma source(%dma_start3A_188 : memref<80x128xi32, #tpu.memory_space<hbm>>) target(%arg9 : memref<80x128xi32, #tpu.memory_space<vmem>>) target_semaphore(%run_scoped3A : memref<!tpu.dma_semaphore, #tpu.memory_space<semaphore_mem>>)
      %dma_wait3A_189 = arith.constant 0 : i32
      %dma_wait3A_190 = arith.constant 0 : i32
      %dma_wait3A_191 = tpu.memref_slice %arg2[%add3A, %dma_wait3A_189, %dma_wait3A_190] : memref<32x80x128xi32, #tpu.memory_space<hbm>> -> memref<1x80x128xi32, #tpu.memory_space<hbm>>
      %dma_wait3A_192 = tpu.memref_squeeze %dma_wait3A_191 : memref<1x80x128xi32, #tpu.memory_space<hbm>> -> memref<80x128xi32, #tpu.memory_space<hbm>>
      %dma_wait3A_193 = arith.constant 0 : i32
      %dma_wait3A_194 = arith.constant 0 : i32
      %dma_wait3A_195 = tpu.memref_slice %arg2[%add3A, %dma_wait3A_193, %dma_wait3A_194] : memref<32x80x128xi32, #tpu.memory_space<hbm>> -> memref<1x80x128xi32, #tpu.memory_space<hbm>>
      %dma_wait3A_196 = tpu.memref_squeeze %dma_wait3A_195 : memref<1x80x128xi32, #tpu.memory_space<hbm>> -> memref<80x128xi32, #tpu.memory_space<hbm>>
      tpu.wait_dma2 semaphore(%run_scoped3A : memref<!tpu.dma_semaphore, #tpu.memory_space<semaphore_mem>>) src(%dma_wait3A_196 : memref<80x128xi32, #tpu.memory_space<hbm>>) dst(%arg9 : memref<80x128xi32, #tpu.memory_space<vmem>>)
      tpu.yield
    }) : () -> ()
    "tpu.region"() ({
      %run_scoped3A = tpu.sem_alloc : memref<!tpu.dma_semaphore, #tpu.memory_space<semaphore_mem>>
      %dma_start3A_181 = arith.constant 0 : i32
      %dma_start3A_182 = arith.constant 0 : i32
      %dma_start3A_183 = tpu.memref_slice %arg3[%add3A, %dma_start3A_181, %dma_start3A_182] : memref<32x80x128xi32, #tpu.memory_space<hbm>> -> memref<1x80x128xi32, #tpu.memory_space<hbm>>
      %dma_start3A_184 = tpu.memref_squeeze %dma_start3A_183 : memref<1x80x128xi32, #tpu.memory_space<hbm>> -> memref<80x128xi32, #tpu.memory_space<hbm>>
      %dma_start3A_185 = arith.constant 0 : i32
      %dma_start3A_186 = arith.constant 0 : i32
      %dma_start3A_187 = tpu.memref_slice %arg3[%add3A, %dma_start3A_185, %dma_start3A_186] : memref<32x80x128xi32, #tpu.memory_space<hbm>> -> memref<1x80x128xi32, #tpu.memory_space<hbm>>
      %dma_start3A_188 = tpu.memref_squeeze %dma_start3A_187 : memref<1x80x128xi32, #tpu.memory_space<hbm>> -> memref<80x128xi32, #tpu.memory_space<hbm>>
      tpu.enqueue_dma source(%dma_start3A_188 : memref<80x128xi32, #tpu.memory_space<hbm>>) target(%arg10 : memref<80x128xi32, #tpu.memory_space<vmem>>) target_semaphore(%run_scoped3A : memref<!tpu.dma_semaphore, #tpu.memory_space<semaphore_mem>>)
      %dma_wait3A_189 = arith.constant 0 : i32
      %dma_wait3A_190 = arith.constant 0 : i32
      %dma_wait3A_191 = tpu.memref_slice %arg3[%add3A, %dma_wait3A_189, %dma_wait3A_190] : memref<32x80x128xi32, #tpu.memory_space<hbm>> -> memref<1x80x128xi32, #tpu.memory_space<hbm>>
      %dma_wait3A_192 = tpu.memref_squeeze %dma_wait3A_191 : memref<1x80x128xi32, #tpu.memory_space<hbm>> -> memref<80x128xi32, #tpu.memory_space<hbm>>
      %dma_wait3A_193 = arith.constant 0 : i32
      %dma_wait3A_194 = arith.constant 0 : i32
      %dma_wait3A_195 = tpu.memref_slice %arg3[%add3A, %dma_wait3A_193, %dma_wait3A_194] : memref<32x80x128xi32, #tpu.memory_space<hbm>> -> memref<1x80x128xi32, #tpu.memory_space<hbm>>
      %dma_wait3A_196 = tpu.memref_squeeze %dma_wait3A_195 : memref<1x80x128xi32, #tpu.memory_space<hbm>> -> memref<80x128xi32, #tpu.memory_space<hbm>>
      tpu.wait_dma2 semaphore(%run_scoped3A : memref<!tpu.dma_semaphore, #tpu.memory_space<semaphore_mem>>) src(%dma_wait3A_196 : memref<80x128xi32, #tpu.memory_space<hbm>>) dst(%arg10 : memref<80x128xi32, #tpu.memory_space<vmem>>)
      tpu.yield
    }) : () -> ()
    %barrier3A = arith.constant 0 : index
    tpu.barrier barrier_id(%barrier3A)
    %iota3A = tpu.iota {dimensions = array<i32: 0>} : vector<16xi32>
    %lt3A = arith.constant 8 : i32
    %lt3A_3 = vector.broadcast %lt3A : i32 to vector<16xi32>
    %lt3A_4 = arith.cmpi slt, %iota3A, %lt3A_3 : vector<16xi32>
    %jit3A = arith.constant 0 : i32
    %jit3A_5 = arith.constant 1 : i32
    %broadcast_in_dim3A = vector.broadcast %jit3A : i32 to vector<16xi32>
    %broadcast_in_dim3A_6 = vector.broadcast %jit3A_5 : i32 to vector<16xi32>
    %select_n3A = arith.select %lt3A_4, %broadcast_in_dim3A, %broadcast_in_dim3A_6 : vector<16xi1>, vector<16xi32>
    %lt3A_7 = arith.constant 8 : i32
    %lt3A_8 = vector.broadcast %lt3A_7 : i32 to vector<16xi32>
    %lt3A_9 = arith.cmpi slt, %iota3A, %lt3A_8 : vector<16xi32>
    %jit3A_10 = arith.constant 2 : i32
    %jit3A_11 = arith.constant 3 : i32
    %broadcast_in_dim3A_12 = vector.broadcast %jit3A_10 : i32 to vector<16xi32>
    %broadcast_in_dim3A_13 = vector.broadcast %jit3A_11 : i32 to vector<16xi32>
    %select_n3A_14 = arith.select %lt3A_9, %broadcast_in_dim3A_12, %broadcast_in_dim3A_13 : vector<16xi1>, vector<16xi32>
    %lt3A_15 = arith.constant 8 : i32
    %lt3A_16 = vector.broadcast %lt3A_15 : i32 to vector<16xi32>
    %lt3A_17 = arith.cmpi slt, %iota3A, %lt3A_16 : vector<16xi32>
    %jit3A_18 = arith.constant 4 : i32
    %jit3A_19 = arith.constant 5 : i32
    %broadcast_in_dim3A_20 = vector.broadcast %jit3A_18 : i32 to vector<16xi32>
    %broadcast_in_dim3A_21 = vector.broadcast %jit3A_19 : i32 to vector<16xi32>
    %select_n3A_22 = arith.select %lt3A_17, %broadcast_in_dim3A_20, %broadcast_in_dim3A_21 : vector<16xi1>, vector<16xi32>
    %lt3A_23 = arith.constant 8 : i32
    %lt3A_24 = vector.broadcast %lt3A_23 : i32 to vector<16xi32>
    %lt3A_25 = arith.cmpi slt, %iota3A, %lt3A_24 : vector<16xi32>
    %jit3A_26 = arith.constant 6 : i32
    %jit3A_27 = arith.constant 7 : i32
    %broadcast_in_dim3A_28 = vector.broadcast %jit3A_26 : i32 to vector<16xi32>
    %broadcast_in_dim3A_29 = vector.broadcast %jit3A_27 : i32 to vector<16xi32>
    %select_n3A_30 = arith.select %lt3A_25, %broadcast_in_dim3A_28, %broadcast_in_dim3A_29 : vector<16xi1>, vector<16xi32>
    %dma_start3A = arith.constant 0 : i32
    %dma_start3A_31 = arith.constant 0 : i32
    %dma_start3A_32 = tpu.memref_slice %arg9[%dma_start3A, %dma_start3A_31] : memref<80x128xi32, #tpu.memory_space<vmem>> -> memref<1x128xi32, #tpu.memory_space<vmem>>
    %dma_start3A_33 = tpu.memref_squeeze %dma_start3A_32 : memref<1x128xi32, #tpu.memory_space<vmem>> -> memref<128xi32, #tpu.memory_space<vmem>>
    %dma_start3A_34 = arith.constant 0 : i32
    %dma_start3A_35 = arith.constant 0 : i32
    %dma_start3A_36 = tpu.memref_slice %arg4[%dma_start3A_34, %dma_start3A_35] : memref<10000x16xf32, #tpu.memory_space<hbm>> -> memref<10000x16xf32, #tpu.memory_space<hbm>>
    tpu.enqueue_indirect_dma source(%dma_start3A_36 : memref<10000x16xf32, #tpu.memory_space<hbm>>) target(%arg11 : memref<128x16xf32, #tpu.memory_space<vmem>>) offsets(%dma_start3A_33 : memref<128xi32, #tpu.memory_space<vmem>>) semaphore(%arg20 : memref<!tpu.dma_semaphore, #tpu.memory_space<semaphore_mem>>)
    %dma_start3A_37 = arith.constant 0 : i32
    %dma_start3A_38 = arith.constant 0 : i32
    %dma_start3A_39 = tpu.memref_slice %arg10[%dma_start3A_37, %dma_start3A_38] : memref<80x128xi32, #tpu.memory_space<vmem>> -> memref<1x128xi32, #tpu.memory_space<vmem>>
    %dma_start3A_40 = tpu.memref_squeeze %dma_start3A_39 : memref<1x128xi32, #tpu.memory_space<vmem>> -> memref<128xi32, #tpu.memory_space<vmem>>
    %dma_start3A_41 = arith.constant 0 : i32
    %dma_start3A_42 = arith.constant 0 : i32
    %dma_start3A_43 = tpu.memref_slice %arg5[%dma_start3A_41, %dma_start3A_42] : memref<10112x16xf32, #tpu.memory_space<hbm>> -> memref<10112x16xf32, #tpu.memory_space<hbm>>
    tpu.enqueue_indirect_dma source(%dma_start3A_43 : memref<10112x16xf32, #tpu.memory_space<hbm>>) target(%arg13 : memref<128x16xf32, #tpu.memory_space<vmem>>) offsets(%dma_start3A_40 : memref<128xi32, #tpu.memory_space<vmem>>) semaphore(%arg20 : memref<!tpu.dma_semaphore, #tpu.memory_space<semaphore_mem>>)
    %dma_start3A_44 = arith.constant 0 : i32
    %dma_start3A_45 = arith.constant 0 : i32
    %dma_start3A_46 = tpu.memref_slice %arg9[%dma_start3A_44, %dma_start3A_45] : memref<80x128xi32, #tpu.memory_space<vmem>> -> memref<1x128xi32, #tpu.memory_space<vmem>>
    %dma_start3A_47 = tpu.memref_squeeze %dma_start3A_46 : memref<1x128xi32, #tpu.memory_space<vmem>> -> memref<128xi32, #tpu.memory_space<vmem>>
    %dma_start3A_48 = arith.constant 0 : i32
    %dma_start3A_49 = arith.constant 0 : i32
    %dma_start3A_50 = tpu.memref_slice %arg6[%dma_start3A_48, %dma_start3A_49] : memref<10000x64xf32, #tpu.memory_space<hbm>> -> memref<10000x64xf32, #tpu.memory_space<hbm>>
    tpu.enqueue_indirect_dma source(%dma_start3A_50 : memref<10000x64xf32, #tpu.memory_space<hbm>>) target(%arg15 : memref<128x64xf32, #tpu.memory_space<vmem>>) offsets(%dma_start3A_47 : memref<128xi32, #tpu.memory_space<vmem>>) semaphore(%arg20 : memref<!tpu.dma_semaphore, #tpu.memory_space<semaphore_mem>>)
    %dma_wait3A = arith.constant 0 : i32
    %dma_wait3A_51 = arith.constant 0 : i32
    %dma_wait3A_52 = tpu.memref_slice %arg9[%dma_wait3A, %dma_wait3A_51] : memref<80x128xi32, #tpu.memory_space<vmem>> -> memref<1x128xi32, #tpu.memory_space<vmem>>
    %dma_wait3A_53 = tpu.memref_squeeze %dma_wait3A_52 : memref<1x128xi32, #tpu.memory_space<vmem>> -> memref<128xi32, #tpu.memory_space<vmem>>
    %dma_wait3A_54 = arith.constant 0 : i32
    %dma_wait3A_55 = arith.constant 0 : i32
    %dma_wait3A_56 = tpu.memref_slice %arg4[%dma_wait3A_54, %dma_wait3A_55] : memref<10000x16xf32, #tpu.memory_space<hbm>> -> memref<10000x16xf32, #tpu.memory_space<hbm>>
    tpu.wait_indirect_dma semaphore(%arg20 : memref<!tpu.dma_semaphore, #tpu.memory_space<semaphore_mem>>) src(%dma_wait3A_56 : memref<10000x16xf32, #tpu.memory_space<hbm>>) dst(%arg11 : memref<128x16xf32, #tpu.memory_space<vmem>>)
    %dma_wait3A_57 = arith.constant 0 : i32
    %dma_wait3A_58 = arith.constant 0 : i32
    %dma_wait3A_59 = tpu.memref_slice %arg10[%dma_wait3A_57, %dma_wait3A_58] : memref<80x128xi32, #tpu.memory_space<vmem>> -> memref<1x128xi32, #tpu.memory_space<vmem>>
    %dma_wait3A_60 = tpu.memref_squeeze %dma_wait3A_59 : memref<1x128xi32, #tpu.memory_space<vmem>> -> memref<128xi32, #tpu.memory_space<vmem>>
    %dma_wait3A_61 = arith.constant 0 : i32
    %dma_wait3A_62 = arith.constant 0 : i32
    %dma_wait3A_63 = tpu.memref_slice %arg5[%dma_wait3A_61, %dma_wait3A_62] : memref<10112x16xf32, #tpu.memory_space<hbm>> -> memref<10112x16xf32, #tpu.memory_space<hbm>>
    tpu.wait_indirect_dma semaphore(%arg20 : memref<!tpu.dma_semaphore, #tpu.memory_space<semaphore_mem>>) src(%dma_wait3A_63 : memref<10112x16xf32, #tpu.memory_space<hbm>>) dst(%arg13 : memref<128x16xf32, #tpu.memory_space<vmem>>)
    %dma_wait3A_64 = arith.constant 0 : i32
    %dma_wait3A_65 = arith.constant 0 : i32
    %dma_wait3A_66 = tpu.memref_slice %arg9[%dma_wait3A_64, %dma_wait3A_65] : memref<80x128xi32, #tpu.memory_space<vmem>> -> memref<1x128xi32, #tpu.memory_space<vmem>>
    %dma_wait3A_67 = tpu.memref_squeeze %dma_wait3A_66 : memref<1x128xi32, #tpu.memory_space<vmem>> -> memref<128xi32, #tpu.memory_space<vmem>>
    %dma_wait3A_68 = arith.constant 0 : i32
    %dma_wait3A_69 = arith.constant 0 : i32
    %dma_wait3A_70 = tpu.memref_slice %arg6[%dma_wait3A_68, %dma_wait3A_69] : memref<10000x64xf32, #tpu.memory_space<hbm>> -> memref<10000x64xf32, #tpu.memory_space<hbm>>
    tpu.wait_indirect_dma semaphore(%arg20 : memref<!tpu.dma_semaphore, #tpu.memory_space<semaphore_mem>>) src(%dma_wait3A_70 : memref<10000x64xf32, #tpu.memory_space<hbm>>) dst(%arg15 : memref<128x64xf32, #tpu.memory_space<vmem>>)
    %cond3A = arith.constant 1 : i32
    %dma_start3A_71 = arith.constant 1 : i32
    %dma_start3A_72 = arith.constant 0 : i32
    %dma_start3A_73 = tpu.memref_slice %arg9[%dma_start3A_71, %dma_start3A_72] : memref<80x128xi32, #tpu.memory_space<vmem>> -> memref<1x128xi32, #tpu.memory_space<vmem>>
    %dma_start3A_74 = tpu.memref_squeeze %dma_start3A_73 : memref<1x128xi32, #tpu.memory_space<vmem>> -> memref<128xi32, #tpu.memory_space<vmem>>
    %dma_start3A_75 = arith.constant 0 : i32
    %dma_start3A_76 = arith.constant 0 : i32
    %dma_start3A_77 = tpu.memref_slice %arg4[%dma_start3A_75, %dma_start3A_76] : memref<10000x16xf32, #tpu.memory_space<hbm>> -> memref<10000x16xf32, #tpu.memory_space<hbm>>
    tpu.enqueue_indirect_dma source(%dma_start3A_77 : memref<10000x16xf32, #tpu.memory_space<hbm>>) target(%arg12 : memref<128x16xf32, #tpu.memory_space<vmem>>) offsets(%dma_start3A_74 : memref<128xi32, #tpu.memory_space<vmem>>) semaphore(%arg21 : memref<!tpu.dma_semaphore, #tpu.memory_space<semaphore_mem>>)
    %dma_start3A_78 = arith.constant 1 : i32
    %dma_start3A_79 = arith.constant 0 : i32
    %dma_start3A_80 = tpu.memref_slice %arg10[%dma_start3A_78, %dma_start3A_79] : memref<80x128xi32, #tpu.memory_space<vmem>> -> memref<1x128xi32, #tpu.memory_space<vmem>>
    %dma_start3A_81 = tpu.memref_squeeze %dma_start3A_80 : memref<1x128xi32, #tpu.memory_space<vmem>> -> memref<128xi32, #tpu.memory_space<vmem>>
    %dma_start3A_82 = arith.constant 0 : i32
    %dma_start3A_83 = arith.constant 0 : i32
    %dma_start3A_84 = tpu.memref_slice %arg5[%dma_start3A_82, %dma_start3A_83] : memref<10112x16xf32, #tpu.memory_space<hbm>> -> memref<10112x16xf32, #tpu.memory_space<hbm>>
    tpu.enqueue_indirect_dma source(%dma_start3A_84 : memref<10112x16xf32, #tpu.memory_space<hbm>>) target(%arg14 : memref<128x16xf32, #tpu.memory_space<vmem>>) offsets(%dma_start3A_81 : memref<128xi32, #tpu.memory_space<vmem>>) semaphore(%arg21 : memref<!tpu.dma_semaphore, #tpu.memory_space<semaphore_mem>>)
    %dma_start3A_85 = arith.constant 1 : i32
    %dma_start3A_86 = arith.constant 0 : i32
    %dma_start3A_87 = tpu.memref_slice %arg9[%dma_start3A_85, %dma_start3A_86] : memref<80x128xi32, #tpu.memory_space<vmem>> -> memref<1x128xi32, #tpu.memory_space<vmem>>
    %dma_start3A_88 = tpu.memref_squeeze %dma_start3A_87 : memref<1x128xi32, #tpu.memory_space<vmem>> -> memref<128xi32, #tpu.memory_space<vmem>>
    %dma_start3A_89 = arith.constant 0 : i32
    %dma_start3A_90 = arith.constant 0 : i32
    %dma_start3A_91 = tpu.memref_slice %arg6[%dma_start3A_89, %dma_start3A_90] : memref<10000x64xf32, #tpu.memory_space<hbm>> -> memref<10000x64xf32, #tpu.memory_space<hbm>>
    tpu.enqueue_indirect_dma source(%dma_start3A_91 : memref<10000x64xf32, #tpu.memory_space<hbm>>) target(%arg16 : memref<128x64xf32, #tpu.memory_space<vmem>>) offsets(%dma_start3A_88 : memref<128xi32, #tpu.memory_space<vmem>>) semaphore(%arg21 : memref<!tpu.dma_semaphore, #tpu.memory_space<semaphore_mem>>)
    %scan3A = arith.constant 0 : i32
    %scan3A_92 = arith.constant 0 : i32
    %scan3A_93 = arith.constant 32 : i32
    %scan3A_94 = arith.addi %scan3A_92, %scan3A_93 : i32
    %scan3A_95 = arith.constant 1 : i32
    scf.for %scan3A_181 = %scan3A_92 to %scan3A_94 step %scan3A_95  : i32 {
      %mul3A_182 = arith.constant 4 : i32
      %mul3A_183 = arith.muli %mul3A_182, %scan3A_181 : i32
      %add3A_184 = arith.constant 0 : i32
      %add3A_185 = arith.addi %mul3A_183, %add3A_184 : i32
      %get3A = arith.index_cast %add3A_185 : i32 to index
      %get3A_186 = arith.constant 0 : index
      %get3A_187 = tpu.vector_load %arg11[%get3A, %get3A_186] {strides = array<i32>} : memref<128x16xf32, #tpu.memory_space<vmem>>, vector<1x16xf32>,
      %get3A_188 = vector.shape_cast %get3A_187 : vector<1x16xf32> to vector<16xf32>
      %get3A_189 = arith.index_cast %add3A_185 : i32 to index
      %get3A_190 = arith.constant 0 : index
      %get3A_191 = tpu.vector_load %arg13[%get3A_189, %get3A_190] {strides = array<i32>} : memref<128x16xf32, #tpu.memory_space<vmem>>, vector<1x16xf32>,
      %get3A_192 = vector.shape_cast %get3A_191 : vector<1x16xf32> to vector<16xf32>
      %add3A_193 = arith.addf %get3A_188, %get3A_192 : vector<16xf32>
      %mul3A_194 = arith.constant 2.000000e-01 : f32
      %mul3A_195 = vector.broadcast %mul3A_194 : f32 to vector<16xf32>
      %mul3A_196 = arith.mulf %mul3A_195, %add3A_193 : vector<16xf32>
      %max3A = arith.maximumf %add3A_193, %mul3A_196 : vector<16xf32>
      %exp3A = math.exp %max3A : vector<16xf32>
      %swap3A = arith.index_cast %add3A_185 : i32 to index
      %swap3A_197 = arith.constant 64 : index
      %swap3A_198 = tpu.vector_load %arg17[%swap3A, %swap3A_197] {strides = array<i32>} : memref<128x80xf32, #tpu.memory_space<vmem>>, vector<1x16xf32>,
      %swap3A_199 = vector.shape_cast %swap3A_198 : vector<1x16xf32> to vector<16xf32>
      %swap3A_200 = vector.shape_cast %exp3A : vector<16xf32> to vector<1x16xf32>
      tpu.vector_store %arg17[%swap3A, %swap3A_197], %swap3A_200 {strides = array<i32>} : memref<128x80xf32, #tpu.memory_space<vmem>>, vector<1x16xf32>,
      %broadcast_in_dim3A_201 = vector.shape_cast %select_n3A : vector<16xi32> to vector<16x1xi32>
      %gather3A = vector.shape_cast %broadcast_in_dim3A_201 : vector<16x1xi32> to vector<16xi32>
      %gather3A_202 = tpu.dynamic_gather %exp3A[%gather3A] in [0] : vector<16xf32>, vector<16xi32> -> vector<16xf32>
      %get3A_203 = arith.index_cast %add3A_185 : i32 to index
      %get3A_204 = arith.constant 0 : index
      %get3A_205 = tpu.vector_load %arg15[%get3A_203, %get3A_204] {strides = array<i32>} : memref<128x64xf32, #tpu.memory_space<vmem>>, vector<1x16xf32>,
      %get3A_206 = vector.shape_cast %get3A_205 : vector<1x16xf32> to vector<16xf32>
      %mul3A_207 = arith.mulf %gather3A_202, %get3A_206 : vector<16xf32>
      %swap3A_208 = arith.index_cast %add3A_185 : i32 to index
      %swap3A_209 = arith.constant 0 : index
      %swap3A_210 = tpu.vector_load %arg17[%swap3A_208, %swap3A_209] {strides = array<i32>} : memref<128x80xf32, #tpu.memory_space<vmem>>, vector<1x16xf32>,
      %swap3A_211 = vector.shape_cast %swap3A_210 : vector<1x16xf32> to vector<16xf32>
      %swap3A_212 = vector.shape_cast %mul3A_207 : vector<16xf32> to vector<1x16xf32>
      tpu.vector_store %arg17[%swap3A_208, %swap3A_209], %swap3A_212 {strides = array<i32>} : memref<128x80xf32, #tpu.memory_space<vmem>>, vector<1x16xf32>,
      %broadcast_in_dim3A_213 = vector.shape_cast %select_n3A_14 : vector<16xi32> to vector<16x1xi32>
      %gather3A_214 = vector.shape_cast %broadcast_in_dim3A_213 : vector<16x1xi32> to vector<16xi32>
      %gather3A_215 = tpu.dynamic_gather %exp3A[%gather3A_214] in [0] : vector<16xf32>, vector<16xi32> -> vector<16xf32>
      %get3A_216 = arith.index_cast %add3A_185 : i32 to index
      %get3A_217 = arith.constant 16 : index
      %get3A_218 = tpu.vector_load %arg15[%get3A_216, %get3A_217] {strides = array<i32>} : memref<128x64xf32, #tpu.memory_space<vmem>>, vector<1x16xf32>,
      %get3A_219 = vector.shape_cast %get3A_218 : vector<1x16xf32> to vector<16xf32>
      %mul3A_220 = arith.mulf %gather3A_215, %get3A_219 : vector<16xf32>
      %swap3A_221 = arith.index_cast %add3A_185 : i32 to index
      %swap3A_222 = arith.constant 16 : index
      %swap3A_223 = tpu.vector_load %arg17[%swap3A_221, %swap3A_222] {strides = array<i32>} : memref<128x80xf32, #tpu.memory_space<vmem>>, vector<1x16xf32>,
      %swap3A_224 = vector.shape_cast %swap3A_223 : vector<1x16xf32> to vector<16xf32>
      %swap3A_225 = vector.shape_cast %mul3A_220 : vector<16xf32> to vector<1x16xf32>
      tpu.vector_store %arg17[%swap3A_221, %swap3A_222], %swap3A_225 {strides = array<i32>} : memref<128x80xf32, #tpu.memory_space<vmem>>, vector<1x16xf32>,
      %broadcast_in_dim3A_226 = vector.shape_cast %select_n3A_22 : vector<16xi32> to vector<16x1xi32>
      %gather3A_227 = vector.shape_cast %broadcast_in_dim3A_226 : vector<16x1xi32> to vector<16xi32>
      %gather3A_228 = tpu.dynamic_gather %exp3A[%gather3A_227] in [0] : vector<16xf32>, vector<16xi32> -> vector<16xf32>
      %get3A_229 = arith.index_cast %add3A_185 : i32 to index
      %get3A_230 = arith.constant 32 : index
      %get3A_231 = tpu.vector_load %arg15[%get3A_229, %get3A_230] {strides = array<i32>} : memref<128x64xf32, #tpu.memory_space<vmem>>, vector<1x16xf32>,
      %get3A_232 = vector.shape_cast %get3A_231 : vector<1x16xf32> to vector<16xf32>
      %mul3A_233 = arith.mulf %gather3A_228, %get3A_232 : vector<16xf32>
      %swap3A_234 = arith.index_cast %add3A_185 : i32 to index
      %swap3A_235 = arith.constant 32 : index
      %swap3A_236 = tpu.vector_load %arg17[%swap3A_234, %swap3A_235] {strides = array<i32>} : memref<128x80xf32, #tpu.memory_space<vmem>>, vector<1x16xf32>,
      %swap3A_237 = vector.shape_cast %swap3A_236 : vector<1x16xf32> to vector<16xf32>
      %swap3A_238 = vector.shape_cast %mul3A_233 : vector<16xf32> to vector<1x16xf32>
      tpu.vector_store %arg17[%swap3A_234, %swap3A_235], %swap3A_238 {strides = array<i32>} : memref<128x80xf32, #tpu.memory_space<vmem>>, vector<1x16xf32>,
      %broadcast_in_dim3A_239 = vector.shape_cast %select_n3A_30 : vector<16xi32> to vector<16x1xi32>
      %gather3A_240 = vector.shape_cast %broadcast_in_dim3A_239 : vector<16x1xi32> to vector<16xi32>
      %gather3A_241 = tpu.dynamic_gather %exp3A[%gather3A_240] in [0] : vector<16xf32>, vector<16xi32> -> vector<16xf32>
      %get3A_242 = arith.index_cast %add3A_185 : i32 to index
      %get3A_243 = arith.constant 48 : index
      %get3A_244 = tpu.vector_load %arg15[%get3A_242, %get3A_243] {strides = array<i32>} : memref<128x64xf32, #tpu.memory_space<vmem>>, vector<1x16xf32>,
      %get3A_245 = vector.shape_cast %get3A_244 : vector<1x16xf32> to vector<16xf32>
      %mul3A_246 = arith.mulf %gather3A_241, %get3A_245 : vector<16xf32>
      %swap3A_247 = arith.index_cast %add3A_185 : i32 to index
      %swap3A_248 = arith.constant 48 : index
      %swap3A_249 = tpu.vector_load %arg17[%swap3A_247, %swap3A_248] {strides = array<i32>} : memref<128x80xf32, #tpu.memory_space<vmem>>, vector<1x16xf32>,
      %swap3A_250 = vector.shape_cast %swap3A_249 : vector<1x16xf32> to vector<16xf32>
      %swap3A_251 = vector.shape_cast %mul3A_246 : vector<16xf32> to vector<1x16xf32>
      tpu.vector_store %arg17[%swap3A_247, %swap3A_248], %swap3A_251 {strides = array<i32>} : memref<128x80xf32, #tpu.memory_space<vmem>>, vector<1x16xf32>,
      %mul3A_252 = arith.constant 4 : i32
      %mul3A_253 = arith.muli %mul3A_252, %scan3A_181 : i32
      %add3A_254 = arith.constant 1 : i32
      %add3A_255 = arith.addi %mul3A_253, %add3A_254 : i32
      %get3A_256 = arith.index_cast %add3A_255 : i32 to index
      %get3A_257 = arith.constant 0 : index
      %get3A_258 = tpu.vector_load %arg11[%get3A_256, %get3A_257] {strides = array<i32>} : memref<128x16xf32, #tpu.memory_space<vmem>>, vector<1x16xf32>,
      %get3A_259 = vector.shape_cast %get3A_258 : vector<1x16xf32> to vector<16xf32>
      %get3A_260 = arith.index_cast %add3A_255 : i32 to index
      %get3A_261 = arith.constant 0 : index
      %get3A_262 = tpu.vector_load %arg13[%get3A_260, %get3A_261] {strides = array<i32>} : memref<128x16xf32, #tpu.memory_space<vmem>>, vector<1x16xf32>,
      %get3A_263 = vector.shape_cast %get3A_262 : vector<1x16xf32> to vector<16xf32>
      %add3A_264 = arith.addf %get3A_259, %get3A_263 : vector<16xf32>
      %mul3A_265 = arith.constant 2.000000e-01 : f32
      %mul3A_266 = vector.broadcast %mul3A_265 : f32 to vector<16xf32>
      %mul3A_267 = arith.mulf %mul3A_266, %add3A_264 : vector<16xf32>
      %max3A_268 = arith.maximumf %add3A_264, %mul3A_267 : vector<16xf32>
      %exp3A_269 = math.exp %max3A_268 : vector<16xf32>
      %swap3A_270 = arith.index_cast %add3A_255 : i32 to index
      %swap3A_271 = arith.constant 64 : index
      %swap3A_272 = tpu.vector_load %arg17[%swap3A_270, %swap3A_271] {strides = array<i32>} : memref<128x80xf32, #tpu.memory_space<vmem>>, vector<1x16xf32>,
      %swap3A_273 = vector.shape_cast %swap3A_272 : vector<1x16xf32> to vector<16xf32>
      %swap3A_274 = vector.shape_cast %exp3A_269 : vector<16xf32> to vector<1x16xf32>
      tpu.vector_store %arg17[%swap3A_270, %swap3A_271], %swap3A_274 {strides = array<i32>} : memref<128x80xf32, #tpu.memory_space<vmem>>, vector<1x16xf32>,
      %broadcast_in_dim3A_275 = vector.shape_cast %select_n3A : vector<16xi32> to vector<16x1xi32>
      %gather3A_276 = vector.shape_cast %broadcast_in_dim3A_275 : vector<16x1xi32> to vector<16xi32>
      %gather3A_277 = tpu.dynamic_gather %exp3A_269[%gather3A_276] in [0] : vector<16xf32>, vector<16xi32> -> vector<16xf32>
      %get3A_278 = arith.index_cast %add3A_255 : i32 to index
      %get3A_279 = arith.constant 0 : index
      %get3A_280 = tpu.vector_load %arg15[%get3A_278, %get3A_279] {strides = array<i32>} : memref<128x64xf32, #tpu.memory_space<vmem>>, vector<1x16xf32>,
      %get3A_281 = vector.shape_cast %get3A_280 : vector<1x16xf32> to vector<16xf32>
      %mul3A_282 = arith.mulf %gather3A_277, %get3A_281 : vector<16xf32>
      %swap3A_283 = arith.index_cast %add3A_255 : i32 to index
      %swap3A_284 = arith.constant 0 : index
      %swap3A_285 = tpu.vector_load %arg17[%swap3A_283, %swap3A_284] {strides = array<i32>} : memref<128x80xf32, #tpu.memory_space<vmem>>, vector<1x16xf32>,
      %swap3A_286 = vector.shape_cast %swap3A_285 : vector<1x16xf32> to vector<16xf32>
      %swap3A_287 = vector.shape_cast %mul3A_282 : vector<16xf32> to vector<1x16xf32>
      tpu.vector_store %arg17[%swap3A_283, %swap3A_284], %swap3A_287 {strides = array<i32>} : memref<128x80xf32, #tpu.memory_space<vmem>>, vector<1x16xf32>,
      %broadcast_in_dim3A_288 = vector.shape_cast %select_n3A_14 : vector<16xi32> to vector<16x1xi32>
      %gather3A_289 = vector.shape_cast %broadcast_in_dim3A_288 : vector<16x1xi32> to vector<16xi32>
      %gather3A_290 = tpu.dynamic_gather %exp3A_269[%gather3A_289] in [0] : vector<16xf32>, vector<16xi32> -> vector<16xf32>
      %get3A_291 = arith.index_cast %add3A_255 : i32 to index
      %get3A_292 = arith.constant 16 : index
      %get3A_293 = tpu.vector_load %arg15[%get3A_291, %get3A_292] {strides = array<i32>} : memref<128x64xf32, #tpu.memory_space<vmem>>, vector<1x16xf32>,
      %get3A_294 = vector.shape_cast %get3A_293 : vector<1x16xf32> to vector<16xf32>
      %mul3A_295 = arith.mulf %gather3A_290, %get3A_294 : vector<16xf32>
      %swap3A_296 = arith.index_cast %add3A_255 : i32 to index
      %swap3A_297 = arith.constant 16 : index
      %swap3A_298 = tpu.vector_load %arg17[%swap3A_296, %swap3A_297] {strides = array<i32>} : memref<128x80xf32, #tpu.memory_space<vmem>>, vector<1x16xf32>,
      %swap3A_299 = vector.shape_cast %swap3A_298 : vector<1x16xf32> to vector<16xf32>
      %swap3A_300 = vector.shape_cast %mul3A_295 : vector<16xf32> to vector<1x16xf32>
      tpu.vector_store %arg17[%swap3A_296, %swap3A_297], %swap3A_300 {strides = array<i32>} : memref<128x80xf32, #tpu.memory_space<vmem>>, vector<1x16xf32>,
      %broadcast_in_dim3A_301 = vector.shape_cast %select_n3A_22 : vector<16xi32> to vector<16x1xi32>
      %gather3A_302 = vector.shape_cast %broadcast_in_dim3A_301 : vector<16x1xi32> to vector<16xi32>
      %gather3A_303 = tpu.dynamic_gather %exp3A_269[%gather3A_302] in [0] : vector<16xf32>, vector<16xi32> -> vector<16xf32>
      %get3A_304 = arith.index_cast %add3A_255 : i32 to index
      %get3A_305 = arith.constant 32 : index
      %get3A_306 = tpu.vector_load %arg15[%get3A_304, %get3A_305] {strides = array<i32>} : memref<128x64xf32, #tpu.memory_space<vmem>>, vector<1x16xf32>,
      %get3A_307 = vector.shape_cast %get3A_306 : vector<1x16xf32> to vector<16xf32>
      %mul3A_308 = arith.mulf %gather3A_303, %get3A_307 : vector<16xf32>
      %swap3A_309 = arith.index_cast %add3A_255 : i32 to index
      %swap3A_310 = arith.constant 32 : index
      %swap3A_311 = tpu.vector_load %arg17[%swap3A_309, %swap3A_310] {strides = array<i32>} : memref<128x80xf32, #tpu.memory_space<vmem>>, vector<1x16xf32>,
      %swap3A_312 = vector.shape_cast %swap3A_311 : vector<1x16xf32> to vector<16xf32>
      %swap3A_313 = vector.shape_cast %mul3A_308 : vector<16xf32> to vector<1x16xf32>
      tpu.vector_store %arg17[%swap3A_309, %swap3A_310], %swap3A_313 {strides = array<i32>} : memref<128x80xf32, #tpu.memory_space<vmem>>, vector<1x16xf32>,
      %broadcast_in_dim3A_314 = vector.shape_cast %select_n3A_30 : vector<16xi32> to vector<16x1xi32>
      %gather3A_315 = vector.shape_cast %broadcast_in_dim3A_314 : vector<16x1xi32> to vector<16xi32>
      %gather3A_316 = tpu.dynamic_gather %exp3A_269[%gather3A_315] in [0] : vector<16xf32>, vector<16xi32> -> vector<16xf32>
      %get3A_317 = arith.index_cast %add3A_255 : i32 to index
      %get3A_318 = arith.constant 48 : index
      %get3A_319 = tpu.vector_load %arg15[%get3A_317, %get3A_318] {strides = array<i32>} : memref<128x64xf32, #tpu.memory_space<vmem>>, vector<1x16xf32>,
      %get3A_320 = vector.shape_cast %get3A_319 : vector<1x16xf32> to vector<16xf32>
      %mul3A_321 = arith.mulf %gather3A_316, %get3A_320 : vector<16xf32>
      %swap3A_322 = arith.index_cast %add3A_255 : i32 to index
      %swap3A_323 = arith.constant 48 : index
      %swap3A_324 = tpu.vector_load %arg17[%swap3A_322, %swap3A_323] {strides = array<i32>} : memref<128x80xf32, #tpu.memory_space<vmem>>, vector<1x16xf32>,
      %swap3A_325 = vector.shape_cast %swap3A_324 : vector<1x16xf32> to vector<16xf32>
      %swap3A_326 = vector.shape_cast %mul3A_321 : vector<16xf32> to vector<1x16xf32>
      tpu.vector_store %arg17[%swap3A_322, %swap3A_323], %swap3A_326 {strides = array<i32>} : memref<128x80xf32, #tpu.memory_space<vmem>>, vector<1x16xf32>,
      %mul3A_327 = arith.constant 4 : i32
      %mul3A_328 = arith.muli %mul3A_327, %scan3A_181 : i32
      %add3A_329 = arith.constant 2 : i32
      %add3A_330 = arith.addi %mul3A_328, %add3A_329 : i32
      %get3A_331 = arith.index_cast %add3A_330 : i32 to index
      %get3A_332 = arith.constant 0 : index
      %get3A_333 = tpu.vector_load %arg11[%get3A_331, %get3A_332] {strides = array<i32>} : memref<128x16xf32, #tpu.memory_space<vmem>>, vector<1x16xf32>,
      %get3A_334 = vector.shape_cast %get3A_333 : vector<1x16xf32> to vector<16xf32>
      %get3A_335 = arith.index_cast %add3A_330 : i32 to index
      %get3A_336 = arith.constant 0 : index
      %get3A_337 = tpu.vector_load %arg13[%get3A_335, %get3A_336] {strides = array<i32>} : memref<128x16xf32, #tpu.memory_space<vmem>>, vector<1x16xf32>,
      %get3A_338 = vector.shape_cast %get3A_337 : vector<1x16xf32> to vector<16xf32>
      %add3A_339 = arith.addf %get3A_334, %get3A_338 : vector<16xf32>
      %mul3A_340 = arith.constant 2.000000e-01 : f32
      %mul3A_341 = vector.broadcast %mul3A_340 : f32 to vector<16xf32>
      %mul3A_342 = arith.mulf %mul3A_341, %add3A_339 : vector<16xf32>
      %max3A_343 = arith.maximumf %add3A_339, %mul3A_342 : vector<16xf32>
      %exp3A_344 = math.exp %max3A_343 : vector<16xf32>
      %swap3A_345 = arith.index_cast %add3A_330 : i32 to index
      %swap3A_346 = arith.constant 64 : index
      %swap3A_347 = tpu.vector_load %arg17[%swap3A_345, %swap3A_346] {strides = array<i32>} : memref<128x80xf32, #tpu.memory_space<vmem>>, vector<1x16xf32>,
      %swap3A_348 = vector.shape_cast %swap3A_347 : vector<1x16xf32> to vector<16xf32>
      %swap3A_349 = vector.shape_cast %exp3A_344 : vector<16xf32> to vector<1x16xf32>
      tpu.vector_store %arg17[%swap3A_345, %swap3A_346], %swap3A_349 {strides = array<i32>} : memref<128x80xf32, #tpu.memory_space<vmem>>, vector<1x16xf32>,
      %broadcast_in_dim3A_350 = vector.shape_cast %select_n3A : vector<16xi32> to vector<16x1xi32>
      %gather3A_351 = vector.shape_cast %broadcast_in_dim3A_350 : vector<16x1xi32> to vector<16xi32>
      %gather3A_352 = tpu.dynamic_gather %exp3A_344[%gather3A_351] in [0] : vector<16xf32>, vector<16xi32> -> vector<16xf32>
      %get3A_353 = arith.index_cast %add3A_330 : i32 to index
      %get3A_354 = arith.constant 0 : index
      %get3A_355 = tpu.vector_load %arg15[%get3A_353, %get3A_354] {strides = array<i32>} : memref<128x64xf32, #tpu.memory_space<vmem>>, vector<1x16xf32>,
      %get3A_356 = vector.shape_cast %get3A_355 : vector<1x16xf32> to vector<16xf32>
      %mul3A_357 = arith.mulf %gather3A_352, %get3A_356 : vector<16xf32>
      %swap3A_358 = arith.index_cast %add3A_330 : i32 to index
      %swap3A_359 = arith.constant 0 : index
      %swap3A_360 = tpu.vector_load %arg17[%swap3A_358, %swap3A_359] {strides = array<i32>} : memref<128x80xf32, #tpu.memory_space<vmem>>, vector<1x16xf32>,
      %swap3A_361 = vector.shape_cast %swap3A_360 : vector<1x16xf32> to vector<16xf32>
      %swap3A_362 = vector.shape_cast %mul3A_357 : vector<16xf32> to vector<1x16xf32>
      tpu.vector_store %arg17[%swap3A_358, %swap3A_359], %swap3A_362 {strides = array<i32>} : memref<128x80xf32, #tpu.memory_space<vmem>>, vector<1x16xf32>,
      %broadcast_in_dim3A_363 = vector.shape_cast %select_n3A_14 : vector<16xi32> to vector<16x1xi32>
      %gather3A_364 = vector.shape_cast %broadcast_in_dim3A_363 : vector<16x1xi32> to vector<16xi32>
      %gather3A_365 = tpu.dynamic_gather %exp3A_344[%gather3A_364] in [0] : vector<16xf32>, vector<16xi32> -> vector<16xf32>
      %get3A_366 = arith.index_cast %add3A_330 : i32 to index
      %get3A_367 = arith.constant 16 : index
      %get3A_368 = tpu.vector_load %arg15[%get3A_366, %get3A_367] {strides = array<i32>} : memref<128x64xf32, #tpu.memory_space<vmem>>, vector<1x16xf32>,
      %get3A_369 = vector.shape_cast %get3A_368 : vector<1x16xf32> to vector<16xf32>
      %mul3A_370 = arith.mulf %gather3A_365, %get3A_369 : vector<16xf32>
      %swap3A_371 = arith.index_cast %add3A_330 : i32 to index
      %swap3A_372 = arith.constant 16 : index
      %swap3A_373 = tpu.vector_load %arg17[%swap3A_371, %swap3A_372] {strides = array<i32>} : memref<128x80xf32, #tpu.memory_space<vmem>>, vector<1x16xf32>,
      %swap3A_374 = vector.shape_cast %swap3A_373 : vector<1x16xf32> to vector<16xf32>
      %swap3A_375 = vector.shape_cast %mul3A_370 : vector<16xf32> to vector<1x16xf32>
      tpu.vector_store %arg17[%swap3A_371, %swap3A_372], %swap3A_375 {strides = array<i32>} : memref<128x80xf32, #tpu.memory_space<vmem>>, vector<1x16xf32>,
      %broadcast_in_dim3A_376 = vector.shape_cast %select_n3A_22 : vector<16xi32> to vector<16x1xi32>
      %gather3A_377 = vector.shape_cast %broadcast_in_dim3A_376 : vector<16x1xi32> to vector<16xi32>
      %gather3A_378 = tpu.dynamic_gather %exp3A_344[%gather3A_377] in [0] : vector<16xf32>, vector<16xi32> -> vector<16xf32>
      %get3A_379 = arith.index_cast %add3A_330 : i32 to index
      %get3A_380 = arith.constant 32 : index
      %get3A_381 = tpu.vector_load %arg15[%get3A_379, %get3A_380] {strides = array<i32>} : memref<128x64xf32, #tpu.memory_space<vmem>>, vector<1x16xf32>,
      %get3A_382 = vector.shape_cast %get3A_381 : vector<1x16xf32> to vector<16xf32>
      %mul3A_383 = arith.mulf %gather3A_378, %get3A_382 : vector<16xf32>
      %swap3A_384 = arith.index_cast %add3A_330 : i32 to index
      %swap3A_385 = arith.constant 32 : index
      %swap3A_386 = tpu.vector_load %arg17[%swap3A_384, %swap3A_385] {strides = array<i32>} : memref<128x80xf32, #tpu.memory_space<vmem>>, vector<1x16xf32>,
      %swap3A_387 = vector.shape_cast %swap3A_386 : vector<1x16xf32> to vector<16xf32>
      %swap3A_388 = vector.shape_cast %mul3A_383 : vector<16xf32> to vector<1x16xf32>
      tpu.vector_store %arg17[%swap3A_384, %swap3A_385], %swap3A_388 {strides = array<i32>} : memref<128x80xf32, #tpu.memory_space<vmem>>, vector<1x16xf32>,
      %broadcast_in_dim3A_389 = vector.shape_cast %select_n3A_30 : vector<16xi32> to vector<16x1xi32>
      %gather3A_390 = vector.shape_cast %broadcast_in_dim3A_389 : vector<16x1xi32> to vector<16xi32>
      %gather3A_391 = tpu.dynamic_gather %exp3A_344[%gather3A_390] in [0] : vector<16xf32>, vector<16xi32> -> vector<16xf32>
      %get3A_392 = arith.index_cast %add3A_330 : i32 to index
      %get3A_393 = arith.constant 48 : index
      %get3A_394 = tpu.vector_load %arg15[%get3A_392, %get3A_393] {strides = array<i32>} : memref<128x64xf32, #tpu.memory_space<vmem>>, vector<1x16xf32>,
      %get3A_395 = vector.shape_cast %get3A_394 : vector<1x16xf32> to vector<16xf32>
      %mul3A_396 = arith.mulf %gather3A_391, %get3A_395 : vector<16xf32>
      %swap3A_397 = arith.index_cast %add3A_330 : i32 to index
      %swap3A_398 = arith.constant 48 : index
      %swap3A_399 = tpu.vector_load %arg17[%swap3A_397, %swap3A_398] {strides = array<i32>} : memref<128x80xf32, #tpu.memory_space<vmem>>, vector<1x16xf32>,
      %swap3A_400 = vector.shape_cast %swap3A_399 : vector<1x16xf32> to vector<16xf32>
      %swap3A_401 = vector.shape_cast %mul3A_396 : vector<16xf32> to vector<1x16xf32>
      tpu.vector_store %arg17[%swap3A_397, %swap3A_398], %swap3A_401 {strides = array<i32>} : memref<128x80xf32, #tpu.memory_space<vmem>>, vector<1x16xf32>,
      %mul3A_402 = arith.constant 4 : i32
      %mul3A_403 = arith.muli %mul3A_402, %scan3A_181 : i32
      %add3A_404 = arith.constant 3 : i32
      %add3A_405 = arith.addi %mul3A_403, %add3A_404 : i32
      %get3A_406 = arith.index_cast %add3A_405 : i32 to index
      %get3A_407 = arith.constant 0 : index
      %get3A_408 = tpu.vector_load %arg11[%get3A_406, %get3A_407] {strides = array<i32>} : memref<128x16xf32, #tpu.memory_space<vmem>>, vector<1x16xf32>,
      %get3A_409 = vector.shape_cast %get3A_408 : vector<1x16xf32> to vector<16xf32>
      %get3A_410 = arith.index_cast %add3A_405 : i32 to index
      %get3A_411 = arith.constant 0 : index
      %get3A_412 = tpu.vector_load %arg13[%get3A_410, %get3A_411] {strides = array<i32>} : memref<128x16xf32, #tpu.memory_space<vmem>>, vector<1x16xf32>,
      %get3A_413 = vector.shape_cast %get3A_412 : vector<1x16xf32> to vector<16xf32>
      %add3A_414 = arith.addf %get3A_409, %get3A_413 : vector<16xf32>
      %mul3A_415 = arith.constant 2.000000e-01 : f32
      %mul3A_416 = vector.broadcast %mul3A_415 : f32 to vector<16xf32>
      %mul3A_417 = arith.mulf %mul3A_416, %add3A_414 : vector<16xf32>
      %max3A_418 = arith.maximumf %add3A_414, %mul3A_417 : vector<16xf32>
      %exp3A_419 = math.exp %max3A_418 : vector<16xf32>
      %swap3A_420 = arith.index_cast %add3A_405 : i32 to index
      %swap3A_421 = arith.constant 64 : index
      %swap3A_422 = tpu.vector_load %arg17[%swap3A_420, %swap3A_421] {strides = array<i32>} : memref<128x80xf32, #tpu.memory_space<vmem>>, vector<1x16xf32>,
      %swap3A_423 = vector.shape_cast %swap3A_422 : vector<1x16xf32> to vector<16xf32>
      %swap3A_424 = vector.shape_cast %exp3A_419 : vector<16xf32> to vector<1x16xf32>
      tpu.vector_store %arg17[%swap3A_420, %swap3A_421], %swap3A_424 {strides = array<i32>} : memref<128x80xf32, #tpu.memory_space<vmem>>, vector<1x16xf32>,
      %broadcast_in_dim3A_425 = vector.shape_cast %select_n3A : vector<16xi32> to vector<16x1xi32>
      %gather3A_426 = vector.shape_cast %broadcast_in_dim3A_425 : vector<16x1xi32> to vector<16xi32>
      %gather3A_427 = tpu.dynamic_gather %exp3A_419[%gather3A_426] in [0] : vector<16xf32>, vector<16xi32> -> vector<16xf32>
      %get3A_428 = arith.index_cast %add3A_405 : i32 to index
      %get3A_429 = arith.constant 0 : index
      %get3A_430 = tpu.vector_load %arg15[%get3A_428, %get3A_429] {strides = array<i32>} : memref<128x64xf32, #tpu.memory_space<vmem>>, vector<1x16xf32>,
      %get3A_431 = vector.shape_cast %get3A_430 : vector<1x16xf32> to vector<16xf32>
      %mul3A_432 = arith.mulf %gather3A_427, %get3A_431 : vector<16xf32>
      %swap3A_433 = arith.index_cast %add3A_405 : i32 to index
      %swap3A_434 = arith.constant 0 : index
      %swap3A_435 = tpu.vector_load %arg17[%swap3A_433, %swap3A_434] {strides = array<i32>} : memref<128x80xf32, #tpu.memory_space<vmem>>, vector<1x16xf32>,
      %swap3A_436 = vector.shape_cast %swap3A_435 : vector<1x16xf32> to vector<16xf32>
      %swap3A_437 = vector.shape_cast %mul3A_432 : vector<16xf32> to vector<1x16xf32>
      tpu.vector_store %arg17[%swap3A_433, %swap3A_434], %swap3A_437 {strides = array<i32>} : memref<128x80xf32, #tpu.memory_space<vmem>>, vector<1x16xf32>,
      %broadcast_in_dim3A_438 = vector.shape_cast %select_n3A_14 : vector<16xi32> to vector<16x1xi32>
      %gather3A_439 = vector.shape_cast %broadcast_in_dim3A_438 : vector<16x1xi32> to vector<16xi32>
      %gather3A_440 = tpu.dynamic_gather %exp3A_419[%gather3A_439] in [0] : vector<16xf32>, vector<16xi32> -> vector<16xf32>
      %get3A_441 = arith.index_cast %add3A_405 : i32 to index
      %get3A_442 = arith.constant 16 : index
      %get3A_443 = tpu.vector_load %arg15[%get3A_441, %get3A_442] {strides = array<i32>} : memref<128x64xf32, #tpu.memory_space<vmem>>, vector<1x16xf32>,
      %get3A_444 = vector.shape_cast %get3A_443 : vector<1x16xf32> to vector<16xf32>
      %mul3A_445 = arith.mulf %gather3A_440, %get3A_444 : vector<16xf32>
      %swap3A_446 = arith.index_cast %add3A_405 : i32 to index
      %swap3A_447 = arith.constant 16 : index
      %swap3A_448 = tpu.vector_load %arg17[%swap3A_446, %swap3A_447] {strides = array<i32>} : memref<128x80xf32, #tpu.memory_space<vmem>>, vector<1x16xf32>,
      %swap3A_449 = vector.shape_cast %swap3A_448 : vector<1x16xf32> to vector<16xf32>
      %swap3A_450 = vector.shape_cast %mul3A_445 : vector<16xf32> to vector<1x16xf32>
      tpu.vector_store %arg17[%swap3A_446, %swap3A_447], %swap3A_450 {strides = array<i32>} : memref<128x80xf32, #tpu.memory_space<vmem>>, vector<1x16xf32>,
      %broadcast_in_dim3A_451 = vector.shape_cast %select_n3A_22 : vector<16xi32> to vector<16x1xi32>
      %gather3A_452 = vector.shape_cast %broadcast_in_dim3A_451 : vector<16x1xi32> to vector<16xi32>
      %gather3A_453 = tpu.dynamic_gather %exp3A_419[%gather3A_452] in [0] : vector<16xf32>, vector<16xi32> -> vector<16xf32>
      %get3A_454 = arith.index_cast %add3A_405 : i32 to index
      %get3A_455 = arith.constant 32 : index
      %get3A_456 = tpu.vector_load %arg15[%get3A_454, %get3A_455] {strides = array<i32>} : memref<128x64xf32, #tpu.memory_space<vmem>>, vector<1x16xf32>,
      %get3A_457 = vector.shape_cast %get3A_456 : vector<1x16xf32> to vector<16xf32>
      %mul3A_458 = arith.mulf %gather3A_453, %get3A_457 : vector<16xf32>
      %swap3A_459 = arith.index_cast %add3A_405 : i32 to index
      %swap3A_460 = arith.constant 32 : index
      %swap3A_461 = tpu.vector_load %arg17[%swap3A_459, %swap3A_460] {strides = array<i32>} : memref<128x80xf32, #tpu.memory_space<vmem>>, vector<1x16xf32>,
      %swap3A_462 = vector.shape_cast %swap3A_461 : vector<1x16xf32> to vector<16xf32>
      %swap3A_463 = vector.shape_cast %mul3A_458 : vector<16xf32> to vector<1x16xf32>
      tpu.vector_store %arg17[%swap3A_459, %swap3A_460], %swap3A_463 {strides = array<i32>} : memref<128x80xf32, #tpu.memory_space<vmem>>, vector<1x16xf32>,
      %broadcast_in_dim3A_464 = vector.shape_cast %select_n3A_30 : vector<16xi32> to vector<16x1xi32>
      %gather3A_465 = vector.shape_cast %broadcast_in_dim3A_464 : vector<16x1xi32> to vector<16xi32>
      %gather3A_466 = tpu.dynamic_gather %exp3A_419[%gather3A_465] in [0] : vector<16xf32>, vector<16xi32> -> vector<16xf32>
      %get3A_467 = arith.index_cast %add3A_405 : i32 to index
      %get3A_468 = arith.constant 48 : index
      %get3A_469 = tpu.vector_load %arg15[%get3A_467, %get3A_468] {strides = array<i32>} : memref<128x64xf32, #tpu.memory_space<vmem>>, vector<1x16xf32>,
      %get3A_470 = vector.shape_cast %get3A_469 : vector<1x16xf32> to vector<16xf32>
      %mul3A_471 = arith.mulf %gather3A_466, %get3A_470 : vector<16xf32>
      %swap3A_472 = arith.index_cast %add3A_405 : i32 to index
      %swap3A_473 = arith.constant 48 : index
      %swap3A_474 = tpu.vector_load %arg17[%swap3A_472, %swap3A_473] {strides = array<i32>} : memref<128x80xf32, #tpu.memory_space<vmem>>, vector<1x16xf32>,
      %swap3A_475 = vector.shape_cast %swap3A_474 : vector<1x16xf32> to vector<16xf32>
      %swap3A_476 = vector.shape_cast %mul3A_471 : vector<16xf32> to vector<1x16xf32>
      tpu.vector_store %arg17[%swap3A_472, %swap3A_473], %swap3A_476 {strides = array<i32>} : memref<128x80xf32, #tpu.memory_space<vmem>>, vector<1x16xf32>,
    }
    %scan3A_96 = arith.constant 32 : i32
    %dma_start3A_97 = arith.constant 0 : i32
    %dma_start3A_98 = arith.constant 0 : i32
    %dma_start3A_99 = tpu.memref_slice %arg10[%dma_start3A_97, %dma_start3A_98] : memref<80x128xi32, #tpu.memory_space<vmem>> -> memref<1x128xi32, #tpu.memory_space<vmem>>
    %dma_start3A_100 = tpu.memref_squeeze %dma_start3A_99 : memref<1x128xi32, #tpu.memory_space<vmem>> -> memref<128xi32, #tpu.memory_space<vmem>>
    %dma_start3A_101 = arith.constant 0 : i32
    %dma_start3A_102 = arith.constant 0 : i32
    %dma_start3A_103 = tpu.memref_slice %arg19[%dma_start3A_101, %dma_start3A_102] : memref<10112x80xf32, #tpu.memory_space<vmem_shared>> -> memref<10112x80xf32, #tpu.memory_space<vmem_shared>>
    tpu.enqueue_indirect_dma source(%arg17 : memref<128x80xf32, #tpu.memory_space<vmem>>) target(%dma_start3A_103 : memref<10112x80xf32, #tpu.memory_space<vmem_shared>>) offsets(%dma_start3A_100 : memref<128xi32, #tpu.memory_space<vmem>>) semaphore(%arg22 : memref<!tpu.dma_semaphore, #tpu.memory_space<semaphore_mem>>) {add = true}
    %dma_wait3A_104 = arith.constant 1 : i32
    %dma_wait3A_105 = arith.constant 0 : i32
    %dma_wait3A_106 = tpu.memref_slice %arg9[%dma_wait3A_104, %dma_wait3A_105] : memref<80x128xi32, #tpu.memory_space<vmem>> -> memref<1x128xi32, #tpu.memory_space<vmem>>
    %dma_wait3A_107 = tpu.memref_squeeze %dma_wait3A_106 : memref<1x128xi32, #tpu.memory_space<vmem>> -> memref<128xi32, #tpu.memory_space<vmem>>
    %dma_wait3A_108 = arith.constant 0 : i32
    %dma_wait3A_109 = arith.constant 0 : i32
    %dma_wait3A_110 = tpu.memref_slice %arg4[%dma_wait3A_108, %dma_wait3A_109] : memref<10000x16xf32, #tpu.memory_space<hbm>> -> memref<10000x16xf32, #tpu.memory_space<hbm>>
    tpu.wait_indirect_dma semaphore(%arg21 : memref<!tpu.dma_semaphore, #tpu.memory_space<semaphore_mem>>) src(%dma_wait3A_110 : memref<10000x16xf32, #tpu.memory_space<hbm>>) dst(%arg12 : memref<128x16xf32, #tpu.memory_space<vmem>>)
    %dma_wait3A_111 = arith.constant 1 : i32
    %dma_wait3A_112 = arith.constant 0 : i32
    %dma_wait3A_113 = tpu.memref_slice %arg10[%dma_wait3A_111, %dma_wait3A_112] : memref<80x128xi32, #tpu.memory_space<vmem>> -> memref<1x128xi32, #tpu.memory_space<vmem>>
    %dma_wait3A_114 = tpu.memref_squeeze %dma_wait3A_113 : memref<1x128xi32, #tpu.memory_space<vmem>> -> memref<128xi32, #tpu.memory_space<vmem>>
    %dma_wait3A_115 = arith.constant 0 : i32
    %dma_wait3A_116 = arith.constant 0 : i32
    %dma_wait3A_117 = tpu.memref_slice %arg5[%dma_wait3A_115, %dma_wait3A_116] : memref<10112x16xf32, #tpu.memory_space<hbm>> -> memref<10112x16xf32, #tpu.memory_space<hbm>>
    tpu.wait_indirect_dma semaphore(%arg21 : memref<!tpu.dma_semaphore, #tpu.memory_space<semaphore_mem>>) src(%dma_wait3A_117 : memref<10112x16xf32, #tpu.memory_space<hbm>>) dst(%arg14 : memref<128x16xf32, #tpu.memory_space<vmem>>)
    %dma_wait3A_118 = arith.constant 1 : i32
    %dma_wait3A_119 = arith.constant 0 : i32
    %dma_wait3A_120 = tpu.memref_slice %arg9[%dma_wait3A_118, %dma_wait3A_119] : memref<80x128xi32, #tpu.memory_space<vmem>> -> memref<1x128xi32, #tpu.memory_space<vmem>>
    %dma_wait3A_121 = tpu.memref_squeeze %dma_wait3A_120 : memref<1x128xi32, #tpu.memory_space<vmem>> -> memref<128xi32, #tpu.memory_space<vmem>>
    %dma_wait3A_122 = arith.constant 0 : i32
    %dma_wait3A_123 = arith.constant 0 : i32
    %dma_wait3A_124 = tpu.memref_slice %arg6[%dma_wait3A_122, %dma_wait3A_123] : memref<10000x64xf32, #tpu.memory_space<hbm>> -> memref<10000x64xf32, #tpu.memory_space<hbm>>
    tpu.wait_indirect_dma semaphore(%arg21 : memref<!tpu.dma_semaphore, #tpu.memory_space<semaphore_mem>>) src(%dma_wait3A_124 : memref<10000x64xf32, #tpu.memory_space<hbm>>) dst(%arg16 : memref<128x64xf32, #tpu.memory_space<vmem>>)
    %cond3A_125 = arith.constant 1 : i32
    %dma_start3A_126 = arith.constant 2 : i32
    %dma_start3A_127 = arith.constant 0 : i32
    %dma_start3A_128 = tpu.memref_slice %arg9[%dma_start3A_126, %dma_start3A_127] : memref<80x128xi32, #tpu.memory_space<vmem>> -> memref<1x128xi32, #tpu.memory_space<vmem>>
    %dma_start3A_129 = tpu.memref_squeeze %dma_start3A_128 : memref<1x128xi32, #tpu.memory_space<vmem>> -> memref<128xi32, #tpu.memory_space<vmem>>
    %dma_start3A_130 = arith.constant 0 : i32
    %dma_start3A_131 = arith.constant 0 : i32
    %dma_start3A_132 = tpu.memref_slice %arg4[%dma_start3A_130, %dma_start3A_131] : memref<10000x16xf32, #tpu.memory_space<hbm>> -> memref<10000x16xf32, #tpu.memory_space<hbm>>
    tpu.enqueue_indirect_dma source(%dma_start3A_132 : memref<10000x16xf32, #tpu.memory_space<hbm>>) target(%arg11 : memref<128x16xf32, #tpu.memory_space<vmem>>) offsets(%dma_start3A_129 : memref<128xi32, #tpu.memory_space<vmem>>) semaphore(%arg20 : memref<!tpu.dma_semaphore, #tpu.memory_space<semaphore_mem>>)
    %dma_start3A_133 = arith.constant 2 : i32
    %dma_start3A_134 = arith.constant 0 : i32
    %dma_start3A_135 = tpu.memref_slice %arg10[%dma_start3A_133, %dma_start3A_134] : memref<80x128xi32, #tpu.memory_space<vmem>> -> memref<1x128xi32, #tpu.memory_space<vmem>>
    %dma_start3A_136 = tpu.memref_squeeze %dma_start3A_135 : memref<1x128xi32, #tpu.memory_space<vmem>> -> memref<128xi32, #tpu.memory_space<vmem>>
    %dma_start3A_137 = arith.constant 0 : i32
    %dma_start3A_138 = arith.constant 0 : i32
    %dma_start3A_139 = tpu.memref_slice %arg5[%dma_start3A_137, %dma_start3A_138] : memref<10112x16xf32, #tpu.memory_space<hbm>> -> memref<10112x16xf32, #tpu.memory_space<hbm>>
    tpu.enqueue_indirect_dma source(%dma_start3A_139 : memref<10112x16xf32, #tpu.memory_space<hbm>>) target(%arg13 : memref<128x16xf32, #tpu.memory_space<vmem>>) offsets(%dma_start3A_136 : memref<128xi32, #tpu.memory_space<vmem>>) semaphore(%arg20 : memref<!tpu.dma_semaphore, #tpu.memory_space<semaphore_mem>>)
    %dma_start3A_140 = arith.constant 2 : i32
    %dma_start3A_141 = arith.constant 0 : i32
    %dma_start3A_142 = tpu.memref_slice %arg9[%dma_start3A_140, %dma_start3A_141] : memref<80x128xi32, #tpu.memory_space<vmem>> -> memref<1x128xi32, #tpu.memory_space<vmem>>
    %dma_start3A_143 = tpu.memref_squeeze %dma_start3A_142 : memref<1x128xi32, #tpu.memory_space<vmem>> -> memref<128xi32, #tpu.memory_space<vmem>>
    %dma_start3A_144 = arith.constant 0 : i32
    %dma_start3A_145 = arith.constant 0 : i32
    %dma_start3A_146 = tpu.memref_slice %arg6[%dma_start3A_144, %dma_start3A_145] : memref<10000x64xf32, #tpu.memory_space<hbm>> -> memref<10000x64xf32, #tpu.memory_space<hbm>>
    tpu.enqueue_indirect_dma source(%dma_start3A_146 : memref<10000x64xf32, #tpu.memory_space<hbm>>) target(%arg15 : memref<128x64xf32, #tpu.memory_space<vmem>>) offsets(%dma_start3A_143 : memref<128xi32, #tpu.memory_space<vmem>>) semaphore(%arg20 : memref<!tpu.dma_semaphore, #tpu.memory_space<semaphore_mem>>)
    %scan3A_147 = arith.constant 0 : i32
    %scan3A_148 = arith.constant 0 : i32
    %scan3A_149 = arith.constant 32 : i32
    %scan3A_150 = arith.addi %scan3A_148, %scan3A_149 : i32
    %scan3A_151 = arith.constant 1 : i32
    scf.for %scan3A_181 = %scan3A_148 to %scan3A_150 step %scan3A_151  : i32 {
      %mul3A_182 = arith.constant 4 : i32
      %mul3A_183 = arith.muli %mul3A_182, %scan3A_181 : i32
      %add3A_184 = arith.constant 0 : i32
      %add3A_185 = arith.addi %mul3A_183, %add3A_184 : i32
      %get3A = arith.index_cast %add3A_185 : i32 to index
      %get3A_186 = arith.constant 0 : index
      %get3A_187 = tpu.vector_load %arg12[%get3A, %get3A_186] {strides = array<i32>} : memref<128x16xf32, #tpu.memory_space<vmem>>, vector<1x16xf32>,
      %get3A_188 = vector.shape_cast %get3A_187 : vector<1x16xf32> to vector<16xf32>
      %get3A_189 = arith.index_cast %add3A_185 : i32 to index
      %get3A_190 = arith.constant 0 : index
      %get3A_191 = tpu.vector_load %arg14[%get3A_189, %get3A_190] {strides = array<i32>} : memref<128x16xf32, #tpu.memory_space<vmem>>, vector<1x16xf32>,
      %get3A_192 = vector.shape_cast %get3A_191 : vector<1x16xf32> to vector<16xf32>
      %add3A_193 = arith.addf %get3A_188, %get3A_192 : vector<16xf32>
      %mul3A_194 = arith.constant 2.000000e-01 : f32
      %mul3A_195 = vector.broadcast %mul3A_194 : f32 to vector<16xf32>
      %mul3A_196 = arith.mulf %mul3A_195, %add3A_193 : vector<16xf32>
      %max3A = arith.maximumf %add3A_193, %mul3A_196 : vector<16xf32>
      %exp3A = math.exp %max3A : vector<16xf32>
      %swap3A = arith.index_cast %add3A_185 : i32 to index
      %swap3A_197 = arith.constant 64 : index
      %swap3A_198 = tpu.vector_load %arg18[%swap3A, %swap3A_197] {strides = array<i32>} : memref<128x80xf32, #tpu.memory_space<vmem>>, vector<1x16xf32>,
      %swap3A_199 = vector.shape_cast %swap3A_198 : vector<1x16xf32> to vector<16xf32>
      %swap3A_200 = vector.shape_cast %exp3A : vector<16xf32> to vector<1x16xf32>
      tpu.vector_store %arg18[%swap3A, %swap3A_197], %swap3A_200 {strides = array<i32>} : memref<128x80xf32, #tpu.memory_space<vmem>>, vector<1x16xf32>,
      %broadcast_in_dim3A_201 = vector.shape_cast %select_n3A : vector<16xi32> to vector<16x1xi32>
      %gather3A = vector.shape_cast %broadcast_in_dim3A_201 : vector<16x1xi32> to vector<16xi32>
      %gather3A_202 = tpu.dynamic_gather %exp3A[%gather3A] in [0] : vector<16xf32>, vector<16xi32> -> vector<16xf32>
      %get3A_203 = arith.index_cast %add3A_185 : i32 to index
      %get3A_204 = arith.constant 0 : index
      %get3A_205 = tpu.vector_load %arg16[%get3A_203, %get3A_204] {strides = array<i32>} : memref<128x64xf32, #tpu.memory_space<vmem>>, vector<1x16xf32>,
      %get3A_206 = vector.shape_cast %get3A_205 : vector<1x16xf32> to vector<16xf32>
      %mul3A_207 = arith.mulf %gather3A_202, %get3A_206 : vector<16xf32>
      %swap3A_208 = arith.index_cast %add3A_185 : i32 to index
      %swap3A_209 = arith.constant 0 : index
      %swap3A_210 = tpu.vector_load %arg18[%swap3A_208, %swap3A_209] {strides = array<i32>} : memref<128x80xf32, #tpu.memory_space<vmem>>, vector<1x16xf32>,
      %swap3A_211 = vector.shape_cast %swap3A_210 : vector<1x16xf32> to vector<16xf32>
      %swap3A_212 = vector.shape_cast %mul3A_207 : vector<16xf32> to vector<1x16xf32>
      tpu.vector_store %arg18[%swap3A_208, %swap3A_209], %swap3A_212 {strides = array<i32>} : memref<128x80xf32, #tpu.memory_space<vmem>>, vector<1x16xf32>,
      %broadcast_in_dim3A_213 = vector.shape_cast %select_n3A_14 : vector<16xi32> to vector<16x1xi32>
      %gather3A_214 = vector.shape_cast %broadcast_in_dim3A_213 : vector<16x1xi32> to vector<16xi32>
      %gather3A_215 = tpu.dynamic_gather %exp3A[%gather3A_214] in [0] : vector<16xf32>, vector<16xi32> -> vector<16xf32>
      %get3A_216 = arith.index_cast %add3A_185 : i32 to index
      %get3A_217 = arith.constant 16 : index
      %get3A_218 = tpu.vector_load %arg16[%get3A_216, %get3A_217] {strides = array<i32>} : memref<128x64xf32, #tpu.memory_space<vmem>>, vector<1x16xf32>,
      %get3A_219 = vector.shape_cast %get3A_218 : vector<1x16xf32> to vector<16xf32>
      %mul3A_220 = arith.mulf %gather3A_215, %get3A_219 : vector<16xf32>
      %swap3A_221 = arith.index_cast %add3A_185 : i32 to index
      %swap3A_222 = arith.constant 16 : index
      %swap3A_223 = tpu.vector_load %arg18[%swap3A_221, %swap3A_222] {strides = array<i32>} : memref<128x80xf32, #tpu.memory_space<vmem>>, vector<1x16xf32>,
      %swap3A_224 = vector.shape_cast %swap3A_223 : vector<1x16xf32> to vector<16xf32>
      %swap3A_225 = vector.shape_cast %mul3A_220 : vector<16xf32> to vector<1x16xf32>
      tpu.vector_store %arg18[%swap3A_221, %swap3A_222], %swap3A_225 {strides = array<i32>} : memref<128x80xf32, #tpu.memory_space<vmem>>, vector<1x16xf32>,
      %broadcast_in_dim3A_226 = vector.shape_cast %select_n3A_22 : vector<16xi32> to vector<16x1xi32>
      %gather3A_227 = vector.shape_cast %broadcast_in_dim3A_226 : vector<16x1xi32> to vector<16xi32>
      %gather3A_228 = tpu.dynamic_gather %exp3A[%gather3A_227] in [0] : vector<16xf32>, vector<16xi32> -> vector<16xf32>
      %get3A_229 = arith.index_cast %add3A_185 : i32 to index
      %get3A_230 = arith.constant 32 : index
      %get3A_231 = tpu.vector_load %arg16[%get3A_229, %get3A_230] {strides = array<i32>} : memref<128x64xf32, #tpu.memory_space<vmem>>, vector<1x16xf32>,
      %get3A_232 = vector.shape_cast %get3A_231 : vector<1x16xf32> to vector<16xf32>
      %mul3A_233 = arith.mulf %gather3A_228, %get3A_232 : vector<16xf32>
      %swap3A_234 = arith.index_cast %add3A_185 : i32 to index
      %swap3A_235 = arith.constant 32 : index
      %swap3A_236 = tpu.vector_load %arg18[%swap3A_234, %swap3A_235] {strides = array<i32>} : memref<128x80xf32, #tpu.memory_space<vmem>>, vector<1x16xf32>,
      %swap3A_237 = vector.shape_cast %swap3A_236 : vector<1x16xf32> to vector<16xf32>
      %swap3A_238 = vector.shape_cast %mul3A_233 : vector<16xf32> to vector<1x16xf32>
      tpu.vector_store %arg18[%swap3A_234, %swap3A_235], %swap3A_238 {strides = array<i32>} : memref<128x80xf32, #tpu.memory_space<vmem>>, vector<1x16xf32>,
      %broadcast_in_dim3A_239 = vector.shape_cast %select_n3A_30 : vector<16xi32> to vector<16x1xi32>
      %gather3A_240 = vector.shape_cast %broadcast_in_dim3A_239 : vector<16x1xi32> to vector<16xi32>
      %gather3A_241 = tpu.dynamic_gather %exp3A[%gather3A_240] in [0] : vector<16xf32>, vector<16xi32> -> vector<16xf32>
      %get3A_242 = arith.index_cast %add3A_185 : i32 to index
      %get3A_243 = arith.constant 48 : index
      %get3A_244 = tpu.vector_load %arg16[%get3A_242, %get3A_243] {strides = array<i32>} : memref<128x64xf32, #tpu.memory_space<vmem>>, vector<1x16xf32>,
      %get3A_245 = vector.shape_cast %get3A_244 : vector<1x16xf32> to vector<16xf32>
      %mul3A_246 = arith.mulf %gather3A_241, %get3A_245 : vector<16xf32>
      %swap3A_247 = arith.index_cast %add3A_185 : i32 to index
      %swap3A_248 = arith.constant 48 : index
      %swap3A_249 = tpu.vector_load %arg18[%swap3A_247, %swap3A_248] {strides = array<i32>} : memref<128x80xf32, #tpu.memory_space<vmem>>, vector<1x16xf32>,
      %swap3A_250 = vector.shape_cast %swap3A_249 : vector<1x16xf32> to vector<16xf32>
      %swap3A_251 = vector.shape_cast %mul3A_246 : vector<16xf32> to vector<1x16xf32>
      tpu.vector_store %arg18[%swap3A_247, %swap3A_248], %swap3A_251 {strides = array<i32>} : memref<128x80xf32, #tpu.memory_space<vmem>>, vector<1x16xf32>,
      %mul3A_252 = arith.constant 4 : i32
      %mul3A_253 = arith.muli %mul3A_252, %scan3A_181 : i32
      %add3A_254 = arith.constant 1 : i32
      %add3A_255 = arith.addi %mul3A_253, %add3A_254 : i32
      %get3A_256 = arith.index_cast %add3A_255 : i32 to index
      %get3A_257 = arith.constant 0 : index
      %get3A_258 = tpu.vector_load %arg12[%get3A_256, %get3A_257] {strides = array<i32>} : memref<128x16xf32, #tpu.memory_space<vmem>>, vector<1x16xf32>,
      %get3A_259 = vector.shape_cast %get3A_258 : vector<1x16xf32> to vector<16xf32>
      %get3A_260 = arith.index_cast %add3A_255 : i32 to index
      %get3A_261 = arith.constant 0 : index
      %get3A_262 = tpu.vector_load %arg14[%get3A_260, %get3A_261] {strides = array<i32>} : memref<128x16xf32, #tpu.memory_space<vmem>>, vector<1x16xf32>,
      %get3A_263 = vector.shape_cast %get3A_262 : vector<1x16xf32> to vector<16xf32>
      %add3A_264 = arith.addf %get3A_259, %get3A_263 : vector<16xf32>
      %mul3A_265 = arith.constant 2.000000e-01 : f32
      %mul3A_266 = vector.broadcast %mul3A_265 : f32 to vector<16xf32>
      %mul3A_267 = arith.mulf %mul3A_266, %add3A_264 : vector<16xf32>
      %max3A_268 = arith.maximumf %add3A_264, %mul3A_267 : vector<16xf32>
      %exp3A_269 = math.exp %max3A_268 : vector<16xf32>
      %swap3A_270 = arith.index_cast %add3A_255 : i32 to index
      %swap3A_271 = arith.constant 64 : index
      %swap3A_272 = tpu.vector_load %arg18[%swap3A_270, %swap3A_271] {strides = array<i32>} : memref<128x80xf32, #tpu.memory_space<vmem>>, vector<1x16xf32>,
      %swap3A_273 = vector.shape_cast %swap3A_272 : vector<1x16xf32> to vector<16xf32>
      %swap3A_274 = vector.shape_cast %exp3A_269 : vector<16xf32> to vector<1x16xf32>
      tpu.vector_store %arg18[%swap3A_270, %swap3A_271], %swap3A_274 {strides = array<i32>} : memref<128x80xf32, #tpu.memory_space<vmem>>, vector<1x16xf32>,
      %broadcast_in_dim3A_275 = vector.shape_cast %select_n3A : vector<16xi32> to vector<16x1xi32>
      %gather3A_276 = vector.shape_cast %broadcast_in_dim3A_275 : vector<16x1xi32> to vector<16xi32>
      %gather3A_277 = tpu.dynamic_gather %exp3A_269[%gather3A_276] in [0] : vector<16xf32>, vector<16xi32> -> vector<16xf32>
      %get3A_278 = arith.index_cast %add3A_255 : i32 to index
      %get3A_279 = arith.constant 0 : index
      %get3A_280 = tpu.vector_load %arg16[%get3A_278, %get3A_279] {strides = array<i32>} : memref<128x64xf32, #tpu.memory_space<vmem>>, vector<1x16xf32>,
      %get3A_281 = vector.shape_cast %get3A_280 : vector<1x16xf32> to vector<16xf32>
      %mul3A_282 = arith.mulf %gather3A_277, %get3A_281 : vector<16xf32>
      %swap3A_283 = arith.index_cast %add3A_255 : i32 to index
      %swap3A_284 = arith.constant 0 : index
      %swap3A_285 = tpu.vector_load %arg18[%swap3A_283, %swap3A_284] {strides = array<i32>} : memref<128x80xf32, #tpu.memory_space<vmem>>, vector<1x16xf32>,
      %swap3A_286 = vector.shape_cast %swap3A_285 : vector<1x16xf32> to vector<16xf32>
      %swap3A_287 = vector.shape_cast %mul3A_282 : vector<16xf32> to vector<1x16xf32>
      tpu.vector_store %arg18[%swap3A_283, %swap3A_284], %swap3A_287 {strides = array<i32>} : memref<128x80xf32, #tpu.memory_space<vmem>>, vector<1x16xf32>,
      %broadcast_in_dim3A_288 = vector.shape_cast %select_n3A_14 : vector<16xi32> to vector<16x1xi32>
      %gather3A_289 = vector.shape_cast %broadcast_in_dim3A_288 : vector<16x1xi32> to vector<16xi32>
      %gather3A_290 = tpu.dynamic_gather %exp3A_269[%gather3A_289] in [0] : vector<16xf32>, vector<16xi32> -> vector<16xf32>
      %get3A_291 = arith.index_cast %add3A_255 : i32 to index
      %get3A_292 = arith.constant 16 : index
      %get3A_293 = tpu.vector_load %arg16[%get3A_291, %get3A_292] {strides = array<i32>} : memref<128x64xf32, #tpu.memory_space<vmem>>, vector<1x16xf32>,
      %get3A_294 = vector.shape_cast %get3A_293 : vector<1x16xf32> to vector<16xf32>
      %mul3A_295 = arith.mulf %gather3A_290, %get3A_294 : vector<16xf32>
      %swap3A_296 = arith.index_cast %add3A_255 : i32 to index
      %swap3A_297 = arith.constant 16 : index
      %swap3A_298 = tpu.vector_load %arg18[%swap3A_296, %swap3A_297] {strides = array<i32>} : memref<128x80xf32, #tpu.memory_space<vmem>>, vector<1x16xf32>,
      %swap3A_299 = vector.shape_cast %swap3A_298 : vector<1x16xf32> to vector<16xf32>
      %swap3A_300 = vector.shape_cast %mul3A_295 : vector<16xf32> to vector<1x16xf32>
      tpu.vector_store %arg18[%swap3A_296, %swap3A_297], %swap3A_300 {strides = array<i32>} : memref<128x80xf32, #tpu.memory_space<vmem>>, vector<1x16xf32>,
      %broadcast_in_dim3A_301 = vector.shape_cast %select_n3A_22 : vector<16xi32> to vector<16x1xi32>
      %gather3A_302 = vector.shape_cast %broadcast_in_dim3A_301 : vector<16x1xi32> to vector<16xi32>
      %gather3A_303 = tpu.dynamic_gather %exp3A_269[%gather3A_302] in [0] : vector<16xf32>, vector<16xi32> -> vector<16xf32>
      %get3A_304 = arith.index_cast %add3A_255 : i32 to index
      %get3A_305 = arith.constant 32 : index
      %get3A_306 = tpu.vector_load %arg16[%get3A_304, %get3A_305] {strides = array<i32>} : memref<128x64xf32, #tpu.memory_space<vmem>>, vector<1x16xf32>,
      %get3A_307 = vector.shape_cast %get3A_306 : vector<1x16xf32> to vector<16xf32>
      %mul3A_308 = arith.mulf %gather3A_303, %get3A_307 : vector<16xf32>
      %swap3A_309 = arith.index_cast %add3A_255 : i32 to index
      %swap3A_310 = arith.constant 32 : index
      %swap3A_311 = tpu.vector_load %arg18[%swap3A_309, %swap3A_310] {strides = array<i32>} : memref<128x80xf32, #tpu.memory_space<vmem>>, vector<1x16xf32>,
      %swap3A_312 = vector.shape_cast %swap3A_311 : vector<1x16xf32> to vector<16xf32>
      %swap3A_313 = vector.shape_cast %mul3A_308 : vector<16xf32> to vector<1x16xf32>
      tpu.vector_store %arg18[%swap3A_309, %swap3A_310], %swap3A_313 {strides = array<i32>} : memref<128x80xf32, #tpu.memory_space<vmem>>, vector<1x16xf32>,
      %broadcast_in_dim3A_314 = vector.shape_cast %select_n3A_30 : vector<16xi32> to vector<16x1xi32>
      %gather3A_315 = vector.shape_cast %broadcast_in_dim3A_314 : vector<16x1xi32> to vector<16xi32>
      %gather3A_316 = tpu.dynamic_gather %exp3A_269[%gather3A_315] in [0] : vector<16xf32>, vector<16xi32> -> vector<16xf32>
      %get3A_317 = arith.index_cast %add3A_255 : i32 to index
      %get3A_318 = arith.constant 48 : index
      %get3A_319 = tpu.vector_load %arg16[%get3A_317, %get3A_318] {strides = array<i32>} : memref<128x64xf32, #tpu.memory_space<vmem>>, vector<1x16xf32>,
      %get3A_320 = vector.shape_cast %get3A_319 : vector<1x16xf32> to vector<16xf32>
      %mul3A_321 = arith.mulf %gather3A_316, %get3A_320 : vector<16xf32>
      %swap3A_322 = arith.index_cast %add3A_255 : i32 to index
      %swap3A_323 = arith.constant 48 : index
      %swap3A_324 = tpu.vector_load %arg18[%swap3A_322, %swap3A_323] {strides = array<i32>} : memref<128x80xf32, #tpu.memory_space<vmem>>, vector<1x16xf32>,
      %swap3A_325 = vector.shape_cast %swap3A_324 : vector<1x16xf32> to vector<16xf32>
      %swap3A_326 = vector.shape_cast %mul3A_321 : vector<16xf32> to vector<1x16xf32>
      tpu.vector_store %arg18[%swap3A_322, %swap3A_323], %swap3A_326 {strides = array<i32>} : memref<128x80xf32, #tpu.memory_space<vmem>>, vector<1x16xf32>,
      %mul3A_327 = arith.constant 4 : i32
      %mul3A_328 = arith.muli %mul3A_327, %scan3A_181 : i32
      %add3A_329 = arith.constant 2 : i32
      %add3A_330 = arith.addi %mul3A_328, %add3A_329 : i32
      %get3A_331 = arith.index_cast %add3A_330 : i32 to index
      %get3A_332 = arith.constant 0 : index
      %get3A_333 = tpu.vector_load %arg12[%get3A_331, %get3A_332] {strides = array<i32>} : memref<128x16xf32, #tpu.memory_space<vmem>>, vector<1x16xf32>,
      %get3A_334 = vector.shape_cast %get3A_333 : vector<1x16xf32> to vector<16xf32>
      %get3A_335 = arith.index_cast %add3A_330 : i32 to index
      %get3A_336 = arith.constant 0 : index
      %get3A_337 = tpu.vector_load %arg14[%get3A_335, %get3A_336] {strides = array<i32>} : memref<128x16xf32, #tpu.memory_space<vmem>>, vector<1x16xf32>,
      %get3A_338 = vector.shape_cast %get3A_337 : vector<1x16xf32> to vector<16xf32>
      %add3A_339 = arith.addf %get3A_334, %get3A_338 : vector<16xf32>
      %mul3A_340 = arith.constant 2.000000e-01 : f32
      %mul3A_341 = vector.broadcast %mul3A_340 : f32 to vector<16xf32>
      %mul3A_342 = arith.mulf %mul3A_341, %add3A_339 : vector<16xf32>
      %max3A_343 = arith.maximumf %add3A_339, %mul3A_342 : vector<16xf32>
      %exp3A_344 = math.exp %max3A_343 : vector<16xf32>
      %swap3A_345 = arith.index_cast %add3A_330 : i32 to index
      %swap3A_346 = arith.constant 64 : index
      %swap3A_347 = tpu.vector_load %arg18[%swap3A_345, %swap3A_346] {strides = array<i32>} : memref<128x80xf32, #tpu.memory_space<vmem>>, vector<1x16xf32>,
      %swap3A_348 = vector.shape_cast %swap3A_347 : vector<1x16xf32> to vector<16xf32>
      %swap3A_349 = vector.shape_cast %exp3A_344 : vector<16xf32> to vector<1x16xf32>
      tpu.vector_store %arg18[%swap3A_345, %swap3A_346], %swap3A_349 {strides = array<i32>} : memref<128x80xf32, #tpu.memory_space<vmem>>, vector<1x16xf32>,
      %broadcast_in_dim3A_350 = vector.shape_cast %select_n3A : vector<16xi32> to vector<16x1xi32>
      %gather3A_351 = vector.shape_cast %broadcast_in_dim3A_350 : vector<16x1xi32> to vector<16xi32>
      %gather3A_352 = tpu.dynamic_gather %exp3A_344[%gather3A_351] in [0] : vector<16xf32>, vector<16xi32> -> vector<16xf32>
      %get3A_353 = arith.index_cast %add3A_330 : i32 to index
      %get3A_354 = arith.constant 0 : index
      %get3A_355 = tpu.vector_load %arg16[%get3A_353, %get3A_354] {strides = array<i32>} : memref<128x64xf32, #tpu.memory_space<vmem>>, vector<1x16xf32>,
      %get3A_356 = vector.shape_cast %get3A_355 : vector<1x16xf32> to vector<16xf32>
      %mul3A_357 = arith.mulf %gather3A_352, %get3A_356 : vector<16xf32>
      %swap3A_358 = arith.index_cast %add3A_330 : i32 to index
      %swap3A_359 = arith.constant 0 : index
      %swap3A_360 = tpu.vector_load %arg18[%swap3A_358, %swap3A_359] {strides = array<i32>} : memref<128x80xf32, #tpu.memory_space<vmem>>, vector<1x16xf32>,
      %swap3A_361 = vector.shape_cast %swap3A_360 : vector<1x16xf32> to vector<16xf32>
      %swap3A_362 = vector.shape_cast %mul3A_357 : vector<16xf32> to vector<1x16xf32>
      tpu.vector_store %arg18[%swap3A_358, %swap3A_359], %swap3A_362 {strides = array<i32>} : memref<128x80xf32, #tpu.memory_space<vmem>>, vector<1x16xf32>,
      %broadcast_in_dim3A_363 = vector.shape_cast %select_n3A_14 : vector<16xi32> to vector<16x1xi32>
      %gather3A_364 = vector.shape_cast %broadcast_in_dim3A_363 : vector<16x1xi32> to vector<16xi32>
      %gather3A_365 = tpu.dynamic_gather %exp3A_344[%gather3A_364] in [0] : vector<16xf32>, vector<16xi32> -> vector<16xf32>
      %get3A_366 = arith.index_cast %add3A_330 : i32 to index
      %get3A_367 = arith.constant 16 : index
      %get3A_368 = tpu.vector_load %arg16[%get3A_366, %get3A_367] {strides = array<i32>} : memref<128x64xf32, #tpu.memory_space<vmem>>, vector<1x16xf32>,
      %get3A_369 = vector.shape_cast %get3A_368 : vector<1x16xf32> to vector<16xf32>
      %mul3A_370 = arith.mulf %gather3A_365, %get3A_369 : vector<16xf32>
      %swap3A_371 = arith.index_cast %add3A_330 : i32 to index
      %swap3A_372 = arith.constant 16 : index
      %swap3A_373 = tpu.vector_load %arg18[%swap3A_371, %swap3A_372] {strides = array<i32>} : memref<128x80xf32, #tpu.memory_space<vmem>>, vector<1x16xf32>,
      %swap3A_374 = vector.shape_cast %swap3A_373 : vector<1x16xf32> to vector<16xf32>
      %swap3A_375 = vector.shape_cast %mul3A_370 : vector<16xf32> to vector<1x16xf32>
      tpu.vector_store %arg18[%swap3A_371, %swap3A_372], %swap3A_375 {strides = array<i32>} : memref<128x80xf32, #tpu.memory_space<vmem>>, vector<1x16xf32>,
      %broadcast_in_dim3A_376 = vector.shape_cast %select_n3A_22 : vector<16xi32> to vector<16x1xi32>
      %gather3A_377 = vector.shape_cast %broadcast_in_dim3A_376 : vector<16x1xi32> to vector<16xi32>
      %gather3A_378 = tpu.dynamic_gather %exp3A_344[%gather3A_377] in [0] : vector<16xf32>, vector<16xi32> -> vector<16xf32>
      %get3A_379 = arith.index_cast %add3A_330 : i32 to index
      %get3A_380 = arith.constant 32 : index
      %get3A_381 = tpu.vector_load %arg16[%get3A_379, %get3A_380] {strides = array<i32>} : memref<128x64xf32, #tpu.memory_space<vmem>>, vector<1x16xf32>,
      %get3A_382 = vector.shape_cast %get3A_381 : vector<1x16xf32> to vector<16xf32>
      %mul3A_383 = arith.mulf %gather3A_378, %get3A_382 : vector<16xf32>
      %swap3A_384 = arith.index_cast %add3A_330 : i32 to index
      %swap3A_385 = arith.constant 32 : index
      %swap3A_386 = tpu.vector_load %arg18[%swap3A_384, %swap3A_385] {strides = array<i32>} : memref<128x80xf32, #tpu.memory_space<vmem>>, vector<1x16xf32>,
      %swap3A_387 = vector.shape_cast %swap3A_386 : vector<1x16xf32> to vector<16xf32>
      %swap3A_388 = vector.shape_cast %mul3A_383 : vector<16xf32> to vector<1x16xf32>
      tpu.vector_store %arg18[%swap3A_384, %swap3A_385], %swap3A_388 {strides = array<i32>} : memref<128x80xf32, #tpu.memory_space<vmem>>, vector<1x16xf32>,
      %broadcast_in_dim3A_389 = vector.shape_cast %select_n3A_30 : vector<16xi32> to vector<16x1xi32>
      %gather3A_390 = vector.shape_cast %broadcast_in_dim3A_389 : vector<16x1xi32> to vector<16xi32>
      %gather3A_391 = tpu.dynamic_gather %exp3A_344[%gather3A_390] in [0] : vector<16xf32>, vector<16xi32> -> vector<16xf32>
      %get3A_392 = arith.index_cast %add3A_330 : i32 to index
      %get3A_393 = arith.constant 48 : index
      %get3A_394 = tpu.vector_load %arg16[%get3A_392, %get3A_393] {strides = array<i32>} : memref<128x64xf32, #tpu.memory_space<vmem>>, vector<1x16xf32>,
      %get3A_395 = vector.shape_cast %get3A_394 : vector<1x16xf32> to vector<16xf32>
      %mul3A_396 = arith.mulf %gather3A_391, %get3A_395 : vector<16xf32>
      %swap3A_397 = arith.index_cast %add3A_330 : i32 to index
      %swap3A_398 = arith.constant 48 : index
      %swap3A_399 = tpu.vector_load %arg18[%swap3A_397, %swap3A_398] {strides = array<i32>} : memref<128x80xf32, #tpu.memory_space<vmem>>, vector<1x16xf32>,
      %swap3A_400 = vector.shape_cast %swap3A_399 : vector<1x16xf32> to vector<16xf32>
      %swap3A_401 = vector.shape_cast %mul3A_396 : vector<16xf32> to vector<1x16xf32>
      tpu.vector_store %arg18[%swap3A_397, %swap3A_398], %swap3A_401 {strides = array<i32>} : memref<128x80xf32, #tpu.memory_space<vmem>>, vector<1x16xf32>,
      %mul3A_402 = arith.constant 4 : i32
      %mul3A_403 = arith.muli %mul3A_402, %scan3A_181 : i32
      %add3A_404 = arith.constant 3 : i32
      %add3A_405 = arith.addi %mul3A_403, %add3A_404 : i32
      %get3A_406 = arith.index_cast %add3A_405 : i32 to index
      %get3A_407 = arith.constant 0 : index
      %get3A_408 = tpu.vector_load %arg12[%get3A_406, %get3A_407] {strides = array<i32>} : memref<128x16xf32, #tpu.memory_space<vmem>>, vector<1x16xf32>,
      %get3A_409 = vector.shape_cast %get3A_408 : vector<1x16xf32> to vector<16xf32>
      %get3A_410 = arith.index_cast %add3A_405 : i32 to index
      %get3A_411 = arith.constant 0 : index
      %get3A_412 = tpu.vector_load %arg14[%get3A_410, %get3A_411] {strides = array<i32>} : memref<128x16xf32, #tpu.memory_space<vmem>>, vector<1x16xf32>,
      %get3A_413 = vector.shape_cast %get3A_412 : vector<1x16xf32> to vector<16xf32>
      %add3A_414 = arith.addf %get3A_409, %get3A_413 : vector<16xf32>
      %mul3A_415 = arith.constant 2.000000e-01 : f32
      %mul3A_416 = vector.broadcast %mul3A_415 : f32 to vector<16xf32>
      %mul3A_417 = arith.mulf %mul3A_416, %add3A_414 : vector<16xf32>
      %max3A_418 = arith.maximumf %add3A_414, %mul3A_417 : vector<16xf32>
      %exp3A_419 = math.exp %max3A_418 : vector<16xf32>
      %swap3A_420 = arith.index_cast %add3A_405 : i32 to index
      %swap3A_421 = arith.constant 64 : index
      %swap3A_422 = tpu.vector_load %arg18[%swap3A_420, %swap3A_421] {strides = array<i32>} : memref<128x80xf32, #tpu.memory_space<vmem>>, vector<1x16xf32>,
      %swap3A_423 = vector.shape_cast %swap3A_422 : vector<1x16xf32> to vector<16xf32>
      %swap3A_424 = vector.shape_cast %exp3A_419 : vector<16xf32> to vector<1x16xf32>
      tpu.vector_store %arg18[%swap3A_420, %swap3A_421], %swap3A_424 {strides = array<i32>} : memref<128x80xf32, #tpu.memory_space<vmem>>, vector<1x16xf32>,
      %broadcast_in_dim3A_425 = vector.shape_cast %select_n3A : vector<16xi32> to vector<16x1xi32>
      %gather3A_426 = vector.shape_cast %broadcast_in_dim3A_425 : vector<16x1xi32> to vector<16xi32>
      %gather3A_427 = tpu.dynamic_gather %exp3A_419[%gather3A_426] in [0] : vector<16xf32>, vector<16xi32> -> vector<16xf32>
      %get3A_428 = arith.index_cast %add3A_405 : i32 to index
      %get3A_429 = arith.constant 0 : index
      %get3A_430 = tpu.vector_load %arg16[%get3A_428, %get3A_429] {strides = array<i32>} : memref<128x64xf32, #tpu.memory_space<vmem>>, vector<1x16xf32>,
      %get3A_431 = vector.shape_cast %get3A_430 : vector<1x16xf32> to vector<16xf32>
      %mul3A_432 = arith.mulf %gather3A_427, %get3A_431 : vector<16xf32>
      %swap3A_433 = arith.index_cast %add3A_405 : i32 to index
      %swap3A_434 = arith.constant 0 : index
      %swap3A_435 = tpu.vector_load %arg18[%swap3A_433, %swap3A_434] {strides = array<i32>} : memref<128x80xf32, #tpu.memory_space<vmem>>, vector<1x16xf32>,
      %swap3A_436 = vector.shape_cast %swap3A_435 : vector<1x16xf32> to vector<16xf32>
      %swap3A_437 = vector.shape_cast %mul3A_432 : vector<16xf32> to vector<1x16xf32>
      tpu.vector_store %arg18[%swap3A_433, %swap3A_434], %swap3A_437 {strides = array<i32>} : memref<128x80xf32, #tpu.memory_space<vmem>>, vector<1x16xf32>,
      %broadcast_in_dim3A_438 = vector.shape_cast %select_n3A_14 : vector<16xi32> to vector<16x1xi32>
      %gather3A_439 = vector.shape_cast %broadcast_in_dim3A_438 : vector<16x1xi32> to vector<16xi32>
      %gather3A_440 = tpu.dynamic_gather %exp3A_419[%gather3A_439] in [0] : vector<16xf32>, vector<16xi32> -> vector<16xf32>
      %get3A_441 = arith.index_cast %add3A_405 : i32 to index
      %get3A_442 = arith.constant 16 : index
      %get3A_443 = tpu.vector_load %arg16[%get3A_441, %get3A_442] {strides = array<i32>} : memref<128x64xf32, #tpu.memory_space<vmem>>, vector<1x16xf32>,
      %get3A_444 = vector.shape_cast %get3A_443 : vector<1x16xf32> to vector<16xf32>
      %mul3A_445 = arith.mulf %gather3A_440, %get3A_444 : vector<16xf32>
      %swap3A_446 = arith.index_cast %add3A_405 : i32 to index
      %swap3A_447 = arith.constant 16 : index
      %swap3A_448 = tpu.vector_load %arg18[%swap3A_446, %swap3A_447] {strides = array<i32>} : memref<128x80xf32, #tpu.memory_space<vmem>>, vector<1x16xf32>,
      %swap3A_449 = vector.shape_cast %swap3A_448 : vector<1x16xf32> to vector<16xf32>
      %swap3A_450 = vector.shape_cast %mul3A_445 : vector<16xf32> to vector<1x16xf32>
      tpu.vector_store %arg18[%swap3A_446, %swap3A_447], %swap3A_450 {strides = array<i32>} : memref<128x80xf32, #tpu.memory_space<vmem>>, vector<1x16xf32>,
      %broadcast_in_dim3A_451 = vector.shape_cast %select_n3A_22 : vector<16xi32> to vector<16x1xi32>
      %gather3A_452 = vector.shape_cast %broadcast_in_dim3A_451 : vector<16x1xi32> to vector<16xi32>
      %gather3A_453 = tpu.dynamic_gather %exp3A_419[%gather3A_452] in [0] : vector<16xf32>, vector<16xi32> -> vector<16xf32>
      %get3A_454 = arith.index_cast %add3A_405 : i32 to index
      %get3A_455 = arith.constant 32 : index
      %get3A_456 = tpu.vector_load %arg16[%get3A_454, %get3A_455] {strides = array<i32>} : memref<128x64xf32, #tpu.memory_space<vmem>>, vector<1x16xf32>,
      %get3A_457 = vector.shape_cast %get3A_456 : vector<1x16xf32> to vector<16xf32>
      %mul3A_458 = arith.mulf %gather3A_453, %get3A_457 : vector<16xf32>
      %swap3A_459 = arith.index_cast %add3A_405 : i32 to index
      %swap3A_460 = arith.constant 32 : index
      %swap3A_461 = tpu.vector_load %arg18[%swap3A_459, %swap3A_460] {strides = array<i32>} : memref<128x80xf32, #tpu.memory_space<vmem>>, vector<1x16xf32>,
      %swap3A_462 = vector.shape_cast %swap3A_461 : vector<1x16xf32> to vector<16xf32>
      %swap3A_463 = vector.shape_cast %mul3A_458 : vector<16xf32> to vector<1x16xf32>
      tpu.vector_store %arg18[%swap3A_459, %swap3A_460], %swap3A_463 {strides = array<i32>} : memref<128x80xf32, #tpu.memory_space<vmem>>, vector<1x16xf32>,
      %broadcast_in_dim3A_464 = vector.shape_cast %select_n3A_30 : vector<16xi32> to vector<16x1xi32>
      %gather3A_465 = vector.shape_cast %broadcast_in_dim3A_464 : vector<16x1xi32> to vector<16xi32>
      %gather3A_466 = tpu.dynamic_gather %exp3A_419[%gather3A_465] in [0] : vector<16xf32>, vector<16xi32> -> vector<16xf32>
      %get3A_467 = arith.index_cast %add3A_405 : i32 to index
      %get3A_468 = arith.constant 48 : index
      %get3A_469 = tpu.vector_load %arg16[%get3A_467, %get3A_468] {strides = array<i32>} : memref<128x64xf32, #tpu.memory_space<vmem>>, vector<1x16xf32>,
      %get3A_470 = vector.shape_cast %get3A_469 : vector<1x16xf32> to vector<16xf32>
      %mul3A_471 = arith.mulf %gather3A_466, %get3A_470 : vector<16xf32>
      %swap3A_472 = arith.index_cast %add3A_405 : i32 to index
      %swap3A_473 = arith.constant 48 : index
      %swap3A_474 = tpu.vector_load %arg18[%swap3A_472, %swap3A_473] {strides = array<i32>} : memref<128x80xf32, #tpu.memory_space<vmem>>, vector<1x16xf32>,
      %swap3A_475 = vector.shape_cast %swap3A_474 : vector<1x16xf32> to vector<16xf32>
      %swap3A_476 = vector.shape_cast %mul3A_471 : vector<16xf32> to vector<1x16xf32>
      tpu.vector_store %arg18[%swap3A_472, %swap3A_473], %swap3A_476 {strides = array<i32>} : memref<128x80xf32, #tpu.memory_space<vmem>>, vector<1x16xf32>,
    }
    %scan3A_152 = arith.constant 32 : i32
    %dma_wait3A_153 = arith.constant 0 : i32
    %dma_wait3A_154 = arith.constant 0 : i32
    %dma_wait3A_155 = tpu.memref_slice %arg10[%dma_wait3A_153, %dma_wait3A_154] : memref<80x128xi32, #tpu.memory_space<vmem>> -> memref<1x128xi32, #tpu.memory_space<vmem>>
    %dma_wait3A_156 = tpu.memref_squeeze %dma_wait3A_155 : memref<1x128xi32, #tpu.memory_space<vmem>> -> memref<128xi32, #tpu.memory_space<vmem>>
    %dma_wait3A_157 = arith.constant 0 : i32
    %dma_wait3A_158 = arith.constant 0 : i32
    %dma_wait3A_159 = tpu.memref_slice %arg19[%dma_wait3A_157, %dma_wait3A_158] : memref<10112x80xf32, #tpu.memory_space<vmem_shared>> -> memref<10112x80xf32, #tpu.memory_space<vmem_shared>>
    tpu.wait_indirect_dma semaphore(%arg22 : memref<!tpu.dma_semaphore, #tpu.memory_space<semaphore_mem>>) src(%arg17 : memref<128x80xf32, #tpu.memory_space<vmem>>) dst(%dma_wait3A_159 : memref<10112x80xf32, #tpu.memory_space<vmem_shared>>)
    %dma_start3A_160 = arith.constant 1 : i32
    %dma_start3A_161 = arith.constant 0 : i32
    %dma_start3A_162 = tpu.memref_slice %arg10[%dma_start3A_160, %dma_start3A_161] : memref<80x128xi32, #tpu.memory_space<vmem>> -> memref<1x128xi32, #tpu.memory_space<vmem>>
    %dma_start3A_163 = tpu.memref_squeeze %dma_start3A_162 : memref<1x128xi32, #tpu.memory_space<vmem>> -> memref<128xi32, #tpu.memory_space<vmem>>
    %dma_start3A_164 = arith.constant 0 : i32
    %dma_start3A_165 = arith.constant 0 : i32
    %dma_start3A_166 = tpu.memref_slice %arg19[%dma_start3A_164, %dma_start3A_165] : memref<10112x80xf32, #tpu.memory_space<vmem_shared>> -> memref<10112x80xf32, #tpu.memory_space<vmem_shared>>
    tpu.enqueue_indirect_dma source(%arg18 : memref<128x80xf32, #tpu.memory_space<vmem>>) target(%dma_start3A_166 : memref<10112x80xf32, #tpu.memory_space<vmem_shared>>) offsets(%dma_start3A_163 : memref<128xi32, #tpu.memory_space<vmem>>) semaphore(%arg23 : memref<!tpu.dma_semaphore, #tpu.memory_space<semaphore_mem>>) {add = true}
    %scan3A_167 = arith.constant 0 : i32
    %scan3A_168 = arith.constant 1 : i32
    %scan3A_169 = arith.constant 39 : i32
    %scan3A_170 = arith.addi %scan3A_168, %scan3A_169 : i32
    %scan3A_171 = arith.constant 1 : i32
    scf.for %scan3A_181 = %scan3A_168 to %scan3A_170 step %scan3A_171  : i32 {
      %mul3A_182 = arith.constant 2 : i32
      %mul3A_183 = arith.muli %mul3A_182, %scan3A_181 : i32
      %dma_wait3A_184 = arith.constant 0 : i32
      %dma_wait3A_185 = tpu.memref_slice %arg9[%mul3A_183, %dma_wait3A_184] : memref<80x128xi32, #tpu.memory_space<vmem>> -> memref<1x128xi32, #tpu.memory_space<vmem>>
      %dma_wait3A_186 = tpu.memref_squeeze %dma_wait3A_185 : memref<1x128xi32, #tpu.memory_space<vmem>> -> memref<128xi32, #tpu.memory_space<vmem>>
      %dma_wait3A_187 = arith.constant 0 : i32
      %dma_wait3A_188 = arith.constant 0 : i32
      %dma_wait3A_189 = tpu.memref_slice %arg4[%dma_wait3A_187, %dma_wait3A_188] : memref<10000x16xf32, #tpu.memory_space<hbm>> -> memref<10000x16xf32, #tpu.memory_space<hbm>>
      tpu.wait_indirect_dma semaphore(%arg20 : memref<!tpu.dma_semaphore, #tpu.memory_space<semaphore_mem>>) src(%dma_wait3A_189 : memref<10000x16xf32, #tpu.memory_space<hbm>>) dst(%arg11 : memref<128x16xf32, #tpu.memory_space<vmem>>)
      %dma_wait3A_190 = arith.constant 0 : i32
      %dma_wait3A_191 = tpu.memref_slice %arg10[%mul3A_183, %dma_wait3A_190] : memref<80x128xi32, #tpu.memory_space<vmem>> -> memref<1x128xi32, #tpu.memory_space<vmem>>
      %dma_wait3A_192 = tpu.memref_squeeze %dma_wait3A_191 : memref<1x128xi32, #tpu.memory_space<vmem>> -> memref<128xi32, #tpu.memory_space<vmem>>
      %dma_wait3A_193 = arith.constant 0 : i32
      %dma_wait3A_194 = arith.constant 0 : i32
      %dma_wait3A_195 = tpu.memref_slice %arg5[%dma_wait3A_193, %dma_wait3A_194] : memref<10112x16xf32, #tpu.memory_space<hbm>> -> memref<10112x16xf32, #tpu.memory_space<hbm>>
      tpu.wait_indirect_dma semaphore(%arg20 : memref<!tpu.dma_semaphore, #tpu.memory_space<semaphore_mem>>) src(%dma_wait3A_195 : memref<10112x16xf32, #tpu.memory_space<hbm>>) dst(%arg13 : memref<128x16xf32, #tpu.memory_space<vmem>>)
      %dma_wait3A_196 = arith.constant 0 : i32
      %dma_wait3A_197 = tpu.memref_slice %arg9[%mul3A_183, %dma_wait3A_196] : memref<80x128xi32, #tpu.memory_space<vmem>> -> memref<1x128xi32, #tpu.memory_space<vmem>>
      %dma_wait3A_198 = tpu.memref_squeeze %dma_wait3A_197 : memref<1x128xi32, #tpu.memory_space<vmem>> -> memref<128xi32, #tpu.memory_space<vmem>>
      %dma_wait3A_199 = arith.constant 0 : i32
      %dma_wait3A_200 = arith.constant 0 : i32
      %dma_wait3A_201 = tpu.memref_slice %arg6[%dma_wait3A_199, %dma_wait3A_200] : memref<10000x64xf32, #tpu.memory_space<hbm>> -> memref<10000x64xf32, #tpu.memory_space<hbm>>
      tpu.wait_indirect_dma semaphore(%arg20 : memref<!tpu.dma_semaphore, #tpu.memory_space<semaphore_mem>>) src(%dma_wait3A_201 : memref<10000x64xf32, #tpu.memory_space<hbm>>) dst(%arg15 : memref<128x64xf32, #tpu.memory_space<vmem>>)
      %add3A_202 = arith.constant 1 : i32
      %add3A_203 = arith.addi %mul3A_183, %add3A_202 : i32
      %lt3A_204 = arith.constant 80 : i32
      %lt3A_205 = arith.cmpi slt, %add3A_203, %lt3A_204 : i32
      %convert_element_type3A = arith.extui %lt3A_205 : i1 to i32
      %cond3A_206 = arith.constant 0 : i32
      %cond3A_207 = arith.cmpi ne, %convert_element_type3A, %cond3A_206 : i32
      scf.if %cond3A_207 {
        %add3A_274 = arith.constant 1 : i32
        %add3A_275 = arith.addi %mul3A_183, %add3A_274 : i32
        %dma_start3A_276 = arith.constant 0 : i32
        %dma_start3A_277 = tpu.memref_slice %arg9[%add3A_275, %dma_start3A_276] : memref<80x128xi32, #tpu.memory_space<vmem>> -> memref<1x128xi32, #tpu.memory_space<vmem>>
        %dma_start3A_278 = tpu.memref_squeeze %dma_start3A_277 : memref<1x128xi32, #tpu.memory_space<vmem>> -> memref<128xi32, #tpu.memory_space<vmem>>
        %dma_start3A_279 = arith.constant 0 : i32
        %dma_start3A_280 = arith.constant 0 : i32
        %dma_start3A_281 = tpu.memref_slice %arg4[%dma_start3A_279, %dma_start3A_280] : memref<10000x16xf32, #tpu.memory_space<hbm>> -> memref<10000x16xf32, #tpu.memory_space<hbm>>
        tpu.enqueue_indirect_dma source(%dma_start3A_281 : memref<10000x16xf32, #tpu.memory_space<hbm>>) target(%arg12 : memref<128x16xf32, #tpu.memory_space<vmem>>) offsets(%dma_start3A_278 : memref<128xi32, #tpu.memory_space<vmem>>) semaphore(%arg21 : memref<!tpu.dma_semaphore, #tpu.memory_space<semaphore_mem>>)
        %dma_start3A_282 = arith.constant 0 : i32
        %dma_start3A_283 = tpu.memref_slice %arg10[%add3A_275, %dma_start3A_282] : memref<80x128xi32, #tpu.memory_space<vmem>> -> memref<1x128xi32, #tpu.memory_space<vmem>>
        %dma_start3A_284 = tpu.memref_squeeze %dma_start3A_283 : memref<1x128xi32, #tpu.memory_space<vmem>> -> memref<128xi32, #tpu.memory_space<vmem>>
        %dma_start3A_285 = arith.constant 0 : i32
        %dma_start3A_286 = arith.constant 0 : i32
        %dma_start3A_287 = tpu.memref_slice %arg5[%dma_start3A_285, %dma_start3A_286] : memref<10112x16xf32, #tpu.memory_space<hbm>> -> memref<10112x16xf32, #tpu.memory_space<hbm>>
        tpu.enqueue_indirect_dma source(%dma_start3A_287 : memref<10112x16xf32, #tpu.memory_space<hbm>>) target(%arg14 : memref<128x16xf32, #tpu.memory_space<vmem>>) offsets(%dma_start3A_284 : memref<128xi32, #tpu.memory_space<vmem>>) semaphore(%arg21 : memref<!tpu.dma_semaphore, #tpu.memory_space<semaphore_mem>>)
        %dma_start3A_288 = arith.constant 0 : i32
        %dma_start3A_289 = tpu.memref_slice %arg9[%add3A_275, %dma_start3A_288] : memref<80x128xi32, #tpu.memory_space<vmem>> -> memref<1x128xi32, #tpu.memory_space<vmem>>
        %dma_start3A_290 = tpu.memref_squeeze %dma_start3A_289 : memref<1x128xi32, #tpu.memory_space<vmem>> -> memref<128xi32, #tpu.memory_space<vmem>>
        %dma_start3A_291 = arith.constant 0 : i32
        %dma_start3A_292 = arith.constant 0 : i32
        %dma_start3A_293 = tpu.memref_slice %arg6[%dma_start3A_291, %dma_start3A_292] : memref<10000x64xf32, #tpu.memory_space<hbm>> -> memref<10000x64xf32, #tpu.memory_space<hbm>>
        tpu.enqueue_indirect_dma source(%dma_start3A_293 : memref<10000x64xf32, #tpu.memory_space<hbm>>) target(%arg16 : memref<128x64xf32, #tpu.memory_space<vmem>>) offsets(%dma_start3A_290 : memref<128xi32, #tpu.memory_space<vmem>>) semaphore(%arg21 : memref<!tpu.dma_semaphore, #tpu.memory_space<semaphore_mem>>)
      } else {
      }
      %scan3A_208 = arith.constant 0 : i32
      %scan3A_209 = arith.constant 0 : i32
      %scan3A_210 = arith.constant 32 : i32
      %scan3A_211 = arith.addi %scan3A_209, %scan3A_210 : i32
      %scan3A_212 = arith.constant 1 : i32
      scf.for %scan3A_274 = %scan3A_209 to %scan3A_211 step %scan3A_212  : i32 {
        %mul3A_275 = arith.constant 4 : i32
        %mul3A_276 = arith.muli %mul3A_275, %scan3A_274 : i32
        %add3A_277 = arith.constant 0 : i32
        %add3A_278 = arith.addi %mul3A_276, %add3A_277 : i32
        %get3A = arith.index_cast %add3A_278 : i32 to index
        %get3A_279 = arith.constant 0 : index
        %get3A_280 = tpu.vector_load %arg11[%get3A, %get3A_279] {strides = array<i32>} : memref<128x16xf32, #tpu.memory_space<vmem>>, vector<1x16xf32>,
        %get3A_281 = vector.shape_cast %get3A_280 : vector<1x16xf32> to vector<16xf32>
        %get3A_282 = arith.index_cast %add3A_278 : i32 to index
        %get3A_283 = arith.constant 0 : index
        %get3A_284 = tpu.vector_load %arg13[%get3A_282, %get3A_283] {strides = array<i32>} : memref<128x16xf32, #tpu.memory_space<vmem>>, vector<1x16xf32>,
        %get3A_285 = vector.shape_cast %get3A_284 : vector<1x16xf32> to vector<16xf32>
        %add3A_286 = arith.addf %get3A_281, %get3A_285 : vector<16xf32>
        %mul3A_287 = arith.constant 2.000000e-01 : f32
        %mul3A_288 = vector.broadcast %mul3A_287 : f32 to vector<16xf32>
        %mul3A_289 = arith.mulf %mul3A_288, %add3A_286 : vector<16xf32>
        %max3A = arith.maximumf %add3A_286, %mul3A_289 : vector<16xf32>
        %exp3A = math.exp %max3A : vector<16xf32>
        %swap3A = arith.index_cast %add3A_278 : i32 to index
        %swap3A_290 = arith.constant 64 : index
        %swap3A_291 = tpu.vector_load %arg17[%swap3A, %swap3A_290] {strides = array<i32>} : memref<128x80xf32, #tpu.memory_space<vmem>>, vector<1x16xf32>,
        %swap3A_292 = vector.shape_cast %swap3A_291 : vector<1x16xf32> to vector<16xf32>
        %swap3A_293 = vector.shape_cast %exp3A : vector<16xf32> to vector<1x16xf32>
        tpu.vector_store %arg17[%swap3A, %swap3A_290], %swap3A_293 {strides = array<i32>} : memref<128x80xf32, #tpu.memory_space<vmem>>, vector<1x16xf32>,
        %broadcast_in_dim3A_294 = vector.shape_cast %select_n3A : vector<16xi32> to vector<16x1xi32>
        %gather3A = vector.shape_cast %broadcast_in_dim3A_294 : vector<16x1xi32> to vector<16xi32>
        %gather3A_295 = tpu.dynamic_gather %exp3A[%gather3A] in [0] : vector<16xf32>, vector<16xi32> -> vector<16xf32>
        %get3A_296 = arith.index_cast %add3A_278 : i32 to index
        %get3A_297 = arith.constant 0 : index
        %get3A_298 = tpu.vector_load %arg15[%get3A_296, %get3A_297] {strides = array<i32>} : memref<128x64xf32, #tpu.memory_space<vmem>>, vector<1x16xf32>,
        %get3A_299 = vector.shape_cast %get3A_298 : vector<1x16xf32> to vector<16xf32>
        %mul3A_300 = arith.mulf %gather3A_295, %get3A_299 : vector<16xf32>
        %swap3A_301 = arith.index_cast %add3A_278 : i32 to index
        %swap3A_302 = arith.constant 0 : index
        %swap3A_303 = tpu.vector_load %arg17[%swap3A_301, %swap3A_302] {strides = array<i32>} : memref<128x80xf32, #tpu.memory_space<vmem>>, vector<1x16xf32>,
        %swap3A_304 = vector.shape_cast %swap3A_303 : vector<1x16xf32> to vector<16xf32>
        %swap3A_305 = vector.shape_cast %mul3A_300 : vector<16xf32> to vector<1x16xf32>
        tpu.vector_store %arg17[%swap3A_301, %swap3A_302], %swap3A_305 {strides = array<i32>} : memref<128x80xf32, #tpu.memory_space<vmem>>, vector<1x16xf32>,
        %broadcast_in_dim3A_306 = vector.shape_cast %select_n3A_14 : vector<16xi32> to vector<16x1xi32>
        %gather3A_307 = vector.shape_cast %broadcast_in_dim3A_306 : vector<16x1xi32> to vector<16xi32>
        %gather3A_308 = tpu.dynamic_gather %exp3A[%gather3A_307] in [0] : vector<16xf32>, vector<16xi32> -> vector<16xf32>
        %get3A_309 = arith.index_cast %add3A_278 : i32 to index
        %get3A_310 = arith.constant 16 : index
        %get3A_311 = tpu.vector_load %arg15[%get3A_309, %get3A_310] {strides = array<i32>} : memref<128x64xf32, #tpu.memory_space<vmem>>, vector<1x16xf32>,
        %get3A_312 = vector.shape_cast %get3A_311 : vector<1x16xf32> to vector<16xf32>
        %mul3A_313 = arith.mulf %gather3A_308, %get3A_312 : vector<16xf32>
        %swap3A_314 = arith.index_cast %add3A_278 : i32 to index
        %swap3A_315 = arith.constant 16 : index
        %swap3A_316 = tpu.vector_load %arg17[%swap3A_314, %swap3A_315] {strides = array<i32>} : memref<128x80xf32, #tpu.memory_space<vmem>>, vector<1x16xf32>,
        %swap3A_317 = vector.shape_cast %swap3A_316 : vector<1x16xf32> to vector<16xf32>
        %swap3A_318 = vector.shape_cast %mul3A_313 : vector<16xf32> to vector<1x16xf32>
        tpu.vector_store %arg17[%swap3A_314, %swap3A_315], %swap3A_318 {strides = array<i32>} : memref<128x80xf32, #tpu.memory_space<vmem>>, vector<1x16xf32>,
        %broadcast_in_dim3A_319 = vector.shape_cast %select_n3A_22 : vector<16xi32> to vector<16x1xi32>
        %gather3A_320 = vector.shape_cast %broadcast_in_dim3A_319 : vector<16x1xi32> to vector<16xi32>
        %gather3A_321 = tpu.dynamic_gather %exp3A[%gather3A_320] in [0] : vector<16xf32>, vector<16xi32> -> vector<16xf32>
        %get3A_322 = arith.index_cast %add3A_278 : i32 to index
        %get3A_323 = arith.constant 32 : index
        %get3A_324 = tpu.vector_load %arg15[%get3A_322, %get3A_323] {strides = array<i32>} : memref<128x64xf32, #tpu.memory_space<vmem>>, vector<1x16xf32>,
        %get3A_325 = vector.shape_cast %get3A_324 : vector<1x16xf32> to vector<16xf32>
        %mul3A_326 = arith.mulf %gather3A_321, %get3A_325 : vector<16xf32>
        %swap3A_327 = arith.index_cast %add3A_278 : i32 to index
        %swap3A_328 = arith.constant 32 : index
        %swap3A_329 = tpu.vector_load %arg17[%swap3A_327, %swap3A_328] {strides = array<i32>} : memref<128x80xf32, #tpu.memory_space<vmem>>, vector<1x16xf32>,
        %swap3A_330 = vector.shape_cast %swap3A_329 : vector<1x16xf32> to vector<16xf32>
        %swap3A_331 = vector.shape_cast %mul3A_326 : vector<16xf32> to vector<1x16xf32>
        tpu.vector_store %arg17[%swap3A_327, %swap3A_328], %swap3A_331 {strides = array<i32>} : memref<128x80xf32, #tpu.memory_space<vmem>>, vector<1x16xf32>,
        %broadcast_in_dim3A_332 = vector.shape_cast %select_n3A_30 : vector<16xi32> to vector<16x1xi32>
        %gather3A_333 = vector.shape_cast %broadcast_in_dim3A_332 : vector<16x1xi32> to vector<16xi32>
        %gather3A_334 = tpu.dynamic_gather %exp3A[%gather3A_333] in [0] : vector<16xf32>, vector<16xi32> -> vector<16xf32>
        %get3A_335 = arith.index_cast %add3A_278 : i32 to index
        %get3A_336 = arith.constant 48 : index
        %get3A_337 = tpu.vector_load %arg15[%get3A_335, %get3A_336] {strides = array<i32>} : memref<128x64xf32, #tpu.memory_space<vmem>>, vector<1x16xf32>,
        %get3A_338 = vector.shape_cast %get3A_337 : vector<1x16xf32> to vector<16xf32>
        %mul3A_339 = arith.mulf %gather3A_334, %get3A_338 : vector<16xf32>
        %swap3A_340 = arith.index_cast %add3A_278 : i32 to index
        %swap3A_341 = arith.constant 48 : index
        %swap3A_342 = tpu.vector_load %arg17[%swap3A_340, %swap3A_341] {strides = array<i32>} : memref<128x80xf32, #tpu.memory_space<vmem>>, vector<1x16xf32>,
        %swap3A_343 = vector.shape_cast %swap3A_342 : vector<1x16xf32> to vector<16xf32>
        %swap3A_344 = vector.shape_cast %mul3A_339 : vector<16xf32> to vector<1x16xf32>
        tpu.vector_store %arg17[%swap3A_340, %swap3A_341], %swap3A_344 {strides = array<i32>} : memref<128x80xf32, #tpu.memory_space<vmem>>, vector<1x16xf32>,
        %mul3A_345 = arith.constant 4 : i32
        %mul3A_346 = arith.muli %mul3A_345, %scan3A_274 : i32
        %add3A_347 = arith.constant 1 : i32
        %add3A_348 = arith.addi %mul3A_346, %add3A_347 : i32
        %get3A_349 = arith.index_cast %add3A_348 : i32 to index
        %get3A_350 = arith.constant 0 : index
        %get3A_351 = tpu.vector_load %arg11[%get3A_349, %get3A_350] {strides = array<i32>} : memref<128x16xf32, #tpu.memory_space<vmem>>, vector<1x16xf32>,
        %get3A_352 = vector.shape_cast %get3A_351 : vector<1x16xf32> to vector<16xf32>
        %get3A_353 = arith.index_cast %add3A_348 : i32 to index
        %get3A_354 = arith.constant 0 : index
        %get3A_355 = tpu.vector_load %arg13[%get3A_353, %get3A_354] {strides = array<i32>} : memref<128x16xf32, #tpu.memory_space<vmem>>, vector<1x16xf32>,
        %get3A_356 = vector.shape_cast %get3A_355 : vector<1x16xf32> to vector<16xf32>
        %add3A_357 = arith.addf %get3A_352, %get3A_356 : vector<16xf32>
        %mul3A_358 = arith.constant 2.000000e-01 : f32
        %mul3A_359 = vector.broadcast %mul3A_358 : f32 to vector<16xf32>
        %mul3A_360 = arith.mulf %mul3A_359, %add3A_357 : vector<16xf32>
        %max3A_361 = arith.maximumf %add3A_357, %mul3A_360 : vector<16xf32>
        %exp3A_362 = math.exp %max3A_361 : vector<16xf32>
        %swap3A_363 = arith.index_cast %add3A_348 : i32 to index
        %swap3A_364 = arith.constant 64 : index
        %swap3A_365 = tpu.vector_load %arg17[%swap3A_363, %swap3A_364] {strides = array<i32>} : memref<128x80xf32, #tpu.memory_space<vmem>>, vector<1x16xf32>,
        %swap3A_366 = vector.shape_cast %swap3A_365 : vector<1x16xf32> to vector<16xf32>
        %swap3A_367 = vector.shape_cast %exp3A_362 : vector<16xf32> to vector<1x16xf32>
        tpu.vector_store %arg17[%swap3A_363, %swap3A_364], %swap3A_367 {strides = array<i32>} : memref<128x80xf32, #tpu.memory_space<vmem>>, vector<1x16xf32>,
        %broadcast_in_dim3A_368 = vector.shape_cast %select_n3A : vector<16xi32> to vector<16x1xi32>
        %gather3A_369 = vector.shape_cast %broadcast_in_dim3A_368 : vector<16x1xi32> to vector<16xi32>
        %gather3A_370 = tpu.dynamic_gather %exp3A_362[%gather3A_369] in [0] : vector<16xf32>, vector<16xi32> -> vector<16xf32>
        %get3A_371 = arith.index_cast %add3A_348 : i32 to index
        %get3A_372 = arith.constant 0 : index
        %get3A_373 = tpu.vector_load %arg15[%get3A_371, %get3A_372] {strides = array<i32>} : memref<128x64xf32, #tpu.memory_space<vmem>>, vector<1x16xf32>,
        %get3A_374 = vector.shape_cast %get3A_373 : vector<1x16xf32> to vector<16xf32>
        %mul3A_375 = arith.mulf %gather3A_370, %get3A_374 : vector<16xf32>
        %swap3A_376 = arith.index_cast %add3A_348 : i32 to index
        %swap3A_377 = arith.constant 0 : index
        %swap3A_378 = tpu.vector_load %arg17[%swap3A_376, %swap3A_377] {strides = array<i32>} : memref<128x80xf32, #tpu.memory_space<vmem>>, vector<1x16xf32>,
        %swap3A_379 = vector.shape_cast %swap3A_378 : vector<1x16xf32> to vector<16xf32>
        %swap3A_380 = vector.shape_cast %mul3A_375 : vector<16xf32> to vector<1x16xf32>
        tpu.vector_store %arg17[%swap3A_376, %swap3A_377], %swap3A_380 {strides = array<i32>} : memref<128x80xf32, #tpu.memory_space<vmem>>, vector<1x16xf32>,
        %broadcast_in_dim3A_381 = vector.shape_cast %select_n3A_14 : vector<16xi32> to vector<16x1xi32>
        %gather3A_382 = vector.shape_cast %broadcast_in_dim3A_381 : vector<16x1xi32> to vector<16xi32>
        %gather3A_383 = tpu.dynamic_gather %exp3A_362[%gather3A_382] in [0] : vector<16xf32>, vector<16xi32> -> vector<16xf32>
        %get3A_384 = arith.index_cast %add3A_348 : i32 to index
        %get3A_385 = arith.constant 16 : index
        %get3A_386 = tpu.vector_load %arg15[%get3A_384, %get3A_385] {strides = array<i32>} : memref<128x64xf32, #tpu.memory_space<vmem>>, vector<1x16xf32>,
        %get3A_387 = vector.shape_cast %get3A_386 : vector<1x16xf32> to vector<16xf32>
        %mul3A_388 = arith.mulf %gather3A_383, %get3A_387 : vector<16xf32>
        %swap3A_389 = arith.index_cast %add3A_348 : i32 to index
        %swap3A_390 = arith.constant 16 : index
        %swap3A_391 = tpu.vector_load %arg17[%swap3A_389, %swap3A_390] {strides = array<i32>} : memref<128x80xf32, #tpu.memory_space<vmem>>, vector<1x16xf32>,
        %swap3A_392 = vector.shape_cast %swap3A_391 : vector<1x16xf32> to vector<16xf32>
        %swap3A_393 = vector.shape_cast %mul3A_388 : vector<16xf32> to vector<1x16xf32>
        tpu.vector_store %arg17[%swap3A_389, %swap3A_390], %swap3A_393 {strides = array<i32>} : memref<128x80xf32, #tpu.memory_space<vmem>>, vector<1x16xf32>,
        %broadcast_in_dim3A_394 = vector.shape_cast %select_n3A_22 : vector<16xi32> to vector<16x1xi32>
        %gather3A_395 = vector.shape_cast %broadcast_in_dim3A_394 : vector<16x1xi32> to vector<16xi32>
        %gather3A_396 = tpu.dynamic_gather %exp3A_362[%gather3A_395] in [0] : vector<16xf32>, vector<16xi32> -> vector<16xf32>
        %get3A_397 = arith.index_cast %add3A_348 : i32 to index
        %get3A_398 = arith.constant 32 : index
        %get3A_399 = tpu.vector_load %arg15[%get3A_397, %get3A_398] {strides = array<i32>} : memref<128x64xf32, #tpu.memory_space<vmem>>, vector<1x16xf32>,
        %get3A_400 = vector.shape_cast %get3A_399 : vector<1x16xf32> to vector<16xf32>
        %mul3A_401 = arith.mulf %gather3A_396, %get3A_400 : vector<16xf32>
        %swap3A_402 = arith.index_cast %add3A_348 : i32 to index
        %swap3A_403 = arith.constant 32 : index
        %swap3A_404 = tpu.vector_load %arg17[%swap3A_402, %swap3A_403] {strides = array<i32>} : memref<128x80xf32, #tpu.memory_space<vmem>>, vector<1x16xf32>,
        %swap3A_405 = vector.shape_cast %swap3A_404 : vector<1x16xf32> to vector<16xf32>
        %swap3A_406 = vector.shape_cast %mul3A_401 : vector<16xf32> to vector<1x16xf32>
        tpu.vector_store %arg17[%swap3A_402, %swap3A_403], %swap3A_406 {strides = array<i32>} : memref<128x80xf32, #tpu.memory_space<vmem>>, vector<1x16xf32>,
        %broadcast_in_dim3A_407 = vector.shape_cast %select_n3A_30 : vector<16xi32> to vector<16x1xi32>
        %gather3A_408 = vector.shape_cast %broadcast_in_dim3A_407 : vector<16x1xi32> to vector<16xi32>
        %gather3A_409 = tpu.dynamic_gather %exp3A_362[%gather3A_408] in [0] : vector<16xf32>, vector<16xi32> -> vector<16xf32>
        %get3A_410 = arith.index_cast %add3A_348 : i32 to index
        %get3A_411 = arith.constant 48 : index
        %get3A_412 = tpu.vector_load %arg15[%get3A_410, %get3A_411] {strides = array<i32>} : memref<128x64xf32, #tpu.memory_space<vmem>>, vector<1x16xf32>,
        %get3A_413 = vector.shape_cast %get3A_412 : vector<1x16xf32> to vector<16xf32>
        %mul3A_414 = arith.mulf %gather3A_409, %get3A_413 : vector<16xf32>
        %swap3A_415 = arith.index_cast %add3A_348 : i32 to index
        %swap3A_416 = arith.constant 48 : index
        %swap3A_417 = tpu.vector_load %arg17[%swap3A_415, %swap3A_416] {strides = array<i32>} : memref<128x80xf32, #tpu.memory_space<vmem>>, vector<1x16xf32>,
        %swap3A_418 = vector.shape_cast %swap3A_417 : vector<1x16xf32> to vector<16xf32>
        %swap3A_419 = vector.shape_cast %mul3A_414 : vector<16xf32> to vector<1x16xf32>
        tpu.vector_store %arg17[%swap3A_415, %swap3A_416], %swap3A_419 {strides = array<i32>} : memref<128x80xf32, #tpu.memory_space<vmem>>, vector<1x16xf32>,
        %mul3A_420 = arith.constant 4 : i32
        %mul3A_421 = arith.muli %mul3A_420, %scan3A_274 : i32
        %add3A_422 = arith.constant 2 : i32
        %add3A_423 = arith.addi %mul3A_421, %add3A_422 : i32
        %get3A_424 = arith.index_cast %add3A_423 : i32 to index
        %get3A_425 = arith.constant 0 : index
        %get3A_426 = tpu.vector_load %arg11[%get3A_424, %get3A_425] {strides = array<i32>} : memref<128x16xf32, #tpu.memory_space<vmem>>, vector<1x16xf32>,
        %get3A_427 = vector.shape_cast %get3A_426 : vector<1x16xf32> to vector<16xf32>
        %get3A_428 = arith.index_cast %add3A_423 : i32 to index
        %get3A_429 = arith.constant 0 : index
        %get3A_430 = tpu.vector_load %arg13[%get3A_428, %get3A_429] {strides = array<i32>} : memref<128x16xf32, #tpu.memory_space<vmem>>, vector<1x16xf32>,
        %get3A_431 = vector.shape_cast %get3A_430 : vector<1x16xf32> to vector<16xf32>
        %add3A_432 = arith.addf %get3A_427, %get3A_431 : vector<16xf32>
        %mul3A_433 = arith.constant 2.000000e-01 : f32
        %mul3A_434 = vector.broadcast %mul3A_433 : f32 to vector<16xf32>
        %mul3A_435 = arith.mulf %mul3A_434, %add3A_432 : vector<16xf32>
        %max3A_436 = arith.maximumf %add3A_432, %mul3A_435 : vector<16xf32>
        %exp3A_437 = math.exp %max3A_436 : vector<16xf32>
        %swap3A_438 = arith.index_cast %add3A_423 : i32 to index
        %swap3A_439 = arith.constant 64 : index
        %swap3A_440 = tpu.vector_load %arg17[%swap3A_438, %swap3A_439] {strides = array<i32>} : memref<128x80xf32, #tpu.memory_space<vmem>>, vector<1x16xf32>,
        %swap3A_441 = vector.shape_cast %swap3A_440 : vector<1x16xf32> to vector<16xf32>
        %swap3A_442 = vector.shape_cast %exp3A_437 : vector<16xf32> to vector<1x16xf32>
        tpu.vector_store %arg17[%swap3A_438, %swap3A_439], %swap3A_442 {strides = array<i32>} : memref<128x80xf32, #tpu.memory_space<vmem>>, vector<1x16xf32>,
        %broadcast_in_dim3A_443 = vector.shape_cast %select_n3A : vector<16xi32> to vector<16x1xi32>
        %gather3A_444 = vector.shape_cast %broadcast_in_dim3A_443 : vector<16x1xi32> to vector<16xi32>
        %gather3A_445 = tpu.dynamic_gather %exp3A_437[%gather3A_444] in [0] : vector<16xf32>, vector<16xi32> -> vector<16xf32>
        %get3A_446 = arith.index_cast %add3A_423 : i32 to index
        %get3A_447 = arith.constant 0 : index
        %get3A_448 = tpu.vector_load %arg15[%get3A_446, %get3A_447] {strides = array<i32>} : memref<128x64xf32, #tpu.memory_space<vmem>>, vector<1x16xf32>,
        %get3A_449 = vector.shape_cast %get3A_448 : vector<1x16xf32> to vector<16xf32>
        %mul3A_450 = arith.mulf %gather3A_445, %get3A_449 : vector<16xf32>
        %swap3A_451 = arith.index_cast %add3A_423 : i32 to index
        %swap3A_452 = arith.constant 0 : index
        %swap3A_453 = tpu.vector_load %arg17[%swap3A_451, %swap3A_452] {strides = array<i32>} : memref<128x80xf32, #tpu.memory_space<vmem>>, vector<1x16xf32>,
        %swap3A_454 = vector.shape_cast %swap3A_453 : vector<1x16xf32> to vector<16xf32>
        %swap3A_455 = vector.shape_cast %mul3A_450 : vector<16xf32> to vector<1x16xf32>
        tpu.vector_store %arg17[%swap3A_451, %swap3A_452], %swap3A_455 {strides = array<i32>} : memref<128x80xf32, #tpu.memory_space<vmem>>, vector<1x16xf32>,
        %broadcast_in_dim3A_456 = vector.shape_cast %select_n3A_14 : vector<16xi32> to vector<16x1xi32>
        %gather3A_457 = vector.shape_cast %broadcast_in_dim3A_456 : vector<16x1xi32> to vector<16xi32>
        %gather3A_458 = tpu.dynamic_gather %exp3A_437[%gather3A_457] in [0] : vector<16xf32>, vector<16xi32> -> vector<16xf32>
        %get3A_459 = arith.index_cast %add3A_423 : i32 to index
        %get3A_460 = arith.constant 16 : index
        %get3A_461 = tpu.vector_load %arg15[%get3A_459, %get3A_460] {strides = array<i32>} : memref<128x64xf32, #tpu.memory_space<vmem>>, vector<1x16xf32>,
        %get3A_462 = vector.shape_cast %get3A_461 : vector<1x16xf32> to vector<16xf32>
        %mul3A_463 = arith.mulf %gather3A_458, %get3A_462 : vector<16xf32>
        %swap3A_464 = arith.index_cast %add3A_423 : i32 to index
        %swap3A_465 = arith.constant 16 : index
        %swap3A_466 = tpu.vector_load %arg17[%swap3A_464, %swap3A_465] {strides = array<i32>} : memref<128x80xf32, #tpu.memory_space<vmem>>, vector<1x16xf32>,
        %swap3A_467 = vector.shape_cast %swap3A_466 : vector<1x16xf32> to vector<16xf32>
        %swap3A_468 = vector.shape_cast %mul3A_463 : vector<16xf32> to vector<1x16xf32>
        tpu.vector_store %arg17[%swap3A_464, %swap3A_465], %swap3A_468 {strides = array<i32>} : memref<128x80xf32, #tpu.memory_space<vmem>>, vector<1x16xf32>,
        %broadcast_in_dim3A_469 = vector.shape_cast %select_n3A_22 : vector<16xi32> to vector<16x1xi32>
        %gather3A_470 = vector.shape_cast %broadcast_in_dim3A_469 : vector<16x1xi32> to vector<16xi32>
        %gather3A_471 = tpu.dynamic_gather %exp3A_437[%gather3A_470] in [0] : vector<16xf32>, vector<16xi32> -> vector<16xf32>
        %get3A_472 = arith.index_cast %add3A_423 : i32 to index
        %get3A_473 = arith.constant 32 : index
        %get3A_474 = tpu.vector_load %arg15[%get3A_472, %get3A_473] {strides = array<i32>} : memref<128x64xf32, #tpu.memory_space<vmem>>, vector<1x16xf32>,
        %get3A_475 = vector.shape_cast %get3A_474 : vector<1x16xf32> to vector<16xf32>
        %mul3A_476 = arith.mulf %gather3A_471, %get3A_475 : vector<16xf32>
        %swap3A_477 = arith.index_cast %add3A_423 : i32 to index
        %swap3A_478 = arith.constant 32 : index
        %swap3A_479 = tpu.vector_load %arg17[%swap3A_477, %swap3A_478] {strides = array<i32>} : memref<128x80xf32, #tpu.memory_space<vmem>>, vector<1x16xf32>,
        %swap3A_480 = vector.shape_cast %swap3A_479 : vector<1x16xf32> to vector<16xf32>
        %swap3A_481 = vector.shape_cast %mul3A_476 : vector<16xf32> to vector<1x16xf32>
        tpu.vector_store %arg17[%swap3A_477, %swap3A_478], %swap3A_481 {strides = array<i32>} : memref<128x80xf32, #tpu.memory_space<vmem>>, vector<1x16xf32>,
        %broadcast_in_dim3A_482 = vector.shape_cast %select_n3A_30 : vector<16xi32> to vector<16x1xi32>
        %gather3A_483 = vector.shape_cast %broadcast_in_dim3A_482 : vector<16x1xi32> to vector<16xi32>
        %gather3A_484 = tpu.dynamic_gather %exp3A_437[%gather3A_483] in [0] : vector<16xf32>, vector<16xi32> -> vector<16xf32>
        %get3A_485 = arith.index_cast %add3A_423 : i32 to index
        %get3A_486 = arith.constant 48 : index
        %get3A_487 = tpu.vector_load %arg15[%get3A_485, %get3A_486] {strides = array<i32>} : memref<128x64xf32, #tpu.memory_space<vmem>>, vector<1x16xf32>,
        %get3A_488 = vector.shape_cast %get3A_487 : vector<1x16xf32> to vector<16xf32>
        %mul3A_489 = arith.mulf %gather3A_484, %get3A_488 : vector<16xf32>
        %swap3A_490 = arith.index_cast %add3A_423 : i32 to index
        %swap3A_491 = arith.constant 48 : index
        %swap3A_492 = tpu.vector_load %arg17[%swap3A_490, %swap3A_491] {strides = array<i32>} : memref<128x80xf32, #tpu.memory_space<vmem>>, vector<1x16xf32>,
        %swap3A_493 = vector.shape_cast %swap3A_492 : vector<1x16xf32> to vector<16xf32>
        %swap3A_494 = vector.shape_cast %mul3A_489 : vector<16xf32> to vector<1x16xf32>
        tpu.vector_store %arg17[%swap3A_490, %swap3A_491], %swap3A_494 {strides = array<i32>} : memref<128x80xf32, #tpu.memory_space<vmem>>, vector<1x16xf32>,
        %mul3A_495 = arith.constant 4 : i32
        %mul3A_496 = arith.muli %mul3A_495, %scan3A_274 : i32
        %add3A_497 = arith.constant 3 : i32
        %add3A_498 = arith.addi %mul3A_496, %add3A_497 : i32
        %get3A_499 = arith.index_cast %add3A_498 : i32 to index
        %get3A_500 = arith.constant 0 : index
        %get3A_501 = tpu.vector_load %arg11[%get3A_499, %get3A_500] {strides = array<i32>} : memref<128x16xf32, #tpu.memory_space<vmem>>, vector<1x16xf32>,
        %get3A_502 = vector.shape_cast %get3A_501 : vector<1x16xf32> to vector<16xf32>
        %get3A_503 = arith.index_cast %add3A_498 : i32 to index
        %get3A_504 = arith.constant 0 : index
        %get3A_505 = tpu.vector_load %arg13[%get3A_503, %get3A_504] {strides = array<i32>} : memref<128x16xf32, #tpu.memory_space<vmem>>, vector<1x16xf32>,
        %get3A_506 = vector.shape_cast %get3A_505 : vector<1x16xf32> to vector<16xf32>
        %add3A_507 = arith.addf %get3A_502, %get3A_506 : vector<16xf32>
        %mul3A_508 = arith.constant 2.000000e-01 : f32
        %mul3A_509 = vector.broadcast %mul3A_508 : f32 to vector<16xf32>
        %mul3A_510 = arith.mulf %mul3A_509, %add3A_507 : vector<16xf32>
        %max3A_511 = arith.maximumf %add3A_507, %mul3A_510 : vector<16xf32>
        %exp3A_512 = math.exp %max3A_511 : vector<16xf32>
        %swap3A_513 = arith.index_cast %add3A_498 : i32 to index
        %swap3A_514 = arith.constant 64 : index
        %swap3A_515 = tpu.vector_load %arg17[%swap3A_513, %swap3A_514] {strides = array<i32>} : memref<128x80xf32, #tpu.memory_space<vmem>>, vector<1x16xf32>,
        %swap3A_516 = vector.shape_cast %swap3A_515 : vector<1x16xf32> to vector<16xf32>
        %swap3A_517 = vector.shape_cast %exp3A_512 : vector<16xf32> to vector<1x16xf32>
        tpu.vector_store %arg17[%swap3A_513, %swap3A_514], %swap3A_517 {strides = array<i32>} : memref<128x80xf32, #tpu.memory_space<vmem>>, vector<1x16xf32>,
        %broadcast_in_dim3A_518 = vector.shape_cast %select_n3A : vector<16xi32> to vector<16x1xi32>
        %gather3A_519 = vector.shape_cast %broadcast_in_dim3A_518 : vector<16x1xi32> to vector<16xi32>
        %gather3A_520 = tpu.dynamic_gather %exp3A_512[%gather3A_519] in [0] : vector<16xf32>, vector<16xi32> -> vector<16xf32>
        %get3A_521 = arith.index_cast %add3A_498 : i32 to index
        %get3A_522 = arith.constant 0 : index
        %get3A_523 = tpu.vector_load %arg15[%get3A_521, %get3A_522] {strides = array<i32>} : memref<128x64xf32, #tpu.memory_space<vmem>>, vector<1x16xf32>,
        %get3A_524 = vector.shape_cast %get3A_523 : vector<1x16xf32> to vector<16xf32>
        %mul3A_525 = arith.mulf %gather3A_520, %get3A_524 : vector<16xf32>
        %swap3A_526 = arith.index_cast %add3A_498 : i32 to index
        %swap3A_527 = arith.constant 0 : index
        %swap3A_528 = tpu.vector_load %arg17[%swap3A_526, %swap3A_527] {strides = array<i32>} : memref<128x80xf32, #tpu.memory_space<vmem>>, vector<1x16xf32>,
        %swap3A_529 = vector.shape_cast %swap3A_528 : vector<1x16xf32> to vector<16xf32>
        %swap3A_530 = vector.shape_cast %mul3A_525 : vector<16xf32> to vector<1x16xf32>
        tpu.vector_store %arg17[%swap3A_526, %swap3A_527], %swap3A_530 {strides = array<i32>} : memref<128x80xf32, #tpu.memory_space<vmem>>, vector<1x16xf32>,
        %broadcast_in_dim3A_531 = vector.shape_cast %select_n3A_14 : vector<16xi32> to vector<16x1xi32>
        %gather3A_532 = vector.shape_cast %broadcast_in_dim3A_531 : vector<16x1xi32> to vector<16xi32>
        %gather3A_533 = tpu.dynamic_gather %exp3A_512[%gather3A_532] in [0] : vector<16xf32>, vector<16xi32> -> vector<16xf32>
        %get3A_534 = arith.index_cast %add3A_498 : i32 to index
        %get3A_535 = arith.constant 16 : index
        %get3A_536 = tpu.vector_load %arg15[%get3A_534, %get3A_535] {strides = array<i32>} : memref<128x64xf32, #tpu.memory_space<vmem>>, vector<1x16xf32>,
        %get3A_537 = vector.shape_cast %get3A_536 : vector<1x16xf32> to vector<16xf32>
        %mul3A_538 = arith.mulf %gather3A_533, %get3A_537 : vector<16xf32>
        %swap3A_539 = arith.index_cast %add3A_498 : i32 to index
        %swap3A_540 = arith.constant 16 : index
        %swap3A_541 = tpu.vector_load %arg17[%swap3A_539, %swap3A_540] {strides = array<i32>} : memref<128x80xf32, #tpu.memory_space<vmem>>, vector<1x16xf32>,
        %swap3A_542 = vector.shape_cast %swap3A_541 : vector<1x16xf32> to vector<16xf32>
        %swap3A_543 = vector.shape_cast %mul3A_538 : vector<16xf32> to vector<1x16xf32>
        tpu.vector_store %arg17[%swap3A_539, %swap3A_540], %swap3A_543 {strides = array<i32>} : memref<128x80xf32, #tpu.memory_space<vmem>>, vector<1x16xf32>,
        %broadcast_in_dim3A_544 = vector.shape_cast %select_n3A_22 : vector<16xi32> to vector<16x1xi32>
        %gather3A_545 = vector.shape_cast %broadcast_in_dim3A_544 : vector<16x1xi32> to vector<16xi32>
        %gather3A_546 = tpu.dynamic_gather %exp3A_512[%gather3A_545] in [0] : vector<16xf32>, vector<16xi32> -> vector<16xf32>
        %get3A_547 = arith.index_cast %add3A_498 : i32 to index
        %get3A_548 = arith.constant 32 : index
        %get3A_549 = tpu.vector_load %arg15[%get3A_547, %get3A_548] {strides = array<i32>} : memref<128x64xf32, #tpu.memory_space<vmem>>, vector<1x16xf32>,
        %get3A_550 = vector.shape_cast %get3A_549 : vector<1x16xf32> to vector<16xf32>
        %mul3A_551 = arith.mulf %gather3A_546, %get3A_550 : vector<16xf32>
        %swap3A_552 = arith.index_cast %add3A_498 : i32 to index
        %swap3A_553 = arith.constant 32 : index
        %swap3A_554 = tpu.vector_load %arg17[%swap3A_552, %swap3A_553] {strides = array<i32>} : memref<128x80xf32, #tpu.memory_space<vmem>>, vector<1x16xf32>,
        %swap3A_555 = vector.shape_cast %swap3A_554 : vector<1x16xf32> to vector<16xf32>
        %swap3A_556 = vector.shape_cast %mul3A_551 : vector<16xf32> to vector<1x16xf32>
        tpu.vector_store %arg17[%swap3A_552, %swap3A_553], %swap3A_556 {strides = array<i32>} : memref<128x80xf32, #tpu.memory_space<vmem>>, vector<1x16xf32>,
        %broadcast_in_dim3A_557 = vector.shape_cast %select_n3A_30 : vector<16xi32> to vector<16x1xi32>
        %gather3A_558 = vector.shape_cast %broadcast_in_dim3A_557 : vector<16x1xi32> to vector<16xi32>
        %gather3A_559 = tpu.dynamic_gather %exp3A_512[%gather3A_558] in [0] : vector<16xf32>, vector<16xi32> -> vector<16xf32>
        %get3A_560 = arith.index_cast %add3A_498 : i32 to index
        %get3A_561 = arith.constant 48 : index
        %get3A_562 = tpu.vector_load %arg15[%get3A_560, %get3A_561] {strides = array<i32>} : memref<128x64xf32, #tpu.memory_space<vmem>>, vector<1x16xf32>,
        %get3A_563 = vector.shape_cast %get3A_562 : vector<1x16xf32> to vector<16xf32>
        %mul3A_564 = arith.mulf %gather3A_559, %get3A_563 : vector<16xf32>
        %swap3A_565 = arith.index_cast %add3A_498 : i32 to index
        %swap3A_566 = arith.constant 48 : index
        %swap3A_567 = tpu.vector_load %arg17[%swap3A_565, %swap3A_566] {strides = array<i32>} : memref<128x80xf32, #tpu.memory_space<vmem>>, vector<1x16xf32>,
        %swap3A_568 = vector.shape_cast %swap3A_567 : vector<1x16xf32> to vector<16xf32>
        %swap3A_569 = vector.shape_cast %mul3A_564 : vector<16xf32> to vector<1x16xf32>
        tpu.vector_store %arg17[%swap3A_565, %swap3A_566], %swap3A_569 {strides = array<i32>} : memref<128x80xf32, #tpu.memory_space<vmem>>, vector<1x16xf32>,
      }
      %scan3A_213 = arith.constant 32 : i32
      %sub3A = arith.constant 1 : i32
      %sub3A_214 = arith.subi %mul3A_183, %sub3A : i32
      %dma_wait3A_215 = arith.constant 0 : i32
      %dma_wait3A_216 = tpu.memref_slice %arg10[%sub3A_214, %dma_wait3A_215] : memref<80x128xi32, #tpu.memory_space<vmem>> -> memref<1x128xi32, #tpu.memory_space<vmem>>
      %dma_wait3A_217 = tpu.memref_squeeze %dma_wait3A_216 : memref<1x128xi32, #tpu.memory_space<vmem>> -> memref<128xi32, #tpu.memory_space<vmem>>
      %dma_wait3A_218 = arith.constant 0 : i32
      %dma_wait3A_219 = arith.constant 0 : i32
      %dma_wait3A_220 = tpu.memref_slice %arg19[%dma_wait3A_218, %dma_wait3A_219] : memref<10112x80xf32, #tpu.memory_space<vmem_shared>> -> memref<10112x80xf32, #tpu.memory_space<vmem_shared>>
      tpu.wait_indirect_dma semaphore(%arg23 : memref<!tpu.dma_semaphore, #tpu.memory_space<semaphore_mem>>) src(%arg18 : memref<128x80xf32, #tpu.memory_space<vmem>>) dst(%dma_wait3A_220 : memref<10112x80xf32, #tpu.memory_space<vmem_shared>>)
      %dma_start3A_221 = arith.constant 0 : i32
      %dma_start3A_222 = tpu.memref_slice %arg10[%mul3A_183, %dma_start3A_221] : memref<80x128xi32, #tpu.memory_space<vmem>> -> memref<1x128xi32, #tpu.memory_space<vmem>>
      %dma_start3A_223 = tpu.memref_squeeze %dma_start3A_222 : memref<1x128xi32, #tpu.memory_space<vmem>> -> memref<128xi32, #tpu.memory_space<vmem>>
      %dma_start3A_224 = arith.constant 0 : i32
      %dma_start3A_225 = arith.constant 0 : i32
      %dma_start3A_226 = tpu.memref_slice %arg19[%dma_start3A_224, %dma_start3A_225] : memref<10112x80xf32, #tpu.memory_space<vmem_shared>> -> memref<10112x80xf32, #tpu.memory_space<vmem_shared>>
      tpu.enqueue_indirect_dma source(%arg17 : memref<128x80xf32, #tpu.memory_space<vmem>>) target(%dma_start3A_226 : memref<10112x80xf32, #tpu.memory_space<vmem_shared>>) offsets(%dma_start3A_223 : memref<128xi32, #tpu.memory_space<vmem>>) semaphore(%arg22 : memref<!tpu.dma_semaphore, #tpu.memory_space<semaphore_mem>>) {add = true}
      %add3A_227 = arith.constant 1 : i32
      %add3A_228 = arith.addi %mul3A_183, %add3A_227 : i32
      %dma_wait3A_229 = arith.constant 0 : i32
      %dma_wait3A_230 = tpu.memref_slice %arg9[%add3A_228, %dma_wait3A_229] : memref<80x128xi32, #tpu.memory_space<vmem>> -> memref<1x128xi32, #tpu.memory_space<vmem>>
      %dma_wait3A_231 = tpu.memref_squeeze %dma_wait3A_230 : memref<1x128xi32, #tpu.memory_space<vmem>> -> memref<128xi32, #tpu.memory_space<vmem>>
      %dma_wait3A_232 = arith.constant 0 : i32
      %dma_wait3A_233 = arith.constant 0 : i32
      %dma_wait3A_234 = tpu.memref_slice %arg4[%dma_wait3A_232, %dma_wait3A_233] : memref<10000x16xf32, #tpu.memory_space<hbm>> -> memref<10000x16xf32, #tpu.memory_space<hbm>>
      tpu.wait_indirect_dma semaphore(%arg21 : memref<!tpu.dma_semaphore, #tpu.memory_space<semaphore_mem>>) src(%dma_wait3A_234 : memref<10000x16xf32, #tpu.memory_space<hbm>>) dst(%arg12 : memref<128x16xf32, #tpu.memory_space<vmem>>)
      %dma_wait3A_235 = arith.constant 0 : i32
      %dma_wait3A_236 = tpu.memref_slice %arg10[%add3A_228, %dma_wait3A_235] : memref<80x128xi32, #tpu.memory_space<vmem>> -> memref<1x128xi32, #tpu.memory_space<vmem>>
      %dma_wait3A_237 = tpu.memref_squeeze %dma_wait3A_236 : memref<1x128xi32, #tpu.memory_space<vmem>> -> memref<128xi32, #tpu.memory_space<vmem>>
      %dma_wait3A_238 = arith.constant 0 : i32
      %dma_wait3A_239 = arith.constant 0 : i32
      %dma_wait3A_240 = tpu.memref_slice %arg5[%dma_wait3A_238, %dma_wait3A_239] : memref<10112x16xf32, #tpu.memory_space<hbm>> -> memref<10112x16xf32, #tpu.memory_space<hbm>>
      tpu.wait_indirect_dma semaphore(%arg21 : memref<!tpu.dma_semaphore, #tpu.memory_space<semaphore_mem>>) src(%dma_wait3A_240 : memref<10112x16xf32, #tpu.memory_space<hbm>>) dst(%arg14 : memref<128x16xf32, #tpu.memory_space<vmem>>)
      %dma_wait3A_241 = arith.constant 0 : i32
      %dma_wait3A_242 = tpu.memref_slice %arg9[%add3A_228, %dma_wait3A_241] : memref<80x128xi32, #tpu.memory_space<vmem>> -> memref<1x128xi32, #tpu.memory_space<vmem>>
      %dma_wait3A_243 = tpu.memref_squeeze %dma_wait3A_242 : memref<1x128xi32, #tpu.memory_space<vmem>> -> memref<128xi32, #tpu.memory_space<vmem>>
      %dma_wait3A_244 = arith.constant 0 : i32
      %dma_wait3A_245 = arith.constant 0 : i32
      %dma_wait3A_246 = tpu.memref_slice %arg6[%dma_wait3A_244, %dma_wait3A_245] : memref<10000x64xf32, #tpu.memory_space<hbm>> -> memref<10000x64xf32, #tpu.memory_space<hbm>>
      tpu.wait_indirect_dma semaphore(%arg21 : memref<!tpu.dma_semaphore, #tpu.memory_space<semaphore_mem>>) src(%dma_wait3A_246 : memref<10000x64xf32, #tpu.memory_space<hbm>>) dst(%arg16 : memref<128x64xf32, #tpu.memory_space<vmem>>)
      %add3A_247 = arith.constant 1 : i32
      %add3A_248 = arith.addi %add3A_228, %add3A_247 : i32
      %lt3A_249 = arith.constant 80 : i32
      %lt3A_250 = arith.cmpi slt, %add3A_248, %lt3A_249 : i32
      %convert_element_type3A_251 = arith.extui %lt3A_250 : i1 to i32
      %cond3A_252 = arith.constant 0 : i32
      %cond3A_253 = arith.cmpi ne, %convert_element_type3A_251, %cond3A_252 : i32
      scf.if %cond3A_253 {
        %add3A_274 = arith.constant 1 : i32
        %add3A_275 = arith.addi %add3A_228, %add3A_274 : i32
        %dma_start3A_276 = arith.constant 0 : i32
        %dma_start3A_277 = tpu.memref_slice %arg9[%add3A_275, %dma_start3A_276] : memref<80x128xi32, #tpu.memory_space<vmem>> -> memref<1x128xi32, #tpu.memory_space<vmem>>
        %dma_start3A_278 = tpu.memref_squeeze %dma_start3A_277 : memref<1x128xi32, #tpu.memory_space<vmem>> -> memref<128xi32, #tpu.memory_space<vmem>>
        %dma_start3A_279 = arith.constant 0 : i32
        %dma_start3A_280 = arith.constant 0 : i32
        %dma_start3A_281 = tpu.memref_slice %arg4[%dma_start3A_279, %dma_start3A_280] : memref<10000x16xf32, #tpu.memory_space<hbm>> -> memref<10000x16xf32, #tpu.memory_space<hbm>>
        tpu.enqueue_indirect_dma source(%dma_start3A_281 : memref<10000x16xf32, #tpu.memory_space<hbm>>) target(%arg11 : memref<128x16xf32, #tpu.memory_space<vmem>>) offsets(%dma_start3A_278 : memref<128xi32, #tpu.memory_space<vmem>>) semaphore(%arg20 : memref<!tpu.dma_semaphore, #tpu.memory_space<semaphore_mem>>)
        %dma_start3A_282 = arith.constant 0 : i32
        %dma_start3A_283 = tpu.memref_slice %arg10[%add3A_275, %dma_start3A_282] : memref<80x128xi32, #tpu.memory_space<vmem>> -> memref<1x128xi32, #tpu.memory_space<vmem>>
        %dma_start3A_284 = tpu.memref_squeeze %dma_start3A_283 : memref<1x128xi32, #tpu.memory_space<vmem>> -> memref<128xi32, #tpu.memory_space<vmem>>
        %dma_start3A_285 = arith.constant 0 : i32
        %dma_start3A_286 = arith.constant 0 : i32
        %dma_start3A_287 = tpu.memref_slice %arg5[%dma_start3A_285, %dma_start3A_286] : memref<10112x16xf32, #tpu.memory_space<hbm>> -> memref<10112x16xf32, #tpu.memory_space<hbm>>
        tpu.enqueue_indirect_dma source(%dma_start3A_287 : memref<10112x16xf32, #tpu.memory_space<hbm>>) target(%arg13 : memref<128x16xf32, #tpu.memory_space<vmem>>) offsets(%dma_start3A_284 : memref<128xi32, #tpu.memory_space<vmem>>) semaphore(%arg20 : memref<!tpu.dma_semaphore, #tpu.memory_space<semaphore_mem>>)
        %dma_start3A_288 = arith.constant 0 : i32
        %dma_start3A_289 = tpu.memref_slice %arg9[%add3A_275, %dma_start3A_288] : memref<80x128xi32, #tpu.memory_space<vmem>> -> memref<1x128xi32, #tpu.memory_space<vmem>>
        %dma_start3A_290 = tpu.memref_squeeze %dma_start3A_289 : memref<1x128xi32, #tpu.memory_space<vmem>> -> memref<128xi32, #tpu.memory_space<vmem>>
        %dma_start3A_291 = arith.constant 0 : i32
        %dma_start3A_292 = arith.constant 0 : i32
        %dma_start3A_293 = tpu.memref_slice %arg6[%dma_start3A_291, %dma_start3A_292] : memref<10000x64xf32, #tpu.memory_space<hbm>> -> memref<10000x64xf32, #tpu.memory_space<hbm>>
        tpu.enqueue_indirect_dma source(%dma_start3A_293 : memref<10000x64xf32, #tpu.memory_space<hbm>>) target(%arg15 : memref<128x64xf32, #tpu.memory_space<vmem>>) offsets(%dma_start3A_290 : memref<128xi32, #tpu.memory_space<vmem>>) semaphore(%arg20 : memref<!tpu.dma_semaphore, #tpu.memory_space<semaphore_mem>>)
      } else {
      }
      %scan3A_254 = arith.constant 0 : i32
      %scan3A_255 = arith.constant 0 : i32
      %scan3A_256 = arith.constant 32 : i32
      %scan3A_257 = arith.addi %scan3A_255, %scan3A_256 : i32
      %scan3A_258 = arith.constant 1 : i32
      scf.for %scan3A_274 = %scan3A_255 to %scan3A_257 step %scan3A_258  : i32 {
        %mul3A_275 = arith.constant 4 : i32
        %mul3A_276 = arith.muli %mul3A_275, %scan3A_274 : i32
        %add3A_277 = arith.constant 0 : i32
        %add3A_278 = arith.addi %mul3A_276, %add3A_277 : i32
        %get3A = arith.index_cast %add3A_278 : i32 to index
        %get3A_279 = arith.constant 0 : index
        %get3A_280 = tpu.vector_load %arg12[%get3A, %get3A_279] {strides = array<i32>} : memref<128x16xf32, #tpu.memory_space<vmem>>, vector<1x16xf32>,
        %get3A_281 = vector.shape_cast %get3A_280 : vector<1x16xf32> to vector<16xf32>
        %get3A_282 = arith.index_cast %add3A_278 : i32 to index
        %get3A_283 = arith.constant 0 : index
        %get3A_284 = tpu.vector_load %arg14[%get3A_282, %get3A_283] {strides = array<i32>} : memref<128x16xf32, #tpu.memory_space<vmem>>, vector<1x16xf32>,
        %get3A_285 = vector.shape_cast %get3A_284 : vector<1x16xf32> to vector<16xf32>
        %add3A_286 = arith.addf %get3A_281, %get3A_285 : vector<16xf32>
        %mul3A_287 = arith.constant 2.000000e-01 : f32
        %mul3A_288 = vector.broadcast %mul3A_287 : f32 to vector<16xf32>
        %mul3A_289 = arith.mulf %mul3A_288, %add3A_286 : vector<16xf32>
        %max3A = arith.maximumf %add3A_286, %mul3A_289 : vector<16xf32>
        %exp3A = math.exp %max3A : vector<16xf32>
        %swap3A = arith.index_cast %add3A_278 : i32 to index
        %swap3A_290 = arith.constant 64 : index
        %swap3A_291 = tpu.vector_load %arg18[%swap3A, %swap3A_290] {strides = array<i32>} : memref<128x80xf32, #tpu.memory_space<vmem>>, vector<1x16xf32>,
        %swap3A_292 = vector.shape_cast %swap3A_291 : vector<1x16xf32> to vector<16xf32>
        %swap3A_293 = vector.shape_cast %exp3A : vector<16xf32> to vector<1x16xf32>
        tpu.vector_store %arg18[%swap3A, %swap3A_290], %swap3A_293 {strides = array<i32>} : memref<128x80xf32, #tpu.memory_space<vmem>>, vector<1x16xf32>,
        %broadcast_in_dim3A_294 = vector.shape_cast %select_n3A : vector<16xi32> to vector<16x1xi32>
        %gather3A = vector.shape_cast %broadcast_in_dim3A_294 : vector<16x1xi32> to vector<16xi32>
        %gather3A_295 = tpu.dynamic_gather %exp3A[%gather3A] in [0] : vector<16xf32>, vector<16xi32> -> vector<16xf32>
        %get3A_296 = arith.index_cast %add3A_278 : i32 to index
        %get3A_297 = arith.constant 0 : index
        %get3A_298 = tpu.vector_load %arg16[%get3A_296, %get3A_297] {strides = array<i32>} : memref<128x64xf32, #tpu.memory_space<vmem>>, vector<1x16xf32>,
        %get3A_299 = vector.shape_cast %get3A_298 : vector<1x16xf32> to vector<16xf32>
        %mul3A_300 = arith.mulf %gather3A_295, %get3A_299 : vector<16xf32>
        %swap3A_301 = arith.index_cast %add3A_278 : i32 to index
        %swap3A_302 = arith.constant 0 : index
        %swap3A_303 = tpu.vector_load %arg18[%swap3A_301, %swap3A_302] {strides = array<i32>} : memref<128x80xf32, #tpu.memory_space<vmem>>, vector<1x16xf32>,
        %swap3A_304 = vector.shape_cast %swap3A_303 : vector<1x16xf32> to vector<16xf32>
        %swap3A_305 = vector.shape_cast %mul3A_300 : vector<16xf32> to vector<1x16xf32>
        tpu.vector_store %arg18[%swap3A_301, %swap3A_302], %swap3A_305 {strides = array<i32>} : memref<128x80xf32, #tpu.memory_space<vmem>>, vector<1x16xf32>,
        %broadcast_in_dim3A_306 = vector.shape_cast %select_n3A_14 : vector<16xi32> to vector<16x1xi32>
        %gather3A_307 = vector.shape_cast %broadcast_in_dim3A_306 : vector<16x1xi32> to vector<16xi32>
        %gather3A_308 = tpu.dynamic_gather %exp3A[%gather3A_307] in [0] : vector<16xf32>, vector<16xi32> -> vector<16xf32>
        %get3A_309 = arith.index_cast %add3A_278 : i32 to index
        %get3A_310 = arith.constant 16 : index
        %get3A_311 = tpu.vector_load %arg16[%get3A_309, %get3A_310] {strides = array<i32>} : memref<128x64xf32, #tpu.memory_space<vmem>>, vector<1x16xf32>,
        %get3A_312 = vector.shape_cast %get3A_311 : vector<1x16xf32> to vector<16xf32>
        %mul3A_313 = arith.mulf %gather3A_308, %get3A_312 : vector<16xf32>
        %swap3A_314 = arith.index_cast %add3A_278 : i32 to index
        %swap3A_315 = arith.constant 16 : index
        %swap3A_316 = tpu.vector_load %arg18[%swap3A_314, %swap3A_315] {strides = array<i32>} : memref<128x80xf32, #tpu.memory_space<vmem>>, vector<1x16xf32>,
        %swap3A_317 = vector.shape_cast %swap3A_316 : vector<1x16xf32> to vector<16xf32>
        %swap3A_318 = vector.shape_cast %mul3A_313 : vector<16xf32> to vector<1x16xf32>
        tpu.vector_store %arg18[%swap3A_314, %swap3A_315], %swap3A_318 {strides = array<i32>} : memref<128x80xf32, #tpu.memory_space<vmem>>, vector<1x16xf32>,
        %broadcast_in_dim3A_319 = vector.shape_cast %select_n3A_22 : vector<16xi32> to vector<16x1xi32>
        %gather3A_320 = vector.shape_cast %broadcast_in_dim3A_319 : vector<16x1xi32> to vector<16xi32>
        %gather3A_321 = tpu.dynamic_gather %exp3A[%gather3A_320] in [0] : vector<16xf32>, vector<16xi32> -> vector<16xf32>
        %get3A_322 = arith.index_cast %add3A_278 : i32 to index
        %get3A_323 = arith.constant 32 : index
        %get3A_324 = tpu.vector_load %arg16[%get3A_322, %get3A_323] {strides = array<i32>} : memref<128x64xf32, #tpu.memory_space<vmem>>, vector<1x16xf32>,
        %get3A_325 = vector.shape_cast %get3A_324 : vector<1x16xf32> to vector<16xf32>
        %mul3A_326 = arith.mulf %gather3A_321, %get3A_325 : vector<16xf32>
        %swap3A_327 = arith.index_cast %add3A_278 : i32 to index
        %swap3A_328 = arith.constant 32 : index
        %swap3A_329 = tpu.vector_load %arg18[%swap3A_327, %swap3A_328] {strides = array<i32>} : memref<128x80xf32, #tpu.memory_space<vmem>>, vector<1x16xf32>,
        %swap3A_330 = vector.shape_cast %swap3A_329 : vector<1x16xf32> to vector<16xf32>
        %swap3A_331 = vector.shape_cast %mul3A_326 : vector<16xf32> to vector<1x16xf32>
        tpu.vector_store %arg18[%swap3A_327, %swap3A_328], %swap3A_331 {strides = array<i32>} : memref<128x80xf32, #tpu.memory_space<vmem>>, vector<1x16xf32>,
        %broadcast_in_dim3A_332 = vector.shape_cast %select_n3A_30 : vector<16xi32> to vector<16x1xi32>
        %gather3A_333 = vector.shape_cast %broadcast_in_dim3A_332 : vector<16x1xi32> to vector<16xi32>
        %gather3A_334 = tpu.dynamic_gather %exp3A[%gather3A_333] in [0] : vector<16xf32>, vector<16xi32> -> vector<16xf32>
        %get3A_335 = arith.index_cast %add3A_278 : i32 to index
        %get3A_336 = arith.constant 48 : index
        %get3A_337 = tpu.vector_load %arg16[%get3A_335, %get3A_336] {strides = array<i32>} : memref<128x64xf32, #tpu.memory_space<vmem>>, vector<1x16xf32>,
        %get3A_338 = vector.shape_cast %get3A_337 : vector<1x16xf32> to vector<16xf32>
        %mul3A_339 = arith.mulf %gather3A_334, %get3A_338 : vector<16xf32>
        %swap3A_340 = arith.index_cast %add3A_278 : i32 to index
        %swap3A_341 = arith.constant 48 : index
        %swap3A_342 = tpu.vector_load %arg18[%swap3A_340, %swap3A_341] {strides = array<i32>} : memref<128x80xf32, #tpu.memory_space<vmem>>, vector<1x16xf32>,
        %swap3A_343 = vector.shape_cast %swap3A_342 : vector<1x16xf32> to vector<16xf32>
        %swap3A_344 = vector.shape_cast %mul3A_339 : vector<16xf32> to vector<1x16xf32>
        tpu.vector_store %arg18[%swap3A_340, %swap3A_341], %swap3A_344 {strides = array<i32>} : memref<128x80xf32, #tpu.memory_space<vmem>>, vector<1x16xf32>,
        %mul3A_345 = arith.constant 4 : i32
        %mul3A_346 = arith.muli %mul3A_345, %scan3A_274 : i32
        %add3A_347 = arith.constant 1 : i32
        %add3A_348 = arith.addi %mul3A_346, %add3A_347 : i32
        %get3A_349 = arith.index_cast %add3A_348 : i32 to index
        %get3A_350 = arith.constant 0 : index
        %get3A_351 = tpu.vector_load %arg12[%get3A_349, %get3A_350] {strides = array<i32>} : memref<128x16xf32, #tpu.memory_space<vmem>>, vector<1x16xf32>,
        %get3A_352 = vector.shape_cast %get3A_351 : vector<1x16xf32> to vector<16xf32>
        %get3A_353 = arith.index_cast %add3A_348 : i32 to index
        %get3A_354 = arith.constant 0 : index
        %get3A_355 = tpu.vector_load %arg14[%get3A_353, %get3A_354] {strides = array<i32>} : memref<128x16xf32, #tpu.memory_space<vmem>>, vector<1x16xf32>,
        %get3A_356 = vector.shape_cast %get3A_355 : vector<1x16xf32> to vector<16xf32>
        %add3A_357 = arith.addf %get3A_352, %get3A_356 : vector<16xf32>
        %mul3A_358 = arith.constant 2.000000e-01 : f32
        %mul3A_359 = vector.broadcast %mul3A_358 : f32 to vector<16xf32>
        %mul3A_360 = arith.mulf %mul3A_359, %add3A_357 : vector<16xf32>
        %max3A_361 = arith.maximumf %add3A_357, %mul3A_360 : vector<16xf32>
        %exp3A_362 = math.exp %max3A_361 : vector<16xf32>
        %swap3A_363 = arith.index_cast %add3A_348 : i32 to index
        %swap3A_364 = arith.constant 64 : index
        %swap3A_365 = tpu.vector_load %arg18[%swap3A_363, %swap3A_364] {strides = array<i32>} : memref<128x80xf32, #tpu.memory_space<vmem>>, vector<1x16xf32>,
        %swap3A_366 = vector.shape_cast %swap3A_365 : vector<1x16xf32> to vector<16xf32>
        %swap3A_367 = vector.shape_cast %exp3A_362 : vector<16xf32> to vector<1x16xf32>
        tpu.vector_store %arg18[%swap3A_363, %swap3A_364], %swap3A_367 {strides = array<i32>} : memref<128x80xf32, #tpu.memory_space<vmem>>, vector<1x16xf32>,
        %broadcast_in_dim3A_368 = vector.shape_cast %select_n3A : vector<16xi32> to vector<16x1xi32>
        %gather3A_369 = vector.shape_cast %broadcast_in_dim3A_368 : vector<16x1xi32> to vector<16xi32>
        %gather3A_370 = tpu.dynamic_gather %exp3A_362[%gather3A_369] in [0] : vector<16xf32>, vector<16xi32> -> vector<16xf32>
        %get3A_371 = arith.index_cast %add3A_348 : i32 to index
        %get3A_372 = arith.constant 0 : index
        %get3A_373 = tpu.vector_load %arg16[%get3A_371, %get3A_372] {strides = array<i32>} : memref<128x64xf32, #tpu.memory_space<vmem>>, vector<1x16xf32>,
        %get3A_374 = vector.shape_cast %get3A_373 : vector<1x16xf32> to vector<16xf32>
        %mul3A_375 = arith.mulf %gather3A_370, %get3A_374 : vector<16xf32>
        %swap3A_376 = arith.index_cast %add3A_348 : i32 to index
        %swap3A_377 = arith.constant 0 : index
        %swap3A_378 = tpu.vector_load %arg18[%swap3A_376, %swap3A_377] {strides = array<i32>} : memref<128x80xf32, #tpu.memory_space<vmem>>, vector<1x16xf32>,
        %swap3A_379 = vector.shape_cast %swap3A_378 : vector<1x16xf32> to vector<16xf32>
        %swap3A_380 = vector.shape_cast %mul3A_375 : vector<16xf32> to vector<1x16xf32>
        tpu.vector_store %arg18[%swap3A_376, %swap3A_377], %swap3A_380 {strides = array<i32>} : memref<128x80xf32, #tpu.memory_space<vmem>>, vector<1x16xf32>,
        %broadcast_in_dim3A_381 = vector.shape_cast %select_n3A_14 : vector<16xi32> to vector<16x1xi32>
        %gather3A_382 = vector.shape_cast %broadcast_in_dim3A_381 : vector<16x1xi32> to vector<16xi32>
        %gather3A_383 = tpu.dynamic_gather %exp3A_362[%gather3A_382] in [0] : vector<16xf32>, vector<16xi32> -> vector<16xf32>
        %get3A_384 = arith.index_cast %add3A_348 : i32 to index
        %get3A_385 = arith.constant 16 : index
        %get3A_386 = tpu.vector_load %arg16[%get3A_384, %get3A_385] {strides = array<i32>} : memref<128x64xf32, #tpu.memory_space<vmem>>, vector<1x16xf32>,
        %get3A_387 = vector.shape_cast %get3A_386 : vector<1x16xf32> to vector<16xf32>
        %mul3A_388 = arith.mulf %gather3A_383, %get3A_387 : vector<16xf32>
        %swap3A_389 = arith.index_cast %add3A_348 : i32 to index
        %swap3A_390 = arith.constant 16 : index
        %swap3A_391 = tpu.vector_load %arg18[%swap3A_389, %swap3A_390] {strides = array<i32>} : memref<128x80xf32, #tpu.memory_space<vmem>>, vector<1x16xf32>,
        %swap3A_392 = vector.shape_cast %swap3A_391 : vector<1x16xf32> to vector<16xf32>
        %swap3A_393 = vector.shape_cast %mul3A_388 : vector<16xf32> to vector<1x16xf32>
        tpu.vector_store %arg18[%swap3A_389, %swap3A_390], %swap3A_393 {strides = array<i32>} : memref<128x80xf32, #tpu.memory_space<vmem>>, vector<1x16xf32>,
        %broadcast_in_dim3A_394 = vector.shape_cast %select_n3A_22 : vector<16xi32> to vector<16x1xi32>
        %gather3A_395 = vector.shape_cast %broadcast_in_dim3A_394 : vector<16x1xi32> to vector<16xi32>
        %gather3A_396 = tpu.dynamic_gather %exp3A_362[%gather3A_395] in [0] : vector<16xf32>, vector<16xi32> -> vector<16xf32>
        %get3A_397 = arith.index_cast %add3A_348 : i32 to index
        %get3A_398 = arith.constant 32 : index
        %get3A_399 = tpu.vector_load %arg16[%get3A_397, %get3A_398] {strides = array<i32>} : memref<128x64xf32, #tpu.memory_space<vmem>>, vector<1x16xf32>,
        %get3A_400 = vector.shape_cast %get3A_399 : vector<1x16xf32> to vector<16xf32>
        %mul3A_401 = arith.mulf %gather3A_396, %get3A_400 : vector<16xf32>
        %swap3A_402 = arith.index_cast %add3A_348 : i32 to index
        %swap3A_403 = arith.constant 32 : index
        %swap3A_404 = tpu.vector_load %arg18[%swap3A_402, %swap3A_403] {strides = array<i32>} : memref<128x80xf32, #tpu.memory_space<vmem>>, vector<1x16xf32>,
        %swap3A_405 = vector.shape_cast %swap3A_404 : vector<1x16xf32> to vector<16xf32>
        %swap3A_406 = vector.shape_cast %mul3A_401 : vector<16xf32> to vector<1x16xf32>
        tpu.vector_store %arg18[%swap3A_402, %swap3A_403], %swap3A_406 {strides = array<i32>} : memref<128x80xf32, #tpu.memory_space<vmem>>, vector<1x16xf32>,
        %broadcast_in_dim3A_407 = vector.shape_cast %select_n3A_30 : vector<16xi32> to vector<16x1xi32>
        %gather3A_408 = vector.shape_cast %broadcast_in_dim3A_407 : vector<16x1xi32> to vector<16xi32>
        %gather3A_409 = tpu.dynamic_gather %exp3A_362[%gather3A_408] in [0] : vector<16xf32>, vector<16xi32> -> vector<16xf32>
        %get3A_410 = arith.index_cast %add3A_348 : i32 to index
        %get3A_411 = arith.constant 48 : index
        %get3A_412 = tpu.vector_load %arg16[%get3A_410, %get3A_411] {strides = array<i32>} : memref<128x64xf32, #tpu.memory_space<vmem>>, vector<1x16xf32>,
        %get3A_413 = vector.shape_cast %get3A_412 : vector<1x16xf32> to vector<16xf32>
        %mul3A_414 = arith.mulf %gather3A_409, %get3A_413 : vector<16xf32>
        %swap3A_415 = arith.index_cast %add3A_348 : i32 to index
        %swap3A_416 = arith.constant 48 : index
        %swap3A_417 = tpu.vector_load %arg18[%swap3A_415, %swap3A_416] {strides = array<i32>} : memref<128x80xf32, #tpu.memory_space<vmem>>, vector<1x16xf32>,
        %swap3A_418 = vector.shape_cast %swap3A_417 : vector<1x16xf32> to vector<16xf32>
        %swap3A_419 = vector.shape_cast %mul3A_414 : vector<16xf32> to vector<1x16xf32>
        tpu.vector_store %arg18[%swap3A_415, %swap3A_416], %swap3A_419 {strides = array<i32>} : memref<128x80xf32, #tpu.memory_space<vmem>>, vector<1x16xf32>,
        %mul3A_420 = arith.constant 4 : i32
        %mul3A_421 = arith.muli %mul3A_420, %scan3A_274 : i32
        %add3A_422 = arith.constant 2 : i32
        %add3A_423 = arith.addi %mul3A_421, %add3A_422 : i32
        %get3A_424 = arith.index_cast %add3A_423 : i32 to index
        %get3A_425 = arith.constant 0 : index
        %get3A_426 = tpu.vector_load %arg12[%get3A_424, %get3A_425] {strides = array<i32>} : memref<128x16xf32, #tpu.memory_space<vmem>>, vector<1x16xf32>,
        %get3A_427 = vector.shape_cast %get3A_426 : vector<1x16xf32> to vector<16xf32>
        %get3A_428 = arith.index_cast %add3A_423 : i32 to index
        %get3A_429 = arith.constant 0 : index
        %get3A_430 = tpu.vector_load %arg14[%get3A_428, %get3A_429] {strides = array<i32>} : memref<128x16xf32, #tpu.memory_space<vmem>>, vector<1x16xf32>,
        %get3A_431 = vector.shape_cast %get3A_430 : vector<1x16xf32> to vector<16xf32>
        %add3A_432 = arith.addf %get3A_427, %get3A_431 : vector<16xf32>
        %mul3A_433 = arith.constant 2.000000e-01 : f32
        %mul3A_434 = vector.broadcast %mul3A_433 : f32 to vector<16xf32>
        %mul3A_435 = arith.mulf %mul3A_434, %add3A_432 : vector<16xf32>
        %max3A_436 = arith.maximumf %add3A_432, %mul3A_435 : vector<16xf32>
        %exp3A_437 = math.exp %max3A_436 : vector<16xf32>
        %swap3A_438 = arith.index_cast %add3A_423 : i32 to index
        %swap3A_439 = arith.constant 64 : index
        %swap3A_440 = tpu.vector_load %arg18[%swap3A_438, %swap3A_439] {strides = array<i32>} : memref<128x80xf32, #tpu.memory_space<vmem>>, vector<1x16xf32>,
        %swap3A_441 = vector.shape_cast %swap3A_440 : vector<1x16xf32> to vector<16xf32>
        %swap3A_442 = vector.shape_cast %exp3A_437 : vector<16xf32> to vector<1x16xf32>
        tpu.vector_store %arg18[%swap3A_438, %swap3A_439], %swap3A_442 {strides = array<i32>} : memref<128x80xf32, #tpu.memory_space<vmem>>, vector<1x16xf32>,
        %broadcast_in_dim3A_443 = vector.shape_cast %select_n3A : vector<16xi32> to vector<16x1xi32>
        %gather3A_444 = vector.shape_cast %broadcast_in_dim3A_443 : vector<16x1xi32> to vector<16xi32>
        %gather3A_445 = tpu.dynamic_gather %exp3A_437[%gather3A_444] in [0] : vector<16xf32>, vector<16xi32> -> vector<16xf32>
        %get3A_446 = arith.index_cast %add3A_423 : i32 to index
        %get3A_447 = arith.constant 0 : index
        %get3A_448 = tpu.vector_load %arg16[%get3A_446, %get3A_447] {strides = array<i32>} : memref<128x64xf32, #tpu.memory_space<vmem>>, vector<1x16xf32>,
        %get3A_449 = vector.shape_cast %get3A_448 : vector<1x16xf32> to vector<16xf32>
        %mul3A_450 = arith.mulf %gather3A_445, %get3A_449 : vector<16xf32>
        %swap3A_451 = arith.index_cast %add3A_423 : i32 to index
        %swap3A_452 = arith.constant 0 : index
        %swap3A_453 = tpu.vector_load %arg18[%swap3A_451, %swap3A_452] {strides = array<i32>} : memref<128x80xf32, #tpu.memory_space<vmem>>, vector<1x16xf32>,
        %swap3A_454 = vector.shape_cast %swap3A_453 : vector<1x16xf32> to vector<16xf32>
        %swap3A_455 = vector.shape_cast %mul3A_450 : vector<16xf32> to vector<1x16xf32>
        tpu.vector_store %arg18[%swap3A_451, %swap3A_452], %swap3A_455 {strides = array<i32>} : memref<128x80xf32, #tpu.memory_space<vmem>>, vector<1x16xf32>,
        %broadcast_in_dim3A_456 = vector.shape_cast %select_n3A_14 : vector<16xi32> to vector<16x1xi32>
        %gather3A_457 = vector.shape_cast %broadcast_in_dim3A_456 : vector<16x1xi32> to vector<16xi32>
        %gather3A_458 = tpu.dynamic_gather %exp3A_437[%gather3A_457] in [0] : vector<16xf32>, vector<16xi32> -> vector<16xf32>
        %get3A_459 = arith.index_cast %add3A_423 : i32 to index
        %get3A_460 = arith.constant 16 : index
        %get3A_461 = tpu.vector_load %arg16[%get3A_459, %get3A_460] {strides = array<i32>} : memref<128x64xf32, #tpu.memory_space<vmem>>, vector<1x16xf32>,
        %get3A_462 = vector.shape_cast %get3A_461 : vector<1x16xf32> to vector<16xf32>
        %mul3A_463 = arith.mulf %gather3A_458, %get3A_462 : vector<16xf32>
        %swap3A_464 = arith.index_cast %add3A_423 : i32 to index
        %swap3A_465 = arith.constant 16 : index
        %swap3A_466 = tpu.vector_load %arg18[%swap3A_464, %swap3A_465] {strides = array<i32>} : memref<128x80xf32, #tpu.memory_space<vmem>>, vector<1x16xf32>,
        %swap3A_467 = vector.shape_cast %swap3A_466 : vector<1x16xf32> to vector<16xf32>
        %swap3A_468 = vector.shape_cast %mul3A_463 : vector<16xf32> to vector<1x16xf32>
        tpu.vector_store %arg18[%swap3A_464, %swap3A_465], %swap3A_468 {strides = array<i32>} : memref<128x80xf32, #tpu.memory_space<vmem>>, vector<1x16xf32>,
        %broadcast_in_dim3A_469 = vector.shape_cast %select_n3A_22 : vector<16xi32> to vector<16x1xi32>
        %gather3A_470 = vector.shape_cast %broadcast_in_dim3A_469 : vector<16x1xi32> to vector<16xi32>
        %gather3A_471 = tpu.dynamic_gather %exp3A_437[%gather3A_470] in [0] : vector<16xf32>, vector<16xi32> -> vector<16xf32>
        %get3A_472 = arith.index_cast %add3A_423 : i32 to index
        %get3A_473 = arith.constant 32 : index
        %get3A_474 = tpu.vector_load %arg16[%get3A_472, %get3A_473] {strides = array<i32>} : memref<128x64xf32, #tpu.memory_space<vmem>>, vector<1x16xf32>,
        %get3A_475 = vector.shape_cast %get3A_474 : vector<1x16xf32> to vector<16xf32>
        %mul3A_476 = arith.mulf %gather3A_471, %get3A_475 : vector<16xf32>
        %swap3A_477 = arith.index_cast %add3A_423 : i32 to index
        %swap3A_478 = arith.constant 32 : index
        %swap3A_479 = tpu.vector_load %arg18[%swap3A_477, %swap3A_478] {strides = array<i32>} : memref<128x80xf32, #tpu.memory_space<vmem>>, vector<1x16xf32>,
        %swap3A_480 = vector.shape_cast %swap3A_479 : vector<1x16xf32> to vector<16xf32>
        %swap3A_481 = vector.shape_cast %mul3A_476 : vector<16xf32> to vector<1x16xf32>
        tpu.vector_store %arg18[%swap3A_477, %swap3A_478], %swap3A_481 {strides = array<i32>} : memref<128x80xf32, #tpu.memory_space<vmem>>, vector<1x16xf32>,
        %broadcast_in_dim3A_482 = vector.shape_cast %select_n3A_30 : vector<16xi32> to vector<16x1xi32>
        %gather3A_483 = vector.shape_cast %broadcast_in_dim3A_482 : vector<16x1xi32> to vector<16xi32>
        %gather3A_484 = tpu.dynamic_gather %exp3A_437[%gather3A_483] in [0] : vector<16xf32>, vector<16xi32> -> vector<16xf32>
        %get3A_485 = arith.index_cast %add3A_423 : i32 to index
        %get3A_486 = arith.constant 48 : index
        %get3A_487 = tpu.vector_load %arg16[%get3A_485, %get3A_486] {strides = array<i32>} : memref<128x64xf32, #tpu.memory_space<vmem>>, vector<1x16xf32>,
        %get3A_488 = vector.shape_cast %get3A_487 : vector<1x16xf32> to vector<16xf32>
        %mul3A_489 = arith.mulf %gather3A_484, %get3A_488 : vector<16xf32>
        %swap3A_490 = arith.index_cast %add3A_423 : i32 to index
        %swap3A_491 = arith.constant 48 : index
        %swap3A_492 = tpu.vector_load %arg18[%swap3A_490, %swap3A_491] {strides = array<i32>} : memref<128x80xf32, #tpu.memory_space<vmem>>, vector<1x16xf32>,
        %swap3A_493 = vector.shape_cast %swap3A_492 : vector<1x16xf32> to vector<16xf32>
        %swap3A_494 = vector.shape_cast %mul3A_489 : vector<16xf32> to vector<1x16xf32>
        tpu.vector_store %arg18[%swap3A_490, %swap3A_491], %swap3A_494 {strides = array<i32>} : memref<128x80xf32, #tpu.memory_space<vmem>>, vector<1x16xf32>,
        %mul3A_495 = arith.constant 4 : i32
        %mul3A_496 = arith.muli %mul3A_495, %scan3A_274 : i32
        %add3A_497 = arith.constant 3 : i32
        %add3A_498 = arith.addi %mul3A_496, %add3A_497 : i32
        %get3A_499 = arith.index_cast %add3A_498 : i32 to index
        %get3A_500 = arith.constant 0 : index
        %get3A_501 = tpu.vector_load %arg12[%get3A_499, %get3A_500] {strides = array<i32>} : memref<128x16xf32, #tpu.memory_space<vmem>>, vector<1x16xf32>,
        %get3A_502 = vector.shape_cast %get3A_501 : vector<1x16xf32> to vector<16xf32>
        %get3A_503 = arith.index_cast %add3A_498 : i32 to index
        %get3A_504 = arith.constant 0 : index
        %get3A_505 = tpu.vector_load %arg14[%get3A_503, %get3A_504] {strides = array<i32>} : memref<128x16xf32, #tpu.memory_space<vmem>>, vector<1x16xf32>,
        %get3A_506 = vector.shape_cast %get3A_505 : vector<1x16xf32> to vector<16xf32>
        %add3A_507 = arith.addf %get3A_502, %get3A_506 : vector<16xf32>
        %mul3A_508 = arith.constant 2.000000e-01 : f32
        %mul3A_509 = vector.broadcast %mul3A_508 : f32 to vector<16xf32>
        %mul3A_510 = arith.mulf %mul3A_509, %add3A_507 : vector<16xf32>
        %max3A_511 = arith.maximumf %add3A_507, %mul3A_510 : vector<16xf32>
        %exp3A_512 = math.exp %max3A_511 : vector<16xf32>
        %swap3A_513 = arith.index_cast %add3A_498 : i32 to index
        %swap3A_514 = arith.constant 64 : index
        %swap3A_515 = tpu.vector_load %arg18[%swap3A_513, %swap3A_514] {strides = array<i32>} : memref<128x80xf32, #tpu.memory_space<vmem>>, vector<1x16xf32>,
        %swap3A_516 = vector.shape_cast %swap3A_515 : vector<1x16xf32> to vector<16xf32>
        %swap3A_517 = vector.shape_cast %exp3A_512 : vector<16xf32> to vector<1x16xf32>
        tpu.vector_store %arg18[%swap3A_513, %swap3A_514], %swap3A_517 {strides = array<i32>} : memref<128x80xf32, #tpu.memory_space<vmem>>, vector<1x16xf32>,
        %broadcast_in_dim3A_518 = vector.shape_cast %select_n3A : vector<16xi32> to vector<16x1xi32>
        %gather3A_519 = vector.shape_cast %broadcast_in_dim3A_518 : vector<16x1xi32> to vector<16xi32>
        %gather3A_520 = tpu.dynamic_gather %exp3A_512[%gather3A_519] in [0] : vector<16xf32>, vector<16xi32> -> vector<16xf32>
        %get3A_521 = arith.index_cast %add3A_498 : i32 to index
        %get3A_522 = arith.constant 0 : index
        %get3A_523 = tpu.vector_load %arg16[%get3A_521, %get3A_522] {strides = array<i32>} : memref<128x64xf32, #tpu.memory_space<vmem>>, vector<1x16xf32>,
        %get3A_524 = vector.shape_cast %get3A_523 : vector<1x16xf32> to vector<16xf32>
        %mul3A_525 = arith.mulf %gather3A_520, %get3A_524 : vector<16xf32>
        %swap3A_526 = arith.index_cast %add3A_498 : i32 to index
        %swap3A_527 = arith.constant 0 : index
        %swap3A_528 = tpu.vector_load %arg18[%swap3A_526, %swap3A_527] {strides = array<i32>} : memref<128x80xf32, #tpu.memory_space<vmem>>, vector<1x16xf32>,
        %swap3A_529 = vector.shape_cast %swap3A_528 : vector<1x16xf32> to vector<16xf32>
        %swap3A_530 = vector.shape_cast %mul3A_525 : vector<16xf32> to vector<1x16xf32>
        tpu.vector_store %arg18[%swap3A_526, %swap3A_527], %swap3A_530 {strides = array<i32>} : memref<128x80xf32, #tpu.memory_space<vmem>>, vector<1x16xf32>,
        %broadcast_in_dim3A_531 = vector.shape_cast %select_n3A_14 : vector<16xi32> to vector<16x1xi32>
        %gather3A_532 = vector.shape_cast %broadcast_in_dim3A_531 : vector<16x1xi32> to vector<16xi32>
        %gather3A_533 = tpu.dynamic_gather %exp3A_512[%gather3A_532] in [0] : vector<16xf32>, vector<16xi32> -> vector<16xf32>
        %get3A_534 = arith.index_cast %add3A_498 : i32 to index
        %get3A_535 = arith.constant 16 : index
        %get3A_536 = tpu.vector_load %arg16[%get3A_534, %get3A_535] {strides = array<i32>} : memref<128x64xf32, #tpu.memory_space<vmem>>, vector<1x16xf32>,
        %get3A_537 = vector.shape_cast %get3A_536 : vector<1x16xf32> to vector<16xf32>
        %mul3A_538 = arith.mulf %gather3A_533, %get3A_537 : vector<16xf32>
        %swap3A_539 = arith.index_cast %add3A_498 : i32 to index
        %swap3A_540 = arith.constant 16 : index
        %swap3A_541 = tpu.vector_load %arg18[%swap3A_539, %swap3A_540] {strides = array<i32>} : memref<128x80xf32, #tpu.memory_space<vmem>>, vector<1x16xf32>,
        %swap3A_542 = vector.shape_cast %swap3A_541 : vector<1x16xf32> to vector<16xf32>
        %swap3A_543 = vector.shape_cast %mul3A_538 : vector<16xf32> to vector<1x16xf32>
        tpu.vector_store %arg18[%swap3A_539, %swap3A_540], %swap3A_543 {strides = array<i32>} : memref<128x80xf32, #tpu.memory_space<vmem>>, vector<1x16xf32>,
        %broadcast_in_dim3A_544 = vector.shape_cast %select_n3A_22 : vector<16xi32> to vector<16x1xi32>
        %gather3A_545 = vector.shape_cast %broadcast_in_dim3A_544 : vector<16x1xi32> to vector<16xi32>
        %gather3A_546 = tpu.dynamic_gather %exp3A_512[%gather3A_545] in [0] : vector<16xf32>, vector<16xi32> -> vector<16xf32>
        %get3A_547 = arith.index_cast %add3A_498 : i32 to index
        %get3A_548 = arith.constant 32 : index
        %get3A_549 = tpu.vector_load %arg16[%get3A_547, %get3A_548] {strides = array<i32>} : memref<128x64xf32, #tpu.memory_space<vmem>>, vector<1x16xf32>,
        %get3A_550 = vector.shape_cast %get3A_549 : vector<1x16xf32> to vector<16xf32>
        %mul3A_551 = arith.mulf %gather3A_546, %get3A_550 : vector<16xf32>
        %swap3A_552 = arith.index_cast %add3A_498 : i32 to index
        %swap3A_553 = arith.constant 32 : index
        %swap3A_554 = tpu.vector_load %arg18[%swap3A_552, %swap3A_553] {strides = array<i32>} : memref<128x80xf32, #tpu.memory_space<vmem>>, vector<1x16xf32>,
        %swap3A_555 = vector.shape_cast %swap3A_554 : vector<1x16xf32> to vector<16xf32>
        %swap3A_556 = vector.shape_cast %mul3A_551 : vector<16xf32> to vector<1x16xf32>
        tpu.vector_store %arg18[%swap3A_552, %swap3A_553], %swap3A_556 {strides = array<i32>} : memref<128x80xf32, #tpu.memory_space<vmem>>, vector<1x16xf32>,
        %broadcast_in_dim3A_557 = vector.shape_cast %select_n3A_30 : vector<16xi32> to vector<16x1xi32>
        %gather3A_558 = vector.shape_cast %broadcast_in_dim3A_557 : vector<16x1xi32> to vector<16xi32>
        %gather3A_559 = tpu.dynamic_gather %exp3A_512[%gather3A_558] in [0] : vector<16xf32>, vector<16xi32> -> vector<16xf32>
        %get3A_560 = arith.index_cast %add3A_498 : i32 to index
        %get3A_561 = arith.constant 48 : index
        %get3A_562 = tpu.vector_load %arg16[%get3A_560, %get3A_561] {strides = array<i32>} : memref<128x64xf32, #tpu.memory_space<vmem>>, vector<1x16xf32>,
        %get3A_563 = vector.shape_cast %get3A_562 : vector<1x16xf32> to vector<16xf32>
        %mul3A_564 = arith.mulf %gather3A_559, %get3A_563 : vector<16xf32>
        %swap3A_565 = arith.index_cast %add3A_498 : i32 to index
        %swap3A_566 = arith.constant 48 : index
        %swap3A_567 = tpu.vector_load %arg18[%swap3A_565, %swap3A_566] {strides = array<i32>} : memref<128x80xf32, #tpu.memory_space<vmem>>, vector<1x16xf32>,
        %swap3A_568 = vector.shape_cast %swap3A_567 : vector<1x16xf32> to vector<16xf32>
        %swap3A_569 = vector.shape_cast %mul3A_564 : vector<16xf32> to vector<1x16xf32>
        tpu.vector_store %arg18[%swap3A_565, %swap3A_566], %swap3A_569 {strides = array<i32>} : memref<128x80xf32, #tpu.memory_space<vmem>>, vector<1x16xf32>,
      }
      %scan3A_259 = arith.constant 32 : i32
      %sub3A_260 = arith.constant 1 : i32
      %sub3A_261 = arith.subi %add3A_228, %sub3A_260 : i32
      %dma_wait3A_262 = arith.constant 0 : i32
      %dma_wait3A_263 = tpu.memref_slice %arg10[%sub3A_261, %dma_wait3A_262] : memref<80x128xi32, #tpu.memory_space<vmem>> -> memref<1x128xi32, #tpu.memory_space<vmem>>
      %dma_wait3A_264 = tpu.memref_squeeze %dma_wait3A_263 : memref<1x128xi32, #tpu.memory_space<vmem>> -> memref<128xi32, #tpu.memory_space<vmem>>
      %dma_wait3A_265 = arith.constant 0 : i32
      %dma_wait3A_266 = arith.constant 0 : i32
      %dma_wait3A_267 = tpu.memref_slice %arg19[%dma_wait3A_265, %dma_wait3A_266] : memref<10112x80xf32, #tpu.memory_space<vmem_shared>> -> memref<10112x80xf32, #tpu.memory_space<vmem_shared>>
      tpu.wait_indirect_dma semaphore(%arg22 : memref<!tpu.dma_semaphore, #tpu.memory_space<semaphore_mem>>) src(%arg17 : memref<128x80xf32, #tpu.memory_space<vmem>>) dst(%dma_wait3A_267 : memref<10112x80xf32, #tpu.memory_space<vmem_shared>>)
      %dma_start3A_268 = arith.constant 0 : i32
      %dma_start3A_269 = tpu.memref_slice %arg10[%add3A_228, %dma_start3A_268] : memref<80x128xi32, #tpu.memory_space<vmem>> -> memref<1x128xi32, #tpu.memory_space<vmem>>
      %dma_start3A_270 = tpu.memref_squeeze %dma_start3A_269 : memref<1x128xi32, #tpu.memory_space<vmem>> -> memref<128xi32, #tpu.memory_space<vmem>>
      %dma_start3A_271 = arith.constant 0 : i32
      %dma_start3A_272 = arith.constant 0 : i32
      %dma_start3A_273 = tpu.memref_slice %arg19[%dma_start3A_271, %dma_start3A_272] : memref<10112x80xf32, #tpu.memory_space<vmem_shared>> -> memref<10112x80xf32, #tpu.memory_space<vmem_shared>>
      tpu.enqueue_indirect_dma source(%arg18 : memref<128x80xf32, #tpu.memory_space<vmem>>) target(%dma_start3A_273 : memref<10112x80xf32, #tpu.memory_space<vmem_shared>>) offsets(%dma_start3A_270 : memref<128xi32, #tpu.memory_space<vmem>>) semaphore(%arg23 : memref<!tpu.dma_semaphore, #tpu.memory_space<semaphore_mem>>) {add = true}
    }
    %scan3A_172 = arith.constant 39 : i32
    %dma_wait3A_173 = arith.constant 79 : i32
    %dma_wait3A_174 = arith.constant 0 : i32
    %dma_wait3A_175 = tpu.memref_slice %arg10[%dma_wait3A_173, %dma_wait3A_174] : memref<80x128xi32, #tpu.memory_space<vmem>> -> memref<1x128xi32, #tpu.memory_space<vmem>>
    %dma_wait3A_176 = tpu.memref_squeeze %dma_wait3A_175 : memref<1x128xi32, #tpu.memory_space<vmem>> -> memref<128xi32, #tpu.memory_space<vmem>>
    %dma_wait3A_177 = arith.constant 0 : i32
    %dma_wait3A_178 = arith.constant 0 : i32
    %dma_wait3A_179 = tpu.memref_slice %arg19[%dma_wait3A_177, %dma_wait3A_178] : memref<10112x80xf32, #tpu.memory_space<vmem_shared>> -> memref<10112x80xf32, #tpu.memory_space<vmem_shared>>
    tpu.wait_indirect_dma semaphore(%arg23 : memref<!tpu.dma_semaphore, #tpu.memory_space<semaphore_mem>>) src(%arg18 : memref<128x80xf32, #tpu.memory_space<vmem>>) dst(%dma_wait3A_179 : memref<10112x80xf32, #tpu.memory_space<vmem_shared>>)
    %barrier3A_180 = arith.constant 0 : index
    tpu.barrier barrier_id(%barrier3A_180)
    "tpu.region"() ({
      %run_scoped3A = tpu.sem_alloc : memref<!tpu.dma_semaphore, #tpu.memory_space<semaphore_mem>>
      %dma_start3A_181 = arith.constant 0 : i32
      %dma_start3A_182 = tpu.memref_slice %arg8[%arg0, %multiple_of3A, %dma_start3A_181] : memref<2x10112x80xf32, #tpu.memory_space<hbm>> -> memref<1x632x80xf32, #tpu.memory_space<hbm>>
      %dma_start3A_183 = tpu.memref_squeeze %dma_start3A_182 : memref<1x632x80xf32, #tpu.memory_space<hbm>> -> memref<632x80xf32, #tpu.memory_space<hbm>>
      %dma_start3A_184 = arith.constant 0 : i32
      %dma_start3A_185 = tpu.memref_slice %arg19[%multiple_of3A, %dma_start3A_184] : memref<10112x80xf32, #tpu.memory_space<vmem_shared>> -> memref<632x80xf32, #tpu.memory_space<vmem_shared>>
      tpu.enqueue_dma source(%dma_start3A_185 : memref<632x80xf32, #tpu.memory_space<vmem_shared>>) target(%dma_start3A_183 : memref<632x80xf32, #tpu.memory_space<hbm>>) target_semaphore(%run_scoped3A : memref<!tpu.dma_semaphore, #tpu.memory_space<semaphore_mem>>)
      %dma_wait3A_186 = arith.constant 0 : i32
      %dma_wait3A_187 = tpu.memref_slice %arg8[%arg0, %multiple_of3A, %dma_wait3A_186] : memref<2x10112x80xf32, #tpu.memory_space<hbm>> -> memref<1x632x80xf32, #tpu.memory_space<hbm>>
      %dma_wait3A_188 = tpu.memref_squeeze %dma_wait3A_187 : memref<1x632x80xf32, #tpu.memory_space<hbm>> -> memref<632x80xf32, #tpu.memory_space<hbm>>
      %dma_wait3A_189 = arith.constant 0 : i32
      %dma_wait3A_190 = tpu.memref_slice %arg19[%multiple_of3A, %dma_wait3A_189] : memref<10112x80xf32, #tpu.memory_space<vmem_shared>> -> memref<632x80xf32, #tpu.memory_space<vmem_shared>>
      tpu.wait_dma2 semaphore(%run_scoped3A : memref<!tpu.dma_semaphore, #tpu.memory_space<semaphore_mem>>) src(%dma_wait3A_190 : memref<632x80xf32, #tpu.memory_space<vmem_shared>>) dst(%dma_wait3A_188 : memref<632x80xf32, #tpu.memory_space<hbm>>)
      tpu.yield
    }) : () -> ()
    return
  }
}

module attributes {stable_mosaic.version = 14 : i64} {
  func.func @_tca_body(%arg0: i32, %arg1: memref<400x128xf32, #tpu.memory_space<vmem>>, %arg2: memref<128x64xf32, #tpu.memory_space<vmem>>, %arg3: memref<64x8xf32, #tpu.memory_space<vmem>>, %arg4: memref<64x8xf32, #tpu.memory_space<vmem>>, %arg5: memref<8x64xf32, #tpu.memory_space<vmem>>, %arg6: memref<400x64xf32, #tpu.memory_space<vmem>>, %arg7: memref<400x16xf32, #tpu.memory_space<vmem>>, %arg8: memref<400x16xf32, #tpu.memory_space<vmem>>, %arg9: memref<400x16xf32, #tpu.memory_space<vmem>>, %arg10: memref<400x64xf32, #tpu.memory_space<vmem>>) attributes {dimension_semantics = [#tpu.dimension_semantics<arbitrary>], iteration_bounds = array<i64: 25>, scalar_prefetch = 0 : i64, scratch_operands = 0 : i64, tpu.core_type = #tpu.core_type<tc>, window_params = [{transform_indices = @transform_0, window_bounds = array<i64: 400, 128>}, {pipeline_mode = #tpu.pipeline_mode<synchronous>, transform_indices = @transform_1, window_bounds = array<i64: 128, 64>}, {pipeline_mode = #tpu.pipeline_mode<synchronous>, transform_indices = @transform_2, window_bounds = array<i64: 64, 8>}, {pipeline_mode = #tpu.pipeline_mode<synchronous>, transform_indices = @transform_3, window_bounds = array<i64: 64, 8>}, {pipeline_mode = #tpu.pipeline_mode<synchronous>, transform_indices = @transform_4, window_bounds = array<i64: 8, 64>}, {transform_indices = @transform_5, window_bounds = array<i64: 400, 64>}, {transform_indices = @transform_6, window_bounds = array<i64: 400, 16>}, {transform_indices = @transform_7, window_bounds = array<i64: 400, 16>}, {transform_indices = @transform_8, window_bounds = array<i64: 400, 16>}, {transform_indices = @transform_9, window_bounds = array<i64: 400, 64>}]} {
    %get3A = arith.constant 0 : index
    %get3A_0 = arith.constant 0 : index
    %get3A_1 = vector.load %arg1[%get3A, %get3A_0] : memref<400x128xf32, #tpu.memory_space<vmem>>, vector<400x128xf32>
    %get3A_2 = arith.constant 0 : index
    %get3A_3 = arith.constant 0 : index
    %get3A_4 = vector.load %arg2[%get3A_2, %get3A_3] : memref<128x64xf32, #tpu.memory_space<vmem>>, vector<128x64xf32>
    %dot_general3A = arith.constant dense<0.000000e+00> : vector<400x64xf32>
    %dot_general3A_5 = tpu.matmul %get3A_1, %get3A_4, %dot_general3A {dimension_numbers = #tpu.dot_dimension_numbers<[1], [0], [0], [1], [0, 0, 1, 1], [], []>, transpose_lhs_hint = false} : vector<400x128xf32>, vector<128x64xf32>, vector<400x64xf32> -> vector<400x64xf32>
    %get3A_6 = arith.constant 0 : index
    %get3A_7 = arith.constant 0 : index
    %get3A_8 = vector.load %arg3[%get3A_6, %get3A_7] : memref<64x8xf32, #tpu.memory_space<vmem>>, vector<64x8xf32>
    %dot_general3A_9 = arith.constant dense<0.000000e+00> : vector<400x8xf32>
    %dot_general3A_10 = tpu.matmul %dot_general3A_5, %get3A_8, %dot_general3A_9 {dimension_numbers = #tpu.dot_dimension_numbers<[1], [0], [0], [1], [0, 0, 1, 1], [], []>, transpose_lhs_hint = false} : vector<400x64xf32>, vector<64x8xf32>, vector<400x8xf32> -> vector<400x8xf32>
    %get3A_11 = arith.constant 0 : index
    %get3A_12 = arith.constant 0 : index
    %get3A_13 = vector.load %arg4[%get3A_11, %get3A_12] : memref<64x8xf32, #tpu.memory_space<vmem>>, vector<64x8xf32>
    %dot_general3A_14 = arith.constant dense<0.000000e+00> : vector<400x8xf32>
    %dot_general3A_15 = tpu.matmul %dot_general3A_5, %get3A_13, %dot_general3A_14 {dimension_numbers = #tpu.dot_dimension_numbers<[1], [0], [0], [1], [0, 0, 1, 1], [], []>, transpose_lhs_hint = false} : vector<400x64xf32>, vector<64x8xf32>, vector<400x8xf32> -> vector<400x8xf32>
    %add3A = arith.addf %dot_general3A_10, %dot_general3A_15 : vector<400x8xf32>
    %mul3A = arith.constant 2.000000e-01 : f32
    %mul3A_16 = vector.broadcast %mul3A : f32 to vector<400x8xf32>
    %mul3A_17 = arith.mulf %mul3A_16, %add3A : vector<400x8xf32>
    %max3A = arith.maximumf %add3A, %mul3A_17 : vector<400x8xf32>
    %exp3A = math.exp %max3A : vector<400x8xf32>
    %broadcast_in_dim3A = arith.constant 0.000000e+00 : f32
    %broadcast_in_dim3A_18 = vector.broadcast %broadcast_in_dim3A : f32 to vector<400x8xf32>
    %swap3A = arith.constant 0 : index
    %swap3A_19 = arith.constant 0 : index
    %swap3A_20 = vector.load %arg6[%swap3A, %swap3A_19] : memref<400x64xf32, #tpu.memory_space<vmem>>, vector<400x64xf32>
    tpu.vector_store %arg6[%swap3A, %swap3A_19], %dot_general3A_5 {strides = array<i32>} : memref<400x64xf32, #tpu.memory_space<vmem>>, vector<400x64xf32>,
    %concatenate3A = tpu.concatenate %dot_general3A_10, %broadcast_in_dim3A_18 in 1 : vector<400x8xf32>, vector<400x8xf32> -> vector<400x16xf32>
    %swap3A_21 = arith.constant 0 : index
    %swap3A_22 = arith.constant 0 : index
    %swap3A_23 = vector.load %arg7[%swap3A_21, %swap3A_22] : memref<400x16xf32, #tpu.memory_space<vmem>>, vector<400x16xf32>
    tpu.vector_store %arg7[%swap3A_21, %swap3A_22], %concatenate3A {strides = array<i32>} : memref<400x16xf32, #tpu.memory_space<vmem>>, vector<400x16xf32>,
    %concatenate3A_24 = tpu.concatenate %dot_general3A_15, %broadcast_in_dim3A_18 in 1 : vector<400x8xf32>, vector<400x8xf32> -> vector<400x16xf32>
    %swap3A_25 = arith.constant 0 : index
    %swap3A_26 = arith.constant 0 : index
    %swap3A_27 = vector.load %arg8[%swap3A_25, %swap3A_26] : memref<400x16xf32, #tpu.memory_space<vmem>>, vector<400x16xf32>
    tpu.vector_store %arg8[%swap3A_25, %swap3A_26], %concatenate3A_24 {strides = array<i32>} : memref<400x16xf32, #tpu.memory_space<vmem>>, vector<400x16xf32>,
    %concatenate3A_28 = tpu.concatenate %exp3A, %broadcast_in_dim3A_18 in 1 : vector<400x8xf32>, vector<400x8xf32> -> vector<400x16xf32>
    %swap3A_29 = arith.constant 0 : index
    %swap3A_30 = arith.constant 0 : index
    %swap3A_31 = vector.load %arg9[%swap3A_29, %swap3A_30] : memref<400x16xf32, #tpu.memory_space<vmem>>, vector<400x16xf32>
    tpu.vector_store %arg9[%swap3A_29, %swap3A_30], %concatenate3A_28 {strides = array<i32>} : memref<400x16xf32, #tpu.memory_space<vmem>>, vector<400x16xf32>,
    %get3A_32 = arith.constant 0 : index
    %get3A_33 = arith.constant 0 : index
    %get3A_34 = vector.load %arg5[%get3A_32, %get3A_33] : memref<8x64xf32, #tpu.memory_space<vmem>>, vector<8x64xf32>
    %dot_general3A_35 = arith.constant dense<0.000000e+00> : vector<400x64xf32>
    %dot_general3A_36 = tpu.matmul %exp3A, %get3A_34, %dot_general3A_35 {dimension_numbers = #tpu.dot_dimension_numbers<[1], [0], [0], [1], [0, 0, 1, 1], [], []>, transpose_lhs_hint = false} : vector<400x8xf32>, vector<8x64xf32>, vector<400x64xf32> -> vector<400x64xf32>
    %mul3A_37 = arith.mulf %dot_general3A_5, %dot_general3A_36 : vector<400x64xf32>
    %swap3A_38 = arith.constant 0 : index
    %swap3A_39 = arith.constant 0 : index
    %swap3A_40 = vector.load %arg10[%swap3A_38, %swap3A_39] : memref<400x64xf32, #tpu.memory_space<vmem>>, vector<400x64xf32>
    tpu.vector_store %arg10[%swap3A_38, %swap3A_39], %mul3A_37 {strides = array<i32>} : memref<400x64xf32, #tpu.memory_space<vmem>>, vector<400x64xf32>,
    return
  }
  func.func @transform_0(%arg0: i32) -> (i32, i32) {
    %c0_i32 = arith.constant 0 : i32
    %c0_i32_0 = arith.constant 0 : i32
    return %arg0, %c0_i32 : i32, i32
  }
  func.func @transform_1(%arg0: i32) -> (i32, i32) {
    %c0_i32 = arith.constant 0 : i32
    %c0_i32_0 = arith.constant 0 : i32
    %c0_i32_1 = arith.constant 0 : i32
    return %c0_i32, %c0_i32_0 : i32, i32
  }
  func.func @transform_2(%arg0: i32) -> (i32, i32) {
    %c0_i32 = arith.constant 0 : i32
    %c0_i32_0 = arith.constant 0 : i32
    %c0_i32_1 = arith.constant 0 : i32
    return %c0_i32, %c0_i32_0 : i32, i32
  }
  func.func @transform_3(%arg0: i32) -> (i32, i32) {
    %c0_i32 = arith.constant 0 : i32
    %c0_i32_0 = arith.constant 0 : i32
    %c0_i32_1 = arith.constant 0 : i32
    return %c0_i32, %c0_i32_0 : i32, i32
  }
  func.func @transform_4(%arg0: i32) -> (i32, i32) {
    %c0_i32 = arith.constant 0 : i32
    %c0_i32_0 = arith.constant 0 : i32
    %c0_i32_1 = arith.constant 0 : i32
    return %c0_i32, %c0_i32_0 : i32, i32
  }
  func.func @transform_5(%arg0: i32) -> (i32, i32) {
    %c0_i32 = arith.constant 0 : i32
    %c0_i32_0 = arith.constant 0 : i32
    return %arg0, %c0_i32 : i32, i32
  }
  func.func @transform_6(%arg0: i32) -> (i32, i32) {
    %c0_i32 = arith.constant 0 : i32
    %c0_i32_0 = arith.constant 0 : i32
    return %arg0, %c0_i32 : i32, i32
  }
  func.func @transform_7(%arg0: i32) -> (i32, i32) {
    %c0_i32 = arith.constant 0 : i32
    %c0_i32_0 = arith.constant 0 : i32
    return %arg0, %c0_i32 : i32, i32
  }
  func.func @transform_8(%arg0: i32) -> (i32, i32) {
    %c0_i32 = arith.constant 0 : i32
    %c0_i32_0 = arith.constant 0 : i32
    return %arg0, %c0_i32 : i32, i32
  }
  func.func @transform_9(%arg0: i32) -> (i32, i32) {
    %c0_i32 = arith.constant 0 : i32
    %c0_i32_0 = arith.constant 0 : i32
    return %arg0, %c0_i32 : i32, i32
  }
}

module attributes {stable_mosaic.version = 14 : i64} {
  func.func @_tcb_body(%arg0: i32, %arg1: memref<2x400x80xf32, #tpu.memory_space<vmem>>, %arg2: memref<400x16xf32, #tpu.memory_space<vmem>>, %arg3: memref<400x64xf32, #tpu.memory_space<vmem>>, %arg4: memref<8x64xf32, #tpu.memory_space<vmem>>, %arg5: memref<1x64xf32, #tpu.memory_space<vmem>>, %arg6: memref<400x64xf32, #tpu.memory_space<vmem>>, %arg7: memref<400x64xf32, #tpu.memory_space<vmem>>) attributes {dimension_semantics = [#tpu.dimension_semantics<arbitrary>], iteration_bounds = array<i64: 25>, scalar_prefetch = 0 : i64, scratch_operands = 0 : i64, tpu.core_type = #tpu.core_type<tc>, window_params = [{transform_indices = @transform_0, window_bounds = array<i64: 2, 400, 80>}, {transform_indices = @transform_1, window_bounds = array<i64: 400, 16>}, {transform_indices = @transform_2, window_bounds = array<i64: 400, 64>}, {pipeline_mode = #tpu.pipeline_mode<synchronous>, transform_indices = @transform_3, window_bounds = array<i64: 8, 64>}, {pipeline_mode = #tpu.pipeline_mode<synchronous>, transform_indices = @transform_4, window_bounds = array<i64: 1, 64>}, {transform_indices = @transform_5, window_bounds = array<i64: 400, 64>}, {transform_indices = @transform_6, window_bounds = array<i64: 400, 64>}]} {
    %get3A = arith.constant 0 : index
    %get3A_0 = arith.constant 0 : index
    %get3A_1 = arith.constant 64 : index
    %get3A_2 = vector.load %arg1[%get3A, %get3A_0, %get3A_1] : memref<2x400x80xf32, #tpu.memory_space<vmem>>, vector<1x400x8xf32>
    %get3A_3 = vector.shape_cast %get3A_2 : vector<1x400x8xf32> to vector<400x8xf32>
    %get3A_4 = arith.constant 1 : index
    %get3A_5 = arith.constant 0 : index
    %get3A_6 = arith.constant 64 : index
    %get3A_7 = vector.load %arg1[%get3A_4, %get3A_5, %get3A_6] : memref<2x400x80xf32, #tpu.memory_space<vmem>>, vector<1x400x8xf32>
    %get3A_8 = vector.shape_cast %get3A_7 : vector<1x400x8xf32> to vector<400x8xf32>
    %add3A = arith.addf %get3A_3, %get3A_8 : vector<400x8xf32>
    %get3A_9 = arith.constant 0 : index
    %get3A_10 = arith.constant 0 : index
    %get3A_11 = vector.load %arg2[%get3A_9, %get3A_10] : memref<400x16xf32, #tpu.memory_space<vmem>>, vector<400x8xf32>
    %add3A_12 = arith.addf %add3A, %get3A_11 : vector<400x8xf32>
    %get3A_13 = arith.constant 0 : index
    %get3A_14 = arith.constant 0 : index
    %get3A_15 = vector.load %arg4[%get3A_13, %get3A_14] : memref<8x64xf32, #tpu.memory_space<vmem>>, vector<8x64xf32>
    %dot_general3A = arith.constant dense<0.000000e+00> : vector<400x64xf32>
    %dot_general3A_16 = tpu.matmul %add3A_12, %get3A_15, %dot_general3A {dimension_numbers = #tpu.dot_dimension_numbers<[1], [0], [0], [1], [0, 0, 1, 1], [], []>, transpose_lhs_hint = false} : vector<400x8xf32>, vector<8x64xf32>, vector<400x64xf32> -> vector<400x64xf32>
    %get3A_17 = arith.constant 0 : index
    %get3A_18 = arith.constant 0 : index
    %get3A_19 = arith.constant 0 : index
    %get3A_20 = vector.load %arg1[%get3A_17, %get3A_18, %get3A_19] : memref<2x400x80xf32, #tpu.memory_space<vmem>>, vector<1x400x64xf32>
    %get3A_21 = vector.shape_cast %get3A_20 : vector<1x400x64xf32> to vector<400x64xf32>
    %get3A_22 = arith.constant 1 : index
    %get3A_23 = arith.constant 0 : index
    %get3A_24 = arith.constant 0 : index
    %get3A_25 = vector.load %arg1[%get3A_22, %get3A_23, %get3A_24] : memref<2x400x80xf32, #tpu.memory_space<vmem>>, vector<1x400x64xf32>
    %get3A_26 = vector.shape_cast %get3A_25 : vector<1x400x64xf32> to vector<400x64xf32>
    %add3A_27 = arith.addf %get3A_21, %get3A_26 : vector<400x64xf32>
    %get3A_28 = arith.constant 0 : index
    %get3A_29 = arith.constant 0 : index
    %get3A_30 = vector.load %arg3[%get3A_28, %get3A_29] : memref<400x64xf32, #tpu.memory_space<vmem>>, vector<400x64xf32>
    %add3A_31 = arith.addf %add3A_27, %get3A_30 : vector<400x64xf32>
    %div3A = arith.divf %add3A_31, %dot_general3A_16 : vector<400x64xf32>
    %get3A_32 = arith.constant 0 : index
    %get3A_33 = arith.constant 0 : index
    %get3A_34 = vector.load %arg5[%get3A_32, %get3A_33] : memref<1x64xf32, #tpu.memory_space<vmem>>, vector<1x64xf32>
    %add3A_35 = vector.broadcast %get3A_34 : vector<1x64xf32> to vector<400x64xf32>
    %add3A_36 = arith.addf %div3A, %add3A_35 : vector<400x64xf32>
    %max3A = arith.constant 0.000000e+00 : f32
    %max3A_37 = vector.broadcast %max3A : f32 to vector<400x64xf32>
    %max3A_38 = arith.maximumf %add3A_36, %max3A_37 : vector<400x64xf32>
    %swap3A = arith.constant 0 : index
    %swap3A_39 = arith.constant 0 : index
    %swap3A_40 = vector.load %arg6[%swap3A, %swap3A_39] : memref<400x64xf32, #tpu.memory_space<vmem>>, vector<400x64xf32>
    tpu.vector_store %arg6[%swap3A, %swap3A_39], %max3A_38 {strides = array<i32>} : memref<400x64xf32, #tpu.memory_space<vmem>>, vector<400x64xf32>,
    %get3A_41 = arith.constant 0 : index
    %get3A_42 = arith.constant 0 : index
    %get3A_43 = arith.constant 72 : index
    %get3A_44 = vector.load %arg1[%get3A_41, %get3A_42, %get3A_43] : memref<2x400x80xf32, #tpu.memory_space<vmem>>, vector<1x400x1xf32>
    %get3A_45 = vector.shape_cast %get3A_44 : vector<1x400x1xf32> to vector<400x1xf32>
    %get3A_46 = arith.constant 1 : index
    %get3A_47 = arith.constant 0 : index
    %get3A_48 = arith.constant 72 : index
    %get3A_49 = vector.load %arg1[%get3A_46, %get3A_47, %get3A_48] : memref<2x400x80xf32, #tpu.memory_space<vmem>>, vector<1x400x1xf32>
    %get3A_50 = vector.shape_cast %get3A_49 : vector<1x400x1xf32> to vector<400x1xf32>
    %add3A_51 = arith.addf %get3A_45, %get3A_50 : vector<400x1xf32>
    %max3A_52 = arith.constant 1.000000e+00 : f32
    %max3A_53 = vector.broadcast %max3A_52 : f32 to vector<400x1xf32>
    %max3A_54 = arith.maximumf %add3A_51, %max3A_53 : vector<400x1xf32>
    %div3A_55 = arith.constant 1.000000e+00 : f32
    %div3A_56 = vector.broadcast %div3A_55 : f32 to vector<400x1xf32>
    %div3A_57 = arith.divf %div3A_56, %max3A_54 : vector<400x1xf32>
    %broadcast_in_dim3A = vector.shape_cast %div3A_57 : vector<400x1xf32> to vector<400x1xf32>
    %broadcast_in_dim3A_58 = vector.broadcast %broadcast_in_dim3A : vector<400x1xf32> to vector<400x64xf32>
    %swap3A_59 = arith.constant 0 : index
    %swap3A_60 = arith.constant 0 : index
    %swap3A_61 = vector.load %arg7[%swap3A_59, %swap3A_60] : memref<400x64xf32, #tpu.memory_space<vmem>>, vector<400x64xf32>
    tpu.vector_store %arg7[%swap3A_59, %swap3A_60], %broadcast_in_dim3A_58 {strides = array<i32>} : memref<400x64xf32, #tpu.memory_space<vmem>>, vector<400x64xf32>,
    return
  }
  func.func @transform_0(%arg0: i32) -> (i32, i32, i32) {
    %c0_i32 = arith.constant 0 : i32
    %c0_i32_0 = arith.constant 0 : i32
    %c0_i32_1 = arith.constant 0 : i32
    return %c0_i32, %arg0, %c0_i32_0 : i32, i32, i32
  }
  func.func @transform_1(%arg0: i32) -> (i32, i32) {
    %c0_i32 = arith.constant 0 : i32
    %c0_i32_0 = arith.constant 0 : i32
    return %arg0, %c0_i32 : i32, i32
  }
  func.func @transform_2(%arg0: i32) -> (i32, i32) {
    %c0_i32 = arith.constant 0 : i32
    %c0_i32_0 = arith.constant 0 : i32
    return %arg0, %c0_i32 : i32, i32
  }
  func.func @transform_3(%arg0: i32) -> (i32, i32) {
    %c0_i32 = arith.constant 0 : i32
    %c0_i32_0 = arith.constant 0 : i32
    %c0_i32_1 = arith.constant 0 : i32
    return %c0_i32, %c0_i32_0 : i32, i32
  }
  func.func @transform_4(%arg0: i32) -> (i32, i32) {
    %c0_i32 = arith.constant 0 : i32
    %c0_i32_0 = arith.constant 0 : i32
    %c0_i32_1 = arith.constant 0 : i32
    return %c0_i32, %c0_i32_0 : i32, i32
  }
  func.func @transform_5(%arg0: i32) -> (i32, i32) {
    %c0_i32 = arith.constant 0 : i32
    %c0_i32_0 = arith.constant 0 : i32
    return %arg0, %c0_i32 : i32, i32
  }
  func.func @transform_6(%arg0: i32) -> (i32, i32) {
    %c0_i32 = arith.constant 0 : i32
    %c0_i32_0 = arith.constant 0 : i32
    return %arg0, %c0_i32 : i32, i32
  }
}

module attributes {stable_mosaic.version = 14 : i64} {
  func.func @_tcc_body(%arg0: i32, %arg1: memref<2x400x64xf32, #tpu.memory_space<vmem>>, %arg2: memref<400x64xf32, #tpu.memory_space<vmem>>, %arg3: memref<400x64xf32, #tpu.memory_space<vmem>>, %arg4: memref<64x64xf32, #tpu.memory_space<vmem>>, %arg5: memref<64x64xf32, #tpu.memory_space<vmem>>, %arg6: memref<1x64xf32, #tpu.memory_space<vmem>>, %arg7: memref<400x64xf32, #tpu.memory_space<vmem>>) attributes {dimension_semantics = [#tpu.dimension_semantics<arbitrary>], iteration_bounds = array<i64: 25>, scalar_prefetch = 0 : i64, scratch_operands = 0 : i64, tpu.core_type = #tpu.core_type<tc>, window_params = [{transform_indices = @transform_0, window_bounds = array<i64: 2, 400, 64>}, {transform_indices = @transform_1, window_bounds = array<i64: 400, 64>}, {transform_indices = @transform_2, window_bounds = array<i64: 400, 64>}, {pipeline_mode = #tpu.pipeline_mode<synchronous>, transform_indices = @transform_3, window_bounds = array<i64: 64, 64>}, {pipeline_mode = #tpu.pipeline_mode<synchronous>, transform_indices = @transform_4, window_bounds = array<i64: 64, 64>}, {pipeline_mode = #tpu.pipeline_mode<synchronous>, transform_indices = @transform_5, window_bounds = array<i64: 1, 64>}, {transform_indices = @transform_6, window_bounds = array<i64: 400, 64>}]} {
    %get3A = arith.constant 0 : index
    %get3A_0 = arith.constant 0 : index
    %get3A_1 = arith.constant 0 : index
    %get3A_2 = vector.load %arg1[%get3A, %get3A_0, %get3A_1] : memref<2x400x64xf32, #tpu.memory_space<vmem>>, vector<1x400x64xf32>
    %get3A_3 = vector.shape_cast %get3A_2 : vector<1x400x64xf32> to vector<400x64xf32>
    %get3A_4 = arith.constant 1 : index
    %get3A_5 = arith.constant 0 : index
    %get3A_6 = arith.constant 0 : index
    %get3A_7 = vector.load %arg1[%get3A_4, %get3A_5, %get3A_6] : memref<2x400x64xf32, #tpu.memory_space<vmem>>, vector<1x400x64xf32>
    %get3A_8 = vector.shape_cast %get3A_7 : vector<1x400x64xf32> to vector<400x64xf32>
    %add3A = arith.addf %get3A_3, %get3A_8 : vector<400x64xf32>
    %get3A_9 = arith.constant 0 : index
    %get3A_10 = arith.constant 0 : index
    %get3A_11 = vector.load %arg2[%get3A_9, %get3A_10] : memref<400x64xf32, #tpu.memory_space<vmem>>, vector<400x64xf32>
    %mul3A = arith.mulf %add3A, %get3A_11 : vector<400x64xf32>
    %get3A_12 = arith.constant 0 : index
    %get3A_13 = arith.constant 0 : index
    %get3A_14 = vector.load %arg4[%get3A_12, %get3A_13] : memref<64x64xf32, #tpu.memory_space<vmem>>, vector<64x64xf32>
    %dot_general3A = arith.constant dense<0.000000e+00> : vector<400x64xf32>
    %dot_general3A_15 = tpu.matmul %mul3A, %get3A_14, %dot_general3A {dimension_numbers = #tpu.dot_dimension_numbers<[1], [0], [0], [1], [0, 0, 1, 1], [], []>, transpose_lhs_hint = false} : vector<400x64xf32>, vector<64x64xf32>, vector<400x64xf32> -> vector<400x64xf32>
    %get3A_16 = arith.constant 0 : index
    %get3A_17 = arith.constant 0 : index
    %get3A_18 = vector.load %arg3[%get3A_16, %get3A_17] : memref<400x64xf32, #tpu.memory_space<vmem>>, vector<400x64xf32>
    %get3A_19 = arith.constant 0 : index
    %get3A_20 = arith.constant 0 : index
    %get3A_21 = vector.load %arg5[%get3A_19, %get3A_20] : memref<64x64xf32, #tpu.memory_space<vmem>>, vector<64x64xf32>
    %dot_general3A_22 = arith.constant dense<0.000000e+00> : vector<400x64xf32>
    %dot_general3A_23 = tpu.matmul %get3A_18, %get3A_21, %dot_general3A_22 {dimension_numbers = #tpu.dot_dimension_numbers<[1], [0], [0], [1], [0, 0, 1, 1], [], []>, transpose_lhs_hint = false} : vector<400x64xf32>, vector<64x64xf32>, vector<400x64xf32> -> vector<400x64xf32>
    %add3A_24 = arith.addf %dot_general3A_15, %dot_general3A_23 : vector<400x64xf32>
    %get3A_25 = arith.constant 0 : index
    %get3A_26 = arith.constant 0 : index
    %get3A_27 = vector.load %arg6[%get3A_25, %get3A_26] : memref<1x64xf32, #tpu.memory_space<vmem>>, vector<1x64xf32>
    %add3A_28 = vector.broadcast %get3A_27 : vector<1x64xf32> to vector<400x64xf32>
    %add3A_29 = arith.addf %add3A_24, %add3A_28 : vector<400x64xf32>
    %swap3A = arith.constant 0 : index
    %swap3A_30 = arith.constant 0 : index
    %swap3A_31 = vector.load %arg7[%swap3A, %swap3A_30] : memref<400x64xf32, #tpu.memory_space<vmem>>, vector<400x64xf32>
    tpu.vector_store %arg7[%swap3A, %swap3A_30], %add3A_29 {strides = array<i32>} : memref<400x64xf32, #tpu.memory_space<vmem>>, vector<400x64xf32>,
    return
  }
  func.func @transform_0(%arg0: i32) -> (i32, i32, i32) {
    %c0_i32 = arith.constant 0 : i32
    %c0_i32_0 = arith.constant 0 : i32
    %c0_i32_1 = arith.constant 0 : i32
    return %c0_i32, %arg0, %c0_i32_0 : i32, i32, i32
  }
  func.func @transform_1(%arg0: i32) -> (i32, i32) {
    %c0_i32 = arith.constant 0 : i32
    %c0_i32_0 = arith.constant 0 : i32
    return %arg0, %c0_i32 : i32, i32
  }
  func.func @transform_2(%arg0: i32) -> (i32, i32) {
    %c0_i32 = arith.constant 0 : i32
    %c0_i32_0 = arith.constant 0 : i32
    return %arg0, %c0_i32 : i32, i32
  }
  func.func @transform_3(%arg0: i32) -> (i32, i32) {
    %c0_i32 = arith.constant 0 : i32
    %c0_i32_0 = arith.constant 0 : i32
    %c0_i32_1 = arith.constant 0 : i32
    return %c0_i32, %c0_i32_0 : i32, i32
  }
  func.func @transform_4(%arg0: i32) -> (i32, i32) {
    %c0_i32 = arith.constant 0 : i32
    %c0_i32_0 = arith.constant 0 : i32
    %c0_i32_1 = arith.constant 0 : i32
    return %c0_i32, %c0_i32_0 : i32, i32
  }
  func.func @transform_5(%arg0: i32) -> (i32, i32) {
    %c0_i32 = arith.constant 0 : i32
    %c0_i32_0 = arith.constant 0 : i32
    %c0_i32_1 = arith.constant 0 : i32
    return %c0_i32, %c0_i32_0 : i32, i32
  }
  func.func @transform_6(%arg0: i32) -> (i32, i32) {
    %c0_i32 = arith.constant 0 : i32
    %c0_i32_0 = arith.constant 0 : i32
    return %arg0, %c0_i32 : i32, i32
  }
}

</mosaic_0001>

<sc_bundles>
// kernel: kernel.10.cloned.1.call-start
scs
__scs_entry_jumppad:
0x0: {  	(pc) =	sbr.rel $0x88, $3  }
0x1: {  	(tag) =	ssettag $0x0;
	lr =	simm.s32 $0x1  }
0x2: {  	[smem:$0x3F98] =	sst lr;
	_ =	strace $0xD0000000  }
0x3: {  	_ = 	snop  }
0x4: {  	_ = 	snop  }
0x5: {  	_ = 	snop  }
0x6: {  	_ = 	snop  }
0x7: {  	_ = 	snop  }
__scs_overlays_trampoline_lowered:
0x8: {  	[smem:$0x3FA7] =	sst s0  }
0x9: {  	[smem:$0x3FA8] =	sst s1  }
0xa: {  	[smem:$0x3FA9] =	sst s2  }
0xb: {  	[smem:$0x3FAA] =	sst s3  }
0xc: {  	[smem:$0x3FAB] =	sst s4  }
0xd: {  	[smem:$0x3FAC] =	sst s5  }
0xe: {  	[smem:$0x3FAD] =	sst s6  }
0xf: {  	[smem:$0x3FAE] =	sst s7  }
0x10: {  	[smem:$0x3FAF] =	sst s8  }
0x11: {  	[smem:$0x3FB0] =	sst s9;
	s0 =	simm.s32 @!p0 $0x0  }
0x12: {  	s1 =	sld [smem:$0x3F96];
	s0 =	simm.s32 @p0 $0x1  }
0x13: {  	[smem:$0x3FB1] =	sst s0;
	s0 =	simm.s32 @!p1 $0x0  }
0x14: {  	s2 =	sld [smem:$0x3F95];
	s0 =	simm.s32 @p1 $0x1  }
0x15: {  	[smem:$0x3FB2] =	sst s0;
	s0 =	simm.s32 @!p2 $0x0  }
0x16: {  	s3 =	sld [smem:$0x3FDB];
	s0 =	simm.s32 @p2 $0x1  }
0x17: {  	s4 =	simm.s32 $0x1BF5;
	[smem:$0x3FB4] =	sst s0  }
0x18: {  	s0 =	sld [smem:$0x3F97];
	_ =	swait.ge [sflag:s4], $0x0  }
0x19: {  	s7 =	sld [smem:$0x3F98]  }
0x1a: {  	s8 =	sadd.s32 $0xFFFFE003, lr  }
0x1b: {  	s9 =	sadd.s32 $0xFFFFFEF7, lr;
	s5 =	simm.s32 $0xFFFFFFFF;
	p2 =	slt.u32 s8, $0xFFFFF086  }
0x1c: {  	p1 =	slt.u32 s9, $0xF7A;
	s5 =	simm.s32 @!p2 $0x0  }
0x1d: {  	s5 =	simm.s32 @p1 $0x1;
	p0 =	seq.s32 s7, s2  }
0x1e: {  	s7 =	smul.u32 @!p0 $0xF7A, s2;
	p2 =	seq.s32 @!p0 s5, $0x0  }
0x1f: {  	s9 =	smul.u32 $0xF7A, s1;
	s8 =	simm.s32 @!p0 $0x1BF5;
	p2 =	por !p2, p0  }
0x20: {  	[sflag:s8] =	ssyncset.s32 @!p0 $0xFFFFF086;
	s6 =	sadd.s32 @!p0 s3, s7;
	s7 =	simm.s32 @!p0 $0x108  }
0x21: {  	s3 =	sadd.s32 s3, s9;
	s6 =	sadd.s32 @!p0 $0x88, s6;
	s7 =	simm.s32 @p2 $0x1082  }
0x22: {  	[simem:s7], [sflag:s8] =	dma.local @!p0 [hbm:s6], $0xF7A  }
0x23: {  	s9 =	sor.u32 $0xD0000000, s2;
	s6 =	simm.s32 $0x108;
	_ =	swait.ge @!p0 [sflag:s8], $0x0  }
0x24: {  	s3 =	sadd.s32 $0x88, s3;
	s6 =	simm.s32 @!p1 $0x1082;
	[sflag:s4] =	ssyncset.s32 $0xFFFFF086  }
0x25: {  	[simem:s6], [sflag:s4] =	dma.local [hbm:s3], $0xF7A  }
0x26: {  	[smem:$0x3F98] =	sst s1;
	(tag) =	ssettag s2;
	_ =	strace s9  }
0x27: {  	s1 =	sld [smem:$0x3FA8]  }
0x28: {  	s2 =	sld [smem:$0x3FA9]  }
0x29: {  	s4 =	sld [smem:$0x3FAB]  }
0x2a: {  	p0 =	seq.s32 s5, $0x0;
	s5 =	sld [smem:$0x3FAC]  }
0x2b: {  	s6 =	sld [smem:$0x3FAD]  }
0x2c: {  	s7 =	sld [smem:$0x3FAE]  }
0x2d: {  	s3 =	simm.s32 $0x108;
	s8 =	sld [smem:$0x3FAF]  }
0x2e: {  	s3 =	simm.s32 @!p0 $0x1082;
	s9 =	sld [smem:$0x3FB0]  }
0x2f: {  	lr =	sadd.s32 s0, s3;
	s0 =	sld [smem:$0x3FA7]  }
0x30: {  	s3 =	sld [smem:$0x3FAA]  }
0x31: {  	[smem:$0x3FB3] =	sst s10  }
0x32: {  	s10 =	sld [smem:$0x3FB1];
	_ =	sdelay $0x3  }
0x33: {  	p0 =	seq.s32 s10, $0x1;
	s10 =	sld [smem:$0x3FB3];
	_ =	sdelay $0x3  }
0x34: {  	[smem:$0x3FB3] =	sst s10  }
0x35: {  	s10 =	sld [smem:$0x3FB2];
	_ =	sdelay $0x3  }
0x36: {  	p1 =	seq.s32 s10, $0x1;
	s10 =	sld [smem:$0x3FB3];
	_ =	sdelay $0x3  }
0x37: {  	[smem:$0x3FB3] =	sst s10  }
0x38: {  	s10 =	sld [smem:$0x3FB4]  }
0x39: {  	_ = 	snop;
	(pc) =	sbr.ind lr, $3  }
0x3a: {  	_ = 	snop  }
0x3b: {  	_ = 	snop  }
0x3c: {  	p2 =	seq.s32 s10, $0x1;
	s10 =	sld [smem:$0x3FB3]  }
0x3d: {  	_ =	shalt  }
0x3e: {  	_ =	shalt  }
0x3f: {  	_ =	shalt  }
0x40: {  	_ =	shalt  }
0x41: {  	_ =	shalt  }
0x42: {  	_ =	shalt  }
0x43: {  	_ =	shalt  }
0x44: {  	_ =	shalt  }
0x45: {  	_ =	shalt  }
0x46: {  	_ =	shalt  }
0x47: {  	_ =	shalt  }
0x48: {  	_ =	shalt  }
0x49: {  	_ =	shalt  }
0x4a: {  	_ =	shalt  }
0x4b: {  	_ =	shalt  }
0x4c: {  	_ =	shalt  }
0x4d: {  	_ =	shalt  }
0x4e: {  	_ =	shalt  }
0x4f: {  	_ =	shalt  }
0x50: {  	_ =	shalt  }
0x51: {  	_ =	shalt  }
0x52: {  	_ =	shalt  }
0x53: {  	_ =	shalt  }
0x54: {  	_ =	shalt  }
0x55: {  	_ =	shalt  }
0x56: {  	_ =	shalt  }
0x57: {  	_ =	shalt  }
0x58: {  	_ =	shalt  }
0x59: {  	_ =	shalt  }
0x5a: {  	_ =	shalt  }
0x5b: {  	_ =	shalt  }
0x5c: {  	_ =	shalt  }
0x5d: {  	_ =	shalt  }
0x5e: {  	_ =	shalt  }
0x5f: {  	_ =	shalt  }
0x60: {  	_ =	shalt  }
0x61: {  	_ =	shalt  }
0x62: {  	_ =	shalt  }
0x63: {  	_ =	shalt  }
0x64: {  	_ =	shalt  }
0x65: {  	_ =	shalt  }
0x66: {  	_ =	shalt  }
0x67: {  	_ =	shalt  }
0x68: {  	_ =	shalt  }
0x69: {  	_ =	shalt  }
0x6a: {  	_ =	shalt  }
0x6b: {  	_ =	shalt  }
0x6c: {  	_ =	shalt  }
0x6d: {  	_ =	shalt  }
0x6e: {  	_ =	shalt  }
0x6f: {  	_ =	shalt  }
0x70: {  	_ =	shalt  }
0x71: {  	_ =	shalt  }
0x72: {  	_ =	shalt  }
0x73: {  	_ =	shalt  }
0x74: {  	_ =	shalt  }
0x75: {  	_ =	shalt  }
0x76: {  	_ =	shalt  }
0x77: {  	_ =	shalt  }
0x78: {  	_ =	shalt  }
0x79: {  	_ =	shalt  }
0x7a: {  	_ =	shalt  }
0x7b: {  	_ =	shalt  }
0x7c: {  	_ =	shalt  }
0x7d: {  	_ =	shalt  }
0x7e: {  	_ =	shalt  }
0x7f: {  	_ =	shalt  }
0x80: {  	_ =	shalt  }
0x81: {  	_ =	shalt  }
0x82: {  	_ =	shalt  }
0x83: {  	_ =	shalt  }
0x84: {  	_ =	shalt  }
0x85: {  	_ =	shalt  }
0x86: {  	_ =	shalt  }
0x87: {  	_ =	shalt  }
.Lfunc_end0:
.L_simem_size_0:
called_computation.1_lowered:
.L_overlay_start_0:
0x88: {  	s2 =	sld [smem:$0x3FD9]  }
0x89: {  	s3 =	sld [smem:$0x3FFE];
	_ =	sdelay $0x1  }
0x8a: {  	s1 =	srdreg.scid  }
0x8b: {  	s0 =	sand.u32 $0x1, s1  }
0x8c: {  	s14 =	sshll.u32 s0, $0xA;
	s2 =	sadd.s32 s3, s2  }
0x8d: {  	s2 =	sadd.s32 s2, s14  }
0x8e: {  	[smem:$0x3FBF] =	sst s2  }
0x8f: {  	_ = 	snop  }
0x90: {  	s2 =	sld [smem:$0x3FD0];
	_ =	sdelay $0x2  }
0x91: {  	s15 =	simm.s32 $0xA;
	s4 =	simm.s32 $0x10  }
0x92: {  	[smem:s4], [sflag:s15] =	dma.local [hbm:s2], $0x1  }
0x93: {  	_ =	swait.eq [sflag:s15], $0x1  }
0x94: {  	[sflag:s15] =	ssyncset.done $0x0  }
0x95: {  	[sflag:s15] =	ssyncadd.s32 $0xFFFFFFFF  }
0x96: {  	s16 =	sld [smem:$0x11];
	(tm) =	ssettm $0x1  }
0x97: {  	s17 =	sld [smem:$0x3FFB];
	_ =	sdelay $0x3  }
0x98: {  	_ =	strace s17  }
0x99: {  	s3 =	sld [smem:$0x3FFC];
	_ =	sdelay $0x3  }
0x9a: {  	_ =	strace s3  }
0x9b: {  	s3 =	sld [smem:$0x3FFD];
	_ =	sdelay $0x3  }
0x9c: {  	_ =	strace s3  }
0x9d: {  	_ =	strace $0x8FFFFFFF  }
0x9e: {  	s18 =	sld [smem:$0x3FDB];
	_ =	sdelay $0x1  }
0x9f: {  	s19 =	simm.s32 $_scs_section_size  }
0xa0: {  	s5 =	simm.s32 $_size__tile_overlayer_lowered;
	s6 =	simm.s32 $_tile_overlayer_lowered  }
0xa1: {  	s22 =	simm.s32 $0x1BFF;
	s21 =	sshll.u32 s6, $0x1;
	s3 =	sadd.s32 s19, s18  }
0xa2: {  	s7 =	simm.s32 $0x0;
	s20 =	sshll.u32 s5, $0x1;
	s5 =	sadd.s32 s21, s3  }
0xa3: {  	[timem:s7], [sflag:s22] =	dma.local [hbm:s5], s20  }
0xa4: {  	_ =	swait.ge [sflag:s22], s20  }
0xa5: {  	s4 =	ssub.s32 $0x0, s20;
	[sflag:s22] =	ssyncset.done $0x0  }
0xa6: {  	[sflag:s22] =	ssyncadd.s32 s4;
	_ =	sdelay $0x1  }
0xa7: {  	s23 =	simm.s32 $0x1B8B  }
0xa8: {  	_ =	swait.ge [sflag:s23], $0x1  }
0xa9: {  	[sflag:s23] =	ssyncset.done $0x0  }
0xaa: {  	s25 =	simm.s32 $0x1B8E;
	s24 =	sld [smem:$0x3FFE];
	[sflag:s23] =	ssyncadd.s32 $0xFFFFFFFF  }
0xab: {  	s26 =	simm.s32 $execute0_lowered;
	[smem:$0x3FD2] =	sst s25  }
0xac: {  	s5 =	sshll.u32 s26, $0x1;
	_ =	strace $0x80000049;
	[dreg:$0x1] =	wrdreg $0xFFFFFFFF  }
0xad: {  	s28 =	simm.s32 $_size_execute0_lowered;
	s3 =	sadd.s32 s3, s5;
	[dreg:$0x0] =	wrdreg $0x0  }
0xae: {  	s5 =	sshll.u32 s28, $0x1;
	[dreg:$0x2] =	wrdreg s3  }
0xaf: {  	[dreg:$0x3] =	wrdreg s5  }
0xb0: {  	[dreg:$0x4] =	wrdreg $0xC0  }
0xb1: {  	_ =	task [dreg:s7], $0x5FFFF  }
0xb2: {  	[dreg:$0x1] =	wrdreg $0xFFFFFFFF  }
0xb3: {  	[dreg:$0x0] =	wrdreg $0x60  }
0xb4: {  	[dreg:$0x2] =	wrdreg s24  }
0xb5: {  	[dreg:$0x3] =	wrdreg s16  }
0xb6: {  	[dreg:$0x4] =	wrdreg $0xD0000  }
0xb7: {  	[dreg:$0x5] =	wrdreg $0x9  }
0xb8: {  	_ =	task.clear_ibuf [dreg:s7], $0x6FFFF;
	_ =	strace $0x90000049  }
0xb9: {  	s29 =	simm.s32 $0x9;
	_ =	strace $0x8000004B  }
0xba: {  	_ =	swait.ge [sflag:s29], $0x1  }
0xbb: {  	[sflag:s29] =	ssyncadd.s32 $0xFFFFFFFF  }
0xbc: {  	_ =	strace $0x9000004B  }
0xbd: {  	_ =	sfence  }
0xbe: {  	s30 =	sld [smem:$0x0];
	_ =	sdelay $0x2  }
0xbf: {  	s31 =	sshll.u32 s1, $0xD;
	s1 =	sshrl.u32 s1, $0x2  }
0xc0: {  	s3 =	sand.u32 $0x4000, s31;
	s1 =	sadd.s32 s1, s30  }
0xc1: {  	s0 =	sor.u32 s3, s0;
	s1 =	sshll.u32 s1, $0x11  }
0xc2: {  	s0 =	sor.u32 s1, s0  }
0xc3: {  	s0 =	sadd.s32 $0x8F2B, s0  }
0xc4: {  	[sflag:s0] =	ssyncadd.remote.s32 $0x1  }
0xc5: {  	_ =	sfence.sel $0xFFFF  }
0xc6: {  	[dreg:$0x0] =	wrdreg $0xFFFFFFFF;
	(pc) =	sbr.abs _section_cstart, $3  }
0xc7: {  	[dreg:$0x1] =	wrdreg $0xFFFFFFFF  }
0xc8: {  	_ =	task.clear_ibuf [dreg:s7], $0x2FFFF;
	_ =	strace $0x9FFFFFFF  }
0xc9: {  	(tm) =	ssettm $0x7FFFFFFF  }
tec
execute0_lowered:
.L_overlay_start_1:
0x0: {  	(tag) =	ssettag $0x1  }
0x1: {  	s0 =	rddreg [dreg:$0x0]  }
0x2: {  	s1 =	rddreg [dreg:$0x1];
	s3 =	srdreg.scid  }
0x3: {  	s2 =	rddreg [dreg:$0x2];
	s9 =	stileid.u32  }
0x4: {  	s12 =	simm.s32 $0x9;
	s14 =	simm.s32 $0x80;
	s15 =	simm.s32 $0x5000  }
0x5: {  	s16 =	simm.s32 $0x7000;
	s18 =	simm.s32 $0x9000;
	s20 =	simm.s32 $0xB000  }
0x6: {  	s21 =	simm.s32 $0x1;
	s22 =	simm.s32 $0x2;
	s28 =	simm.s32 $0x7  }
0x7: {  	s29 =	simm.s32 $0x8;
	s31 =	simm.s32 $0x4E80;
	s13 =	simm.s32 $0x0  }
0x8: {  	s4 =	sand.u32 $0x1, s3;
	s6 =	smul.u32 $0x9E00, s9;
	s3 =	simm.s32 $0x0  }
0x9: {  	s30 =	sshll.u32 s9, $0x6;
	s5 =	sshll.u32 s4, $0x4;
	s7 =	smul.u32 $0x9E000, s4  }
0xa: {  	[smem:$0x7FF] =	sst s3;
	s24 =	ssub.s32 $0x2, s4;
	s4 =	sadd.s32 $0x1000, s0  }
0xb: {  	s5 =	sor.u32 s9, s5;
	_ =	strace $0x8000004A;
	s25 =	sshrl.u32 s24, $0x1  }
0xc: {  	s26 =	sshrl.u32 s6, $0x3;
	s11 =	sadd.s32 s6, s2;
	s5 =	smul.u32 $0x500, s5  }
0xd: {  	s7 =	sadd.s32 s6, s7;
	s10 =	ssub.s32 s24, s25;
	s6 =	sor.u32 $0x1C09, s30  }
0xe: {  	s11 =	sshrl.u32 s11, $0x3;
	s24 =	simm.s32 $0x4;
	s25 =	simm.s32 $0x5  }
0xf: {  	s23 =	sshrl.u32 s7, $0x3;
	s10 =	smax.u32 s10, $0x1;
	s8 =	sadd.s32 s5, s0  }
0x10: {  	s0 =	sadd.s32 s23, s0;
	s5 =	sadd.s32 s1, s26;
	s23 =	simm.s32 $0x3  }
0x11: {  	s26 =	simm.s32 $0x6;
	s1 =	simm.s32 $0x4F80;
	s7 =	sadd.s32 $0x2D200, s8  }
0x12: {  	s8 =	sadd.s32 $0x37200, s8;
	s9 =	sadd.s32 $0x41200, s0;
	s0 =	simm.s32 $0x4F00  }
.LBB2_1:
0x13: {  	[spmem:s11], [sflag:s6] =	dma.local [hbm:s5], $0x13C0  }
0x14: {  	_ =	swait.ge [sflag:s12], $0x13C0  }
0x15: {  	[sflag:s12] =	ssyncset.done $0x0  }
0x16: {  	[sflag:s12] =	ssyncadd.s32 $0xFFFFEC40  }
0x17: {  	[tilespmem:s3], [sflag:$0x9] =	stream.linear.gather [hbm4b:s7+s3], $0x2800, $0x38;
	[tilespmem:$0x16E00] =	vst v63  }
0x18: {  	_ =	swait.ge [sflag:s12], $0x2800  }
0x19: {  	[sflag:s12] =	ssyncset.done $0x0  }
0x1a: {  	s17 =	simm.s32 $0x2800;
	[sflag:s12] =	ssyncadd.s32 $0xFFFFD800  }
0x1b: {  	[tilespmem:s17], [sflag:$0x9] =	stream.linear.gather [hbm4b:s8+s3], $0x2800, $0x38;
	[tilespmem:$0x16E00] =	vst v63  }
0x1c: {  	_ =	swait.ge [sflag:s12], $0x2800  }
0x1d: {  	[sflag:s12] =	ssyncset.done $0x0  }
0x1e: {  	[sflag:s12] =	ssyncadd.s32 $0xFFFFD800  }
0x1f: {  	[bflag:$0x0] =	sbarrier.arrive $0xFFFF  }
0x20: {  	[tilespmem:s15], [sflag:$0x1] =	stream.indirect.gather [hbm4b:s4+s14], $0x40, s3, s14, $0xb8;
	[tilespmem:$0x16E00] =	vst v63  }
0x21: {  	_ = 	snop  }
0x22: {  	[tilespmem:s16], [sflag:$0x2] =	stream.indirect.gather [hbm4b:s4+s14], $0x40, s14, s14, $0xb8;
	[tilespmem:$0x16E00] =	vst v63  }
0x23: {  	s30 =	simm.s32 $0x100  }
0x24: {  	[tilespmem:s18], [sflag:$0x3] =	stream.indirect.gather [hbm4b:s4+s14], $0x40, s30, s14, $0xb8;
	[tilespmem:$0x16E00] =	vst v63  }
0x25: {  	s19 =	simm.s32 $0x180  }
0x26: {  	[tilespmem:s20], [sflag:$0x4] =	stream.indirect.gather [hbm4b:s4+s14], $0x40, s19, s14, $0xb8;
	[tilespmem:$0x16E00] =	vst v63  }
0x27: {  	_ =	swait.ge [sflag:s21], $0x2000  }
0x28: {  	[sflag:s21] =	ssyncset.done $0x0  }
0x29: {  	s30 =	simm.s32 $0x2800;
	[sflag:s21] =	ssyncadd.s32 $0xFFFFE000  }
0x2a: {  	[spmem:s2] =	stream.indirect.scatter.add.f32 [tilespmem:s15], [sflag:$0x5], $0x40, s30, s14, $0xb8;
	[tilespmem:$0x16E00] =	vst v63  }
0x2b: {  	_ =	swait.ge [sflag:s22], $0x2000  }
0x2c: {  	[sflag:s22] =	ssyncset.done $0x0  }
0x2d: {  	s19 =	simm.s32 $0x2880;
	[sflag:s22] =	ssyncadd.s32 $0xFFFFE000  }
0x2e: {  	[spmem:s2] =	stream.indirect.scatter.add.f32 [tilespmem:s16], [sflag:$0x6], $0x40, s19, s14, $0xb8;
	[tilespmem:$0x16E00] =	vst v63  }
0x2f: {  	_ =	swait.ge [sflag:s23], $0x2000  }
0x30: {  	[sflag:s23] =	ssyncset.done $0x0  }
0x31: {  	s30 =	simm.s32 $0x2900;
	[sflag:s23] =	ssyncadd.s32 $0xFFFFE000  }
0x32: {  	[spmem:s2] =	stream.indirect.scatter.add.f32 [tilespmem:s18], [sflag:$0x7], $0x40, s30, s14, $0xb8;
	[tilespmem:$0x16E00] =	vst v63  }
0x33: {  	_ =	swait.ge [sflag:s24], $0x2000  }
0x34: {  	[sflag:s24] =	ssyncset.done $0x0  }
0x35: {  	s19 =	simm.s32 $0x2980;
	[sflag:s24] =	ssyncadd.s32 $0xFFFFE000  }
0x36: {  	[spmem:s2] =	stream.indirect.scatter.add.f32 [tilespmem:s20], [sflag:$0x8], $0x40, s19, s14, $0xb8;
	[tilespmem:$0x16E00] =	vst v63  }
0x37: {  	_ =	swait.ge [sflag:s25], $0x2000  }
0x38: {  	[sflag:s25] =	ssyncset.done $0x0  }
0x39: {  	s30 =	simm.s32 $0x200;
	[sflag:s25] =	ssyncadd.s32 $0xFFFFE000  }
0x3a: {  	[tilespmem:s15], [sflag:$0x1] =	stream.indirect.gather [hbm4b:s4+s14], $0x40, s30, s14, $0xb8;
	[tilespmem:$0x16E00] =	vst v63  }
0x3b: {  	_ =	swait.ge [sflag:s26], $0x2000  }
0x3c: {  	[sflag:s26] =	ssyncset.done $0x0  }
0x3d: {  	s19 =	simm.s32 $0x280;
	[sflag:s26] =	ssyncadd.s32 $0xFFFFE000  }
0x3e: {  	[tilespmem:s16], [sflag:$0x2] =	stream.indirect.gather [hbm4b:s4+s14], $0x40, s19, s14, $0xb8;
	[tilespmem:$0x16E00] =	vst v63  }
0x3f: {  	_ =	swait.ge [sflag:s28], $0x2000  }
0x40: {  	[sflag:s28] =	ssyncset.done $0x0  }
0x41: {  	s30 =	simm.s32 $0x300;
	[sflag:s28] =	ssyncadd.s32 $0xFFFFE000  }
0x42: {  	[tilespmem:s18], [sflag:$0x3] =	stream.indirect.gather [hbm4b:s4+s14], $0x40, s30, s14, $0xb8;
	[tilespmem:$0x16E00] =	vst v63  }
0x43: {  	_ =	swait.ge [sflag:s29], $0x2000  }
0x44: {  	[sflag:s29] =	ssyncset.done $0x0  }
0x45: {  	s17 =	simm.s32 $0x800;
	s19 =	simm.s32 $0x380;
	[sflag:s29] =	ssyncadd.s32 $0xFFFFE000  }
.LBB2_2:
0x46: {  	[tilespmem:s20], [sflag:$0x4] =	stream.indirect.gather [hbm4b:s4+s14], $0x40, s19, s14, $0xb8;
	[tilespmem:$0x16E00] =	vst v63  }
0x47: {  	s19 =	smov.u32 s17  }
0x48: {  	p0 =	sne.s32 s17, $0x9000;
	s17 =	sadd.s32 $0x800, s17;
	_ =	swait.ge [sflag:s21], $0x2000  }
0x49: {  	s19 =	sshra.s32 s19, $0x2;
	[sflag:s21] =	ssyncset.done $0x0  }
0x4a: {  	s30 =	sadd.s32 $0x2800, s19;
	[sflag:s21] =	ssyncadd.s32 $0xFFFFE000  }
0x4b: {  	[spmem:s2] =	stream.indirect.scatter.add.f32 [tilespmem:s15], [sflag:$0x5], $0x40, s30, s14, $0xb8;
	[tilespmem:$0x16E00] =	vst v63  }
0x4c: {  	_ =	swait.ge [sflag:s22], $0x2000  }
0x4d: {  	[sflag:s22] =	ssyncset.done $0x0  }
0x4e: {  	s30 =	sadd.s32 $0x2880, s19;
	[sflag:s22] =	ssyncadd.s32 $0xFFFFE000  }
0x4f: {  	[spmem:s2] =	stream.indirect.scatter.add.f32 [tilespmem:s16], [sflag:$0x6], $0x40, s30, s14, $0xb8;
	[tilespmem:$0x16E00] =	vst v63  }
0x50: {  	_ =	swait.ge [sflag:s23], $0x2000  }
0x51: {  	[sflag:s23] =	ssyncset.done $0x0  }
0x52: {  	s30 =	sadd.s32 $0x2900, s19;
	[sflag:s23] =	ssyncadd.s32 $0xFFFFE000  }
0x53: {  	[spmem:s2] =	stream.indirect.scatter.add.f32 [tilespmem:s18], [sflag:$0x7], $0x40, s30, s14, $0xb8;
	[tilespmem:$0x16E00] =	vst v63  }
0x54: {  	_ =	swait.ge [sflag:s24], $0x2000  }
0x55: {  	[sflag:s24] =	ssyncset.done $0x0  }
0x56: {  	s30 =	sadd.s32 $0x2980, s19;
	[sflag:s24] =	ssyncadd.s32 $0xFFFFE000  }
0x57: {  	[spmem:s2] =	stream.indirect.scatter.add.f32 [tilespmem:s20], [sflag:$0x8], $0x40, s30, s14, $0xb8;
	[tilespmem:$0x16E00] =	vst v63  }
0x58: {  	_ =	swait.ge [sflag:s25], $0x2000  }
0x59: {  	[sflag:s25] =	ssyncset.done $0x0  }
0x5a: {  	s30 =	sadd.s32 $0x200, s19;
	[sflag:s25] =	ssyncadd.s32 $0xFFFFE000  }
0x5b: {  	[tilespmem:s15], [sflag:$0x1] =	stream.indirect.gather [hbm4b:s4+s14], $0x40, s30, s14, $0xb8;
	[tilespmem:$0x16E00] =	vst v63  }
0x5c: {  	_ =	swait.ge [sflag:s26], $0x2000  }
0x5d: {  	[sflag:s26] =	ssyncset.done $0x0  }
0x5e: {  	s30 =	sadd.s32 $0x280, s19;
	[sflag:s26] =	ssyncadd.s32 $0xFFFFE000  }
0x5f: {  	[tilespmem:s16], [sflag:$0x2] =	stream.indirect.gather [hbm4b:s4+s14], $0x40, s30, s14, $0xb8;
	[tilespmem:$0x16E00] =	vst v63  }
0x60: {  	_ =	swait.ge [sflag:s28], $0x2000  }
0x61: {  	[sflag:s28] =	ssyncset.done $0x0  }
.Ltmp0:
0x62: {  	s30 =	sadd.s32 $0x300, s19;
	[sflag:s28] =	ssyncadd.s32 $0xFFFFE000;
	(pc) =	sbr.rel @p0 .LBB2_2-.Ltmp0, $4  }
0x63: {  	[tilespmem:s18], [sflag:$0x3] =	stream.indirect.gather [hbm4b:s4+s14], $0x40, s30, s14, $0xb8;
	[tilespmem:$0x16E00] =	vst v63  }
0x64: {  	_ =	swait.ge [sflag:s29], $0x2000  }
0x65: {  	[sflag:s29] =	ssyncset.done $0x0  }
0x66: {  	s19 =	sadd.s32 $0x380, s19;
	[sflag:s29] =	ssyncadd.s32 $0xFFFFE000  }
0x67: {  	[tilespmem:s20], [sflag:$0x4] =	stream.indirect.gather [hbm4b:s4+s14], $0x40, s19, s14, $0xb8;
	[tilespmem:$0x16E00] =	vst v63  }
0x68: {  	_ =	swait.ge [sflag:s21], $0x2000  }
0x69: {  	[sflag:s21] =	ssyncset.done $0x0  }
0x6a: {  	s17 =	simm.s32 $0x4E00;
	[sflag:s21] =	ssyncadd.s32 $0xFFFFE000  }
0x6b: {  	[spmem:s2] =	stream.indirect.scatter.add.f32 [tilespmem:s15], [sflag:$0x5], $0x40, s17, s14, $0xb8;
	[tilespmem:$0x16E00] =	vst v63  }
0x6c: {  	_ =	swait.ge [sflag:s22], $0x2000  }
0x6d: {  	[sflag:s22] =	ssyncset.done $0x0  }
0x6e: {  	[sflag:s22] =	ssyncadd.s32 $0xFFFFE000  }
0x6f: {  	[spmem:s2] =	stream.indirect.scatter.add.f32 [tilespmem:s16], [sflag:$0x6], $0x40, s31, s14, $0xb8;
	[tilespmem:$0x16E00] =	vst v63  }
0x70: {  	_ =	swait.ge [sflag:s23], $0x2000  }
0x71: {  	[sflag:s23] =	ssyncset.done $0x0  }
0x72: {  	[sflag:s23] =	ssyncadd.s32 $0xFFFFE000  }
0x73: {  	[spmem:s2] =	stream.indirect.scatter.add.f32 [tilespmem:s18], [sflag:$0x7], $0x40, s0, s14, $0xb8;
	[tilespmem:$0x16E00] =	vst v63  }
0x74: {  	_ =	swait.ge [sflag:s24], $0x2000  }
0x75: {  	[sflag:s24] =	ssyncset.done $0x0  }
0x76: {  	[sflag:s24] =	ssyncadd.s32 $0xFFFFE000  }
0x77: {  	[spmem:s2] =	stream.indirect.scatter.add.f32 [tilespmem:s20], [sflag:$0x8], $0x40, s1, s14, $0xb8;
	[tilespmem:$0x16E00] =	vst v63  }
0x78: {  	_ =	swait.ge [sflag:s25], $0x2000  }
0x79: {  	[sflag:s25] =	ssyncset.done $0x0  }
0x7a: {  	[sflag:s25] =	ssyncadd.s32 $0xFFFFE000  }
0x7b: {  	_ =	swait.ge [sflag:s26], $0x2000  }
0x7c: {  	[sflag:s26] =	ssyncset.done $0x0  }
0x7d: {  	[sflag:s26] =	ssyncadd.s32 $0xFFFFE000  }
0x7e: {  	_ =	swait.ge [sflag:s28], $0x2000  }
0x7f: {  	[sflag:s28] =	ssyncset.done $0x0  }
0x80: {  	[sflag:s28] =	ssyncadd.s32 $0xFFFFE000  }
0x81: {  	_ =	swait.ge [sflag:s29], $0x2000  }
0x82: {  	s13 =	sadd.s32 $0x1, s13;
	[sflag:s29] =	ssyncset.done $0x0  }
0x83: {  	p0 =	sne.s32 s13, s10;
	[sflag:s29] =	ssyncadd.s32 $0xFFFFE000  }
.Ltmp1:
0x84: {  	[bflag:$0x0] =	sbarrier.arrive $0xFFFF;
	(pc) =	sbr.rel @p0 .LBB2_1-.Ltmp1, $4  }
0x85: {  	[hbm:s9], [sflag:s6] =	dma.local [spmem:s11], $0x13C0  }
0x86: {  	_ =	swait.ge [sflag:s12], $0x13C0  }
0x87: {  	[sflag:s12] =	ssyncset.done $0x0  }
0x88: {  	[sflag:s12] =	ssyncadd.s32 $0xFFFFEC40  }
0x89: {  	_ =	sfence.sel $0x180000  }
0x8a: {  	[bflag:$0x0] =	sbarrier.arrive $0xFFFF  }
0x8b: {  	_ =	strace $0x9000004A  }
0x8c: {  	s0 =	stileid.u32;
	[bflag:$0x2] =	sbarrier.arrive $0xFFFF  }
0x8d: {  	p0 =	sne.s32 s0, $0x0;
	s0 =	rddreg [dreg:$0x3]  }
0x8e: {  	s0 =	sadd.s32 @!p0 $0x100000, s0  }
0x8f: {  	[sflag:s0] =	ssyncadd.tile.s32 @!p0 $0x1;
	_ =	shalt  }
.Lfunc_end2:
_tile_overlayer_lowered:
.L_overlay_start_2:
0x90: {  	(tag) =	ssettag $0x2  }
0x91: {  	s0 =	rddreg [dreg:$0x0];
	s2 =	stileid.u32  }
0x92: {  	s1 =	rddreg [dreg:$0x1];
	p0 =	sne.s32 s2, $0x0  }
0x93: {  	s3 =	rddreg [dreg:$0x2];
	[bflag:$0x3] =	sbarrier.arrive $0xFFFF;
	s2 =	simm.s32 @!p0 $0x1C09  }
0x94: {  	[timem:s3], [sflag:s2] =	dma.local @!p0 [hbm:s0], s1  }
0x95: {  	s0 =	simm.s32 @!p0 $0x9  }
0x96: {  	_ =	swait.ge @!p0 [sflag:s0], s1  }
0x97: {  	s1 =	ssub.s32 @!p0 $0x0, s1;
	[sflag:s0] =	ssyncset.done @!p0 $0x0  }
0x98: {  	[sflag:s0] =	ssyncadd.s32 @!p0 s1  }
0x99: {  	[bflag:$0x3] =	sbarrier.arrive $0xFFFF  }
0x9a: {  	_ =	shalt  }

// kernel: kernel.7.cloned.1.call-start
scs
__scs_entry_jumppad:
0x0: {  	(pc) =	sbr.rel $0x88, $3  }
0x1: {  	(tag) =	ssettag $0x0;
	lr =	simm.s32 $0x1  }
0x2: {  	[smem:$0x3F98] =	sst lr;
	_ =	strace $0xD0000000  }
0x3: {  	_ = 	snop  }
0x4: {  	_ = 	snop  }
0x5: {  	_ = 	snop  }
0x6: {  	_ = 	snop  }
0x7: {  	_ = 	snop  }
__scs_overlays_trampoline_lowered:
0x8: {  	[smem:$0x3FA7] =	sst s0  }
0x9: {  	[smem:$0x3FA8] =	sst s1  }
0xa: {  	[smem:$0x3FA9] =	sst s2  }
0xb: {  	[smem:$0x3FAA] =	sst s3  }
0xc: {  	[smem:$0x3FAB] =	sst s4  }
0xd: {  	[smem:$0x3FAC] =	sst s5  }
0xe: {  	[smem:$0x3FAD] =	sst s6  }
0xf: {  	[smem:$0x3FAE] =	sst s7  }
0x10: {  	[smem:$0x3FAF] =	sst s8  }
0x11: {  	[smem:$0x3FB0] =	sst s9;
	s0 =	simm.s32 @!p0 $0x0  }
0x12: {  	s1 =	sld [smem:$0x3F96];
	s0 =	simm.s32 @p0 $0x1  }
0x13: {  	[smem:$0x3FB1] =	sst s0;
	s0 =	simm.s32 @!p1 $0x0  }
0x14: {  	s2 =	sld [smem:$0x3F95];
	s0 =	simm.s32 @p1 $0x1  }
0x15: {  	[smem:$0x3FB2] =	sst s0;
	s0 =	simm.s32 @!p2 $0x0  }
0x16: {  	s3 =	sld [smem:$0x3FDB];
	s0 =	simm.s32 @p2 $0x1  }
0x17: {  	s4 =	simm.s32 $0x1BF5;
	[smem:$0x3FB4] =	sst s0  }
0x18: {  	s0 =	sld [smem:$0x3F97];
	_ =	swait.ge [sflag:s4], $0x0  }
0x19: {  	s7 =	sld [smem:$0x3F98]  }
0x1a: {  	s8 =	sadd.s32 $0xFFFFE003, lr  }
0x1b: {  	s9 =	sadd.s32 $0xFFFFFEF7, lr;
	s5 =	simm.s32 $0xFFFFFFFF;
	p2 =	slt.u32 s8, $0xFFFFF086  }
0x1c: {  	p1 =	slt.u32 s9, $0xF7A;
	s5 =	simm.s32 @!p2 $0x0  }
0x1d: {  	s5 =	simm.s32 @p1 $0x1;
	p0 =	seq.s32 s7, s2  }
0x1e: {  	s7 =	smul.u32 @!p0 $0xF7A, s2;
	p2 =	seq.s32 @!p0 s5, $0x0  }
0x1f: {  	s9 =	smul.u32 $0xF7A, s1;
	s8 =	simm.s32 @!p0 $0x1BF5;
	p2 =	por !p2, p0  }
0x20: {  	[sflag:s8] =	ssyncset.s32 @!p0 $0xFFFFF086;
	s6 =	sadd.s32 @!p0 s3, s7;
	s7 =	simm.s32 @!p0 $0x108  }
0x21: {  	s3 =	sadd.s32 s3, s9;
	s6 =	sadd.s32 @!p0 $0x88, s6;
	s7 =	simm.s32 @p2 $0x1082  }
0x22: {  	[simem:s7], [sflag:s8] =	dma.local @!p0 [hbm:s6], $0xF7A  }
0x23: {  	s9 =	sor.u32 $0xD0000000, s2;
	s6 =	simm.s32 $0x108;
	_ =	swait.ge @!p0 [sflag:s8], $0x0  }
0x24: {  	s3 =	sadd.s32 $0x88, s3;
	s6 =	simm.s32 @!p1 $0x1082;
	[sflag:s4] =	ssyncset.s32 $0xFFFFF086  }
0x25: {  	[simem:s6], [sflag:s4] =	dma.local [hbm:s3], $0xF7A  }
0x26: {  	[smem:$0x3F98] =	sst s1;
	(tag) =	ssettag s2;
	_ =	strace s9  }
0x27: {  	s1 =	sld [smem:$0x3FA8]  }
0x28: {  	s2 =	sld [smem:$0x3FA9]  }
0x29: {  	s4 =	sld [smem:$0x3FAB]  }
0x2a: {  	p0 =	seq.s32 s5, $0x0;
	s5 =	sld [smem:$0x3FAC]  }
0x2b: {  	s6 =	sld [smem:$0x3FAD]  }
0x2c: {  	s7 =	sld [smem:$0x3FAE]  }
0x2d: {  	s3 =	simm.s32 $0x108;
	s8 =	sld [smem:$0x3FAF]  }
0x2e: {  	s3 =	simm.s32 @!p0 $0x1082;
	s9 =	sld [smem:$0x3FB0]  }
0x2f: {  	lr =	sadd.s32 s0, s3;
	s0 =	sld [smem:$0x3FA7]  }
0x30: {  	s3 =	sld [smem:$0x3FAA]  }
0x31: {  	[smem:$0x3FB3] =	sst s10  }
0x32: {  	s10 =	sld [smem:$0x3FB1];
	_ =	sdelay $0x3  }
0x33: {  	p0 =	seq.s32 s10, $0x1;
	s10 =	sld [smem:$0x3FB3];
	_ =	sdelay $0x3  }
0x34: {  	[smem:$0x3FB3] =	sst s10  }
0x35: {  	s10 =	sld [smem:$0x3FB2];
	_ =	sdelay $0x3  }
0x36: {  	p1 =	seq.s32 s10, $0x1;
	s10 =	sld [smem:$0x3FB3];
	_ =	sdelay $0x3  }
0x37: {  	[smem:$0x3FB3] =	sst s10  }
0x38: {  	s10 =	sld [smem:$0x3FB4]  }
0x39: {  	_ = 	snop;
	(pc) =	sbr.ind lr, $3  }
0x3a: {  	_ = 	snop  }
0x3b: {  	_ = 	snop  }
0x3c: {  	p2 =	seq.s32 s10, $0x1;
	s10 =	sld [smem:$0x3FB3]  }
0x3d: {  	_ =	shalt  }
0x3e: {  	_ =	shalt  }
0x3f: {  	_ =	shalt  }
0x40: {  	_ =	shalt  }
0x41: {  	_ =	shalt  }
0x42: {  	_ =	shalt  }
0x43: {  	_ =	shalt  }
0x44: {  	_ =	shalt  }
0x45: {  	_ =	shalt  }
0x46: {  	_ =	shalt  }
0x47: {  	_ =	shalt  }
0x48: {  	_ =	shalt  }
0x49: {  	_ =	shalt  }
0x4a: {  	_ =	shalt  }
0x4b: {  	_ =	shalt  }
0x4c: {  	_ =	shalt  }
0x4d: {  	_ =	shalt  }
0x4e: {  	_ =	shalt  }
0x4f: {  	_ =	shalt  }
0x50: {  	_ =	shalt  }
0x51: {  	_ =	shalt  }
0x52: {  	_ =	shalt  }
0x53: {  	_ =	shalt  }
0x54: {  	_ =	shalt  }
0x55: {  	_ =	shalt  }
0x56: {  	_ =	shalt  }
0x57: {  	_ =	shalt  }
0x58: {  	_ =	shalt  }
0x59: {  	_ =	shalt  }
0x5a: {  	_ =	shalt  }
0x5b: {  	_ =	shalt  }
0x5c: {  	_ =	shalt  }
0x5d: {  	_ =	shalt  }
0x5e: {  	_ =	shalt  }
0x5f: {  	_ =	shalt  }
0x60: {  	_ =	shalt  }
0x61: {  	_ =	shalt  }
0x62: {  	_ =	shalt  }
0x63: {  	_ =	shalt  }
0x64: {  	_ =	shalt  }
0x65: {  	_ =	shalt  }
0x66: {  	_ =	shalt  }
0x67: {  	_ =	shalt  }
0x68: {  	_ =	shalt  }
0x69: {  	_ =	shalt  }
0x6a: {  	_ =	shalt  }
0x6b: {  	_ =	shalt  }
0x6c: {  	_ =	shalt  }
0x6d: {  	_ =	shalt  }
0x6e: {  	_ =	shalt  }
0x6f: {  	_ =	shalt  }
0x70: {  	_ =	shalt  }
0x71: {  	_ =	shalt  }
0x72: {  	_ =	shalt  }
0x73: {  	_ =	shalt  }
0x74: {  	_ =	shalt  }
0x75: {  	_ =	shalt  }
0x76: {  	_ =	shalt  }
0x77: {  	_ =	shalt  }
0x78: {  	_ =	shalt  }
0x79: {  	_ =	shalt  }
0x7a: {  	_ =	shalt  }
0x7b: {  	_ =	shalt  }
0x7c: {  	_ =	shalt  }
0x7d: {  	_ =	shalt  }
0x7e: {  	_ =	shalt  }
0x7f: {  	_ =	shalt  }
0x80: {  	_ =	shalt  }
0x81: {  	_ =	shalt  }
0x82: {  	_ =	shalt  }
0x83: {  	_ =	shalt  }
0x84: {  	_ =	shalt  }
0x85: {  	_ =	shalt  }
0x86: {  	_ =	shalt  }
0x87: {  	_ =	shalt  }
.Lfunc_end0:
.L_simem_size_0:
called_computation_lowered:
.L_overlay_start_0:
0x88: {  	s2 =	sld [smem:$0x3FD9]  }
0x89: {  	s3 =	sld [smem:$0x3FFE];
	_ =	sdelay $0x1  }
0x8a: {  	s1 =	srdreg.scid  }
0x8b: {  	s0 =	sand.u32 $0x1, s1  }
0x8c: {  	s14 =	sshll.u32 s0, $0xA;
	s2 =	sadd.s32 s3, s2  }
0x8d: {  	s2 =	sadd.s32 s2, s14  }
0x8e: {  	[smem:$0x3FBF] =	sst s2  }
0x8f: {  	_ = 	snop  }
0x90: {  	s2 =	sld [smem:$0x3FD0];
	_ =	sdelay $0x2  }
0x91: {  	s15 =	simm.s32 $0xA;
	s4 =	simm.s32 $0x10  }
0x92: {  	[smem:s4], [sflag:s15] =	dma.local [hbm:s2], $0x1  }
0x93: {  	_ =	swait.eq [sflag:s15], $0x1  }
0x94: {  	[sflag:s15] =	ssyncset.done $0x0  }
0x95: {  	s16 =	sld [smem:$0x10];
	[sflag:s15] =	ssyncadd.s32 $0xFFFFFFFF  }
0x96: {  	s17 =	sld [smem:$0x11];
	(tm) =	ssettm $0x1  }
0x97: {  	s18 =	sld [smem:$0x3FFB];
	_ =	sdelay $0x3  }
0x98: {  	_ =	strace s18  }
0x99: {  	s4 =	sld [smem:$0x3FFC];
	_ =	sdelay $0x3  }
0x9a: {  	_ =	strace s4  }
0x9b: {  	s4 =	sld [smem:$0x3FFD];
	_ =	sdelay $0x3  }
0x9c: {  	_ =	strace s4  }
0x9d: {  	_ =	strace $0x8FFFFFFF  }
0x9e: {  	s19 =	sld [smem:$0x3FDB];
	_ =	sdelay $0x1  }
0x9f: {  	s5 =	simm.s32 $_scs_section_size  }
0xa0: {  	s6 =	simm.s32 $_size__tile_overlayer_lowered;
	s7 =	simm.s32 $_tile_overlayer_lowered  }
0xa1: {  	s22 =	simm.s32 $0x1BFF;
	s21 =	sshll.u32 s7, $0x1;
	s4 =	sadd.s32 s5, s19  }
0xa2: {  	s8 =	simm.s32 $0x0;
	s20 =	sshll.u32 s6, $0x1;
	s6 =	sadd.s32 s21, s4  }
0xa3: {  	[timem:s8], [sflag:s22] =	dma.local [hbm:s6], s20  }
0xa4: {  	_ =	swait.ge [sflag:s22], s20  }
0xa5: {  	s5 =	ssub.s32 $0x0, s20;
	[sflag:s22] =	ssyncset.done $0x0  }
0xa6: {  	[sflag:s22] =	ssyncadd.s32 s5;
	_ =	sdelay $0x1  }
0xa7: {  	s23 =	simm.s32 $0x1B8B  }
0xa8: {  	_ =	swait.ge [sflag:s23], $0x1  }
0xa9: {  	[sflag:s23] =	ssyncset.done $0x0  }
0xaa: {  	s25 =	simm.s32 $0x1B8E;
	s24 =	sld [smem:$0x3FFE];
	[sflag:s23] =	ssyncadd.s32 $0xFFFFFFFF  }
0xab: {  	s26 =	simm.s32 $execute0_lowered;
	[smem:$0x3FD2] =	sst s25  }
0xac: {  	s6 =	sshll.u32 s26, $0x1;
	_ =	strace $0x80000046;
	[dreg:$0x1] =	wrdreg $0xFFFFFFFF  }
0xad: {  	s28 =	simm.s32 $_size_execute0_lowered;
	s4 =	sadd.s32 s4, s6;
	[dreg:$0x0] =	wrdreg $0x0  }
0xae: {  	s6 =	sshll.u32 s28, $0x1;
	[dreg:$0x2] =	wrdreg s4  }
0xaf: {  	[dreg:$0x3] =	wrdreg s6  }
0xb0: {  	[dreg:$0x4] =	wrdreg $0xC0  }
0xb1: {  	_ =	task [dreg:s8], $0x5FFFF  }
0xb2: {  	[dreg:$0x1] =	wrdreg $0xFFFFFFFF  }
0xb3: {  	[dreg:$0x0] =	wrdreg $0x60  }
0xb4: {  	[dreg:$0x2] =	wrdreg s24  }
0xb5: {  	[dreg:$0x3] =	wrdreg s16  }
0xb6: {  	[dreg:$0x4] =	wrdreg s17  }
0xb7: {  	[dreg:$0x5] =	wrdreg $0x100000  }
0xb8: {  	[dreg:$0x6] =	wrdreg $0x9  }
0xb9: {  	_ =	task.clear_ibuf [dreg:s8], $0x7FFFF;
	_ =	strace $0x90000046  }
0xba: {  	s29 =	simm.s32 $0x9;
	_ =	strace $0x80000048  }
0xbb: {  	_ =	swait.ge [sflag:s29], $0x1  }
0xbc: {  	[sflag:s29] =	ssyncadd.s32 $0xFFFFFFFF  }
0xbd: {  	_ =	strace $0x90000048  }
0xbe: {  	_ =	sfence  }
0xbf: {  	s30 =	sld [smem:$0x0];
	_ =	sdelay $0x2  }
0xc0: {  	s31 =	sshll.u32 s1, $0xD;
	s1 =	sshrl.u32 s1, $0x2  }
0xc1: {  	s3 =	sand.u32 $0x4000, s31;
	s1 =	sadd.s32 s1, s30  }
0xc2: {  	s0 =	sor.u32 s3, s0;
	s1 =	sshll.u32 s1, $0x11  }
0xc3: {  	s0 =	sor.u32 s1, s0  }
0xc4: {  	s0 =	sadd.s32 $0x8F2B, s0  }
0xc5: {  	[sflag:s0] =	ssyncadd.remote.s32 $0x1  }
0xc6: {  	_ =	sfence.sel $0xFFFF  }
0xc7: {  	[dreg:$0x0] =	wrdreg $0xFFFFFFFF;
	(pc) =	sbr.abs _section_cstart, $3  }
0xc8: {  	[dreg:$0x1] =	wrdreg $0xFFFFFFFF  }
0xc9: {  	_ =	task.clear_ibuf [dreg:s8], $0x2FFFF;
	_ =	strace $0x9FFFFFFF  }
0xca: {  	(tm) =	ssettm $0x7FFFFFFF  }
0xcb: {  	_ =	shalt  }
tec
execute0_lowered:
.L_overlay_start_1:
0x0: {  	(tag) =	ssettag $0x1  }
0x1: {  	s0 =	srdreg.scid;
	s2 =	rddreg [dreg:$0x0]  }
0x2: {  	s1 =	rddreg [dreg:$0x1];
	s12 =	stileid.u32  }
0x3: {  	s3 =	rddreg [dreg:$0x2];
	s14 =	simm.s32 $0x5;
	s15 =	simm.s32 $0x2800  }
0x4: {  	s16 =	simm.s32 $0x80;
	s29 =	simm.s32 $0x5000;
	s20 =	simm.s32 $0x1  }
0x5: {  	s21 =	simm.s32 $0x5800;
	s23 =	simm.s32 $0x6800;
	s24 =	simm.s32 $0x9000  }
0x6: {  	s25 =	simm.s32 $0xB000;
	s26 =	simm.s32 $0x2;
	s30 =	simm.s32 $0x3  }
0x7: {  	s31 =	simm.s32 $0xD800;
	s0 =	sand.u32 $0x1, s0;
	s7 =	smul.u32 $0xC580, s12  }
0x8: {  	s28 =	sshll.u32 s12, $0x6;
	s4 =	sshll.u32 s0, $0x4;
	s8 =	smul.u32 $0xC5800, s0  }
0x9: {  	s0 =	ssub.s32 $0x2, s0;
	s5 =	sor.u32 s12, s4;
	s4 =	rddreg [dreg:$0x3]  }
0xa: {  	s9 =	sshrl.u32 s7, $0x3;
	s11 =	sshrl.u32 s0, $0x1;
	s6 =	smul.u32 $0x500, s5  }
0xb: {  	s5 =	simm.s32 $0x0;
	s8 =	sadd.s32 s7, s8;
	s9 =	sadd.s32 s9, s2  }
0xc: {  	s0 =	ssub.s32 s0, s11;
	s7 =	sadd.s32 s7, s4;
	[smem:$0x7FF] =	sst s5  }
0xd: {  	s8 =	sshrl.u32 s8, $0x3;
	s9 =	sadd.s32 $0x41200, s9;
	s12 =	smax.u32 s0, $0x1  }
0xe: {  	s13 =	sshrl.u32 s7, $0x3;
	s0 =	simm.s32 $0x0;
	_ =	strace $0x80000047  }
0xf: {  	v0 =	vlaneseq.u32;
	s10 =	sadd.s32 s6, s2;
	s6 =	sadd.s32 $0x28200, s2;
	s2 =	sadd.s32 s8, s2  }
0x10: {  	v0 =	vshrl.u32 v0, $0x3;
	[dreg:$0x5] =	wrdreg s9;
	s8 =	sor.u32 $0x1C05, s28;
	s9 =	sadd.s32 $0x2D200, s10  }
0x11: {  	v1 =	vor.u32 $0x2, v0;
	v2 =	vor.u32 $0x4, v0;
	v3 =	vor.u32 $0x6, v0;
	s10 =	sadd.s32 $0x37200, s10;
	s11 =	sadd.s32 $0x59E00, s2;
	s2 =	simm.s32 $0x4  }
.LBB2_1:
0x12: {  	s7 =	rddreg [dreg:$0x5]  }
0x13: {  	[spmem:s13], [sflag:s8] =	dma.local [hbm:s7], $0x18B0  }
0x14: {  	_ =	swait.ge [sflag:s14], $0x18B0  }
0x15: {  	[sflag:s14] =	ssyncset.done $0x0  }
0x16: {  	[sflag:s14] =	ssyncadd.s32 $0xFFFFE750  }
0x17: {  	[tilespmem:s5], [sflag:$0x5] =	stream.linear.gather [hbm4b:s9+s5], $0x2800, $0x38;
	[tilespmem:$0x1C580] =	vst v63  }
0x18: {  	_ =	swait.ge [sflag:s14], $0x2800  }
0x19: {  	[sflag:s14] =	ssyncset.done $0x0  }
0x1a: {  	[sflag:s14] =	ssyncadd.s32 $0xFFFFD800  }
0x1b: {  	[tilespmem:s15], [sflag:$0x5] =	stream.linear.gather [hbm4b:s10+s5], $0x2800, $0x38;
	[tilespmem:$0x1C580] =	vst v63  }
0x1c: {  	_ =	swait.ge [sflag:s14], $0x2800  }
0x1d: {  	[sflag:s14] =	ssyncset.done $0x0  }
0x1e: {  	[sflag:s14] =	ssyncadd.s32 $0xFFFFD800  }
0x1f: {  	[bflag:$0x0] =	sbarrier.arrive $0xFFFF  }
0x20: {  	[tilespmem:s29], [sflag:$0x1] =	stream.indirect.gather [hbm4b:s6+s16], $0x10, s5, s16, $0xb8;
	[tilespmem:$0x1C580] =	vst v63  }
0x21: {  	s18 =	simm.s32 $0x6000  }
0x22: {  	[tilespmem:s18], [sflag:$0x1] =	stream.indirect.gather [hbm4b:s1+s16], $0x10, s15, s16, $0xb8;
	[tilespmem:$0x1C580] =	vst v63  }
0x23: {  	s19 =	simm.s32 $0x7000  }
0x24: {  	[tilespmem:s19], [sflag:$0x1] =	stream.indirect.gather [hbm4b:s3+s16], $0x40, s5, s16, $0xb8;
	[tilespmem:$0x1C580] =	vst v63  }
0x25: {  	_ =	swait.ge [sflag:s20], $0x800  }
0x26: {  	[sflag:s20] =	ssyncset.done $0x0  }
0x27: {  	[sflag:s20] =	ssyncadd.s32 $0xFFFFF800  }
0x28: {  	_ =	swait.ge [sflag:s20], $0x800  }
0x29: {  	[sflag:s20] =	ssyncset.done $0x0  }
0x2a: {  	[sflag:s20] =	ssyncadd.s32 $0xFFFFF800  }
0x2b: {  	_ =	swait.ge [sflag:s20], $0x2000  }
0x2c: {  	[sflag:s20] =	ssyncset.done $0x0  }
0x2d: {  	[sflag:s20] =	ssyncadd.s32 $0xFFFFE000  }
0x2e: {  	[tilespmem:s21], [sflag:$0x2] =	stream.indirect.gather [hbm4b:s6+s16], $0x10, s16, s16, $0xb8;
	[tilespmem:$0x1C580] =	vst v63  }
0x2f: {  	s22 =	simm.s32 $0x2880  }
0x30: {  	[tilespmem:s23], [sflag:$0x2] =	stream.indirect.gather [hbm4b:s1+s16], $0x10, s22, s16, $0xb8;
	[tilespmem:$0x1C580] =	vst v63  }
0x31: {  	s28 =	simm.s32 $0x0  }
0x32: {  	[tilespmem:s24], [sflag:$0x2] =	stream.indirect.gather [hbm4b:s3+s16], $0x40, s16, s16, $0xb8;
	[tilespmem:$0x1C580] =	vst v63  }
0x33: {  	v4 =	vld [tilespmem:s28+$0x5000]  }
0x34: {  	v5 =	vld [tilespmem:s28+$0x6000];
	_ =	sdelay $0x4  }
0x35: {  	v4 =	vadd.f32 v5, v4;
	_ =	sdelay $0x1  }
0x36: {  	v5 =	vmul.f32 $2.000000030e-01, v4;
	_ =	sdelay $0x1  }
0x37: {  	v4 =	vmax.f32 v4, v5  }
0x38: {  	v4 =	vmul.f32 $1.442695020e+00, v4;
	_ =	sdelay $0x1  }
0x39: {  	(erf) = vpow2.f32 v4;
	_ =	sdelay $0x8  }
0x3a: {  	s17 =	simm.s32 $0xB0A0;
	v4 =	vpop (erf)  }
0x3b: {  	s18 =	simm.s32 $0x7080;
	[tilespmem:s17+$0xFFFFFFA0] =	vst v4  }
0x3c: {  	v5 =	vld [tilespmem:s18+$0xFFFFFF80];
	_ =	sdelay $0x2  }
0x3d: {  	v6 =	vperm.xlane v4, v0;
	_ =	sdelay $0x1  }
0x3e: {  	v5 =	vmul.f32 v5, v6;
	_ =	sdelay $0x1  }
0x3f: {  	[tilespmem:s17+$0xFFFFFF60] =	vst v5  }
0x40: {  	v5 =	vld [tilespmem:s18+$0xFFFFFF90];
	_ =	sdelay $0x2  }
0x41: {  	v6 =	vperm.xlane v4, v1;
	_ =	sdelay $0x1  }
0x42: {  	v5 =	vmul.f32 v5, v6;
	_ =	sdelay $0x1  }
0x43: {  	[tilespmem:s17+$0xFFFFFF70] =	vst v5  }
0x44: {  	v5 =	vld [tilespmem:s18+$0xFFFFFFA0];
	_ =	sdelay $0x2  }
0x45: {  	v6 =	vperm.xlane v4, v2;
	_ =	sdelay $0x1  }
0x46: {  	v5 =	vmul.f32 v5, v6;
	_ =	sdelay $0x1  }
0x47: {  	[tilespmem:s17+$0xFFFFFF80] =	vst v5  }
0x48: {  	v5 =	vld [tilespmem:s18+$0xFFFFFFB0];
	_ =	sdelay $0x2  }
0x49: {  	v4 =	vperm.xlane v4, v3;
	_ =	sdelay $0x1  }
0x4a: {  	v4 =	vmul.f32 v5, v4;
	_ =	sdelay $0x1  }
0x4b: {  	[tilespmem:s17+$0xFFFFFF90] =	vst v4  }
0x4c: {  	v4 =	vld [tilespmem:s28+$0x5010]  }
0x4d: {  	v5 =	vld [tilespmem:s28+$0x6010];
	_ =	sdelay $0x4  }
0x4e: {  	v4 =	vadd.f32 v5, v4;
	_ =	sdelay $0x1  }
0x4f: {  	v5 =	vmul.f32 $2.000000030e-01, v4;
	_ =	sdelay $0x1  }
0x50: {  	v4 =	vmax.f32 v4, v5  }
0x51: {  	v4 =	vmul.f32 $1.442695020e+00, v4;
	_ =	sdelay $0x1  }
0x52: {  	(erf) = vpow2.f32 v4;
	_ =	sdelay $0x8  }
0x53: {  	v4 =	vpop (erf)  }
0x54: {  	[tilespmem:s17+$0xFFFFFFF0] =	vst v4  }
0x55: {  	v5 =	vld [tilespmem:s18+$0xFFFFFFC0];
	_ =	sdelay $0x2  }
0x56: {  	v6 =	vperm.xlane v4, v0;
	_ =	sdelay $0x1  }
0x57: {  	v5 =	vmul.f32 v5, v6;
	_ =	sdelay $0x1  }
0x58: {  	[tilespmem:s17+$0xFFFFFFB0] =	vst v5  }
0x59: {  	v5 =	vld [tilespmem:s18+$0xFFFFFFD0];
	_ =	sdelay $0x2  }
0x5a: {  	v6 =	vperm.xlane v4, v1;
	_ =	sdelay $0x1  }
0x5b: {  	v5 =	vmul.f32 v5, v6;
	_ =	sdelay $0x1  }
0x5c: {  	[tilespmem:s17+$0xFFFFFFC0] =	vst v5  }
0x5d: {  	v5 =	vld [tilespmem:s18+$0xFFFFFFE0];
	_ =	sdelay $0x2  }
0x5e: {  	v6 =	vperm.xlane v4, v2;
	_ =	sdelay $0x1  }
0x5f: {  	v5 =	vmul.f32 v5, v6;
	_ =	sdelay $0x1  }
0x60: {  	[tilespmem:s17+$0xFFFFFFD0] =	vst v5  }
0x61: {  	v5 =	vld [tilespmem:s18+$0xFFFFFFF0];
	_ =	sdelay $0x2  }
0x62: {  	v4 =	vperm.xlane v4, v3;
	_ =	sdelay $0x1  }
0x63: {  	v4 =	vmul.f32 v5, v4;
	_ =	sdelay $0x1  }
0x64: {  	[tilespmem:s17+$0xFFFFFFE0] =	vst v4  }
0x65: {  	v4 =	vld [tilespmem:s28+$0x5020]  }
0x66: {  	v5 =	vld [tilespmem:s28+$0x6020];
	_ =	sdelay $0x4  }
0x67: {  	v4 =	vadd.f32 v5, v4;
	_ =	sdelay $0x1  }
0x68: {  	v5 =	vmul.f32 $2.000000030e-01, v4;
	_ =	sdelay $0x1  }
0x69: {  	v4 =	vmax.f32 v4, v5  }
0x6a: {  	v4 =	vmul.f32 $1.442695020e+00, v4;
	_ =	sdelay $0x1  }
0x6b: {  	(erf) = vpow2.f32 v4;
	_ =	sdelay $0x8  }
0x6c: {  	v4 =	vpop (erf)  }
0x6d: {  	[tilespmem:s17+$0x40] =	vst v4  }
0x6e: {  	v5 =	vld [tilespmem:s18+$0x0];
	_ =	sdelay $0x2  }
0x6f: {  	v6 =	vperm.xlane v4, v0;
	_ =	sdelay $0x1  }
0x70: {  	v5 =	vmul.f32 v5, v6;
	_ =	sdelay $0x1  }
0x71: {  	[tilespmem:s17+$0x0] =	vst v5  }
0x72: {  	v5 =	vld [tilespmem:s18+$0x10];
	_ =	sdelay $0x2  }
0x73: {  	v6 =	vperm.xlane v4, v1;
	_ =	sdelay $0x1  }
0x74: {  	v5 =	vmul.f32 v5, v6;
	_ =	sdelay $0x1  }
0x75: {  	[tilespmem:s17+$0x10] =	vst v5  }
0x76: {  	v5 =	vld [tilespmem:s18+$0x20];
	_ =	sdelay $0x2  }
0x77: {  	v6 =	vperm.xlane v4, v2;
	_ =	sdelay $0x1  }
0x78: {  	v5 =	vmul.f32 v5, v6;
	_ =	sdelay $0x1  }
0x79: {  	[tilespmem:s17+$0x20] =	vst v5  }
0x7a: {  	v5 =	vld [tilespmem:s18+$0x30];
	_ =	sdelay $0x2  }
0x7b: {  	v4 =	vperm.xlane v4, v3;
	_ =	sdelay $0x1  }
0x7c: {  	v4 =	vmul.f32 v5, v4;
	_ =	sdelay $0x1  }
0x7d: {  	[tilespmem:s17+$0x30] =	vst v4  }
0x7e: {  	v4 =	vld [tilespmem:s28+$0x5030]  }
0x7f: {  	v5 =	vld [tilespmem:s28+$0x6030];
	_ =	sdelay $0x4  }
0x80: {  	v4 =	vadd.f32 v5, v4;
	_ =	sdelay $0x1  }
0x81: {  	v5 =	vmul.f32 $2.000000030e-01, v4;
	_ =	sdelay $0x1  }
0x82: {  	v4 =	vmax.f32 v4, v5  }
0x83: {  	v4 =	vmul.f32 $1.442695020e+00, v4;
	_ =	sdelay $0x1  }
0x84: {  	(erf) = vpow2.f32 v4;
	_ =	sdelay $0x8  }
0x85: {  	v4 =	vpop (erf)  }
0x86: {  	[tilespmem:s17+$0x90] =	vst v4  }
0x87: {  	v5 =	vld [tilespmem:s18+$0x40];
	_ =	sdelay $0x2  }
0x88: {  	v6 =	vperm.xlane v4, v0;
	_ =	sdelay $0x1  }
0x89: {  	v5 =	vmul.f32 v5, v6;
	_ =	sdelay $0x1  }
0x8a: {  	[tilespmem:s17+$0x50] =	vst v5  }
0x8b: {  	v5 =	vld [tilespmem:s18+$0x50];
	_ =	sdelay $0x2  }
0x8c: {  	v6 =	vperm.xlane v4, v1;
	_ =	sdelay $0x1  }
0x8d: {  	v5 =	vmul.f32 v5, v6;
	_ =	sdelay $0x1  }
0x8e: {  	[tilespmem:s17+$0x60] =	vst v5  }
0x8f: {  	v5 =	vld [tilespmem:s18+$0x60];
	_ =	sdelay $0x2  }
0x90: {  	v6 =	vperm.xlane v4, v2;
	_ =	sdelay $0x1  }
0x91: {  	v5 =	vmul.f32 v5, v6;
	_ =	sdelay $0x1  }
0x92: {  	[tilespmem:s17+$0x70] =	vst v5  }
0x93: {  	s19 =	simm.s32 $0x100;
	s22 =	simm.s32 $0xB0A0;
	v4 =	vperm.xlane v4, v3;
	v5 =	vld [tilespmem:s18+$0x70]  }
.LBB2_2:
0x94: {  	_ =	sdelay $0x1  }
0x95: {  	p0 =	sne.s32 s19, $0x1F00;
	s17 =	sadd.s32 $0x140, s17;
	s18 =	sadd.s32 $0x100, s18  }
0x96: {  	s7 =	smov.u32 s19;
	s19 =	sadd.s32 $0x100, s19  }
0x97: {  	v4 =	vmul.f32 v5, v4;
	_ =	sdelay $0x1  }
0x98: {  	s28 =	sshra.s32 s7, $0x2;
	[tilespmem:s22+$0x80] =	vst v4;
	s22 =	smov.u32 s17  }
0x99: {  	v4 =	vld [tilespmem:s28+$0x5000]  }
0x9a: {  	v5 =	vld [tilespmem:s28+$0x6000];
	_ =	sdelay $0x4  }
0x9b: {  	v4 =	vadd.f32 v5, v4;
	_ =	sdelay $0x1  }
0x9c: {  	v5 =	vmul.f32 $2.000000030e-01, v4;
	_ =	sdelay $0x1  }
0x9d: {  	v4 =	vmax.f32 v4, v5  }
0x9e: {  	v4 =	vmul.f32 $1.442695020e+00, v4;
	_ =	sdelay $0x1  }
0x9f: {  	(erf) = vpow2.f32 v4;
	_ =	sdelay $0x8  }
0xa0: {  	v4 =	vpop (erf)  }
0xa1: {  	[tilespmem:s17+$0xFFFFFFA0] =	vst v4  }
0xa2: {  	v5 =	vld [tilespmem:s18+$0xFFFFFF80];
	_ =	sdelay $0x1  }
0xa3: {  	v6 =	vperm.xlane v4, v0;
	_ =	sdelay $0x2  }
0xa4: {  	v5 =	vmul.f32 v5, v6;
	_ =	sdelay $0x1  }
0xa5: {  	[tilespmem:s17+$0xFFFFFF60] =	vst v5  }
0xa6: {  	v5 =	vld [tilespmem:s18+$0xFFFFFF90];
	_ =	sdelay $0x1  }
0xa7: {  	v6 =	vperm.xlane v4, v1;
	_ =	sdelay $0x2  }
0xa8: {  	v5 =	vmul.f32 v5, v6;
	_ =	sdelay $0x1  }
0xa9: {  	[tilespmem:s17+$0xFFFFFF70] =	vst v5  }
0xaa: {  	v5 =	vld [tilespmem:s18+$0xFFFFFFA0];
	_ =	sdelay $0x1  }
0xab: {  	v6 =	vperm.xlane v4, v2;
	_ =	sdelay $0x2  }
0xac: {  	v5 =	vmul.f32 v5, v6;
	_ =	sdelay $0x1  }
0xad: {  	[tilespmem:s17+$0xFFFFFF80] =	vst v5  }
0xae: {  	v5 =	vld [tilespmem:s18+$0xFFFFFFB0];
	_ =	sdelay $0x1  }
0xaf: {  	v4 =	vperm.xlane v4, v3;
	_ =	sdelay $0x2  }
0xb0: {  	v4 =	vmul.f32 v5, v4;
	_ =	sdelay $0x1  }
0xb1: {  	[tilespmem:s17+$0xFFFFFF90] =	vst v4  }
0xb2: {  	v4 =	vld [tilespmem:s28+$0x5010]  }
0xb3: {  	v5 =	vld [tilespmem:s28+$0x6010];
	_ =	sdelay $0x4  }
0xb4: {  	v4 =	vadd.f32 v5, v4;
	_ =	sdelay $0x1  }
0xb5: {  	v5 =	vmul.f32 $2.000000030e-01, v4;
	_ =	sdelay $0x1  }
0xb6: {  	v4 =	vmax.f32 v4, v5  }
0xb7: {  	v4 =	vmul.f32 $1.442695020e+00, v4;
	_ =	sdelay $0x1  }
0xb8: {  	(erf) = vpow2.f32 v4;
	_ =	sdelay $0x8  }
0xb9: {  	v4 =	vpop (erf)  }
0xba: {  	[tilespmem:s17+$0xFFFFFFF0] =	vst v4  }
0xbb: {  	v5 =	vld [tilespmem:s18+$0xFFFFFFC0]  }
0xbc: {  	v6 =	vperm.xlane v4, v0;
	_ =	sdelay $0x3  }
0xbd: {  	v5 =	vmul.f32 v5, v6;
	_ =	sdelay $0x1  }
0xbe: {  	[tilespmem:s17+$0xFFFFFFB0] =	vst v5  }
0xbf: {  	v5 =	vld [tilespmem:s18+$0xFFFFFFD0]  }
0xc0: {  	v6 =	vperm.xlane v4, v1;
	_ =	sdelay $0x3  }
0xc1: {  	v5 =	vmul.f32 v5, v6;
	_ =	sdelay $0x1  }
0xc2: {  	[tilespmem:s17+$0xFFFFFFC0] =	vst v5  }
0xc3: {  	v5 =	vld [tilespmem:s18+$0xFFFFFFE0]  }
0xc4: {  	v6 =	vperm.xlane v4, v2;
	_ =	sdelay $0x3  }
0xc5: {  	v5 =	vmul.f32 v5, v6;
	_ =	sdelay $0x1  }
0xc6: {  	[tilespmem:s17+$0xFFFFFFD0] =	vst v5  }
0xc7: {  	v5 =	vld [tilespmem:s18+$0xFFFFFFF0]  }
0xc8: {  	v4 =	vperm.xlane v4, v3;
	_ =	sdelay $0x3  }
0xc9: {  	v4 =	vmul.f32 v5, v4;
	_ =	sdelay $0x1  }
0xca: {  	[tilespmem:s17+$0xFFFFFFE0] =	vst v4  }
0xcb: {  	v4 =	vld [tilespmem:s28+$0x5020]  }
0xcc: {  	v5 =	vld [tilespmem:s28+$0x6020];
	_ =	sdelay $0x4  }
0xcd: {  	v4 =	vadd.f32 v5, v4;
	_ =	sdelay $0x1  }
0xce: {  	v5 =	vmul.f32 $2.000000030e-01, v4;
	_ =	sdelay $0x1  }
0xcf: {  	v4 =	vmax.f32 v4, v5  }
0xd0: {  	v4 =	vmul.f32 $1.442695020e+00, v4;
	_ =	sdelay $0x1  }
0xd1: {  	(erf) = vpow2.f32 v4;
	_ =	sdelay $0x8  }
0xd2: {  	v4 =	vpop (erf)  }
0xd3: {  	[tilespmem:s17+$0x40] =	vst v4  }
0xd4: {  	v5 =	vperm.xlane v4, v0;
	v6 =	vld [tilespmem:s18+$0x0];
	_ =	sdelay $0x4  }
0xd5: {  	v5 =	vmul.f32 v6, v5;
	_ =	sdelay $0x1  }
0xd6: {  	[tilespmem:s17+$0x0] =	vst v5  }
0xd7: {  	v5 =	vperm.xlane v4, v1;
	v6 =	vld [tilespmem:s18+$0x10];
	_ =	sdelay $0x4  }
0xd8: {  	v5 =	vmul.f32 v6, v5;
	_ =	sdelay $0x1  }
0xd9: {  	[tilespmem:s17+$0x10] =	vst v5  }
0xda: {  	v5 =	vperm.xlane v4, v2;
	v6 =	vld [tilespmem:s18+$0x20];
	_ =	sdelay $0x4  }
0xdb: {  	v5 =	vmul.f32 v6, v5;
	_ =	sdelay $0x1  }
0xdc: {  	[tilespmem:s17+$0x20] =	vst v5  }
0xdd: {  	v4 =	vperm.xlane v4, v3;
	v5 =	vld [tilespmem:s18+$0x30];
	_ =	sdelay $0x4  }
0xde: {  	v4 =	vmul.f32 v5, v4;
	_ =	sdelay $0x1  }
0xdf: {  	[tilespmem:s17+$0x30] =	vst v4  }
0xe0: {  	v4 =	vld [tilespmem:s28+$0x5030]  }
0xe1: {  	v5 =	vld [tilespmem:s28+$0x6030];
	_ =	sdelay $0x4  }
0xe2: {  	v4 =	vadd.f32 v5, v4;
	_ =	sdelay $0x1  }
0xe3: {  	v5 =	vmul.f32 $2.000000030e-01, v4;
	_ =	sdelay $0x1  }
0xe4: {  	v4 =	vmax.f32 v4, v5  }
0xe5: {  	v4 =	vmul.f32 $1.442695020e+00, v4;
	_ =	sdelay $0x1  }
0xe6: {  	(erf) = vpow2.f32 v4;
	_ =	sdelay $0x8  }
0xe7: {  	v4 =	vpop (erf)  }
0xe8: {  	[tilespmem:s17+$0x90] =	vst v4;
	v5 =	vperm.xlane v4, v0  }
0xe9: {  	v6 =	vld [tilespmem:s18+$0x40];
	_ =	sdelay $0x4  }
0xea: {  	v5 =	vmul.f32 v6, v5;
	_ =	sdelay $0x1  }
0xeb: {  	[tilespmem:s17+$0x50] =	vst v5;
	v5 =	vperm.xlane v4, v1  }
0xec: {  	v6 =	vld [tilespmem:s18+$0x50];
	_ =	sdelay $0x4  }
0xed: {  	v5 =	vmul.f32 v6, v5;
	_ =	sdelay $0x1  }
0xee: {  	[tilespmem:s17+$0x60] =	vst v5;
	v5 =	vperm.xlane v4, v2  }
0xef: {  	v6 =	vld [tilespmem:s18+$0x60];
	_ =	sdelay $0x3  }
.Ltmp0:
0xf0: {  	(pc) =	sbr.rel @p0 .LBB2_2-.Ltmp0, $3  }
0xf1: {  	v5 =	vmul.f32 v6, v5;
	_ =	sdelay $0x1  }
0xf2: {  	v4 =	vperm.xlane v4, v3;
	[tilespmem:s17+$0x70] =	vst v5  }
0xf3: {  	v5 =	vld [tilespmem:s18+$0x70]  }
0xf4: {  	_ =	sdelay $0x3  }
0xf5: {  	v4 =	vmul.f32 v5, v4;
	_ =	sdelay $0x1  }
0xf6: {  	[tilespmem:s22+$0x80] =	vst v4  }
0xf7: {  	[spmem:s4] =	stream.indirect.scatter.add.f32 [tilespmem:s25], [sflag:$0x3], $0x50, s15, s16, $0xb8;
	[tilespmem:$0x1C580] =	vst v63  }
0xf8: {  	_ =	swait.ge [sflag:s26], $0x800  }
0xf9: {  	[sflag:s26] =	ssyncset.done $0x0  }
0xfa: {  	[sflag:s26] =	ssyncadd.s32 $0xFFFFF800  }
0xfb: {  	_ =	swait.ge [sflag:s26], $0x800  }
0xfc: {  	[sflag:s26] =	ssyncset.done $0x0  }
0xfd: {  	[sflag:s26] =	ssyncadd.s32 $0xFFFFF800  }
0xfe: {  	_ =	swait.ge [sflag:s26], $0x2000  }
0xff: {  	[sflag:s26] =	ssyncset.done $0x0  }
0x100: {  	s17 =	simm.s32 $0x100;
	[sflag:s26] =	ssyncadd.s32 $0xFFFFE000  }
0x101: {  	[tilespmem:s29], [sflag:$0x1] =	stream.indirect.gather [hbm4b:s6+s16], $0x10, s17, s16, $0xb8;
	[tilespmem:$0x1C580] =	vst v63  }
0x102: {  	s7 =	simm.s32 $0x6000;
	s18 =	simm.s32 $0x2900  }
0x103: {  	[tilespmem:s7], [sflag:$0x1] =	stream.indirect.gather [hbm4b:s1+s16], $0x10, s18, s16, $0xb8;
	[tilespmem:$0x1C580] =	vst v63  }
0x104: {  	s28 =	simm.s32 $0x7000;
	s29 =	simm.s32 $0x0  }
0x105: {  	[tilespmem:s28], [sflag:$0x1] =	stream.indirect.gather [hbm4b:s3+s16], $0x40, s17, s16, $0xb8;
	[tilespmem:$0x1C580] =	vst v63  }
0x106: {  	v4 =	vld [tilespmem:s29+$0x5800]  }
0x107: {  	v5 =	vld [tilespmem:s29+$0x6800];
	_ =	sdelay $0x4  }
0x108: {  	v4 =	vadd.f32 v5, v4;
	_ =	sdelay $0x1  }
0x109: {  	v5 =	vmul.f32 $2.000000030e-01, v4;
	_ =	sdelay $0x1  }
0x10a: {  	v4 =	vmax.f32 v4, v5  }
0x10b: {  	v4 =	vmul.f32 $1.442695020e+00, v4;
	_ =	sdelay $0x1  }
0x10c: {  	(erf) = vpow2.f32 v4;
	_ =	sdelay $0x8  }
0x10d: {  	s17 =	simm.s32 $0xD8A0;
	v4 =	vpop (erf)  }
0x10e: {  	s18 =	simm.s32 $0x9080;
	[tilespmem:s17+$0xFFFFFFA0] =	vst v4  }
0x10f: {  	v5 =	vld [tilespmem:s18+$0xFFFFFF80];
	_ =	sdelay $0x2  }
0x110: {  	v6 =	vperm.xlane v4, v0;
	_ =	sdelay $0x1  }
0x111: {  	v5 =	vmul.f32 v5, v6;
	_ =	sdelay $0x1  }
0x112: {  	[tilespmem:s17+$0xFFFFFF60] =	vst v5  }
0x113: {  	v5 =	vld [tilespmem:s18+$0xFFFFFF90];
	_ =	sdelay $0x2  }
0x114: {  	v6 =	vperm.xlane v4, v1;
	_ =	sdelay $0x1  }
0x115: {  	v5 =	vmul.f32 v5, v6;
	_ =	sdelay $0x1  }
0x116: {  	[tilespmem:s17+$0xFFFFFF70] =	vst v5  }
0x117: {  	v5 =	vld [tilespmem:s18+$0xFFFFFFA0];
	_ =	sdelay $0x2  }
0x118: {  	v6 =	vperm.xlane v4, v2;
	_ =	sdelay $0x1  }
0x119: {  	v5 =	vmul.f32 v5, v6;
	_ =	sdelay $0x1  }
0x11a: {  	[tilespmem:s17+$0xFFFFFF80] =	vst v5  }
0x11b: {  	v5 =	vld [tilespmem:s18+$0xFFFFFFB0];
	_ =	sdelay $0x2  }
0x11c: {  	v4 =	vperm.xlane v4, v3;
	_ =	sdelay $0x1  }
0x11d: {  	v4 =	vmul.f32 v5, v4;
	_ =	sdelay $0x1  }
0x11e: {  	[tilespmem:s17+$0xFFFFFF90] =	vst v4  }
0x11f: {  	v4 =	vld [tilespmem:s29+$0x5810]  }
0x120: {  	v5 =	vld [tilespmem:s29+$0x6810];
	_ =	sdelay $0x4  }
0x121: {  	v4 =	vadd.f32 v5, v4;
	_ =	sdelay $0x1  }
0x122: {  	v5 =	vmul.f32 $2.000000030e-01, v4;
	_ =	sdelay $0x1  }
0x123: {  	v4 =	vmax.f32 v4, v5  }
0x124: {  	v4 =	vmul.f32 $1.442695020e+00, v4;
	_ =	sdelay $0x1  }
0x125: {  	(erf) = vpow2.f32 v4;
	_ =	sdelay $0x8  }
0x126: {  	v4 =	vpop (erf)  }
0x127: {  	[tilespmem:s17+$0xFFFFFFF0] =	vst v4  }
0x128: {  	v5 =	vld [tilespmem:s18+$0xFFFFFFC0];
	_ =	sdelay $0x2  }
0x129: {  	v6 =	vperm.xlane v4, v0;
	_ =	sdelay $0x1  }
0x12a: {  	v5 =	vmul.f32 v5, v6;
	_ =	sdelay $0x1  }
0x12b: {  	[tilespmem:s17+$0xFFFFFFB0] =	vst v5  }
0x12c: {  	v5 =	vld [tilespmem:s18+$0xFFFFFFD0];
	_ =	sdelay $0x2  }
0x12d: {  	v6 =	vperm.xlane v4, v1;
	_ =	sdelay $0x1  }
0x12e: {  	v5 =	vmul.f32 v5, v6;
	_ =	sdelay $0x1  }
0x12f: {  	[tilespmem:s17+$0xFFFFFFC0] =	vst v5  }
0x130: {  	v5 =	vld [tilespmem:s18+$0xFFFFFFE0];
	_ =	sdelay $0x2  }
0x131: {  	v6 =	vperm.xlane v4, v2;
	_ =	sdelay $0x1  }
0x132: {  	v5 =	vmul.f32 v5, v6;
	_ =	sdelay $0x1  }
0x133: {  	[tilespmem:s17+$0xFFFFFFD0] =	vst v5  }
0x134: {  	v5 =	vld [tilespmem:s18+$0xFFFFFFF0];
	_ =	sdelay $0x2  }
0x135: {  	v4 =	vperm.xlane v4, v3;
	_ =	sdelay $0x1  }
0x136: {  	v4 =	vmul.f32 v5, v4;
	_ =	sdelay $0x1  }
0x137: {  	[tilespmem:s17+$0xFFFFFFE0] =	vst v4  }
0x138: {  	v4 =	vld [tilespmem:s29+$0x5820]  }
0x139: {  	v5 =	vld [tilespmem:s29+$0x6820];
	_ =	sdelay $0x4  }
0x13a: {  	v4 =	vadd.f32 v5, v4;
	_ =	sdelay $0x1  }
0x13b: {  	v5 =	vmul.f32 $2.000000030e-01, v4;
	_ =	sdelay $0x1  }
0x13c: {  	v4 =	vmax.f32 v4, v5  }
0x13d: {  	v4 =	vmul.f32 $1.442695020e+00, v4;
	_ =	sdelay $0x1  }
0x13e: {  	(erf) = vpow2.f32 v4;
	_ =	sdelay $0x8  }
0x13f: {  	v4 =	vpop (erf)  }
0x140: {  	[tilespmem:s17+$0x40] =	vst v4  }
0x141: {  	v5 =	vld [tilespmem:s18+$0x0];
	_ =	sdelay $0x2  }
0x142: {  	v6 =	vperm.xlane v4, v0;
	_ =	sdelay $0x1  }
0x143: {  	v5 =	vmul.f32 v5, v6;
	_ =	sdelay $0x1  }
0x144: {  	[tilespmem:s17+$0x0] =	vst v5  }
0x145: {  	v5 =	vld [tilespmem:s18+$0x10];
	_ =	sdelay $0x2  }
0x146: {  	v6 =	vperm.xlane v4, v1;
	_ =	sdelay $0x1  }
0x147: {  	v5 =	vmul.f32 v5, v6;
	_ =	sdelay $0x1  }
0x148: {  	[tilespmem:s17+$0x10] =	vst v5  }
0x149: {  	v5 =	vld [tilespmem:s18+$0x20];
	_ =	sdelay $0x2  }
0x14a: {  	v6 =	vperm.xlane v4, v2;
	_ =	sdelay $0x1  }
0x14b: {  	v5 =	vmul.f32 v5, v6;
	_ =	sdelay $0x1  }
0x14c: {  	[tilespmem:s17+$0x20] =	vst v5  }
0x14d: {  	v5 =	vld [tilespmem:s18+$0x30];
	_ =	sdelay $0x2  }
0x14e: {  	v4 =	vperm.xlane v4, v3;
	_ =	sdelay $0x1  }
0x14f: {  	v4 =	vmul.f32 v5, v4;
	_ =	sdelay $0x1  }
0x150: {  	[tilespmem:s17+$0x30] =	vst v4  }
0x151: {  	v4 =	vld [tilespmem:s29+$0x5830]  }
0x152: {  	v5 =	vld [tilespmem:s29+$0x6830];
	_ =	sdelay $0x4  }
0x153: {  	v4 =	vadd.f32 v5, v4;
	_ =	sdelay $0x1  }
0x154: {  	v5 =	vmul.f32 $2.000000030e-01, v4;
	_ =	sdelay $0x1  }
0x155: {  	v4 =	vmax.f32 v4, v5  }
0x156: {  	v4 =	vmul.f32 $1.442695020e+00, v4;
	_ =	sdelay $0x1  }
0x157: {  	(erf) = vpow2.f32 v4;
	_ =	sdelay $0x8  }
0x158: {  	v4 =	vpop (erf)  }
0x159: {  	[tilespmem:s17+$0x90] =	vst v4  }
0x15a: {  	v5 =	vld [tilespmem:s18+$0x40];
	_ =	sdelay $0x2  }
0x15b: {  	v6 =	vperm.xlane v4, v0;
	_ =	sdelay $0x1  }
0x15c: {  	v5 =	vmul.f32 v5, v6;
	_ =	sdelay $0x1  }
0x15d: {  	[tilespmem:s17+$0x50] =	vst v5  }
0x15e: {  	v5 =	vld [tilespmem:s18+$0x50];
	_ =	sdelay $0x2  }
0x15f: {  	v6 =	vperm.xlane v4, v1;
	_ =	sdelay $0x1  }
0x160: {  	v5 =	vmul.f32 v5, v6;
	_ =	sdelay $0x1  }
0x161: {  	[tilespmem:s17+$0x60] =	vst v5  }
0x162: {  	v5 =	vld [tilespmem:s18+$0x60];
	_ =	sdelay $0x2  }
0x163: {  	v6 =	vperm.xlane v4, v2;
	_ =	sdelay $0x1  }
0x164: {  	v5 =	vmul.f32 v5, v6;
	_ =	sdelay $0x1  }
0x165: {  	[tilespmem:s17+$0x70] =	vst v5  }
0x166: {  	s19 =	simm.s32 $0x100;
	s22 =	simm.s32 $0xD8A0;
	v4 =	vperm.xlane v4, v3;
	v5 =	vld [tilespmem:s18+$0x70]  }
.LBB2_4:
0x167: {  	_ =	sdelay $0x1  }
0x168: {  	p0 =	sne.s32 s19, $0x1F00;
	s17 =	sadd.s32 $0x140, s17;
	s18 =	sadd.s32 $0x100, s18  }
0x169: {  	s7 =	smov.u32 s19;
	s19 =	sadd.s32 $0x100, s19  }
0x16a: {  	v4 =	vmul.f32 v5, v4;
	_ =	sdelay $0x1  }
0x16b: {  	s28 =	sshra.s32 s7, $0x2;
	[tilespmem:s22+$0x80] =	vst v4;
	s22 =	smov.u32 s17  }
0x16c: {  	v4 =	vld [tilespmem:s28+$0x5800]  }
0x16d: {  	v5 =	vld [tilespmem:s28+$0x6800];
	_ =	sdelay $0x4  }
0x16e: {  	v4 =	vadd.f32 v5, v4;
	_ =	sdelay $0x1  }
0x16f: {  	v5 =	vmul.f32 $2.000000030e-01, v4;
	_ =	sdelay $0x1  }
0x170: {  	v4 =	vmax.f32 v4, v5  }
0x171: {  	v4 =	vmul.f32 $1.442695020e+00, v4;
	_ =	sdelay $0x1  }
0x172: {  	(erf) = vpow2.f32 v4;
	_ =	sdelay $0x8  }
0x173: {  	v4 =	vpop (erf)  }
0x174: {  	[tilespmem:s17+$0xFFFFFFA0] =	vst v4  }
0x175: {  	v5 =	vld [tilespmem:s18+$0xFFFFFF80];
	_ =	sdelay $0x1  }
0x176: {  	v6 =	vperm.xlane v4, v0;
	_ =	sdelay $0x2  }
0x177: {  	v5 =	vmul.f32 v5, v6;
	_ =	sdelay $0x1  }
0x178: {  	[tilespmem:s17+$0xFFFFFF60] =	vst v5  }
0x179: {  	v5 =	vld [tilespmem:s18+$0xFFFFFF90];
	_ =	sdelay $0x1  }
0x17a: {  	v6 =	vperm.xlane v4, v1;
	_ =	sdelay $0x2  }
0x17b: {  	v5 =	vmul.f32 v5, v6;
	_ =	sdelay $0x1  }
0x17c: {  	[tilespmem:s17+$0xFFFFFF70] =	vst v5  }
0x17d: {  	v5 =	vld [tilespmem:s18+$0xFFFFFFA0];
	_ =	sdelay $0x1  }
0x17e: {  	v6 =	vperm.xlane v4, v2;
	_ =	sdelay $0x2  }
0x17f: {  	v5 =	vmul.f32 v5, v6;
	_ =	sdelay $0x1  }
0x180: {  	[tilespmem:s17+$0xFFFFFF80] =	vst v5  }
0x181: {  	v5 =	vld [tilespmem:s18+$0xFFFFFFB0];
	_ =	sdelay $0x1  }
0x182: {  	v4 =	vperm.xlane v4, v3;
	_ =	sdelay $0x2  }
0x183: {  	v4 =	vmul.f32 v5, v4;
	_ =	sdelay $0x1  }
0x184: {  	[tilespmem:s17+$0xFFFFFF90] =	vst v4  }
0x185: {  	v4 =	vld [tilespmem:s28+$0x5810]  }
0x186: {  	v5 =	vld [tilespmem:s28+$0x6810];
	_ =	sdelay $0x4  }
0x187: {  	v4 =	vadd.f32 v5, v4;
	_ =	sdelay $0x1  }
0x188: {  	v5 =	vmul.f32 $2.000000030e-01, v4;
	_ =	sdelay $0x1  }
0x189: {  	v4 =	vmax.f32 v4, v5  }
0x18a: {  	v4 =	vmul.f32 $1.442695020e+00, v4;
	_ =	sdelay $0x1  }
0x18b: {  	(erf) = vpow2.f32 v4;
	_ =	sdelay $0x8  }
0x18c: {  	v4 =	vpop (erf)  }
0x18d: {  	[tilespmem:s17+$0xFFFFFFF0] =	vst v4  }
0x18e: {  	v5 =	vld [tilespmem:s18+$0xFFFFFFC0]  }
0x18f: {  	v6 =	vperm.xlane v4, v0;
	_ =	sdelay $0x3  }
0x190: {  	v5 =	vmul.f32 v5, v6;
	_ =	sdelay $0x1  }
0x191: {  	[tilespmem:s17+$0xFFFFFFB0] =	vst v5  }
0x192: {  	v5 =	vld [tilespmem:s18+$0xFFFFFFD0]  }
0x193: {  	v6 =	vperm.xlane v4, v1;
	_ =	sdelay $0x3  }
0x194: {  	v5 =	vmul.f32 v5, v6;
	_ =	sdelay $0x1  }
0x195: {  	[tilespmem:s17+$0xFFFFFFC0] =	vst v5  }
0x196: {  	v5 =	vld [tilespmem:s18+$0xFFFFFFE0]  }
0x197: {  	v6 =	vperm.xlane v4, v2;
	_ =	sdelay $0x3  }
0x198: {  	v5 =	vmul.f32 v5, v6;
	_ =	sdelay $0x1  }
0x199: {  	[tilespmem:s17+$0xFFFFFFD0] =	vst v5  }
0x19a: {  	v5 =	vld [tilespmem:s18+$0xFFFFFFF0]  }
0x19b: {  	v4 =	vperm.xlane v4, v3;
	_ =	sdelay $0x3  }
0x19c: {  	v4 =	vmul.f32 v5, v4;
	_ =	sdelay $0x1  }
0x19d: {  	[tilespmem:s17+$0xFFFFFFE0] =	vst v4  }
0x19e: {  	v4 =	vld [tilespmem:s28+$0x5820]  }
0x19f: {  	v5 =	vld [tilespmem:s28+$0x6820];
	_ =	sdelay $0x4  }
0x1a0: {  	v4 =	vadd.f32 v5, v4;
	_ =	sdelay $0x1  }
0x1a1: {  	v5 =	vmul.f32 $2.000000030e-01, v4;
	_ =	sdelay $0x1  }
0x1a2: {  	v4 =	vmax.f32 v4, v5  }
0x1a3: {  	v4 =	vmul.f32 $1.442695020e+00, v4;
	_ =	sdelay $0x1  }
0x1a4: {  	(erf) = vpow2.f32 v4;
	_ =	sdelay $0x8  }
0x1a5: {  	v4 =	vpop (erf)  }
0x1a6: {  	[tilespmem:s17+$0x40] =	vst v4  }
0x1a7: {  	v5 =	vperm.xlane v4, v0;
	v6 =	vld [tilespmem:s18+$0x0];
	_ =	sdelay $0x4  }
0x1a8: {  	v5 =	vmul.f32 v6, v5;
	_ =	sdelay $0x1  }
0x1a9: {  	[tilespmem:s17+$0x0] =	vst v5  }
0x1aa: {  	v5 =	vperm.xlane v4, v1;
	v6 =	vld [tilespmem:s18+$0x10];
	_ =	sdelay $0x4  }
0x1ab: {  	v5 =	vmul.f32 v6, v5;
	_ =	sdelay $0x1  }
0x1ac: {  	[tilespmem:s17+$0x10] =	vst v5  }
0x1ad: {  	v5 =	vperm.xlane v4, v2;
	v6 =	vld [tilespmem:s18+$0x20];
	_ =	sdelay $0x4  }
0x1ae: {  	v5 =	vmul.f32 v6, v5;
	_ =	sdelay $0x1  }
0x1af: {  	[tilespmem:s17+$0x20] =	vst v5  }
0x1b0: {  	v4 =	vperm.xlane v4, v3;
	v5 =	vld [tilespmem:s18+$0x30];
	_ =	sdelay $0x4  }
0x1b1: {  	v4 =	vmul.f32 v5, v4;
	_ =	sdelay $0x1  }
0x1b2: {  	[tilespmem:s17+$0x30] =	vst v4  }
0x1b3: {  	v4 =	vld [tilespmem:s28+$0x5830]  }
0x1b4: {  	v5 =	vld [tilespmem:s28+$0x6830];
	_ =	sdelay $0x4  }
0x1b5: {  	v4 =	vadd.f32 v5, v4;
	_ =	sdelay $0x1  }
0x1b6: {  	v5 =	vmul.f32 $2.000000030e-01, v4;
	_ =	sdelay $0x1  }
0x1b7: {  	v4 =	vmax.f32 v4, v5  }
0x1b8: {  	v4 =	vmul.f32 $1.442695020e+00, v4;
	_ =	sdelay $0x1  }
0x1b9: {  	(erf) = vpow2.f32 v4;
	_ =	sdelay $0x8  }
0x1ba: {  	v4 =	vpop (erf)  }
0x1bb: {  	[tilespmem:s17+$0x90] =	vst v4;
	v5 =	vperm.xlane v4, v0  }
0x1bc: {  	v6 =	vld [tilespmem:s18+$0x40];
	_ =	sdelay $0x4  }
0x1bd: {  	v5 =	vmul.f32 v6, v5;
	_ =	sdelay $0x1  }
0x1be: {  	[tilespmem:s17+$0x50] =	vst v5;
	v5 =	vperm.xlane v4, v1  }
0x1bf: {  	v6 =	vld [tilespmem:s18+$0x50];
	_ =	sdelay $0x4  }
0x1c0: {  	v5 =	vmul.f32 v6, v5;
	_ =	sdelay $0x1  }
0x1c1: {  	[tilespmem:s17+$0x60] =	vst v5;
	v5 =	vperm.xlane v4, v2  }
0x1c2: {  	v6 =	vld [tilespmem:s18+$0x60];
	_ =	sdelay $0x3  }
.Ltmp1:
0x1c3: {  	(pc) =	sbr.rel @p0 .LBB2_4-.Ltmp1, $3  }
0x1c4: {  	v5 =	vmul.f32 v6, v5;
	_ =	sdelay $0x1  }
0x1c5: {  	v4 =	vperm.xlane v4, v3;
	[tilespmem:s17+$0x70] =	vst v5  }
0x1c6: {  	v5 =	vld [tilespmem:s18+$0x70]  }
0x1c7: {  	_ =	sdelay $0x3  }
0x1c8: {  	v4 =	vmul.f32 v5, v4;
	_ =	sdelay $0x1  }
0x1c9: {  	[tilespmem:s22+$0x80] =	vst v4  }
0x1ca: {  	_ =	swait.ge [sflag:s30], $0x2800  }
0x1cb: {  	[sflag:s30] =	ssyncset.done $0x0  }
0x1cc: {  	s7 =	simm.s32 $0x2880;
	s29 =	simm.s32 $0x1;
	[sflag:s30] =	ssyncadd.s32 $0xFFFFD800  }
0x1cd: {  	[spmem:s4] =	stream.indirect.scatter.add.f32 [tilespmem:s31], [sflag:$0x4], $0x50, s7, s16, $0xb8;
	[tilespmem:$0x1C580] =	vst v63  }
.LBB2_6:
0x1ce: {  	_ =	swait.ge [sflag:s20], $0x800  }
0x1cf: {  	[sflag:s20] =	ssyncset.done $0x0  }
0x1d0: {  	[sflag:s20] =	ssyncadd.s32 $0xFFFFF800  }
0x1d1: {  	_ =	swait.ge [sflag:s20], $0x800  }
0x1d2: {  	[sflag:s20] =	ssyncset.done $0x0  }
0x1d3: {  	[sflag:s20] =	ssyncadd.s32 $0xFFFFF800  }
0x1d4: {  	_ =	swait.ge [sflag:s20], $0x2000  }
0x1d5: {  	s7 =	sshllo.u32 s29, $0x1;
	[sflag:s20] =	ssyncset.done $0x0  }
0x1d6: {  	s17 =	sshll.u32 s7, $0x7;
	[sflag:s20] =	ssyncadd.s32 $0xFFFFE000  }
0x1d7: {  	[tilespmem:s21], [sflag:$0x2] =	stream.indirect.gather [hbm4b:s6+s16], $0x10, s17, s16, $0xb8;
	[tilespmem:$0x1C580] =	vst v63  }
0x1d8: {  	s7 =	sadd.s32 $0x2800, s17  }
0x1d9: {  	[tilespmem:s23], [sflag:$0x2] =	stream.indirect.gather [hbm4b:s1+s16], $0x10, s7, s16, $0xb8;
	[tilespmem:$0x1C580] =	vst v63  }
0x1da: {  	s22 =	simm.s32 $0x0  }
0x1db: {  	[tilespmem:s24], [sflag:$0x2] =	stream.indirect.gather [hbm4b:s3+s16], $0x40, s17, s16, $0xb8;
	[tilespmem:$0x1C580] =	vst v63  }
0x1dc: {  	v4 =	vld [tilespmem:s22+$0x5000]  }
0x1dd: {  	v5 =	vld [tilespmem:s22+$0x6000];
	_ =	sdelay $0x4  }
0x1de: {  	v4 =	vadd.f32 v5, v4;
	_ =	sdelay $0x1  }
0x1df: {  	v5 =	vmul.f32 $2.000000030e-01, v4;
	_ =	sdelay $0x1  }
0x1e0: {  	v4 =	vmax.f32 v4, v5  }
0x1e1: {  	v4 =	vmul.f32 $1.442695020e+00, v4;
	_ =	sdelay $0x1  }
0x1e2: {  	(erf) = vpow2.f32 v4;
	_ =	sdelay $0x8  }
0x1e3: {  	s18 =	simm.s32 $0xB0A0;
	v4 =	vpop (erf)  }
0x1e4: {  	s19 =	simm.s32 $0x7080;
	[tilespmem:s18+$0xFFFFFFA0] =	vst v4  }
0x1e5: {  	v5 =	vld [tilespmem:s19+$0xFFFFFF80];
	_ =	sdelay $0x2  }
0x1e6: {  	v6 =	vperm.xlane v4, v0;
	_ =	sdelay $0x1  }
0x1e7: {  	v5 =	vmul.f32 v5, v6;
	_ =	sdelay $0x1  }
0x1e8: {  	[tilespmem:s18+$0xFFFFFF60] =	vst v5  }
0x1e9: {  	v5 =	vld [tilespmem:s19+$0xFFFFFF90];
	_ =	sdelay $0x2  }
0x1ea: {  	v6 =	vperm.xlane v4, v1;
	_ =	sdelay $0x1  }
0x1eb: {  	v5 =	vmul.f32 v5, v6;
	_ =	sdelay $0x1  }
0x1ec: {  	[tilespmem:s18+$0xFFFFFF70] =	vst v5  }
0x1ed: {  	v5 =	vld [tilespmem:s19+$0xFFFFFFA0];
	_ =	sdelay $0x2  }
0x1ee: {  	v6 =	vperm.xlane v4, v2;
	_ =	sdelay $0x1  }
0x1ef: {  	v5 =	vmul.f32 v5, v6;
	_ =	sdelay $0x1  }
0x1f0: {  	[tilespmem:s18+$0xFFFFFF80] =	vst v5  }
0x1f1: {  	v5 =	vld [tilespmem:s19+$0xFFFFFFB0];
	_ =	sdelay $0x2  }
0x1f2: {  	v4 =	vperm.xlane v4, v3;
	_ =	sdelay $0x1  }
0x1f3: {  	v4 =	vmul.f32 v5, v4;
	_ =	sdelay $0x1  }
0x1f4: {  	[tilespmem:s18+$0xFFFFFF90] =	vst v4  }
0x1f5: {  	v4 =	vld [tilespmem:s22+$0x5010]  }
0x1f6: {  	v5 =	vld [tilespmem:s22+$0x6010];
	_ =	sdelay $0x4  }
0x1f7: {  	v4 =	vadd.f32 v5, v4;
	_ =	sdelay $0x1  }
0x1f8: {  	v5 =	vmul.f32 $2.000000030e-01, v4;
	_ =	sdelay $0x1  }
0x1f9: {  	v4 =	vmax.f32 v4, v5  }
0x1fa: {  	v4 =	vmul.f32 $1.442695020e+00, v4;
	_ =	sdelay $0x1  }
0x1fb: {  	(erf) = vpow2.f32 v4;
	_ =	sdelay $0x8  }
0x1fc: {  	v4 =	vpop (erf)  }
0x1fd: {  	[tilespmem:s18+$0xFFFFFFF0] =	vst v4  }
0x1fe: {  	v5 =	vld [tilespmem:s19+$0xFFFFFFC0];
	_ =	sdelay $0x2  }
0x1ff: {  	v6 =	vperm.xlane v4, v0;
	_ =	sdelay $0x1  }
0x200: {  	v5 =	vmul.f32 v5, v6;
	_ =	sdelay $0x1  }
0x201: {  	[tilespmem:s18+$0xFFFFFFB0] =	vst v5  }
0x202: {  	v5 =	vld [tilespmem:s19+$0xFFFFFFD0];
	_ =	sdelay $0x2  }
0x203: {  	v6 =	vperm.xlane v4, v1;
	_ =	sdelay $0x1  }
0x204: {  	v5 =	vmul.f32 v5, v6;
	_ =	sdelay $0x1  }
0x205: {  	[tilespmem:s18+$0xFFFFFFC0] =	vst v5  }
0x206: {  	v5 =	vld [tilespmem:s19+$0xFFFFFFE0];
	_ =	sdelay $0x2  }
0x207: {  	v6 =	vperm.xlane v4, v2;
	_ =	sdelay $0x1  }
0x208: {  	v5 =	vmul.f32 v5, v6;
	_ =	sdelay $0x1  }
0x209: {  	[tilespmem:s18+$0xFFFFFFD0] =	vst v5  }
0x20a: {  	v5 =	vld [tilespmem:s19+$0xFFFFFFF0];
	_ =	sdelay $0x2  }
0x20b: {  	v4 =	vperm.xlane v4, v3;
	_ =	sdelay $0x1  }
0x20c: {  	v4 =	vmul.f32 v5, v4;
	_ =	sdelay $0x1  }
0x20d: {  	[tilespmem:s18+$0xFFFFFFE0] =	vst v4  }
0x20e: {  	v4 =	vld [tilespmem:s22+$0x5020]  }
0x20f: {  	v5 =	vld [tilespmem:s22+$0x6020];
	_ =	sdelay $0x4  }
0x210: {  	v4 =	vadd.f32 v5, v4;
	_ =	sdelay $0x1  }
0x211: {  	v5 =	vmul.f32 $2.000000030e-01, v4;
	_ =	sdelay $0x1  }
0x212: {  	v4 =	vmax.f32 v4, v5  }
0x213: {  	v4 =	vmul.f32 $1.442695020e+00, v4;
	_ =	sdelay $0x1  }
0x214: {  	(erf) = vpow2.f32 v4;
	_ =	sdelay $0x8  }
0x215: {  	v4 =	vpop (erf)  }
0x216: {  	[tilespmem:s18+$0x40] =	vst v4  }
0x217: {  	v5 =	vld [tilespmem:s19+$0x0];
	_ =	sdelay $0x2  }
0x218: {  	v6 =	vperm.xlane v4, v0;
	_ =	sdelay $0x1  }
0x219: {  	v5 =	vmul.f32 v5, v6;
	_ =	sdelay $0x1  }
0x21a: {  	[tilespmem:s18+$0x0] =	vst v5  }
0x21b: {  	v5 =	vld [tilespmem:s19+$0x10];
	_ =	sdelay $0x2  }
0x21c: {  	v6 =	vperm.xlane v4, v1;
	_ =	sdelay $0x1  }
0x21d: {  	v5 =	vmul.f32 v5, v6;
	_ =	sdelay $0x1  }
0x21e: {  	[tilespmem:s18+$0x10] =	vst v5  }
0x21f: {  	v5 =	vld [tilespmem:s19+$0x20];
	_ =	sdelay $0x2  }
0x220: {  	v6 =	vperm.xlane v4, v2;
	_ =	sdelay $0x1  }
0x221: {  	v5 =	vmul.f32 v5, v6;
	_ =	sdelay $0x1  }
0x222: {  	[tilespmem:s18+$0x20] =	vst v5  }
0x223: {  	v5 =	vld [tilespmem:s19+$0x30];
	_ =	sdelay $0x2  }
0x224: {  	v4 =	vperm.xlane v4, v3;
	_ =	sdelay $0x1  }
0x225: {  	v4 =	vmul.f32 v5, v4;
	_ =	sdelay $0x1  }
0x226: {  	[tilespmem:s18+$0x30] =	vst v4  }
0x227: {  	v4 =	vld [tilespmem:s22+$0x5030]  }
0x228: {  	v5 =	vld [tilespmem:s22+$0x6030];
	_ =	sdelay $0x4  }
0x229: {  	v4 =	vadd.f32 v5, v4;
	_ =	sdelay $0x1  }
0x22a: {  	v5 =	vmul.f32 $2.000000030e-01, v4;
	_ =	sdelay $0x1  }
0x22b: {  	v4 =	vmax.f32 v4, v5  }
0x22c: {  	v4 =	vmul.f32 $1.442695020e+00, v4;
	_ =	sdelay $0x1  }
0x22d: {  	(erf) = vpow2.f32 v4;
	_ =	sdelay $0x8  }
0x22e: {  	v4 =	vpop (erf)  }
0x22f: {  	[tilespmem:s18+$0x90] =	vst v4  }
0x230: {  	v5 =	vld [tilespmem:s19+$0x40];
	_ =	sdelay $0x2  }
0x231: {  	v6 =	vperm.xlane v4, v0;
	_ =	sdelay $0x1  }
0x232: {  	v5 =	vmul.f32 v5, v6;
	_ =	sdelay $0x1  }
0x233: {  	[tilespmem:s18+$0x50] =	vst v5  }
0x234: {  	v5 =	vld [tilespmem:s19+$0x50];
	_ =	sdelay $0x2  }
0x235: {  	v6 =	vperm.xlane v4, v1;
	_ =	sdelay $0x1  }
0x236: {  	v5 =	vmul.f32 v5, v6;
	_ =	sdelay $0x1  }
0x237: {  	[tilespmem:s18+$0x60] =	vst v5  }
0x238: {  	v5 =	vld [tilespmem:s19+$0x60];
	_ =	sdelay $0x2  }
0x239: {  	v6 =	vperm.xlane v4, v2;
	_ =	sdelay $0x1  }
0x23a: {  	v5 =	vmul.f32 v5, v6;
	_ =	sdelay $0x1  }
0x23b: {  	[tilespmem:s18+$0x70] =	vst v5  }
0x23c: {  	s28 =	simm.s32 $0xB0A0;
	s22 =	simm.s32 $0x100;
	v4 =	vperm.xlane v4, v3;
	v5 =	vld [tilespmem:s19+$0x70]  }
.LBB2_7:
0x23d: {  	_ =	sdelay $0x1  }
0x23e: {  	p0 =	sne.s32 s22, $0x1F00;
	s18 =	sadd.s32 $0x140, s18;
	s19 =	sadd.s32 $0x100, s19  }
0x23f: {  	s7 =	smov.u32 s22;
	s22 =	sadd.s32 $0x100, s22  }
0x240: {  	v4 =	vmul.f32 v5, v4;
	_ =	sdelay $0x1  }
0x241: {  	s7 =	sshra.s32 s7, $0x2;
	[tilespmem:s28+$0x80] =	vst v4;
	s28 =	smov.u32 s18  }
0x242: {  	v4 =	vld [tilespmem:s7+$0x5000]  }
0x243: {  	v5 =	vld [tilespmem:s7+$0x6000];
	_ =	sdelay $0x4  }
0x244: {  	v4 =	vadd.f32 v5, v4;
	_ =	sdelay $0x1  }
0x245: {  	v5 =	vmul.f32 $2.000000030e-01, v4;
	_ =	sdelay $0x1  }
0x246: {  	v4 =	vmax.f32 v4, v5  }
0x247: {  	v4 =	vmul.f32 $1.442695020e+00, v4;
	_ =	sdelay $0x1  }
0x248: {  	(erf) = vpow2.f32 v4;
	_ =	sdelay $0x8  }
0x249: {  	v4 =	vpop (erf)  }
0x24a: {  	[tilespmem:s18+$0xFFFFFFA0] =	vst v4  }
0x24b: {  	v5 =	vld [tilespmem:s19+$0xFFFFFF80];
	_ =	sdelay $0x1  }
0x24c: {  	v6 =	vperm.xlane v4, v0;
	_ =	sdelay $0x2  }
0x24d: {  	v5 =	vmul.f32 v5, v6;
	_ =	sdelay $0x1  }
0x24e: {  	[tilespmem:s18+$0xFFFFFF60] =	vst v5  }
0x24f: {  	v5 =	vld [tilespmem:s19+$0xFFFFFF90];
	_ =	sdelay $0x1  }
0x250: {  	v6 =	vperm.xlane v4, v1;
	_ =	sdelay $0x2  }
0x251: {  	v5 =	vmul.f32 v5, v6;
	_ =	sdelay $0x1  }
0x252: {  	[tilespmem:s18+$0xFFFFFF70] =	vst v5  }
0x253: {  	v5 =	vld [tilespmem:s19+$0xFFFFFFA0];
	_ =	sdelay $0x1  }
0x254: {  	v6 =	vperm.xlane v4, v2;
	_ =	sdelay $0x2  }
0x255: {  	v5 =	vmul.f32 v5, v6;
	_ =	sdelay $0x1  }
0x256: {  	[tilespmem:s18+$0xFFFFFF80] =	vst v5  }
0x257: {  	v5 =	vld [tilespmem:s19+$0xFFFFFFB0];
	_ =	sdelay $0x1  }
0x258: {  	v4 =	vperm.xlane v4, v3;
	_ =	sdelay $0x2  }
0x259: {  	v4 =	vmul.f32 v5, v4;
	_ =	sdelay $0x1  }
0x25a: {  	[tilespmem:s18+$0xFFFFFF90] =	vst v4  }
0x25b: {  	v4 =	vld [tilespmem:s7+$0x5010]  }
0x25c: {  	v5 =	vld [tilespmem:s7+$0x6010];
	_ =	sdelay $0x4  }
0x25d: {  	v4 =	vadd.f32 v5, v4;
	_ =	sdelay $0x1  }
0x25e: {  	v5 =	vmul.f32 $2.000000030e-01, v4;
	_ =	sdelay $0x1  }
0x25f: {  	v4 =	vmax.f32 v4, v5  }
0x260: {  	v4 =	vmul.f32 $1.442695020e+00, v4;
	_ =	sdelay $0x1  }
0x261: {  	(erf) = vpow2.f32 v4;
	_ =	sdelay $0x8  }
0x262: {  	v4 =	vpop (erf)  }
0x263: {  	[tilespmem:s18+$0xFFFFFFF0] =	vst v4  }
0x264: {  	v5 =	vld [tilespmem:s19+$0xFFFFFFC0]  }
0x265: {  	v6 =	vperm.xlane v4, v0;
	_ =	sdelay $0x3  }
0x266: {  	v5 =	vmul.f32 v5, v6;
	_ =	sdelay $0x1  }
0x267: {  	[tilespmem:s18+$0xFFFFFFB0] =	vst v5  }
0x268: {  	v5 =	vld [tilespmem:s19+$0xFFFFFFD0]  }
0x269: {  	v6 =	vperm.xlane v4, v1;
	_ =	sdelay $0x3  }
0x26a: {  	v5 =	vmul.f32 v5, v6;
	_ =	sdelay $0x1  }
0x26b: {  	[tilespmem:s18+$0xFFFFFFC0] =	vst v5  }
0x26c: {  	v5 =	vld [tilespmem:s19+$0xFFFFFFE0]  }
0x26d: {  	v6 =	vperm.xlane v4, v2;
	_ =	sdelay $0x3  }
0x26e: {  	v5 =	vmul.f32 v5, v6;
	_ =	sdelay $0x1  }
0x26f: {  	[tilespmem:s18+$0xFFFFFFD0] =	vst v5  }
0x270: {  	v5 =	vld [tilespmem:s19+$0xFFFFFFF0]  }
0x271: {  	v4 =	vperm.xlane v4, v3;
	_ =	sdelay $0x3  }
0x272: {  	v4 =	vmul.f32 v5, v4;
	_ =	sdelay $0x1  }
0x273: {  	[tilespmem:s18+$0xFFFFFFE0] =	vst v4  }
0x274: {  	v4 =	vld [tilespmem:s7+$0x5020]  }
0x275: {  	v5 =	vld [tilespmem:s7+$0x6020];
	_ =	sdelay $0x4  }
0x276: {  	v4 =	vadd.f32 v5, v4;
	_ =	sdelay $0x1  }
0x277: {  	v5 =	vmul.f32 $2.000000030e-01, v4;
	_ =	sdelay $0x1  }
0x278: {  	v4 =	vmax.f32 v4, v5  }
0x279: {  	v4 =	vmul.f32 $1.442695020e+00, v4;
	_ =	sdelay $0x1  }
0x27a: {  	(erf) = vpow2.f32 v4;
	_ =	sdelay $0x8  }
0x27b: {  	v4 =	vpop (erf)  }
0x27c: {  	[tilespmem:s18+$0x40] =	vst v4  }
0x27d: {  	v5 =	vperm.xlane v4, v0;
	v6 =	vld [tilespmem:s19+$0x0];
	_ =	sdelay $0x4  }
0x27e: {  	v5 =	vmul.f32 v6, v5;
	_ =	sdelay $0x1  }
0x27f: {  	[tilespmem:s18+$0x0] =	vst v5  }
0x280: {  	v5 =	vperm.xlane v4, v1;
	v6 =	vld [tilespmem:s19+$0x10];
	_ =	sdelay $0x4  }
0x281: {  	v5 =	vmul.f32 v6, v5;
	_ =	sdelay $0x1  }
0x282: {  	[tilespmem:s18+$0x10] =	vst v5  }
0x283: {  	v5 =	vperm.xlane v4, v2;
	v6 =	vld [tilespmem:s19+$0x20];
	_ =	sdelay $0x4  }
0x284: {  	v5 =	vmul.f32 v6, v5;
	_ =	sdelay $0x1  }
0x285: {  	[tilespmem:s18+$0x20] =	vst v5  }
0x286: {  	v4 =	vperm.xlane v4, v3;
	v5 =	vld [tilespmem:s19+$0x30];
	_ =	sdelay $0x4  }
0x287: {  	v4 =	vmul.f32 v5, v4;
	_ =	sdelay $0x1  }
0x288: {  	[tilespmem:s18+$0x30] =	vst v4  }
0x289: {  	v4 =	vld [tilespmem:s7+$0x5030]  }
0x28a: {  	v5 =	vld [tilespmem:s7+$0x6030];
	_ =	sdelay $0x4  }
0x28b: {  	v4 =	vadd.f32 v5, v4;
	_ =	sdelay $0x1  }
0x28c: {  	v5 =	vmul.f32 $2.000000030e-01, v4;
	_ =	sdelay $0x1  }
0x28d: {  	v4 =	vmax.f32 v4, v5  }
0x28e: {  	v4 =	vmul.f32 $1.442695020e+00, v4;
	_ =	sdelay $0x1  }
0x28f: {  	(erf) = vpow2.f32 v4;
	_ =	sdelay $0x8  }
0x290: {  	v4 =	vpop (erf)  }
0x291: {  	[tilespmem:s18+$0x90] =	vst v4;
	v5 =	vperm.xlane v4, v0  }
0x292: {  	v6 =	vld [tilespmem:s19+$0x40];
	_ =	sdelay $0x4  }
0x293: {  	v5 =	vmul.f32 v6, v5;
	_ =	sdelay $0x1  }
0x294: {  	[tilespmem:s18+$0x50] =	vst v5;
	v5 =	vperm.xlane v4, v1  }
0x295: {  	v6 =	vld [tilespmem:s19+$0x50];
	_ =	sdelay $0x4  }
0x296: {  	v5 =	vmul.f32 v6, v5;
	_ =	sdelay $0x1  }
0x297: {  	[tilespmem:s18+$0x60] =	vst v5;
	v5 =	vperm.xlane v4, v2  }
0x298: {  	v6 =	vld [tilespmem:s19+$0x60];
	_ =	sdelay $0x3  }
.Ltmp2:
0x299: {  	(pc) =	sbr.rel @p0 .LBB2_7-.Ltmp2, $3  }
0x29a: {  	v5 =	vmul.f32 v6, v5;
	_ =	sdelay $0x1  }
0x29b: {  	v4 =	vperm.xlane v4, v3;
	[tilespmem:s18+$0x70] =	vst v5  }
0x29c: {  	v5 =	vld [tilespmem:s19+$0x70]  }
0x29d: {  	_ =	sdelay $0x3  }
0x29e: {  	v4 =	vmul.f32 v5, v4;
	_ =	sdelay $0x1  }
0x29f: {  	[tilespmem:s28+$0x80] =	vst v4  }
0x2a0: {  	s7 =	sshll.u32 s29, $0x8;
	_ =	swait.ge [sflag:s2], $0x2800  }
0x2a1: {  	s7 =	sand.u32 $0x3FFFFF00, s7;
	[sflag:s2] =	ssyncset.done $0x0  }
0x2a2: {  	s7 =	sadd.s32 $0x2800, s7;
	[sflag:s2] =	ssyncadd.s32 $0xFFFFD800  }
0x2a3: {  	[spmem:s4] =	stream.indirect.scatter.add.f32 [tilespmem:s25], [sflag:$0x3], $0x50, s7, s16, $0xb8;
	[tilespmem:$0x1C580] =	vst v63  }
0x2a4: {  	_ =	swait.ge [sflag:s26], $0x800  }
0x2a5: {  	[sflag:s26] =	ssyncset.done $0x0  }
0x2a6: {  	[sflag:s26] =	ssyncadd.s32 $0xFFFFF800  }
0x2a7: {  	_ =	swait.ge [sflag:s26], $0x800  }
0x2a8: {  	[sflag:s26] =	ssyncset.done $0x0  }
0x2a9: {  	[sflag:s26] =	ssyncadd.s32 $0xFFFFF800  }
0x2aa: {  	p0 =	seq.s32 s29, $0x27;
	_ =	swait.ge [sflag:s26], $0x2000  }
0x2ab: {  	s19 =	simm.s32 @!p0 $0x80;
	s7 =	sshll.u32 @!p0 s29, $0x8;
	[sflag:s26] =	ssyncset.done $0x0  }
0x2ac: {  	s22 =	simm.s32 @!p0 $0x5000;
	s18 =	sadd.s32 @!p0 $0x100, s7;
	[sflag:s26] =	ssyncadd.s32 $0xFFFFE000  }
0x2ad: {  	[tilespmem:s22], [sflag:$0x1] =	stream.indirect.gather @!p0 [hbm4b:s6+s19], $0x10, s18, s19, $0xb8;
	[tilespmem:$0x1C580] =	vst v63  }
0x2ae: {  	s7 =	sadd.s32 @!p0 $0x2900, s7;
	s22 =	simm.s32 @!p0 $0x6000  }
0x2af: {  	[tilespmem:s22], [sflag:$0x1] =	stream.indirect.gather @!p0 [hbm4b:s1+s19], $0x10, s7, s19, $0xb8;
	[tilespmem:$0x1C580] =	vst v63  }
0x2b0: {  	s7 =	simm.s32 @!p0 $0x7000;
	s22 =	simm.s32 $0x0  }
0x2b1: {  	[tilespmem:s7], [sflag:$0x1] =	stream.indirect.gather @!p0 [hbm4b:s3+s19], $0x40, s18, s19, $0xb8;
	[tilespmem:$0x1C580] =	vst v63  }
0x2b2: {  	v4 =	vld [tilespmem:s22+$0x5800]  }
0x2b3: {  	v5 =	vld [tilespmem:s22+$0x6800];
	_ =	sdelay $0x4  }
0x2b4: {  	v4 =	vadd.f32 v5, v4;
	_ =	sdelay $0x1  }
0x2b5: {  	v5 =	vmul.f32 $2.000000030e-01, v4;
	_ =	sdelay $0x1  }
0x2b6: {  	v4 =	vmax.f32 v4, v5  }
0x2b7: {  	v4 =	vmul.f32 $1.442695020e+00, v4;
	_ =	sdelay $0x1  }
0x2b8: {  	(erf) = vpow2.f32 v4;
	_ =	sdelay $0x8  }
0x2b9: {  	s18 =	simm.s32 $0xD8A0;
	v4 =	vpop (erf)  }
0x2ba: {  	s19 =	simm.s32 $0x9080;
	[tilespmem:s18+$0xFFFFFFA0] =	vst v4  }
0x2bb: {  	v5 =	vld [tilespmem:s19+$0xFFFFFF80];
	_ =	sdelay $0x2  }
0x2bc: {  	v6 =	vperm.xlane v4, v0;
	_ =	sdelay $0x1  }
0x2bd: {  	v5 =	vmul.f32 v5, v6;
	_ =	sdelay $0x1  }
0x2be: {  	[tilespmem:s18+$0xFFFFFF60] =	vst v5  }
0x2bf: {  	v5 =	vld [tilespmem:s19+$0xFFFFFF90];
	_ =	sdelay $0x2  }
0x2c0: {  	v6 =	vperm.xlane v4, v1;
	_ =	sdelay $0x1  }
0x2c1: {  	v5 =	vmul.f32 v5, v6;
	_ =	sdelay $0x1  }
0x2c2: {  	[tilespmem:s18+$0xFFFFFF70] =	vst v5  }
0x2c3: {  	v5 =	vld [tilespmem:s19+$0xFFFFFFA0];
	_ =	sdelay $0x2  }
0x2c4: {  	v6 =	vperm.xlane v4, v2;
	_ =	sdelay $0x1  }
0x2c5: {  	v5 =	vmul.f32 v5, v6;
	_ =	sdelay $0x1  }
0x2c6: {  	[tilespmem:s18+$0xFFFFFF80] =	vst v5  }
0x2c7: {  	v5 =	vld [tilespmem:s19+$0xFFFFFFB0];
	_ =	sdelay $0x2  }
0x2c8: {  	v4 =	vperm.xlane v4, v3;
	_ =	sdelay $0x1  }
0x2c9: {  	v4 =	vmul.f32 v5, v4;
	_ =	sdelay $0x1  }
0x2ca: {  	[tilespmem:s18+$0xFFFFFF90] =	vst v4  }
0x2cb: {  	v4 =	vld [tilespmem:s22+$0x5810]  }
0x2cc: {  	v5 =	vld [tilespmem:s22+$0x6810];
	_ =	sdelay $0x4  }
0x2cd: {  	v4 =	vadd.f32 v5, v4;
	_ =	sdelay $0x1  }
0x2ce: {  	v5 =	vmul.f32 $2.000000030e-01, v4;
	_ =	sdelay $0x1  }
0x2cf: {  	v4 =	vmax.f32 v4, v5  }
0x2d0: {  	v4 =	vmul.f32 $1.442695020e+00, v4;
	_ =	sdelay $0x1  }
0x2d1: {  	(erf) = vpow2.f32 v4;
	_ =	sdelay $0x8  }
0x2d2: {  	v4 =	vpop (erf)  }
0x2d3: {  	[tilespmem:s18+$0xFFFFFFF0] =	vst v4  }
0x2d4: {  	v5 =	vld [tilespmem:s19+$0xFFFFFFC0];
	_ =	sdelay $0x2  }
0x2d5: {  	v6 =	vperm.xlane v4, v0;
	_ =	sdelay $0x1  }
0x2d6: {  	v5 =	vmul.f32 v5, v6;
	_ =	sdelay $0x1  }
0x2d7: {  	[tilespmem:s18+$0xFFFFFFB0] =	vst v5  }
0x2d8: {  	v5 =	vld [tilespmem:s19+$0xFFFFFFD0];
	_ =	sdelay $0x2  }
0x2d9: {  	v6 =	vperm.xlane v4, v1;
	_ =	sdelay $0x1  }
0x2da: {  	v5 =	vmul.f32 v5, v6;
	_ =	sdelay $0x1  }
0x2db: {  	[tilespmem:s18+$0xFFFFFFC0] =	vst v5  }
0x2dc: {  	v5 =	vld [tilespmem:s19+$0xFFFFFFE0];
	_ =	sdelay $0x2  }
0x2dd: {  	v6 =	vperm.xlane v4, v2;
	_ =	sdelay $0x1  }
0x2de: {  	v5 =	vmul.f32 v5, v6;
	_ =	sdelay $0x1  }
0x2df: {  	[tilespmem:s18+$0xFFFFFFD0] =	vst v5  }
0x2e0: {  	v5 =	vld [tilespmem:s19+$0xFFFFFFF0];
	_ =	sdelay $0x2  }
0x2e1: {  	v4 =	vperm.xlane v4, v3;
	_ =	sdelay $0x1  }
0x2e2: {  	v4 =	vmul.f32 v5, v4;
	_ =	sdelay $0x1  }
0x2e3: {  	[tilespmem:s18+$0xFFFFFFE0] =	vst v4  }
0x2e4: {  	v4 =	vld [tilespmem:s22+$0x5820]  }
0x2e5: {  	v5 =	vld [tilespmem:s22+$0x6820];
	_ =	sdelay $0x4  }
0x2e6: {  	v4 =	vadd.f32 v5, v4;
	_ =	sdelay $0x1  }
0x2e7: {  	v5 =	vmul.f32 $2.000000030e-01, v4;
	_ =	sdelay $0x1  }
0x2e8: {  	v4 =	vmax.f32 v4, v5  }
0x2e9: {  	v4 =	vmul.f32 $1.442695020e+00, v4;
	_ =	sdelay $0x1  }
0x2ea: {  	(erf) = vpow2.f32 v4;
	_ =	sdelay $0x8  }
0x2eb: {  	v4 =	vpop (erf)  }
0x2ec: {  	[tilespmem:s18+$0x40] =	vst v4  }
0x2ed: {  	v5 =	vld [tilespmem:s19+$0x0];
	_ =	sdelay $0x2  }
0x2ee: {  	v6 =	vperm.xlane v4, v0;
	_ =	sdelay $0x1  }
0x2ef: {  	v5 =	vmul.f32 v5, v6;
	_ =	sdelay $0x1  }
0x2f0: {  	[tilespmem:s18+$0x0] =	vst v5  }
0x2f1: {  	v5 =	vld [tilespmem:s19+$0x10];
	_ =	sdelay $0x2  }
0x2f2: {  	v6 =	vperm.xlane v4, v1;
	_ =	sdelay $0x1  }
0x2f3: {  	v5 =	vmul.f32 v5, v6;
	_ =	sdelay $0x1  }
0x2f4: {  	[tilespmem:s18+$0x10] =	vst v5  }
0x2f5: {  	v5 =	vld [tilespmem:s19+$0x20];
	_ =	sdelay $0x2  }
0x2f6: {  	v6 =	vperm.xlane v4, v2;
	_ =	sdelay $0x1  }
0x2f7: {  	v5 =	vmul.f32 v5, v6;
	_ =	sdelay $0x1  }
0x2f8: {  	[tilespmem:s18+$0x20] =	vst v5  }
0x2f9: {  	v5 =	vld [tilespmem:s19+$0x30];
	_ =	sdelay $0x2  }
0x2fa: {  	v4 =	vperm.xlane v4, v3;
	_ =	sdelay $0x1  }
0x2fb: {  	v4 =	vmul.f32 v5, v4;
	_ =	sdelay $0x1  }
0x2fc: {  	[tilespmem:s18+$0x30] =	vst v4  }
0x2fd: {  	v4 =	vld [tilespmem:s22+$0x5830]  }
0x2fe: {  	v5 =	vld [tilespmem:s22+$0x6830];
	_ =	sdelay $0x4  }
0x2ff: {  	v4 =	vadd.f32 v5, v4;
	_ =	sdelay $0x1  }
0x300: {  	v5 =	vmul.f32 $2.000000030e-01, v4;
	_ =	sdelay $0x1  }
0x301: {  	v4 =	vmax.f32 v4, v5  }
0x302: {  	v4 =	vmul.f32 $1.442695020e+00, v4;
	_ =	sdelay $0x1  }
0x303: {  	(erf) = vpow2.f32 v4;
	_ =	sdelay $0x8  }
0x304: {  	v4 =	vpop (erf)  }
0x305: {  	[tilespmem:s18+$0x90] =	vst v4  }
0x306: {  	v5 =	vld [tilespmem:s19+$0x40];
	_ =	sdelay $0x2  }
0x307: {  	v6 =	vperm.xlane v4, v0;
	_ =	sdelay $0x1  }
0x308: {  	v5 =	vmul.f32 v5, v6;
	_ =	sdelay $0x1  }
0x309: {  	[tilespmem:s18+$0x50] =	vst v5  }
0x30a: {  	v5 =	vld [tilespmem:s19+$0x50];
	_ =	sdelay $0x2  }
0x30b: {  	v6 =	vperm.xlane v4, v1;
	_ =	sdelay $0x1  }
0x30c: {  	v5 =	vmul.f32 v5, v6;
	_ =	sdelay $0x1  }
0x30d: {  	[tilespmem:s18+$0x60] =	vst v5  }
0x30e: {  	v5 =	vld [tilespmem:s19+$0x60];
	_ =	sdelay $0x2  }
0x30f: {  	v6 =	vperm.xlane v4, v2;
	_ =	sdelay $0x1  }
0x310: {  	v5 =	vmul.f32 v5, v6;
	_ =	sdelay $0x1  }
0x311: {  	[tilespmem:s18+$0x70] =	vst v5  }
0x312: {  	s28 =	simm.s32 $0xD8A0;
	s22 =	simm.s32 $0x100;
	v4 =	vperm.xlane v4, v3;
	v5 =	vld [tilespmem:s19+$0x70]  }
.LBB2_9:
0x313: {  	_ =	sdelay $0x1  }
0x314: {  	p0 =	sne.s32 s22, $0x1F00;
	s18 =	sadd.s32 $0x140, s18;
	s19 =	sadd.s32 $0x100, s19  }
0x315: {  	s7 =	smov.u32 s22;
	s22 =	sadd.s32 $0x100, s22  }
0x316: {  	v4 =	vmul.f32 v5, v4;
	_ =	sdelay $0x1  }
0x317: {  	s7 =	sshra.s32 s7, $0x2;
	[tilespmem:s28+$0x80] =	vst v4;
	s28 =	smov.u32 s18  }
0x318: {  	v4 =	vld [tilespmem:s7+$0x5800]  }
0x319: {  	v5 =	vld [tilespmem:s7+$0x6800];
	_ =	sdelay $0x4  }
0x31a: {  	v4 =	vadd.f32 v5, v4;
	_ =	sdelay $0x1  }
0x31b: {  	v5 =	vmul.f32 $2.000000030e-01, v4;
	_ =	sdelay $0x1  }
0x31c: {  	v4 =	vmax.f32 v4, v5  }
0x31d: {  	v4 =	vmul.f32 $1.442695020e+00, v4;
	_ =	sdelay $0x1  }
0x31e: {  	(erf) = vpow2.f32 v4;
	_ =	sdelay $0x8  }
0x31f: {  	v4 =	vpop (erf)  }
0x320: {  	[tilespmem:s18+$0xFFFFFFA0] =	vst v4  }
0x321: {  	v5 =	vld [tilespmem:s19+$0xFFFFFF80];
	_ =	sdelay $0x1  }
0x322: {  	v6 =	vperm.xlane v4, v0;
	_ =	sdelay $0x2  }
0x323: {  	v5 =	vmul.f32 v5, v6;
	_ =	sdelay $0x1  }
0x324: {  	[tilespmem:s18+$0xFFFFFF60] =	vst v5  }
0x325: {  	v5 =	vld [tilespmem:s19+$0xFFFFFF90];
	_ =	sdelay $0x1  }
0x326: {  	v6 =	vperm.xlane v4, v1;
	_ =	sdelay $0x2  }
0x327: {  	v5 =	vmul.f32 v5, v6;
	_ =	sdelay $0x1  }
0x328: {  	[tilespmem:s18+$0xFFFFFF70] =	vst v5  }
0x329: {  	v5 =	vld [tilespmem:s19+$0xFFFFFFA0];
	_ =	sdelay $0x1  }
0x32a: {  	v6 =	vperm.xlane v4, v2;
	_ =	sdelay $0x2  }
0x32b: {  	v5 =	vmul.f32 v5, v6;
	_ =	sdelay $0x1  }
0x32c: {  	[tilespmem:s18+$0xFFFFFF80] =	vst v5  }
0x32d: {  	v5 =	vld [tilespmem:s19+$0xFFFFFFB0];
	_ =	sdelay $0x1  }
0x32e: {  	v4 =	vperm.xlane v4, v3;
	_ =	sdelay $0x2  }
0x32f: {  	v4 =	vmul.f32 v5, v4;
	_ =	sdelay $0x1  }
0x330: {  	[tilespmem:s18+$0xFFFFFF90] =	vst v4  }
0x331: {  	v4 =	vld [tilespmem:s7+$0x5810]  }
0x332: {  	v5 =	vld [tilespmem:s7+$0x6810];
	_ =	sdelay $0x4  }
0x333: {  	v4 =	vadd.f32 v5, v4;
	_ =	sdelay $0x1  }
0x334: {  	v5 =	vmul.f32 $2.000000030e-01, v4;
	_ =	sdelay $0x1  }
0x335: {  	v4 =	vmax.f32 v4, v5  }
0x336: {  	v4 =	vmul.f32 $1.442695020e+00, v4;
	_ =	sdelay $0x1  }
0x337: {  	(erf) = vpow2.f32 v4;
	_ =	sdelay $0x8  }
0x338: {  	v4 =	vpop (erf)  }
0x339: {  	[tilespmem:s18+$0xFFFFFFF0] =	vst v4  }
0x33a: {  	v5 =	vld [tilespmem:s19+$0xFFFFFFC0]  }
0x33b: {  	v6 =	vperm.xlane v4, v0;
	_ =	sdelay $0x3  }
0x33c: {  	v5 =	vmul.f32 v5, v6;
	_ =	sdelay $0x1  }
0x33d: {  	[tilespmem:s18+$0xFFFFFFB0] =	vst v5  }
0x33e: {  	v5 =	vld [tilespmem:s19+$0xFFFFFFD0]  }
0x33f: {  	v6 =	vperm.xlane v4, v1;
	_ =	sdelay $0x3  }
0x340: {  	v5 =	vmul.f32 v5, v6;
	_ =	sdelay $0x1  }
0x341: {  	[tilespmem:s18+$0xFFFFFFC0] =	vst v5  }
0x342: {  	v5 =	vld [tilespmem:s19+$0xFFFFFFE0]  }
0x343: {  	v6 =	vperm.xlane v4, v2;
	_ =	sdelay $0x3  }
0x344: {  	v5 =	vmul.f32 v5, v6;
	_ =	sdelay $0x1  }
0x345: {  	[tilespmem:s18+$0xFFFFFFD0] =	vst v5  }
0x346: {  	v5 =	vld [tilespmem:s19+$0xFFFFFFF0]  }
0x347: {  	v4 =	vperm.xlane v4, v3;
	_ =	sdelay $0x3  }
0x348: {  	v4 =	vmul.f32 v5, v4;
	_ =	sdelay $0x1  }
0x349: {  	[tilespmem:s18+$0xFFFFFFE0] =	vst v4  }
0x34a: {  	v4 =	vld [tilespmem:s7+$0x5820]  }
0x34b: {  	v5 =	vld [tilespmem:s7+$0x6820];
	_ =	sdelay $0x4  }
0x34c: {  	v4 =	vadd.f32 v5, v4;
	_ =	sdelay $0x1  }
0x34d: {  	v5 =	vmul.f32 $2.000000030e-01, v4;
	_ =	sdelay $0x1  }
0x34e: {  	v4 =	vmax.f32 v4, v5  }
0x34f: {  	v4 =	vmul.f32 $1.442695020e+00, v4;
	_ =	sdelay $0x1  }
0x350: {  	(erf) = vpow2.f32 v4;
	_ =	sdelay $0x8  }
0x351: {  	v4 =	vpop (erf)  }
0x352: {  	[tilespmem:s18+$0x40] =	vst v4  }
0x353: {  	v5 =	vperm.xlane v4, v0;
	v6 =	vld [tilespmem:s19+$0x0];
	_ =	sdelay $0x4  }
0x354: {  	v5 =	vmul.f32 v6, v5;
	_ =	sdelay $0x1  }
0x355: {  	[tilespmem:s18+$0x0] =	vst v5  }
0x356: {  	v5 =	vperm.xlane v4, v1;
	v6 =	vld [tilespmem:s19+$0x10];
	_ =	sdelay $0x4  }
0x357: {  	v5 =	vmul.f32 v6, v5;
	_ =	sdelay $0x1  }
0x358: {  	[tilespmem:s18+$0x10] =	vst v5  }
0x359: {  	v5 =	vperm.xlane v4, v2;
	v6 =	vld [tilespmem:s19+$0x20];
	_ =	sdelay $0x4  }
0x35a: {  	v5 =	vmul.f32 v6, v5;
	_ =	sdelay $0x1  }
0x35b: {  	[tilespmem:s18+$0x20] =	vst v5  }
0x35c: {  	v4 =	vperm.xlane v4, v3;
	v5 =	vld [tilespmem:s19+$0x30];
	_ =	sdelay $0x4  }
0x35d: {  	v4 =	vmul.f32 v5, v4;
	_ =	sdelay $0x1  }
0x35e: {  	[tilespmem:s18+$0x30] =	vst v4  }
0x35f: {  	v4 =	vld [tilespmem:s7+$0x5830]  }
0x360: {  	v5 =	vld [tilespmem:s7+$0x6830];
	_ =	sdelay $0x4  }
0x361: {  	v4 =	vadd.f32 v5, v4;
	_ =	sdelay $0x1  }
0x362: {  	v5 =	vmul.f32 $2.000000030e-01, v4;
	_ =	sdelay $0x1  }
0x363: {  	v4 =	vmax.f32 v4, v5  }
0x364: {  	v4 =	vmul.f32 $1.442695020e+00, v4;
	_ =	sdelay $0x1  }
0x365: {  	(erf) = vpow2.f32 v4;
	_ =	sdelay $0x8  }
0x366: {  	v4 =	vpop (erf)  }
0x367: {  	[tilespmem:s18+$0x90] =	vst v4;
	v5 =	vperm.xlane v4, v0  }
0x368: {  	v6 =	vld [tilespmem:s19+$0x40];
	_ =	sdelay $0x4  }
0x369: {  	v5 =	vmul.f32 v6, v5;
	_ =	sdelay $0x1  }
0x36a: {  	[tilespmem:s18+$0x50] =	vst v5;
	v5 =	vperm.xlane v4, v1  }
0x36b: {  	v6 =	vld [tilespmem:s19+$0x50];
	_ =	sdelay $0x4  }
0x36c: {  	v5 =	vmul.f32 v6, v5;
	_ =	sdelay $0x1  }
0x36d: {  	[tilespmem:s18+$0x60] =	vst v5;
	v5 =	vperm.xlane v4, v2  }
0x36e: {  	v6 =	vld [tilespmem:s19+$0x60];
	_ =	sdelay $0x3  }
.Ltmp3:
0x36f: {  	(pc) =	sbr.rel @p0 .LBB2_9-.Ltmp3, $3  }
0x370: {  	v5 =	vmul.f32 v6, v5;
	_ =	sdelay $0x1  }
0x371: {  	v4 =	vperm.xlane v4, v3;
	[tilespmem:s18+$0x70] =	vst v5  }
0x372: {  	v5 =	vld [tilespmem:s19+$0x70]  }
0x373: {  	_ =	sdelay $0x3  }
0x374: {  	s29 =	sadd.s32 $0x1, s29;
	v4 =	vmul.f32 v5, v4  }
0x375: {  	p0 =	sne.s32 s29, $0x28  }
.Ltmp4:
0x376: {  	[tilespmem:s28+$0x80] =	vst v4;
	(pc) =	sbr.rel @p0 .LBB2_6-.Ltmp4, $4  }
0x377: {  	_ =	swait.ge [sflag:s30], $0x2800  }
0x378: {  	s7 =	sand.u32 $0x3FFFFF80, s17;
	[sflag:s30] =	ssyncset.done $0x0  }
0x379: {  	s7 =	sadd.s32 $0x2800, s7;
	[sflag:s30] =	ssyncadd.s32 $0xFFFFD800  }
0x37a: {  	[spmem:s4] =	stream.indirect.scatter.add.f32 [tilespmem:s31], [sflag:$0x4], $0x50, s7, s16, $0xb8;
	[tilespmem:$0x1C580] =	vst v63  }
0x37b: {  	_ =	swait.ge [sflag:s2], $0x2800  }
0x37c: {  	s0 =	sadd.s32 $0x1, s0;
	[sflag:s2] =	ssyncset.done $0x0  }
0x37d: {  	p0 =	sne.s32 s0, s12;
	[sflag:s2] =	ssyncadd.s32 $0xFFFFD800  }
.Ltmp5:
0x37e: {  	[bflag:$0x0] =	sbarrier.arrive $0xFFFF;
	(pc) =	sbr.rel @p0 .LBB2_1-.Ltmp5, $4  }
0x37f: {  	[hbm:s11], [sflag:s8] =	dma.local [spmem:s13], $0x18B0  }
0x380: {  	_ =	swait.ge [sflag:s14], $0x18B0  }
0x381: {  	[sflag:s14] =	ssyncset.done $0x0  }
0x382: {  	s29 =	simm.s32 $0x5000;
	[sflag:s14] =	ssyncadd.s32 $0xFFFFE750  }
0x383: {  	_ =	sfence.sel $0x180000  }
0x384: {  	[bflag:$0x0] =	sbarrier.arrive $0xFFFF  }
0x385: {  	_ =	strace $0x90000047  }
0x386: {  	s0 =	stileid.u32;
	[bflag:$0x2] =	sbarrier.arrive $0xFFFF  }
0x387: {  	p0 =	sne.s32 s0, $0x0;
	s0 =	rddreg [dreg:$0x4]  }
0x388: {  	s0 =	sadd.s32 @!p0 $0x100000, s0  }
0x389: {  	[sflag:s0] =	ssyncadd.tile.s32 @!p0 $0x1;
	_ =	shalt  }
.Lfunc_end2:
_tile_overlayer_lowered:
.L_overlay_start_2:
0x38a: {  	(tag) =	ssettag $0x2  }
0x38b: {  	s0 =	rddreg [dreg:$0x0];
	s2 =	stileid.u32  }
0x38c: {  	s1 =	rddreg [dreg:$0x1];
	p0 =	sne.s32 s2, $0x0  }
0x38d: {  	s3 =	rddreg [dreg:$0x2];
	[bflag:$0x3] =	sbarrier.arrive $0xFFFF;
	s2 =	simm.s32 @!p0 $0x1C05  }
0x38e: {  	[timem:s3], [sflag:s2] =	dma.local @!p0 [hbm:s0], s1  }
0x38f: {  	s0 =	simm.s32 @!p0 $0x5  }
0x390: {  	_ =	swait.ge @!p0 [sflag:s0], s1  }
0x391: {  	s1 =	ssub.s32 @!p0 $0x0, s1;
	[sflag:s0] =	ssyncset.done @!p0 $0x0  }
0x392: {  	[sflag:s0] =	ssyncadd.s32 @!p0 s1  }
0x393: {  	[bflag:$0x3] =	sbarrier.arrive $0xFFFF  }
0x394: {  	_ =	shalt  }

</sc_bundles>
